<compile_context>
chip_gen: v7x
topology: tpu7x:2x2x1
jax: 0.10.2.dev20260603
libtpu: 0.0.44.dev20260713+nightly
codegen_flags: <defaults>
</compile_context>

<pallas_src>
import functools

import jax
import jax.numpy as jnp
from jax import lax
from jax.experimental import pallas as pl
from jax.experimental.pallas import tpu as pltpu
from jax.experimental.pallas import tpu_sc as plsc

N = 100000
D = 128
K = 15
NUM_CLASSES = 10

NB = 20
B = N // NB

NC = 2
NS = 16
L = 16
CP = 6272
CSHORT = N - (NS - 1) * CP
HCP = CP // 2
NREF = 32


def _dist_body(x_ref, t_ref, o_ref):
    t = t_ref[...]
    diff = t - x_ref[...]
    sq = (diff * diff).astype(jnp.bfloat16)
    ones = jnp.ones((1, D), jnp.bfloat16)
    d = lax.dot_general(ones, sq, (((1,), (1,)), ((), ())),
                        preferred_element_type=jnp.float32)
    o_ref[...] = d.reshape(1, 1, B)


_dist_call = pl.pallas_call(
    _dist_body,
    grid=(NB,),
    in_specs=[
        pl.BlockSpec((1, D), lambda i: (0, 0)),
        pl.BlockSpec((B, D), lambda i: (i, 0)),
    ],
    out_specs=pl.BlockSpec((1, 1, B), lambda i: (i, 0, 0)),
    out_shape=jax.ShapeDtypeStruct((NB, 1, B), jnp.float32),
)


def _merge16(bk, bv, ck, cv):
    ckr = lax.rev(ck, (0,))
    cvr = lax.rev(cv, (0,))
    m = ckr < bk
    mk = jnp.where(m, ckr, bk)
    mv = jnp.where(m, cvr, bv)
    mk2, mv2 = plsc.sort_key_val(mk, mv)
    return mk2, mv2


def _merge16_both(bk, bv, ck, cv):
    ckr = lax.rev(ck, (0,))
    cvr = lax.rev(cv, (0,))
    m = ckr < bk
    lk = jnp.where(m, ckr, bk)
    lv = jnp.where(m, cvr, bv)
    uk = jnp.where(m, bk, ckr)
    uv = jnp.where(m, bv, cvr)
    lk2, lv2 = plsc.sort_key_val(lk, lv)
    uk2, uv2 = plsc.sort_key_val(uk, uv)
    return lk2, lv2, uk2, uv2


@functools.cache
def _sc_kernel():
    mesh = plsc.VectorSubcoreMesh(core_axis_name="c", subcore_axis_name="s",
                                  num_cores=NC, num_subcores=NS)

    @functools.partial(
        pl.kernel,
        out_type=(
            jax.ShapeDtypeStruct((L,), jnp.int32),
            jax.ShapeDtypeStruct((NC, NS, L), jnp.float32),
            jax.ShapeDtypeStruct((NC, NS, L), jnp.int32),
        ),
        mesh=mesh,
        scratch_types=[
            pltpu.VMEM((CP,), jnp.float32),
            pltpu.VMEM((L,), jnp.float32),
            pltpu.VMEM((L,), jnp.int32),
            pltpu.VMEM((NS, L), jnp.float32),
            pltpu.VMEM((NS, L), jnp.int32),
            pltpu.VMEM((L,), jnp.int32),
            pltpu.VMEM((L,), jnp.int32),
            pltpu.VMEM((NREF, D), jnp.float32),
            pltpu.VMEM((D,), jnp.float32),
            pltpu.VMEM((L,), jnp.int32),
            pltpu.SemaphoreType.DMA,
        ],
        compiler_params=pltpu.CompilerParams(needs_layout_passes=False),
    )
    def _topk_predict(dist_hbm, x_hbm, train_hbm, labels_hbm,
                      out_hbm, xk_hbm, xi_hbm,
                      dbuf, kbuf, ibuf, kb, ib,
                      idx0, idx1, rows, xb, lanebuf, sem):
        c = lax.axis_index("c")
        s = lax.axis_index("s")
        base = s * CP
        inf16 = jnp.full((L,), jnp.inf, jnp.float32)
        for t in range((CP - CSHORT) // L):
            dbuf[pl.ds(CSHORT + t * L, L)] = inf16

        @pl.when(s < NS - 1)
        def _():
            pltpu.sync_copy(dist_hbm.at[pl.ds(base, CP)], dbuf)

        @pl.when(s == NS - 1)
        def _():
            pltpu.sync_copy(dist_hbm.at[pl.ds(base, CSHORT)],
                            dbuf.at[pl.ds(0, CSHORT)])

        pltpu.sync_copy(x_hbm, xb)
        lane = lax.iota(jnp.int32, L)

        def body(j, carry):
            bk0, bv0, bk1, bv1 = carry
            ck0 = dbuf[pl.ds(j * L, L)]
            ck1 = dbuf[pl.ds(HCP + j * L, L)]
            cv0 = base + j * L + lane
            cv1 = base + HCP + j * L + lane
            ck0s, cv0s = plsc.sort_key_val(ck0, cv0)
            ck1s, cv1s = plsc.sort_key_val(ck1, cv1)
            bk0, bv0 = _merge16(bk0, bv0, ck0s, cv0s)
            bk1, bv1 = _merge16(bk1, bv1, ck1s, cv1s)
            return (bk0, bv0, bk1, bv1)

        init = (jnp.full((L,), jnp.inf, jnp.float32),
                jnp.zeros((L,), jnp.int32),
                jnp.full((L,), jnp.inf, jnp.float32),
                jnp.zeros((L,), jnp.int32))
        bk0, bv0, bk1, bv1 = lax.fori_loop(0, HCP // L, body, init)
        bk, bv = _merge16(bk0, bv0, bk1, bv1)
        kbuf[...] = bk
        ibuf[...] = bv
        pltpu.sync_copy(kbuf, xk_hbm.at[c, s])
        pltpu.sync_copy(ibuf, xi_hbm.at[c, s])
        plsc.subcore_barrier()
        pltpu.sync_copy(xk_hbm.at[c], kb)
        pltpu.sync_copy(xi_hbm.at[c], ib)
        b0k = kb[0]
        b0v = ib[0]
        b1k = jnp.full((L,), jnp.inf, jnp.float32)
        b1v = jnp.zeros((L,), jnp.int32)
        for j in range(1, NS):
            b0k, b0v, uk, uv = _merge16_both(b0k, b0v, kb[j], ib[j])
            b1k, b1v = _merge16(b1k, b1v, uk, uv)
        idx0[...] = b0v
        idx1[...] = b1v
        pltpu.async_copy(train_hbm.at[idx0], rows.at[0:L], sem).wait()
        pltpu.async_copy(train_hbm.at[idx1], rows.at[L:NREF], sem).wait()

        def exact_d2(r):
            acc = jnp.zeros((L,), jnp.float32)
            for h in range(D // L):
                tv = rows[r, pl.ds(h * L, L)]
                xv = xb[pl.ds(h * L, L)]
                dv = tv - xv
                acc = acc + dv * dv
            return jnp.full((L,), jnp.sum(acc, axis=0), jnp.float32)

        e0k = jnp.zeros((L,), jnp.float32)
        e1k = jnp.zeros((L,), jnp.float32)
        for r in range(L):
            e0k = jnp.where(lane == r, exact_d2(r), e0k)
            e1k = jnp.where(lane == r, exact_d2(L + r), e1k)
        e0k, e0v = plsc.sort_key_val(e0k, b0v)
        e1k, e1v = plsc.sort_key_val(e1k, b1v)
        fk, fv = _merge16(e0k, e0v, e1k, e1v)
        idx0[...] = fv
        pltpu.async_copy(labels_hbm.at[idx0], lanebuf, sem).wait()
        lv = lanebuf[...]
        valid = lane < K
        best_cnt = jnp.full((L,), -1, jnp.int32)
        best_cls = jnp.zeros((L,), jnp.int32)
        for cls in range(NUM_CLASSES):
            mm = jnp.logical_and(lv == cls, valid)
            cnt = plsc.all_reduce_population_count(mm)
            upd = cnt > best_cnt
            best_cnt = jnp.where(upd, cnt, best_cnt)
            best_cls = jnp.where(
                upd, jnp.full((L,), cls, jnp.int32), best_cls)
        idx1[...] = best_cls

        @pl.when(jnp.logical_and(c == 0, s == 0))
        def _():
            pltpu.sync_copy(idx1, out_hbm)

    return _topk_predict


def kernel(x, train_data, train_labels):
    topk_predict = _sc_kernel()
    dist = _dist_call(x.reshape(1, D), train_data).reshape(N)
    pred, _, _ = topk_predict(dist, x, train_data, train_labels)
    return pred[0]

# --- scband reference (transcript-rebuilt; emitter-appended) ---
"""Pipeline reference for scband-knnclassifier-41979010351652 (READ-ONLY COPY).

The authoritative reference and input builder live on the scoring server;
editing this copy changes nothing except your own understanding.
"""

import jax, jax.numpy as jnp
import numpy as np

K = 15
N = 100000
D = 128
NUM_CLASSES = 10

def setup_inputs(seed: int = 0) -> dict:
    key = jax.random.key(seed)
    k1, k2, k3 = jax.random.split(key, 3)
    x = jax.random.normal(k1, (D,), dtype=jnp.float32)
    train_data = jax.random.normal(k2, (N, D), dtype=jnp.float32)
    train_labels = jax.random.randint(k3, (N,), 0, NUM_CLASSES, dtype=jnp.int32)
    return {"x": x, "train_data": train_data, "train_labels": train_labels}

def reference(x, train_data, train_labels):
    # torch.cdist(x.unsqueeze(0), train_data) -> [1, N] euclidean distances
    diff = train_data - x[None, :]
    distances = jnp.sqrt(jnp.sum(diff * diff, axis=-1))[None, :]  # [1, N]
    # topk smallest: negate and take top_k
    neg_vals, indices = jax.lax.top_k(-distances, K)  # [1, K]
    topk_labels = train_labels[indices.squeeze(0)]  # [K] (gather)
    # torch.mode: most frequent label, smallest label on ties -> bincount + argmax
    counts = jnp.bincount(topk_labels, length=NUM_CLASSES)
    prediction = jnp.argmax(counts)
    return prediction

if __name__ == "__main__":
    import jax
    _d = setup_inputs()
    print(jax.jit(kernel)(*tuple(_d.values())))

</pallas_src>

<mosaic_0001>
#map = affine_map<(d0, d1) -> (0)>
#map1 = affine_map<(d0, d1) -> (0, 0)>
#map2 = affine_map<(d0, d1) -> (0, 0, 0)>
module attributes {stable_mosaic.version = 14 : i64} {
  func.func @_topk_predict(%arg0: i32, %arg1: i32, %arg2: memref<100000xf32, #tpu.memory_space<hbm>>, %arg3: memref<128xf32, #tpu.memory_space<hbm>>, %arg4: memref<100000x128xf32, #tpu.memory_space<hbm>>, %arg5: memref<100000xi32, #tpu.memory_space<hbm>>, %arg6: memref<16xi32, #tpu.memory_space<hbm>>, %arg7: memref<2x16x16xf32, #tpu.memory_space<hbm>>, %arg8: memref<2x16x16xi32, #tpu.memory_space<hbm>>, %arg9: memref<6272xf32, #tpu.memory_space<vmem>>, %arg10: memref<16xf32, #tpu.memory_space<vmem>>, %arg11: memref<16xi32, #tpu.memory_space<vmem>>, %arg12: memref<16x16xf32, #tpu.memory_space<vmem>>, %arg13: memref<16x16xi32, #tpu.memory_space<vmem>>, %arg14: memref<16xi32, #tpu.memory_space<vmem>>, %arg15: memref<16xi32, #tpu.memory_space<vmem>>, %arg16: memref<32x128xf32, #tpu.memory_space<vmem>>, %arg17: memref<128xf32, #tpu.memory_space<vmem>>, %arg18: memref<16xi32, #tpu.memory_space<vmem>>, %arg19: memref<!tpu.dma_semaphore, #tpu.memory_space<semaphore_mem>>) attributes {dimension_semantics = [#tpu.dimension_semantics<core_parallel>, #tpu.dimension_semantics<subcore_parallel>], iteration_bounds = array<i64: 2, 16>, scalar_prefetch = 0 : i64, scratch_operands = 11 : i64, tpu.core_type = #tpu.core_type<sc_vector_subcore>, window_params = [{transform_indices = #map}, {transform_indices = #map}, {transform_indices = #map1}, {transform_indices = #map}, {transform_indices = #map}, {transform_indices = #map2}, {transform_indices = #map2}]} {
    %mul3A = arith.constant 6272 : i32
    %mul3A_0 = arith.muli %arg1, %mul3A : i32
    %broadcast_in_dim3A = arith.constant 0x7F800000 : f32
    %broadcast_in_dim3A_1 = vector.broadcast %broadcast_in_dim3A : f32 to vector<16xf32>
    %swap3A = arith.constant 5920 : index
    %swap3A_2 = tpu.vector_load %arg9[%swap3A] {strides = array<i32>} : memref<6272xf32, #tpu.memory_space<vmem>>, vector<16xf32>,
    tpu.vector_store %arg9[%swap3A], %broadcast_in_dim3A_1 {strides = array<i32>} : memref<6272xf32, #tpu.memory_space<vmem>>, vector<16xf32>,
    %swap3A_3 = arith.constant 5936 : index
    %swap3A_4 = tpu.vector_load %arg9[%swap3A_3] {strides = array<i32>} : memref<6272xf32, #tpu.memory_space<vmem>>, vector<16xf32>,
    tpu.vector_store %arg9[%swap3A_3], %broadcast_in_dim3A_1 {strides = array<i32>} : memref<6272xf32, #tpu.memory_space<vmem>>, vector<16xf32>,
    %swap3A_5 = arith.constant 5952 : index
    %swap3A_6 = tpu.vector_load %arg9[%swap3A_5] {strides = array<i32>} : memref<6272xf32, #tpu.memory_space<vmem>>, vector<16xf32>,
    tpu.vector_store %arg9[%swap3A_5], %broadcast_in_dim3A_1 {strides = array<i32>} : memref<6272xf32, #tpu.memory_space<vmem>>, vector<16xf32>,
    %swap3A_7 = arith.constant 5968 : index
    %swap3A_8 = tpu.vector_load %arg9[%swap3A_7] {strides = array<i32>} : memref<6272xf32, #tpu.memory_space<vmem>>, vector<16xf32>,
    tpu.vector_store %arg9[%swap3A_7], %broadcast_in_dim3A_1 {strides = array<i32>} : memref<6272xf32, #tpu.memory_space<vmem>>, vector<16xf32>,
    %swap3A_9 = arith.constant 5984 : index
    %swap3A_10 = tpu.vector_load %arg9[%swap3A_9] {strides = array<i32>} : memref<6272xf32, #tpu.memory_space<vmem>>, vector<16xf32>,
    tpu.vector_store %arg9[%swap3A_9], %broadcast_in_dim3A_1 {strides = array<i32>} : memref<6272xf32, #tpu.memory_space<vmem>>, vector<16xf32>,
    %swap3A_11 = arith.constant 6000 : index
    %swap3A_12 = tpu.vector_load %arg9[%swap3A_11] {strides = array<i32>} : memref<6272xf32, #tpu.memory_space<vmem>>, vector<16xf32>,
    tpu.vector_store %arg9[%swap3A_11], %broadcast_in_dim3A_1 {strides = array<i32>} : memref<6272xf32, #tpu.memory_space<vmem>>, vector<16xf32>,
    %swap3A_13 = arith.constant 6016 : index
    %swap3A_14 = tpu.vector_load %arg9[%swap3A_13] {strides = array<i32>} : memref<6272xf32, #tpu.memory_space<vmem>>, vector<16xf32>,
    tpu.vector_store %arg9[%swap3A_13], %broadcast_in_dim3A_1 {strides = array<i32>} : memref<6272xf32, #tpu.memory_space<vmem>>, vector<16xf32>,
    %swap3A_15 = arith.constant 6032 : index
    %swap3A_16 = tpu.vector_load %arg9[%swap3A_15] {strides = array<i32>} : memref<6272xf32, #tpu.memory_space<vmem>>, vector<16xf32>,
    tpu.vector_store %arg9[%swap3A_15], %broadcast_in_dim3A_1 {strides = array<i32>} : memref<6272xf32, #tpu.memory_space<vmem>>, vector<16xf32>,
    %swap3A_17 = arith.constant 6048 : index
    %swap3A_18 = tpu.vector_load %arg9[%swap3A_17] {strides = array<i32>} : memref<6272xf32, #tpu.memory_space<vmem>>, vector<16xf32>,
    tpu.vector_store %arg9[%swap3A_17], %broadcast_in_dim3A_1 {strides = array<i32>} : memref<6272xf32, #tpu.memory_space<vmem>>, vector<16xf32>,
    %swap3A_19 = arith.constant 6064 : index
    %swap3A_20 = tpu.vector_load %arg9[%swap3A_19] {strides = array<i32>} : memref<6272xf32, #tpu.memory_space<vmem>>, vector<16xf32>,
    tpu.vector_store %arg9[%swap3A_19], %broadcast_in_dim3A_1 {strides = array<i32>} : memref<6272xf32, #tpu.memory_space<vmem>>, vector<16xf32>,
    %swap3A_21 = arith.constant 6080 : index
    %swap3A_22 = tpu.vector_load %arg9[%swap3A_21] {strides = array<i32>} : memref<6272xf32, #tpu.memory_space<vmem>>, vector<16xf32>,
    tpu.vector_store %arg9[%swap3A_21], %broadcast_in_dim3A_1 {strides = array<i32>} : memref<6272xf32, #tpu.memory_space<vmem>>, vector<16xf32>,
    %swap3A_23 = arith.constant 6096 : index
    %swap3A_24 = tpu.vector_load %arg9[%swap3A_23] {strides = array<i32>} : memref<6272xf32, #tpu.memory_space<vmem>>, vector<16xf32>,
    tpu.vector_store %arg9[%swap3A_23], %broadcast_in_dim3A_1 {strides = array<i32>} : memref<6272xf32, #tpu.memory_space<vmem>>, vector<16xf32>,
    %swap3A_25 = arith.constant 6112 : index
    %swap3A_26 = tpu.vector_load %arg9[%swap3A_25] {strides = array<i32>} : memref<6272xf32, #tpu.memory_space<vmem>>, vector<16xf32>,
    tpu.vector_store %arg9[%swap3A_25], %broadcast_in_dim3A_1 {strides = array<i32>} : memref<6272xf32, #tpu.memory_space<vmem>>, vector<16xf32>,
    %swap3A_27 = arith.constant 6128 : index
    %swap3A_28 = tpu.vector_load %arg9[%swap3A_27] {strides = array<i32>} : memref<6272xf32, #tpu.memory_space<vmem>>, vector<16xf32>,
    tpu.vector_store %arg9[%swap3A_27], %broadcast_in_dim3A_1 {strides = array<i32>} : memref<6272xf32, #tpu.memory_space<vmem>>, vector<16xf32>,
    %swap3A_29 = arith.constant 6144 : index
    %swap3A_30 = tpu.vector_load %arg9[%swap3A_29] {strides = array<i32>} : memref<6272xf32, #tpu.memory_space<vmem>>, vector<16xf32>,
    tpu.vector_store %arg9[%swap3A_29], %broadcast_in_dim3A_1 {strides = array<i32>} : memref<6272xf32, #tpu.memory_space<vmem>>, vector<16xf32>,
    %swap3A_31 = arith.constant 6160 : index
    %swap3A_32 = tpu.vector_load %arg9[%swap3A_31] {strides = array<i32>} : memref<6272xf32, #tpu.memory_space<vmem>>, vector<16xf32>,
    tpu.vector_store %arg9[%swap3A_31], %broadcast_in_dim3A_1 {strides = array<i32>} : memref<6272xf32, #tpu.memory_space<vmem>>, vector<16xf32>,
    %swap3A_33 = arith.constant 6176 : index
    %swap3A_34 = tpu.vector_load %arg9[%swap3A_33] {strides = array<i32>} : memref<6272xf32, #tpu.memory_space<vmem>>, vector<16xf32>,
    tpu.vector_store %arg9[%swap3A_33], %broadcast_in_dim3A_1 {strides = array<i32>} : memref<6272xf32, #tpu.memory_space<vmem>>, vector<16xf32>,
    %swap3A_35 = arith.constant 6192 : index
    %swap3A_36 = tpu.vector_load %arg9[%swap3A_35] {strides = array<i32>} : memref<6272xf32, #tpu.memory_space<vmem>>, vector<16xf32>,
    tpu.vector_store %arg9[%swap3A_35], %broadcast_in_dim3A_1 {strides = array<i32>} : memref<6272xf32, #tpu.memory_space<vmem>>, vector<16xf32>,
    %swap3A_37 = arith.constant 6208 : index
    %swap3A_38 = tpu.vector_load %arg9[%swap3A_37] {strides = array<i32>} : memref<6272xf32, #tpu.memory_space<vmem>>, vector<16xf32>,
    tpu.vector_store %arg9[%swap3A_37], %broadcast_in_dim3A_1 {strides = array<i32>} : memref<6272xf32, #tpu.memory_space<vmem>>, vector<16xf32>,
    %swap3A_39 = arith.constant 6224 : index
    %swap3A_40 = tpu.vector_load %arg9[%swap3A_39] {strides = array<i32>} : memref<6272xf32, #tpu.memory_space<vmem>>, vector<16xf32>,
    tpu.vector_store %arg9[%swap3A_39], %broadcast_in_dim3A_1 {strides = array<i32>} : memref<6272xf32, #tpu.memory_space<vmem>>, vector<16xf32>,
    %swap3A_41 = arith.constant 6240 : index
    %swap3A_42 = tpu.vector_load %arg9[%swap3A_41] {strides = array<i32>} : memref<6272xf32, #tpu.memory_space<vmem>>, vector<16xf32>,
    tpu.vector_store %arg9[%swap3A_41], %broadcast_in_dim3A_1 {strides = array<i32>} : memref<6272xf32, #tpu.memory_space<vmem>>, vector<16xf32>,
    %swap3A_43 = arith.constant 6256 : index
    %swap3A_44 = tpu.vector_load %arg9[%swap3A_43] {strides = array<i32>} : memref<6272xf32, #tpu.memory_space<vmem>>, vector<16xf32>,
    tpu.vector_store %arg9[%swap3A_43], %broadcast_in_dim3A_1 {strides = array<i32>} : memref<6272xf32, #tpu.memory_space<vmem>>, vector<16xf32>,
    %lt3A = arith.constant 15 : i32
    %lt3A_45 = arith.cmpi slt, %arg1, %lt3A : i32
    %convert_element_type3A = arith.extui %lt3A_45 : i1 to i32
    %cond3A = arith.constant 0 : i32
    %cond3A_46 = arith.cmpi ne, %convert_element_type3A, %cond3A : i32
    scf.if %cond3A_46 {
      "tpu.region"() ({
        %run_scoped3A = tpu.sem_alloc : memref<!tpu.dma_semaphore, #tpu.memory_space<semaphore_mem>>
        %dma_start3A_3643 = tpu.memref_slice %arg2[%mul3A_0] : memref<100000xf32, #tpu.memory_space<hbm>> -> memref<6272xf32, #tpu.memory_space<hbm>>
        %dma_start3A_3644 = tpu.memref_slice %arg2[%mul3A_0] : memref<100000xf32, #tpu.memory_space<hbm>> -> memref<6272xf32, #tpu.memory_space<hbm>>
        tpu.enqueue_dma source(%dma_start3A_3644 : memref<6272xf32, #tpu.memory_space<hbm>>) target(%arg9 : memref<6272xf32, #tpu.memory_space<vmem>>) target_semaphore(%run_scoped3A : memref<!tpu.dma_semaphore, #tpu.memory_space<semaphore_mem>>)
        %dma_wait3A_3645 = tpu.memref_slice %arg2[%mul3A_0] : memref<100000xf32, #tpu.memory_space<hbm>> -> memref<6272xf32, #tpu.memory_space<hbm>>
        %dma_wait3A_3646 = tpu.memref_slice %arg2[%mul3A_0] : memref<100000xf32, #tpu.memory_space<hbm>> -> memref<6272xf32, #tpu.memory_space<hbm>>
        tpu.wait_dma2 semaphore(%run_scoped3A : memref<!tpu.dma_semaphore, #tpu.memory_space<semaphore_mem>>) src(%dma_wait3A_3646 : memref<6272xf32, #tpu.memory_space<hbm>>) dst(%arg9 : memref<6272xf32, #tpu.memory_space<vmem>>)
        tpu.yield
      }) : () -> ()
    } else {
    }
    %eq3A = arith.constant 15 : i32
    %eq3A_47 = arith.cmpi eq, %arg1, %eq3A : i32
    %convert_element_type3A_48 = arith.extui %eq3A_47 : i1 to i32
    %cond3A_49 = arith.constant 0 : i32
    %cond3A_50 = arith.cmpi ne, %convert_element_type3A_48, %cond3A_49 : i32
    scf.if %cond3A_50 {
      "tpu.region"() ({
        %run_scoped3A = tpu.sem_alloc : memref<!tpu.dma_semaphore, #tpu.memory_space<semaphore_mem>>
        %dma_start3A_3643 = arith.constant 0 : i32
        %dma_start3A_3644 = tpu.memref_slice %arg9[%dma_start3A_3643] : memref<6272xf32, #tpu.memory_space<vmem>> -> memref<5920xf32, #tpu.memory_space<vmem>>
        %dma_start3A_3645 = tpu.memref_slice %arg2[%mul3A_0] : memref<100000xf32, #tpu.memory_space<hbm>> -> memref<5920xf32, #tpu.memory_space<hbm>>
        %dma_start3A_3646 = arith.constant 0 : i32
        %dma_start3A_3647 = tpu.memref_slice %arg9[%dma_start3A_3646] : memref<6272xf32, #tpu.memory_space<vmem>> -> memref<5920xf32, #tpu.memory_space<vmem>>
        %dma_start3A_3648 = tpu.memref_slice %arg2[%mul3A_0] : memref<100000xf32, #tpu.memory_space<hbm>> -> memref<5920xf32, #tpu.memory_space<hbm>>
        tpu.enqueue_dma source(%dma_start3A_3648 : memref<5920xf32, #tpu.memory_space<hbm>>) target(%dma_start3A_3647 : memref<5920xf32, #tpu.memory_space<vmem>>) target_semaphore(%run_scoped3A : memref<!tpu.dma_semaphore, #tpu.memory_space<semaphore_mem>>)
        %dma_wait3A_3649 = arith.constant 0 : i32
        %dma_wait3A_3650 = tpu.memref_slice %arg9[%dma_wait3A_3649] : memref<6272xf32, #tpu.memory_space<vmem>> -> memref<5920xf32, #tpu.memory_space<vmem>>
        %dma_wait3A_3651 = tpu.memref_slice %arg2[%mul3A_0] : memref<100000xf32, #tpu.memory_space<hbm>> -> memref<5920xf32, #tpu.memory_space<hbm>>
        %dma_wait3A_3652 = arith.constant 0 : i32
        %dma_wait3A_3653 = tpu.memref_slice %arg9[%dma_wait3A_3652] : memref<6272xf32, #tpu.memory_space<vmem>> -> memref<5920xf32, #tpu.memory_space<vmem>>
        %dma_wait3A_3654 = tpu.memref_slice %arg2[%mul3A_0] : memref<100000xf32, #tpu.memory_space<hbm>> -> memref<5920xf32, #tpu.memory_space<hbm>>
        tpu.wait_dma2 semaphore(%run_scoped3A : memref<!tpu.dma_semaphore, #tpu.memory_space<semaphore_mem>>) src(%dma_wait3A_3654 : memref<5920xf32, #tpu.memory_space<hbm>>) dst(%dma_wait3A_3653 : memref<5920xf32, #tpu.memory_space<vmem>>)
        tpu.yield
      }) : () -> ()
    } else {
    }
    "tpu.region"() ({
      %run_scoped3A = tpu.sem_alloc : memref<!tpu.dma_semaphore, #tpu.memory_space<semaphore_mem>>
      tpu.enqueue_dma source(%arg3 : memref<128xf32, #tpu.memory_space<hbm>>) target(%arg17 : memref<128xf32, #tpu.memory_space<vmem>>) target_semaphore(%run_scoped3A : memref<!tpu.dma_semaphore, #tpu.memory_space<semaphore_mem>>)
      tpu.wait_dma2 semaphore(%run_scoped3A : memref<!tpu.dma_semaphore, #tpu.memory_space<semaphore_mem>>) src(%arg3 : memref<128xf32, #tpu.memory_space<hbm>>) dst(%arg17 : memref<128xf32, #tpu.memory_space<vmem>>)
      tpu.yield
    }) : () -> ()
    %iota3A = tpu.iota {dimensions = array<i32: 0>} : vector<16xi32>
    %broadcast_in_dim3A_51 = arith.constant 0x7F800000 : f32
    %broadcast_in_dim3A_52 = vector.broadcast %broadcast_in_dim3A_51 : f32 to vector<16xf32>
    %broadcast_in_dim3A_53 = arith.constant 0 : i32
    %broadcast_in_dim3A_54 = vector.broadcast %broadcast_in_dim3A_53 : i32 to vector<16xi32>
    %broadcast_in_dim3A_55 = arith.constant 0x7F800000 : f32
    %broadcast_in_dim3A_56 = vector.broadcast %broadcast_in_dim3A_55 : f32 to vector<16xf32>
    %broadcast_in_dim3A_57 = arith.constant 0 : i32
    %broadcast_in_dim3A_58 = vector.broadcast %broadcast_in_dim3A_57 : i32 to vector<16xi32>
    %scan3A = arith.constant 0 : i32
    %scan3A_59 = arith.constant 196 : i32
    %scan3A_60 = arith.addi %scan3A, %scan3A_59 : i32
    %scan3A_61 = arith.constant 1 : i32
    %scan3A_62:4 = scf.for %scan3A_3643 = %scan3A to %scan3A_60 step %scan3A_61 iter_args(%scan3A_3644 = %broadcast_in_dim3A_52, %scan3A_3645 = %broadcast_in_dim3A_54, %scan3A_3646 = %broadcast_in_dim3A_56, %scan3A_3647 = %broadcast_in_dim3A_58) -> (vector<16xf32>, vector<16xi32>, vector<16xf32>, vector<16xi32>)  : i32 {
      %mul3A_3648 = arith.constant 16 : i32
      %mul3A_3649 = arith.muli %scan3A_3643, %mul3A_3648 : i32
      %get3A_3650 = arith.index_cast %mul3A_3649 : i32 to index
      %get3A_3651 = tpu.vector_load %arg9[%get3A_3650] {strides = array<i32>} : memref<6272xf32, #tpu.memory_space<vmem>>, vector<16xf32>,
      %mul3A_3652 = arith.constant 16 : i32
      %mul3A_3653 = arith.muli %scan3A_3643, %mul3A_3652 : i32
      %add3A_3654 = arith.constant 3136 : i32
      %add3A_3655 = arith.addi %add3A_3654, %mul3A_3653 : i32
      %get3A_3656 = arith.index_cast %add3A_3655 : i32 to index
      %get3A_3657 = tpu.vector_load %arg9[%get3A_3656] {strides = array<i32>} : memref<6272xf32, #tpu.memory_space<vmem>>, vector<16xf32>,
      %mul3A_3658 = arith.constant 16 : i32
      %mul3A_3659 = arith.muli %scan3A_3643, %mul3A_3658 : i32
      %add3A_3660 = arith.addi %mul3A_0, %mul3A_3659 : i32
      %add3A_3661 = vector.broadcast %add3A_3660 : i32 to vector<16xi32>
      %add3A_3662 = arith.addi %add3A_3661, %iota3A : vector<16xi32>
      %add3A_3663 = arith.constant 3136 : i32
      %add3A_3664 = arith.addi %mul3A_0, %add3A_3663 : i32
      %mul3A_3665 = arith.constant 16 : i32
      %mul3A_3666 = arith.muli %scan3A_3643, %mul3A_3665 : i32
      %add3A_3667 = arith.addi %add3A_3664, %mul3A_3666 : i32
      %add3A_3668 = vector.broadcast %add3A_3667 : i32 to vector<16xi32>
      %add3A_3669 = arith.addi %add3A_3668, %iota3A : vector<16xi32>
      %masked_sort3A_3670 = arith.constant dense<true> : vector<16xi1>
      %masked_sort3A_3671, %masked_sort3A_3672, %masked_sort3A_3673 = tpu.sort %get3A_3651, %add3A_3662 masked %masked_sort3A_3670 : (vector<16xf32>, vector<16xi32>, vector<16xi1>) -> (vector<16xi1>, vector<16xf32>, vector<16xi32>)
      %masked_sort3A_3674 = arith.constant dense<true> : vector<16xi1>
      %masked_sort3A_3675, %masked_sort3A_3676, %masked_sort3A_3677 = tpu.sort %get3A_3657, %add3A_3669 masked %masked_sort3A_3674 : (vector<16xf32>, vector<16xi32>, vector<16xi1>) -> (vector<16xi1>, vector<16xf32>, vector<16xi32>)
      %rev3A_3678 = arith.constant 15 : i32
      %rev3A_3679 = vector.broadcast %rev3A_3678 : i32 to vector<16xi32>
      %rev3A_3680 = tpu.iota {dimensions = array<i32: 0>} : vector<16xi32>
      %rev3A_3681 = arith.subi %rev3A_3679, %rev3A_3680 : vector<16xi32>
      %rev3A_3682 = tpu.dynamic_gather %masked_sort3A_3672[%rev3A_3681] in [0] : vector<16xf32>, vector<16xi32> -> vector<16xf32>
      %rev3A_3683 = arith.constant 15 : i32
      %rev3A_3684 = vector.broadcast %rev3A_3683 : i32 to vector<16xi32>
      %rev3A_3685 = tpu.iota {dimensions = array<i32: 0>} : vector<16xi32>
      %rev3A_3686 = arith.subi %rev3A_3684, %rev3A_3685 : vector<16xi32>
      %rev3A_3687 = tpu.dynamic_gather %masked_sort3A_3673[%rev3A_3686] in [0] : vector<16xi32>, vector<16xi32> -> vector<16xi32>
      %lt3A_3688 = arith.cmpf olt, %rev3A_3682, %scan3A_3644 : vector<16xf32>
      %select_n3A_3689 = arith.select %lt3A_3688, %rev3A_3682, %scan3A_3644 : vector<16xi1>, vector<16xf32>
      %select_n3A_3690 = arith.select %lt3A_3688, %rev3A_3687, %scan3A_3645 : vector<16xi1>, vector<16xi32>
      %masked_sort3A_3691 = arith.constant dense<true> : vector<16xi1>
      %masked_sort3A_3692, %masked_sort3A_3693, %masked_sort3A_3694 = tpu.sort %select_n3A_3689, %select_n3A_3690 masked %masked_sort3A_3691 : (vector<16xf32>, vector<16xi32>, vector<16xi1>) -> (vector<16xi1>, vector<16xf32>, vector<16xi32>)
      %rev3A_3695 = arith.constant 15 : i32
      %rev3A_3696 = vector.broadcast %rev3A_3695 : i32 to vector<16xi32>
      %rev3A_3697 = tpu.iota {dimensions = array<i32: 0>} : vector<16xi32>
      %rev3A_3698 = arith.subi %rev3A_3696, %rev3A_3697 : vector<16xi32>
      %rev3A_3699 = tpu.dynamic_gather %masked_sort3A_3676[%rev3A_3698] in [0] : vector<16xf32>, vector<16xi32> -> vector<16xf32>
      %rev3A_3700 = arith.constant 15 : i32
      %rev3A_3701 = vector.broadcast %rev3A_3700 : i32 to vector<16xi32>
      %rev3A_3702 = tpu.iota {dimensions = array<i32: 0>} : vector<16xi32>
      %rev3A_3703 = arith.subi %rev3A_3701, %rev3A_3702 : vector<16xi32>
      %rev3A_3704 = tpu.dynamic_gather %masked_sort3A_3677[%rev3A_3703] in [0] : vector<16xi32>, vector<16xi32> -> vector<16xi32>
      %lt3A_3705 = arith.cmpf olt, %rev3A_3699, %scan3A_3646 : vector<16xf32>
      %select_n3A_3706 = arith.select %lt3A_3705, %rev3A_3699, %scan3A_3646 : vector<16xi1>, vector<16xf32>
      %select_n3A_3707 = arith.select %lt3A_3705, %rev3A_3704, %scan3A_3647 : vector<16xi1>, vector<16xi32>
      %masked_sort3A_3708 = arith.constant dense<true> : vector<16xi1>
      %masked_sort3A_3709, %masked_sort3A_3710, %masked_sort3A_3711 = tpu.sort %select_n3A_3706, %select_n3A_3707 masked %masked_sort3A_3708 : (vector<16xf32>, vector<16xi32>, vector<16xi1>) -> (vector<16xi1>, vector<16xf32>, vector<16xi32>)
      scf.yield %masked_sort3A_3693, %masked_sort3A_3694, %masked_sort3A_3710, %masked_sort3A_3711 : vector<16xf32>, vector<16xi32>, vector<16xf32>, vector<16xi32>
    }
    %scan3A_63 = arith.constant 196 : i32
    %rev3A = arith.constant 15 : i32
    %rev3A_64 = vector.broadcast %rev3A : i32 to vector<16xi32>
    %rev3A_65 = tpu.iota {dimensions = array<i32: 0>} : vector<16xi32>
    %rev3A_66 = arith.subi %rev3A_64, %rev3A_65 : vector<16xi32>
    %rev3A_67 = tpu.dynamic_gather %scan3A_62#2[%rev3A_66] in [0] : vector<16xf32>, vector<16xi32> -> vector<16xf32>
    %rev3A_68 = arith.constant 15 : i32
    %rev3A_69 = vector.broadcast %rev3A_68 : i32 to vector<16xi32>
    %rev3A_70 = tpu.iota {dimensions = array<i32: 0>} : vector<16xi32>
    %rev3A_71 = arith.subi %rev3A_69, %rev3A_70 : vector<16xi32>
    %rev3A_72 = tpu.dynamic_gather %scan3A_62#3[%rev3A_71] in [0] : vector<16xi32>, vector<16xi32> -> vector<16xi32>
    %lt3A_73 = arith.cmpf olt, %rev3A_67, %scan3A_62#0 : vector<16xf32>
    %select_n3A = arith.select %lt3A_73, %rev3A_67, %scan3A_62#0 : vector<16xi1>, vector<16xf32>
    %select_n3A_74 = arith.select %lt3A_73, %rev3A_72, %scan3A_62#1 : vector<16xi1>, vector<16xi32>
    %masked_sort3A = arith.constant dense<true> : vector<16xi1>
    %masked_sort3A_75, %masked_sort3A_76, %masked_sort3A_77 = tpu.sort %select_n3A, %select_n3A_74 masked %masked_sort3A : (vector<16xf32>, vector<16xi32>, vector<16xi1>) -> (vector<16xi1>, vector<16xf32>, vector<16xi32>)
    %swap3A_78 = arith.constant 0 : index
    %swap3A_79 = tpu.vector_load %arg10[%swap3A_78] {strides = array<i32>} : memref<16xf32, #tpu.memory_space<vmem>>, vector<16xf32>,
    tpu.vector_store %arg10[%swap3A_78], %masked_sort3A_76 {strides = array<i32>} : memref<16xf32, #tpu.memory_space<vmem>>, vector<16xf32>,
    %swap3A_80 = arith.constant 0 : index
    %swap3A_81 = tpu.vector_load %arg11[%swap3A_80] {strides = array<i32>} : memref<16xi32, #tpu.memory_space<vmem>>, vector<16xi32>,
    tpu.vector_store %arg11[%swap3A_80], %masked_sort3A_77 {strides = array<i32>} : memref<16xi32, #tpu.memory_space<vmem>>, vector<16xi32>,
    "tpu.region"() ({
      %run_scoped3A = tpu.sem_alloc : memref<!tpu.dma_semaphore, #tpu.memory_space<semaphore_mem>>
      %dma_start3A_3643 = arith.constant 0 : i32
      %dma_start3A_3644 = tpu.memref_slice %arg7[%arg0, %arg1, %dma_start3A_3643] : memref<2x16x16xf32, #tpu.memory_space<hbm>> -> memref<1x1x16xf32, #tpu.memory_space<hbm>>
      %dma_start3A_3645 = tpu.memref_squeeze %dma_start3A_3644 : memref<1x1x16xf32, #tpu.memory_space<hbm>> -> memref<16xf32, #tpu.memory_space<hbm>>
      %dma_start3A_3646 = arith.constant 0 : i32
      %dma_start3A_3647 = tpu.memref_slice %arg7[%arg0, %arg1, %dma_start3A_3646] : memref<2x16x16xf32, #tpu.memory_space<hbm>> -> memref<1x1x16xf32, #tpu.memory_space<hbm>>
      %dma_start3A_3648 = tpu.memref_squeeze %dma_start3A_3647 : memref<1x1x16xf32, #tpu.memory_space<hbm>> -> memref<16xf32, #tpu.memory_space<hbm>>
      tpu.enqueue_dma source(%arg10 : memref<16xf32, #tpu.memory_space<vmem>>) target(%dma_start3A_3648 : memref<16xf32, #tpu.memory_space<hbm>>) target_semaphore(%run_scoped3A : memref<!tpu.dma_semaphore, #tpu.memory_space<semaphore_mem>>)
      %dma_wait3A_3649 = arith.constant 0 : i32
      %dma_wait3A_3650 = tpu.memref_slice %arg7[%arg0, %arg1, %dma_wait3A_3649] : memref<2x16x16xf32, #tpu.memory_space<hbm>> -> memref<1x1x16xf32, #tpu.memory_space<hbm>>
      %dma_wait3A_3651 = tpu.memref_squeeze %dma_wait3A_3650 : memref<1x1x16xf32, #tpu.memory_space<hbm>> -> memref<16xf32, #tpu.memory_space<hbm>>
      %dma_wait3A_3652 = arith.constant 0 : i32
      %dma_wait3A_3653 = tpu.memref_slice %arg7[%arg0, %arg1, %dma_wait3A_3652] : memref<2x16x16xf32, #tpu.memory_space<hbm>> -> memref<1x1x16xf32, #tpu.memory_space<hbm>>
      %dma_wait3A_3654 = tpu.memref_squeeze %dma_wait3A_3653 : memref<1x1x16xf32, #tpu.memory_space<hbm>> -> memref<16xf32, #tpu.memory_space<hbm>>
      tpu.wait_dma2 semaphore(%run_scoped3A : memref<!tpu.dma_semaphore, #tpu.memory_space<semaphore_mem>>) src(%arg10 : memref<16xf32, #tpu.memory_space<vmem>>) dst(%dma_wait3A_3654 : memref<16xf32, #tpu.memory_space<hbm>>)
      tpu.yield
    }) : () -> ()
    "tpu.region"() ({
      %run_scoped3A = tpu.sem_alloc : memref<!tpu.dma_semaphore, #tpu.memory_space<semaphore_mem>>
      %dma_start3A_3643 = arith.constant 0 : i32
      %dma_start3A_3644 = tpu.memref_slice %arg8[%arg0, %arg1, %dma_start3A_3643] : memref<2x16x16xi32, #tpu.memory_space<hbm>> -> memref<1x1x16xi32, #tpu.memory_space<hbm>>
      %dma_start3A_3645 = tpu.memref_squeeze %dma_start3A_3644 : memref<1x1x16xi32, #tpu.memory_space<hbm>> -> memref<16xi32, #tpu.memory_space<hbm>>
      %dma_start3A_3646 = arith.constant 0 : i32
      %dma_start3A_3647 = tpu.memref_slice %arg8[%arg0, %arg1, %dma_start3A_3646] : memref<2x16x16xi32, #tpu.memory_space<hbm>> -> memref<1x1x16xi32, #tpu.memory_space<hbm>>
      %dma_start3A_3648 = tpu.memref_squeeze %dma_start3A_3647 : memref<1x1x16xi32, #tpu.memory_space<hbm>> -> memref<16xi32, #tpu.memory_space<hbm>>
      tpu.enqueue_dma source(%arg11 : memref<16xi32, #tpu.memory_space<vmem>>) target(%dma_start3A_3648 : memref<16xi32, #tpu.memory_space<hbm>>) target_semaphore(%run_scoped3A : memref<!tpu.dma_semaphore, #tpu.memory_space<semaphore_mem>>)
      %dma_wait3A_3649 = arith.constant 0 : i32
      %dma_wait3A_3650 = tpu.memref_slice %arg8[%arg0, %arg1, %dma_wait3A_3649] : memref<2x16x16xi32, #tpu.memory_space<hbm>> -> memref<1x1x16xi32, #tpu.memory_space<hbm>>
      %dma_wait3A_3651 = tpu.memref_squeeze %dma_wait3A_3650 : memref<1x1x16xi32, #tpu.memory_space<hbm>> -> memref<16xi32, #tpu.memory_space<hbm>>
      %dma_wait3A_3652 = arith.constant 0 : i32
      %dma_wait3A_3653 = tpu.memref_slice %arg8[%arg0, %arg1, %dma_wait3A_3652] : memref<2x16x16xi32, #tpu.memory_space<hbm>> -> memref<1x1x16xi32, #tpu.memory_space<hbm>>
      %dma_wait3A_3654 = tpu.memref_squeeze %dma_wait3A_3653 : memref<1x1x16xi32, #tpu.memory_space<hbm>> -> memref<16xi32, #tpu.memory_space<hbm>>
      tpu.wait_dma2 semaphore(%run_scoped3A : memref<!tpu.dma_semaphore, #tpu.memory_space<semaphore_mem>>) src(%arg11 : memref<16xi32, #tpu.memory_space<vmem>>) dst(%dma_wait3A_3654 : memref<16xi32, #tpu.memory_space<hbm>>)
      tpu.yield
    }) : () -> ()
    %barrier3A = arith.constant 0 : index
    tpu.barrier barrier_id(%barrier3A)
    "tpu.region"() ({
      %run_scoped3A = tpu.sem_alloc : memref<!tpu.dma_semaphore, #tpu.memory_space<semaphore_mem>>
      %dma_start3A_3643 = arith.constant 0 : i32
      %dma_start3A_3644 = arith.constant 0 : i32
      %dma_start3A_3645 = tpu.memref_slice %arg7[%arg0, %dma_start3A_3643, %dma_start3A_3644] : memref<2x16x16xf32, #tpu.memory_space<hbm>> -> memref<1x16x16xf32, #tpu.memory_space<hbm>>
      %dma_start3A_3646 = tpu.memref_squeeze %dma_start3A_3645 : memref<1x16x16xf32, #tpu.memory_space<hbm>> -> memref<16x16xf32, #tpu.memory_space<hbm>>
      %dma_start3A_3647 = arith.constant 0 : i32
      %dma_start3A_3648 = arith.constant 0 : i32
      %dma_start3A_3649 = tpu.memref_slice %arg7[%arg0, %dma_start3A_3647, %dma_start3A_3648] : memref<2x16x16xf32, #tpu.memory_space<hbm>> -> memref<1x16x16xf32, #tpu.memory_space<hbm>>
      %dma_start3A_3650 = tpu.memref_squeeze %dma_start3A_3649 : memref<1x16x16xf32, #tpu.memory_space<hbm>> -> memref<16x16xf32, #tpu.memory_space<hbm>>
      tpu.enqueue_dma source(%dma_start3A_3650 : memref<16x16xf32, #tpu.memory_space<hbm>>) target(%arg12 : memref<16x16xf32, #tpu.memory_space<vmem>>) target_semaphore(%run_scoped3A : memref<!tpu.dma_semaphore, #tpu.memory_space<semaphore_mem>>)
      %dma_wait3A_3651 = arith.constant 0 : i32
      %dma_wait3A_3652 = arith.constant 0 : i32
      %dma_wait3A_3653 = tpu.memref_slice %arg7[%arg0, %dma_wait3A_3651, %dma_wait3A_3652] : memref<2x16x16xf32, #tpu.memory_space<hbm>> -> memref<1x16x16xf32, #tpu.memory_space<hbm>>
      %dma_wait3A_3654 = tpu.memref_squeeze %dma_wait3A_3653 : memref<1x16x16xf32, #tpu.memory_space<hbm>> -> memref<16x16xf32, #tpu.memory_space<hbm>>
      %dma_wait3A_3655 = arith.constant 0 : i32
      %dma_wait3A_3656 = arith.constant 0 : i32
      %dma_wait3A_3657 = tpu.memref_slice %arg7[%arg0, %dma_wait3A_3655, %dma_wait3A_3656] : memref<2x16x16xf32, #tpu.memory_space<hbm>> -> memref<1x16x16xf32, #tpu.memory_space<hbm>>
      %dma_wait3A_3658 = tpu.memref_squeeze %dma_wait3A_3657 : memref<1x16x16xf32, #tpu.memory_space<hbm>> -> memref<16x16xf32, #tpu.memory_space<hbm>>
      tpu.wait_dma2 semaphore(%run_scoped3A : memref<!tpu.dma_semaphore, #tpu.memory_space<semaphore_mem>>) src(%dma_wait3A_3658 : memref<16x16xf32, #tpu.memory_space<hbm>>) dst(%arg12 : memref<16x16xf32, #tpu.memory_space<vmem>>)
      tpu.yield
    }) : () -> ()
    "tpu.region"() ({
      %run_scoped3A = tpu.sem_alloc : memref<!tpu.dma_semaphore, #tpu.memory_space<semaphore_mem>>
      %dma_start3A_3643 = arith.constant 0 : i32
      %dma_start3A_3644 = arith.constant 0 : i32
      %dma_start3A_3645 = tpu.memref_slice %arg8[%arg0, %dma_start3A_3643, %dma_start3A_3644] : memref<2x16x16xi32, #tpu.memory_space<hbm>> -> memref<1x16x16xi32, #tpu.memory_space<hbm>>
      %dma_start3A_3646 = tpu.memref_squeeze %dma_start3A_3645 : memref<1x16x16xi32, #tpu.memory_space<hbm>> -> memref<16x16xi32, #tpu.memory_space<hbm>>
      %dma_start3A_3647 = arith.constant 0 : i32
      %dma_start3A_3648 = arith.constant 0 : i32
      %dma_start3A_3649 = tpu.memref_slice %arg8[%arg0, %dma_start3A_3647, %dma_start3A_3648] : memref<2x16x16xi32, #tpu.memory_space<hbm>> -> memref<1x16x16xi32, #tpu.memory_space<hbm>>
      %dma_start3A_3650 = tpu.memref_squeeze %dma_start3A_3649 : memref<1x16x16xi32, #tpu.memory_space<hbm>> -> memref<16x16xi32, #tpu.memory_space<hbm>>
      tpu.enqueue_dma source(%dma_start3A_3650 : memref<16x16xi32, #tpu.memory_space<hbm>>) target(%arg13 : memref<16x16xi32, #tpu.memory_space<vmem>>) target_semaphore(%run_scoped3A : memref<!tpu.dma_semaphore, #tpu.memory_space<semaphore_mem>>)
      %dma_wait3A_3651 = arith.constant 0 : i32
      %dma_wait3A_3652 = arith.constant 0 : i32
      %dma_wait3A_3653 = tpu.memref_slice %arg8[%arg0, %dma_wait3A_3651, %dma_wait3A_3652] : memref<2x16x16xi32, #tpu.memory_space<hbm>> -> memref<1x16x16xi32, #tpu.memory_space<hbm>>
      %dma_wait3A_3654 = tpu.memref_squeeze %dma_wait3A_3653 : memref<1x16x16xi32, #tpu.memory_space<hbm>> -> memref<16x16xi32, #tpu.memory_space<hbm>>
      %dma_wait3A_3655 = arith.constant 0 : i32
      %dma_wait3A_3656 = arith.constant 0 : i32
      %dma_wait3A_3657 = tpu.memref_slice %arg8[%arg0, %dma_wait3A_3655, %dma_wait3A_3656] : memref<2x16x16xi32, #tpu.memory_space<hbm>> -> memref<1x16x16xi32, #tpu.memory_space<hbm>>
      %dma_wait3A_3658 = tpu.memref_squeeze %dma_wait3A_3657 : memref<1x16x16xi32, #tpu.memory_space<hbm>> -> memref<16x16xi32, #tpu.memory_space<hbm>>
      tpu.wait_dma2 semaphore(%run_scoped3A : memref<!tpu.dma_semaphore, #tpu.memory_space<semaphore_mem>>) src(%dma_wait3A_3658 : memref<16x16xi32, #tpu.memory_space<hbm>>) dst(%arg13 : memref<16x16xi32, #tpu.memory_space<vmem>>)
      tpu.yield
    }) : () -> ()
    %get3A = arith.constant 0 : i32
    %get3A_82 = arith.index_cast %get3A : i32 to index
    %get3A_83 = arith.constant 0 : index
    %get3A_84 = tpu.vector_load %arg12[%get3A_82, %get3A_83] {strides = array<i32>} : memref<16x16xf32, #tpu.memory_space<vmem>>, vector<16xf32>,
    %get3A_85 = arith.constant 0 : i32
    %get3A_86 = arith.index_cast %get3A_85 : i32 to index
    %get3A_87 = arith.constant 0 : index
    %get3A_88 = tpu.vector_load %arg13[%get3A_86, %get3A_87] {strides = array<i32>} : memref<16x16xi32, #tpu.memory_space<vmem>>, vector<16xi32>,
    %broadcast_in_dim3A_89 = arith.constant 0x7F800000 : f32
    %broadcast_in_dim3A_90 = vector.broadcast %broadcast_in_dim3A_89 : f32 to vector<16xf32>
    %broadcast_in_dim3A_91 = arith.constant 0 : i32
    %broadcast_in_dim3A_92 = vector.broadcast %broadcast_in_dim3A_91 : i32 to vector<16xi32>
    %get3A_93 = arith.constant 1 : i32
    %get3A_94 = arith.index_cast %get3A_93 : i32 to index
    %get3A_95 = arith.constant 0 : index
    %get3A_96 = tpu.vector_load %arg12[%get3A_94, %get3A_95] {strides = array<i32>} : memref<16x16xf32, #tpu.memory_space<vmem>>, vector<16xf32>,
    %get3A_97 = arith.constant 1 : i32
    %get3A_98 = arith.index_cast %get3A_97 : i32 to index
    %get3A_99 = arith.constant 0 : index
    %get3A_100 = tpu.vector_load %arg13[%get3A_98, %get3A_99] {strides = array<i32>} : memref<16x16xi32, #tpu.memory_space<vmem>>, vector<16xi32>,
    %rev3A_101 = arith.constant 15 : i32
    %rev3A_102 = vector.broadcast %rev3A_101 : i32 to vector<16xi32>
    %rev3A_103 = tpu.iota {dimensions = array<i32: 0>} : vector<16xi32>
    %rev3A_104 = arith.subi %rev3A_102, %rev3A_103 : vector<16xi32>
    %rev3A_105 = tpu.dynamic_gather %get3A_96[%rev3A_104] in [0] : vector<16xf32>, vector<16xi32> -> vector<16xf32>
    %rev3A_106 = arith.constant 15 : i32
    %rev3A_107 = vector.broadcast %rev3A_106 : i32 to vector<16xi32>
    %rev3A_108 = tpu.iota {dimensions = array<i32: 0>} : vector<16xi32>
    %rev3A_109 = arith.subi %rev3A_107, %rev3A_108 : vector<16xi32>
    %rev3A_110 = tpu.dynamic_gather %get3A_100[%rev3A_109] in [0] : vector<16xi32>, vector<16xi32> -> vector<16xi32>
    %lt3A_111 = arith.cmpf olt, %rev3A_105, %get3A_84 : vector<16xf32>
    %select_n3A_112 = arith.select %lt3A_111, %rev3A_105, %get3A_84 : vector<16xi1>, vector<16xf32>
    %select_n3A_113 = arith.select %lt3A_111, %rev3A_110, %get3A_88 : vector<16xi1>, vector<16xi32>
    %select_n3A_114 = arith.select %lt3A_111, %get3A_84, %rev3A_105 : vector<16xi1>, vector<16xf32>
    %select_n3A_115 = arith.select %lt3A_111, %get3A_88, %rev3A_110 : vector<16xi1>, vector<16xi32>
    %masked_sort3A_116 = arith.constant dense<true> : vector<16xi1>
    %masked_sort3A_117, %masked_sort3A_118, %masked_sort3A_119 = tpu.sort %select_n3A_112, %select_n3A_113 masked %masked_sort3A_116 : (vector<16xf32>, vector<16xi32>, vector<16xi1>) -> (vector<16xi1>, vector<16xf32>, vector<16xi32>)
    %masked_sort3A_120 = arith.constant dense<true> : vector<16xi1>
    %masked_sort3A_121, %masked_sort3A_122, %masked_sort3A_123 = tpu.sort %select_n3A_114, %select_n3A_115 masked %masked_sort3A_120 : (vector<16xf32>, vector<16xi32>, vector<16xi1>) -> (vector<16xi1>, vector<16xf32>, vector<16xi32>)
    %rev3A_124 = arith.constant 15 : i32
    %rev3A_125 = vector.broadcast %rev3A_124 : i32 to vector<16xi32>
    %rev3A_126 = tpu.iota {dimensions = array<i32: 0>} : vector<16xi32>
    %rev3A_127 = arith.subi %rev3A_125, %rev3A_126 : vector<16xi32>
    %rev3A_128 = tpu.dynamic_gather %masked_sort3A_122[%rev3A_127] in [0] : vector<16xf32>, vector<16xi32> -> vector<16xf32>
    %rev3A_129 = arith.constant 15 : i32
    %rev3A_130 = vector.broadcast %rev3A_129 : i32 to vector<16xi32>
    %rev3A_131 = tpu.iota {dimensions = array<i32: 0>} : vector<16xi32>
    %rev3A_132 = arith.subi %rev3A_130, %rev3A_131 : vector<16xi32>
    %rev3A_133 = tpu.dynamic_gather %masked_sort3A_123[%rev3A_132] in [0] : vector<16xi32>, vector<16xi32> -> vector<16xi32>
    %lt3A_134 = arith.cmpf olt, %rev3A_128, %broadcast_in_dim3A_90 : vector<16xf32>
    %select_n3A_135 = arith.select %lt3A_134, %rev3A_128, %broadcast_in_dim3A_90 : vector<16xi1>, vector<16xf32>
    %select_n3A_136 = arith.select %lt3A_134, %rev3A_133, %broadcast_in_dim3A_92 : vector<16xi1>, vector<16xi32>
    %masked_sort3A_137 = arith.constant dense<true> : vector<16xi1>
    %masked_sort3A_138, %masked_sort3A_139, %masked_sort3A_140 = tpu.sort %select_n3A_135, %select_n3A_136 masked %masked_sort3A_137 : (vector<16xf32>, vector<16xi32>, vector<16xi1>) -> (vector<16xi1>, vector<16xf32>, vector<16xi32>)
    %get3A_141 = arith.constant 2 : i32
    %get3A_142 = arith.index_cast %get3A_141 : i32 to index
    %get3A_143 = arith.constant 0 : index
    %get3A_144 = tpu.vector_load %arg12[%get3A_142, %get3A_143] {strides = array<i32>} : memref<16x16xf32, #tpu.memory_space<vmem>>, vector<16xf32>,
    %get3A_145 = arith.constant 2 : i32
    %get3A_146 = arith.index_cast %get3A_145 : i32 to index
    %get3A_147 = arith.constant 0 : index
    %get3A_148 = tpu.vector_load %arg13[%get3A_146, %get3A_147] {strides = array<i32>} : memref<16x16xi32, #tpu.memory_space<vmem>>, vector<16xi32>,
    %rev3A_149 = arith.constant 15 : i32
    %rev3A_150 = vector.broadcast %rev3A_149 : i32 to vector<16xi32>
    %rev3A_151 = tpu.iota {dimensions = array<i32: 0>} : vector<16xi32>
    %rev3A_152 = arith.subi %rev3A_150, %rev3A_151 : vector<16xi32>
    %rev3A_153 = tpu.dynamic_gather %get3A_144[%rev3A_152] in [0] : vector<16xf32>, vector<16xi32> -> vector<16xf32>
    %rev3A_154 = arith.constant 15 : i32
    %rev3A_155 = vector.broadcast %rev3A_154 : i32 to vector<16xi32>
    %rev3A_156 = tpu.iota {dimensions = array<i32: 0>} : vector<16xi32>
    %rev3A_157 = arith.subi %rev3A_155, %rev3A_156 : vector<16xi32>
    %rev3A_158 = tpu.dynamic_gather %get3A_148[%rev3A_157] in [0] : vector<16xi32>, vector<16xi32> -> vector<16xi32>
    %lt3A_159 = arith.cmpf olt, %rev3A_153, %masked_sort3A_118 : vector<16xf32>
    %select_n3A_160 = arith.select %lt3A_159, %rev3A_153, %masked_sort3A_118 : vector<16xi1>, vector<16xf32>
    %select_n3A_161 = arith.select %lt3A_159, %rev3A_158, %masked_sort3A_119 : vector<16xi1>, vector<16xi32>
    %select_n3A_162 = arith.select %lt3A_159, %masked_sort3A_118, %rev3A_153 : vector<16xi1>, vector<16xf32>
    %select_n3A_163 = arith.select %lt3A_159, %masked_sort3A_119, %rev3A_158 : vector<16xi1>, vector<16xi32>
    %masked_sort3A_164 = arith.constant dense<true> : vector<16xi1>
    %masked_sort3A_165, %masked_sort3A_166, %masked_sort3A_167 = tpu.sort %select_n3A_160, %select_n3A_161 masked %masked_sort3A_164 : (vector<16xf32>, vector<16xi32>, vector<16xi1>) -> (vector<16xi1>, vector<16xf32>, vector<16xi32>)
    %masked_sort3A_168 = arith.constant dense<true> : vector<16xi1>
    %masked_sort3A_169, %masked_sort3A_170, %masked_sort3A_171 = tpu.sort %select_n3A_162, %select_n3A_163 masked %masked_sort3A_168 : (vector<16xf32>, vector<16xi32>, vector<16xi1>) -> (vector<16xi1>, vector<16xf32>, vector<16xi32>)
    %rev3A_172 = arith.constant 15 : i32
    %rev3A_173 = vector.broadcast %rev3A_172 : i32 to vector<16xi32>
    %rev3A_174 = tpu.iota {dimensions = array<i32: 0>} : vector<16xi32>
    %rev3A_175 = arith.subi %rev3A_173, %rev3A_174 : vector<16xi32>
    %rev3A_176 = tpu.dynamic_gather %masked_sort3A_170[%rev3A_175] in [0] : vector<16xf32>, vector<16xi32> -> vector<16xf32>
    %rev3A_177 = arith.constant 15 : i32
    %rev3A_178 = vector.broadcast %rev3A_177 : i32 to vector<16xi32>
    %rev3A_179 = tpu.iota {dimensions = array<i32: 0>} : vector<16xi32>
    %rev3A_180 = arith.subi %rev3A_178, %rev3A_179 : vector<16xi32>
    %rev3A_181 = tpu.dynamic_gather %masked_sort3A_171[%rev3A_180] in [0] : vector<16xi32>, vector<16xi32> -> vector<16xi32>
    %lt3A_182 = arith.cmpf olt, %rev3A_176, %masked_sort3A_139 : vector<16xf32>
    %select_n3A_183 = arith.select %lt3A_182, %rev3A_176, %masked_sort3A_139 : vector<16xi1>, vector<16xf32>
    %select_n3A_184 = arith.select %lt3A_182, %rev3A_181, %masked_sort3A_140 : vector<16xi1>, vector<16xi32>
    %masked_sort3A_185 = arith.constant dense<true> : vector<16xi1>
    %masked_sort3A_186, %masked_sort3A_187, %masked_sort3A_188 = tpu.sort %select_n3A_183, %select_n3A_184 masked %masked_sort3A_185 : (vector<16xf32>, vector<16xi32>, vector<16xi1>) -> (vector<16xi1>, vector<16xf32>, vector<16xi32>)
    %get3A_189 = arith.constant 3 : i32
    %get3A_190 = arith.index_cast %get3A_189 : i32 to index
    %get3A_191 = arith.constant 0 : index
    %get3A_192 = tpu.vector_load %arg12[%get3A_190, %get3A_191] {strides = array<i32>} : memref<16x16xf32, #tpu.memory_space<vmem>>, vector<16xf32>,
    %get3A_193 = arith.constant 3 : i32
    %get3A_194 = arith.index_cast %get3A_193 : i32 to index
    %get3A_195 = arith.constant 0 : index
    %get3A_196 = tpu.vector_load %arg13[%get3A_194, %get3A_195] {strides = array<i32>} : memref<16x16xi32, #tpu.memory_space<vmem>>, vector<16xi32>,
    %rev3A_197 = arith.constant 15 : i32
    %rev3A_198 = vector.broadcast %rev3A_197 : i32 to vector<16xi32>
    %rev3A_199 = tpu.iota {dimensions = array<i32: 0>} : vector<16xi32>
    %rev3A_200 = arith.subi %rev3A_198, %rev3A_199 : vector<16xi32>
    %rev3A_201 = tpu.dynamic_gather %get3A_192[%rev3A_200] in [0] : vector<16xf32>, vector<16xi32> -> vector<16xf32>
    %rev3A_202 = arith.constant 15 : i32
    %rev3A_203 = vector.broadcast %rev3A_202 : i32 to vector<16xi32>
    %rev3A_204 = tpu.iota {dimensions = array<i32: 0>} : vector<16xi32>
    %rev3A_205 = arith.subi %rev3A_203, %rev3A_204 : vector<16xi32>
    %rev3A_206 = tpu.dynamic_gather %get3A_196[%rev3A_205] in [0] : vector<16xi32>, vector<16xi32> -> vector<16xi32>
    %lt3A_207 = arith.cmpf olt, %rev3A_201, %masked_sort3A_166 : vector<16xf32>
    %select_n3A_208 = arith.select %lt3A_207, %rev3A_201, %masked_sort3A_166 : vector<16xi1>, vector<16xf32>
    %select_n3A_209 = arith.select %lt3A_207, %rev3A_206, %masked_sort3A_167 : vector<16xi1>, vector<16xi32>
    %select_n3A_210 = arith.select %lt3A_207, %masked_sort3A_166, %rev3A_201 : vector<16xi1>, vector<16xf32>
    %select_n3A_211 = arith.select %lt3A_207, %masked_sort3A_167, %rev3A_206 : vector<16xi1>, vector<16xi32>
    %masked_sort3A_212 = arith.constant dense<true> : vector<16xi1>
    %masked_sort3A_213, %masked_sort3A_214, %masked_sort3A_215 = tpu.sort %select_n3A_208, %select_n3A_209 masked %masked_sort3A_212 : (vector<16xf32>, vector<16xi32>, vector<16xi1>) -> (vector<16xi1>, vector<16xf32>, vector<16xi32>)
    %masked_sort3A_216 = arith.constant dense<true> : vector<16xi1>
    %masked_sort3A_217, %masked_sort3A_218, %masked_sort3A_219 = tpu.sort %select_n3A_210, %select_n3A_211 masked %masked_sort3A_216 : (vector<16xf32>, vector<16xi32>, vector<16xi1>) -> (vector<16xi1>, vector<16xf32>, vector<16xi32>)
    %rev3A_220 = arith.constant 15 : i32
    %rev3A_221 = vector.broadcast %rev3A_220 : i32 to vector<16xi32>
    %rev3A_222 = tpu.iota {dimensions = array<i32: 0>} : vector<16xi32>
    %rev3A_223 = arith.subi %rev3A_221, %rev3A_222 : vector<16xi32>
    %rev3A_224 = tpu.dynamic_gather %masked_sort3A_218[%rev3A_223] in [0] : vector<16xf32>, vector<16xi32> -> vector<16xf32>
    %rev3A_225 = arith.constant 15 : i32
    %rev3A_226 = vector.broadcast %rev3A_225 : i32 to vector<16xi32>
    %rev3A_227 = tpu.iota {dimensions = array<i32: 0>} : vector<16xi32>
    %rev3A_228 = arith.subi %rev3A_226, %rev3A_227 : vector<16xi32>
    %rev3A_229 = tpu.dynamic_gather %masked_sort3A_219[%rev3A_228] in [0] : vector<16xi32>, vector<16xi32> -> vector<16xi32>
    %lt3A_230 = arith.cmpf olt, %rev3A_224, %masked_sort3A_187 : vector<16xf32>
    %select_n3A_231 = arith.select %lt3A_230, %rev3A_224, %masked_sort3A_187 : vector<16xi1>, vector<16xf32>
    %select_n3A_232 = arith.select %lt3A_230, %rev3A_229, %masked_sort3A_188 : vector<16xi1>, vector<16xi32>
    %masked_sort3A_233 = arith.constant dense<true> : vector<16xi1>
    %masked_sort3A_234, %masked_sort3A_235, %masked_sort3A_236 = tpu.sort %select_n3A_231, %select_n3A_232 masked %masked_sort3A_233 : (vector<16xf32>, vector<16xi32>, vector<16xi1>) -> (vector<16xi1>, vector<16xf32>, vector<16xi32>)
    %get3A_237 = arith.constant 4 : i32
    %get3A_238 = arith.index_cast %get3A_237 : i32 to index
    %get3A_239 = arith.constant 0 : index
    %get3A_240 = tpu.vector_load %arg12[%get3A_238, %get3A_239] {strides = array<i32>} : memref<16x16xf32, #tpu.memory_space<vmem>>, vector<16xf32>,
    %get3A_241 = arith.constant 4 : i32
    %get3A_242 = arith.index_cast %get3A_241 : i32 to index
    %get3A_243 = arith.constant 0 : index
    %get3A_244 = tpu.vector_load %arg13[%get3A_242, %get3A_243] {strides = array<i32>} : memref<16x16xi32, #tpu.memory_space<vmem>>, vector<16xi32>,
    %rev3A_245 = arith.constant 15 : i32
    %rev3A_246 = vector.broadcast %rev3A_245 : i32 to vector<16xi32>
    %rev3A_247 = tpu.iota {dimensions = array<i32: 0>} : vector<16xi32>
    %rev3A_248 = arith.subi %rev3A_246, %rev3A_247 : vector<16xi32>
    %rev3A_249 = tpu.dynamic_gather %get3A_240[%rev3A_248] in [0] : vector<16xf32>, vector<16xi32> -> vector<16xf32>
    %rev3A_250 = arith.constant 15 : i32
    %rev3A_251 = vector.broadcast %rev3A_250 : i32 to vector<16xi32>
    %rev3A_252 = tpu.iota {dimensions = array<i32: 0>} : vector<16xi32>
    %rev3A_253 = arith.subi %rev3A_251, %rev3A_252 : vector<16xi32>
    %rev3A_254 = tpu.dynamic_gather %get3A_244[%rev3A_253] in [0] : vector<16xi32>, vector<16xi32> -> vector<16xi32>
    %lt3A_255 = arith.cmpf olt, %rev3A_249, %masked_sort3A_214 : vector<16xf32>
    %select_n3A_256 = arith.select %lt3A_255, %rev3A_249, %masked_sort3A_214 : vector<16xi1>, vector<16xf32>
    %select_n3A_257 = arith.select %lt3A_255, %rev3A_254, %masked_sort3A_215 : vector<16xi1>, vector<16xi32>
    %select_n3A_258 = arith.select %lt3A_255, %masked_sort3A_214, %rev3A_249 : vector<16xi1>, vector<16xf32>
    %select_n3A_259 = arith.select %lt3A_255, %masked_sort3A_215, %rev3A_254 : vector<16xi1>, vector<16xi32>
    %masked_sort3A_260 = arith.constant dense<true> : vector<16xi1>
    %masked_sort3A_261, %masked_sort3A_262, %masked_sort3A_263 = tpu.sort %select_n3A_256, %select_n3A_257 masked %masked_sort3A_260 : (vector<16xf32>, vector<16xi32>, vector<16xi1>) -> (vector<16xi1>, vector<16xf32>, vector<16xi32>)
    %masked_sort3A_264 = arith.constant dense<true> : vector<16xi1>
    %masked_sort3A_265, %masked_sort3A_266, %masked_sort3A_267 = tpu.sort %select_n3A_258, %select_n3A_259 masked %masked_sort3A_264 : (vector<16xf32>, vector<16xi32>, vector<16xi1>) -> (vector<16xi1>, vector<16xf32>, vector<16xi32>)
    %rev3A_268 = arith.constant 15 : i32
    %rev3A_269 = vector.broadcast %rev3A_268 : i32 to vector<16xi32>
    %rev3A_270 = tpu.iota {dimensions = array<i32: 0>} : vector<16xi32>
    %rev3A_271 = arith.subi %rev3A_269, %rev3A_270 : vector<16xi32>
    %rev3A_272 = tpu.dynamic_gather %masked_sort3A_266[%rev3A_271] in [0] : vector<16xf32>, vector<16xi32> -> vector<16xf32>
    %rev3A_273 = arith.constant 15 : i32
    %rev3A_274 = vector.broadcast %rev3A_273 : i32 to vector<16xi32>
    %rev3A_275 = tpu.iota {dimensions = array<i32: 0>} : vector<16xi32>
    %rev3A_276 = arith.subi %rev3A_274, %rev3A_275 : vector<16xi32>
    %rev3A_277 = tpu.dynamic_gather %masked_sort3A_267[%rev3A_276] in [0] : vector<16xi32>, vector<16xi32> -> vector<16xi32>
    %lt3A_278 = arith.cmpf olt, %rev3A_272, %masked_sort3A_235 : vector<16xf32>
    %select_n3A_279 = arith.select %lt3A_278, %rev3A_272, %masked_sort3A_235 : vector<16xi1>, vector<16xf32>
    %select_n3A_280 = arith.select %lt3A_278, %rev3A_277, %masked_sort3A_236 : vector<16xi1>, vector<16xi32>
    %masked_sort3A_281 = arith.constant dense<true> : vector<16xi1>
    %masked_sort3A_282, %masked_sort3A_283, %masked_sort3A_284 = tpu.sort %select_n3A_279, %select_n3A_280 masked %masked_sort3A_281 : (vector<16xf32>, vector<16xi32>, vector<16xi1>) -> (vector<16xi1>, vector<16xf32>, vector<16xi32>)
    %get3A_285 = arith.constant 5 : i32
    %get3A_286 = arith.index_cast %get3A_285 : i32 to index
    %get3A_287 = arith.constant 0 : index
    %get3A_288 = tpu.vector_load %arg12[%get3A_286, %get3A_287] {strides = array<i32>} : memref<16x16xf32, #tpu.memory_space<vmem>>, vector<16xf32>,
    %get3A_289 = arith.constant 5 : i32
    %get3A_290 = arith.index_cast %get3A_289 : i32 to index
    %get3A_291 = arith.constant 0 : index
    %get3A_292 = tpu.vector_load %arg13[%get3A_290, %get3A_291] {strides = array<i32>} : memref<16x16xi32, #tpu.memory_space<vmem>>, vector<16xi32>,
    %rev3A_293 = arith.constant 15 : i32
    %rev3A_294 = vector.broadcast %rev3A_293 : i32 to vector<16xi32>
    %rev3A_295 = tpu.iota {dimensions = array<i32: 0>} : vector<16xi32>
    %rev3A_296 = arith.subi %rev3A_294, %rev3A_295 : vector<16xi32>
    %rev3A_297 = tpu.dynamic_gather %get3A_288[%rev3A_296] in [0] : vector<16xf32>, vector<16xi32> -> vector<16xf32>
    %rev3A_298 = arith.constant 15 : i32
    %rev3A_299 = vector.broadcast %rev3A_298 : i32 to vector<16xi32>
    %rev3A_300 = tpu.iota {dimensions = array<i32: 0>} : vector<16xi32>
    %rev3A_301 = arith.subi %rev3A_299, %rev3A_300 : vector<16xi32>
    %rev3A_302 = tpu.dynamic_gather %get3A_292[%rev3A_301] in [0] : vector<16xi32>, vector<16xi32> -> vector<16xi32>
    %lt3A_303 = arith.cmpf olt, %rev3A_297, %masked_sort3A_262 : vector<16xf32>
    %select_n3A_304 = arith.select %lt3A_303, %rev3A_297, %masked_sort3A_262 : vector<16xi1>, vector<16xf32>
    %select_n3A_305 = arith.select %lt3A_303, %rev3A_302, %masked_sort3A_263 : vector<16xi1>, vector<16xi32>
    %select_n3A_306 = arith.select %lt3A_303, %masked_sort3A_262, %rev3A_297 : vector<16xi1>, vector<16xf32>
    %select_n3A_307 = arith.select %lt3A_303, %masked_sort3A_263, %rev3A_302 : vector<16xi1>, vector<16xi32>
    %masked_sort3A_308 = arith.constant dense<true> : vector<16xi1>
    %masked_sort3A_309, %masked_sort3A_310, %masked_sort3A_311 = tpu.sort %select_n3A_304, %select_n3A_305 masked %masked_sort3A_308 : (vector<16xf32>, vector<16xi32>, vector<16xi1>) -> (vector<16xi1>, vector<16xf32>, vector<16xi32>)
    %masked_sort3A_312 = arith.constant dense<true> : vector<16xi1>
    %masked_sort3A_313, %masked_sort3A_314, %masked_sort3A_315 = tpu.sort %select_n3A_306, %select_n3A_307 masked %masked_sort3A_312 : (vector<16xf32>, vector<16xi32>, vector<16xi1>) -> (vector<16xi1>, vector<16xf32>, vector<16xi32>)
    %rev3A_316 = arith.constant 15 : i32
    %rev3A_317 = vector.broadcast %rev3A_316 : i32 to vector<16xi32>
    %rev3A_318 = tpu.iota {dimensions = array<i32: 0>} : vector<16xi32>
    %rev3A_319 = arith.subi %rev3A_317, %rev3A_318 : vector<16xi32>
    %rev3A_320 = tpu.dynamic_gather %masked_sort3A_314[%rev3A_319] in [0] : vector<16xf32>, vector<16xi32> -> vector<16xf32>
    %rev3A_321 = arith.constant 15 : i32
    %rev3A_322 = vector.broadcast %rev3A_321 : i32 to vector<16xi32>
    %rev3A_323 = tpu.iota {dimensions = array<i32: 0>} : vector<16xi32>
    %rev3A_324 = arith.subi %rev3A_322, %rev3A_323 : vector<16xi32>
    %rev3A_325 = tpu.dynamic_gather %masked_sort3A_315[%rev3A_324] in [0] : vector<16xi32>, vector<16xi32> -> vector<16xi32>
    %lt3A_326 = arith.cmpf olt, %rev3A_320, %masked_sort3A_283 : vector<16xf32>
    %select_n3A_327 = arith.select %lt3A_326, %rev3A_320, %masked_sort3A_283 : vector<16xi1>, vector<16xf32>
    %select_n3A_328 = arith.select %lt3A_326, %rev3A_325, %masked_sort3A_284 : vector<16xi1>, vector<16xi32>
    %masked_sort3A_329 = arith.constant dense<true> : vector<16xi1>
    %masked_sort3A_330, %masked_sort3A_331, %masked_sort3A_332 = tpu.sort %select_n3A_327, %select_n3A_328 masked %masked_sort3A_329 : (vector<16xf32>, vector<16xi32>, vector<16xi1>) -> (vector<16xi1>, vector<16xf32>, vector<16xi32>)
    %get3A_333 = arith.constant 6 : i32
    %get3A_334 = arith.index_cast %get3A_333 : i32 to index
    %get3A_335 = arith.constant 0 : index
    %get3A_336 = tpu.vector_load %arg12[%get3A_334, %get3A_335] {strides = array<i32>} : memref<16x16xf32, #tpu.memory_space<vmem>>, vector<16xf32>,
    %get3A_337 = arith.constant 6 : i32
    %get3A_338 = arith.index_cast %get3A_337 : i32 to index
    %get3A_339 = arith.constant 0 : index
    %get3A_340 = tpu.vector_load %arg13[%get3A_338, %get3A_339] {strides = array<i32>} : memref<16x16xi32, #tpu.memory_space<vmem>>, vector<16xi32>,
    %rev3A_341 = arith.constant 15 : i32
    %rev3A_342 = vector.broadcast %rev3A_341 : i32 to vector<16xi32>
    %rev3A_343 = tpu.iota {dimensions = array<i32: 0>} : vector<16xi32>
    %rev3A_344 = arith.subi %rev3A_342, %rev3A_343 : vector<16xi32>
    %rev3A_345 = tpu.dynamic_gather %get3A_336[%rev3A_344] in [0] : vector<16xf32>, vector<16xi32> -> vector<16xf32>
    %rev3A_346 = arith.constant 15 : i32
    %rev3A_347 = vector.broadcast %rev3A_346 : i32 to vector<16xi32>
    %rev3A_348 = tpu.iota {dimensions = array<i32: 0>} : vector<16xi32>
    %rev3A_349 = arith.subi %rev3A_347, %rev3A_348 : vector<16xi32>
    %rev3A_350 = tpu.dynamic_gather %get3A_340[%rev3A_349] in [0] : vector<16xi32>, vector<16xi32> -> vector<16xi32>
    %lt3A_351 = arith.cmpf olt, %rev3A_345, %masked_sort3A_310 : vector<16xf32>
    %select_n3A_352 = arith.select %lt3A_351, %rev3A_345, %masked_sort3A_310 : vector<16xi1>, vector<16xf32>
    %select_n3A_353 = arith.select %lt3A_351, %rev3A_350, %masked_sort3A_311 : vector<16xi1>, vector<16xi32>
    %select_n3A_354 = arith.select %lt3A_351, %masked_sort3A_310, %rev3A_345 : vector<16xi1>, vector<16xf32>
    %select_n3A_355 = arith.select %lt3A_351, %masked_sort3A_311, %rev3A_350 : vector<16xi1>, vector<16xi32>
    %masked_sort3A_356 = arith.constant dense<true> : vector<16xi1>
    %masked_sort3A_357, %masked_sort3A_358, %masked_sort3A_359 = tpu.sort %select_n3A_352, %select_n3A_353 masked %masked_sort3A_356 : (vector<16xf32>, vector<16xi32>, vector<16xi1>) -> (vector<16xi1>, vector<16xf32>, vector<16xi32>)
    %masked_sort3A_360 = arith.constant dense<true> : vector<16xi1>
    %masked_sort3A_361, %masked_sort3A_362, %masked_sort3A_363 = tpu.sort %select_n3A_354, %select_n3A_355 masked %masked_sort3A_360 : (vector<16xf32>, vector<16xi32>, vector<16xi1>) -> (vector<16xi1>, vector<16xf32>, vector<16xi32>)
    %rev3A_364 = arith.constant 15 : i32
    %rev3A_365 = vector.broadcast %rev3A_364 : i32 to vector<16xi32>
    %rev3A_366 = tpu.iota {dimensions = array<i32: 0>} : vector<16xi32>
    %rev3A_367 = arith.subi %rev3A_365, %rev3A_366 : vector<16xi32>
    %rev3A_368 = tpu.dynamic_gather %masked_sort3A_362[%rev3A_367] in [0] : vector<16xf32>, vector<16xi32> -> vector<16xf32>
    %rev3A_369 = arith.constant 15 : i32
    %rev3A_370 = vector.broadcast %rev3A_369 : i32 to vector<16xi32>
    %rev3A_371 = tpu.iota {dimensions = array<i32: 0>} : vector<16xi32>
    %rev3A_372 = arith.subi %rev3A_370, %rev3A_371 : vector<16xi32>
    %rev3A_373 = tpu.dynamic_gather %masked_sort3A_363[%rev3A_372] in [0] : vector<16xi32>, vector<16xi32> -> vector<16xi32>
    %lt3A_374 = arith.cmpf olt, %rev3A_368, %masked_sort3A_331 : vector<16xf32>
    %select_n3A_375 = arith.select %lt3A_374, %rev3A_368, %masked_sort3A_331 : vector<16xi1>, vector<16xf32>
    %select_n3A_376 = arith.select %lt3A_374, %rev3A_373, %masked_sort3A_332 : vector<16xi1>, vector<16xi32>
    %masked_sort3A_377 = arith.constant dense<true> : vector<16xi1>
    %masked_sort3A_378, %masked_sort3A_379, %masked_sort3A_380 = tpu.sort %select_n3A_375, %select_n3A_376 masked %masked_sort3A_377 : (vector<16xf32>, vector<16xi32>, vector<16xi1>) -> (vector<16xi1>, vector<16xf32>, vector<16xi32>)
    %get3A_381 = arith.constant 7 : i32
    %get3A_382 = arith.index_cast %get3A_381 : i32 to index
    %get3A_383 = arith.constant 0 : index
    %get3A_384 = tpu.vector_load %arg12[%get3A_382, %get3A_383] {strides = array<i32>} : memref<16x16xf32, #tpu.memory_space<vmem>>, vector<16xf32>,
    %get3A_385 = arith.constant 7 : i32
    %get3A_386 = arith.index_cast %get3A_385 : i32 to index
    %get3A_387 = arith.constant 0 : index
    %get3A_388 = tpu.vector_load %arg13[%get3A_386, %get3A_387] {strides = array<i32>} : memref<16x16xi32, #tpu.memory_space<vmem>>, vector<16xi32>,
    %rev3A_389 = arith.constant 15 : i32
    %rev3A_390 = vector.broadcast %rev3A_389 : i32 to vector<16xi32>
    %rev3A_391 = tpu.iota {dimensions = array<i32: 0>} : vector<16xi32>
    %rev3A_392 = arith.subi %rev3A_390, %rev3A_391 : vector<16xi32>
    %rev3A_393 = tpu.dynamic_gather %get3A_384[%rev3A_392] in [0] : vector<16xf32>, vector<16xi32> -> vector<16xf32>
    %rev3A_394 = arith.constant 15 : i32
    %rev3A_395 = vector.broadcast %rev3A_394 : i32 to vector<16xi32>
    %rev3A_396 = tpu.iota {dimensions = array<i32: 0>} : vector<16xi32>
    %rev3A_397 = arith.subi %rev3A_395, %rev3A_396 : vector<16xi32>
    %rev3A_398 = tpu.dynamic_gather %get3A_388[%rev3A_397] in [0] : vector<16xi32>, vector<16xi32> -> vector<16xi32>
    %lt3A_399 = arith.cmpf olt, %rev3A_393, %masked_sort3A_358 : vector<16xf32>
    %select_n3A_400 = arith.select %lt3A_399, %rev3A_393, %masked_sort3A_358 : vector<16xi1>, vector<16xf32>
    %select_n3A_401 = arith.select %lt3A_399, %rev3A_398, %masked_sort3A_359 : vector<16xi1>, vector<16xi32>
    %select_n3A_402 = arith.select %lt3A_399, %masked_sort3A_358, %rev3A_393 : vector<16xi1>, vector<16xf32>
    %select_n3A_403 = arith.select %lt3A_399, %masked_sort3A_359, %rev3A_398 : vector<16xi1>, vector<16xi32>
    %masked_sort3A_404 = arith.constant dense<true> : vector<16xi1>
    %masked_sort3A_405, %masked_sort3A_406, %masked_sort3A_407 = tpu.sort %select_n3A_400, %select_n3A_401 masked %masked_sort3A_404 : (vector<16xf32>, vector<16xi32>, vector<16xi1>) -> (vector<16xi1>, vector<16xf32>, vector<16xi32>)
    %masked_sort3A_408 = arith.constant dense<true> : vector<16xi1>
    %masked_sort3A_409, %masked_sort3A_410, %masked_sort3A_411 = tpu.sort %select_n3A_402, %select_n3A_403 masked %masked_sort3A_408 : (vector<16xf32>, vector<16xi32>, vector<16xi1>) -> (vector<16xi1>, vector<16xf32>, vector<16xi32>)
    %rev3A_412 = arith.constant 15 : i32
    %rev3A_413 = vector.broadcast %rev3A_412 : i32 to vector<16xi32>
    %rev3A_414 = tpu.iota {dimensions = array<i32: 0>} : vector<16xi32>
    %rev3A_415 = arith.subi %rev3A_413, %rev3A_414 : vector<16xi32>
    %rev3A_416 = tpu.dynamic_gather %masked_sort3A_410[%rev3A_415] in [0] : vector<16xf32>, vector<16xi32> -> vector<16xf32>
    %rev3A_417 = arith.constant 15 : i32
    %rev3A_418 = vector.broadcast %rev3A_417 : i32 to vector<16xi32>
    %rev3A_419 = tpu.iota {dimensions = array<i32: 0>} : vector<16xi32>
    %rev3A_420 = arith.subi %rev3A_418, %rev3A_419 : vector<16xi32>
    %rev3A_421 = tpu.dynamic_gather %masked_sort3A_411[%rev3A_420] in [0] : vector<16xi32>, vector<16xi32> -> vector<16xi32>
    %lt3A_422 = arith.cmpf olt, %rev3A_416, %masked_sort3A_379 : vector<16xf32>
    %select_n3A_423 = arith.select %lt3A_422, %rev3A_416, %masked_sort3A_379 : vector<16xi1>, vector<16xf32>
    %select_n3A_424 = arith.select %lt3A_422, %rev3A_421, %masked_sort3A_380 : vector<16xi1>, vector<16xi32>
    %masked_sort3A_425 = arith.constant dense<true> : vector<16xi1>
    %masked_sort3A_426, %masked_sort3A_427, %masked_sort3A_428 = tpu.sort %select_n3A_423, %select_n3A_424 masked %masked_sort3A_425 : (vector<16xf32>, vector<16xi32>, vector<16xi1>) -> (vector<16xi1>, vector<16xf32>, vector<16xi32>)
    %get3A_429 = arith.constant 8 : i32
    %get3A_430 = arith.index_cast %get3A_429 : i32 to index
    %get3A_431 = arith.constant 0 : index
    %get3A_432 = tpu.vector_load %arg12[%get3A_430, %get3A_431] {strides = array<i32>} : memref<16x16xf32, #tpu.memory_space<vmem>>, vector<16xf32>,
    %get3A_433 = arith.constant 8 : i32
    %get3A_434 = arith.index_cast %get3A_433 : i32 to index
    %get3A_435 = arith.constant 0 : index
    %get3A_436 = tpu.vector_load %arg13[%get3A_434, %get3A_435] {strides = array<i32>} : memref<16x16xi32, #tpu.memory_space<vmem>>, vector<16xi32>,
    %rev3A_437 = arith.constant 15 : i32
    %rev3A_438 = vector.broadcast %rev3A_437 : i32 to vector<16xi32>
    %rev3A_439 = tpu.iota {dimensions = array<i32: 0>} : vector<16xi32>
    %rev3A_440 = arith.subi %rev3A_438, %rev3A_439 : vector<16xi32>
    %rev3A_441 = tpu.dynamic_gather %get3A_432[%rev3A_440] in [0] : vector<16xf32>, vector<16xi32> -> vector<16xf32>
    %rev3A_442 = arith.constant 15 : i32
    %rev3A_443 = vector.broadcast %rev3A_442 : i32 to vector<16xi32>
    %rev3A_444 = tpu.iota {dimensions = array<i32: 0>} : vector<16xi32>
    %rev3A_445 = arith.subi %rev3A_443, %rev3A_444 : vector<16xi32>
    %rev3A_446 = tpu.dynamic_gather %get3A_436[%rev3A_445] in [0] : vector<16xi32>, vector<16xi32> -> vector<16xi32>
    %lt3A_447 = arith.cmpf olt, %rev3A_441, %masked_sort3A_406 : vector<16xf32>
    %select_n3A_448 = arith.select %lt3A_447, %rev3A_441, %masked_sort3A_406 : vector<16xi1>, vector<16xf32>
    %select_n3A_449 = arith.select %lt3A_447, %rev3A_446, %masked_sort3A_407 : vector<16xi1>, vector<16xi32>
    %select_n3A_450 = arith.select %lt3A_447, %masked_sort3A_406, %rev3A_441 : vector<16xi1>, vector<16xf32>
    %select_n3A_451 = arith.select %lt3A_447, %masked_sort3A_407, %rev3A_446 : vector<16xi1>, vector<16xi32>
    %masked_sort3A_452 = arith.constant dense<true> : vector<16xi1>
    %masked_sort3A_453, %masked_sort3A_454, %masked_sort3A_455 = tpu.sort %select_n3A_448, %select_n3A_449 masked %masked_sort3A_452 : (vector<16xf32>, vector<16xi32>, vector<16xi1>) -> (vector<16xi1>, vector<16xf32>, vector<16xi32>)
    %masked_sort3A_456 = arith.constant dense<true> : vector<16xi1>
    %masked_sort3A_457, %masked_sort3A_458, %masked_sort3A_459 = tpu.sort %select_n3A_450, %select_n3A_451 masked %masked_sort3A_456 : (vector<16xf32>, vector<16xi32>, vector<16xi1>) -> (vector<16xi1>, vector<16xf32>, vector<16xi32>)
    %rev3A_460 = arith.constant 15 : i32
    %rev3A_461 = vector.broadcast %rev3A_460 : i32 to vector<16xi32>
    %rev3A_462 = tpu.iota {dimensions = array<i32: 0>} : vector<16xi32>
    %rev3A_463 = arith.subi %rev3A_461, %rev3A_462 : vector<16xi32>
    %rev3A_464 = tpu.dynamic_gather %masked_sort3A_458[%rev3A_463] in [0] : vector<16xf32>, vector<16xi32> -> vector<16xf32>
    %rev3A_465 = arith.constant 15 : i32
    %rev3A_466 = vector.broadcast %rev3A_465 : i32 to vector<16xi32>
    %rev3A_467 = tpu.iota {dimensions = array<i32: 0>} : vector<16xi32>
    %rev3A_468 = arith.subi %rev3A_466, %rev3A_467 : vector<16xi32>
    %rev3A_469 = tpu.dynamic_gather %masked_sort3A_459[%rev3A_468] in [0] : vector<16xi32>, vector<16xi32> -> vector<16xi32>
    %lt3A_470 = arith.cmpf olt, %rev3A_464, %masked_sort3A_427 : vector<16xf32>
    %select_n3A_471 = arith.select %lt3A_470, %rev3A_464, %masked_sort3A_427 : vector<16xi1>, vector<16xf32>
    %select_n3A_472 = arith.select %lt3A_470, %rev3A_469, %masked_sort3A_428 : vector<16xi1>, vector<16xi32>
    %masked_sort3A_473 = arith.constant dense<true> : vector<16xi1>
    %masked_sort3A_474, %masked_sort3A_475, %masked_sort3A_476 = tpu.sort %select_n3A_471, %select_n3A_472 masked %masked_sort3A_473 : (vector<16xf32>, vector<16xi32>, vector<16xi1>) -> (vector<16xi1>, vector<16xf32>, vector<16xi32>)
    %get3A_477 = arith.constant 9 : i32
    %get3A_478 = arith.index_cast %get3A_477 : i32 to index
    %get3A_479 = arith.constant 0 : index
    %get3A_480 = tpu.vector_load %arg12[%get3A_478, %get3A_479] {strides = array<i32>} : memref<16x16xf32, #tpu.memory_space<vmem>>, vector<16xf32>,
    %get3A_481 = arith.constant 9 : i32
    %get3A_482 = arith.index_cast %get3A_481 : i32 to index
    %get3A_483 = arith.constant 0 : index
    %get3A_484 = tpu.vector_load %arg13[%get3A_482, %get3A_483] {strides = array<i32>} : memref<16x16xi32, #tpu.memory_space<vmem>>, vector<16xi32>,
    %rev3A_485 = arith.constant 15 : i32
    %rev3A_486 = vector.broadcast %rev3A_485 : i32 to vector<16xi32>
    %rev3A_487 = tpu.iota {dimensions = array<i32: 0>} : vector<16xi32>
    %rev3A_488 = arith.subi %rev3A_486, %rev3A_487 : vector<16xi32>
    %rev3A_489 = tpu.dynamic_gather %get3A_480[%rev3A_488] in [0] : vector<16xf32>, vector<16xi32> -> vector<16xf32>
    %rev3A_490 = arith.constant 15 : i32
    %rev3A_491 = vector.broadcast %rev3A_490 : i32 to vector<16xi32>
    %rev3A_492 = tpu.iota {dimensions = array<i32: 0>} : vector<16xi32>
    %rev3A_493 = arith.subi %rev3A_491, %rev3A_492 : vector<16xi32>
    %rev3A_494 = tpu.dynamic_gather %get3A_484[%rev3A_493] in [0] : vector<16xi32>, vector<16xi32> -> vector<16xi32>
    %lt3A_495 = arith.cmpf olt, %rev3A_489, %masked_sort3A_454 : vector<16xf32>
    %select_n3A_496 = arith.select %lt3A_495, %rev3A_489, %masked_sort3A_454 : vector<16xi1>, vector<16xf32>
    %select_n3A_497 = arith.select %lt3A_495, %rev3A_494, %masked_sort3A_455 : vector<16xi1>, vector<16xi32>
    %select_n3A_498 = arith.select %lt3A_495, %masked_sort3A_454, %rev3A_489 : vector<16xi1>, vector<16xf32>
    %select_n3A_499 = arith.select %lt3A_495, %masked_sort3A_455, %rev3A_494 : vector<16xi1>, vector<16xi32>
    %masked_sort3A_500 = arith.constant dense<true> : vector<16xi1>
    %masked_sort3A_501, %masked_sort3A_502, %masked_sort3A_503 = tpu.sort %select_n3A_496, %select_n3A_497 masked %masked_sort3A_500 : (vector<16xf32>, vector<16xi32>, vector<16xi1>) -> (vector<16xi1>, vector<16xf32>, vector<16xi32>)
    %masked_sort3A_504 = arith.constant dense<true> : vector<16xi1>
    %masked_sort3A_505, %masked_sort3A_506, %masked_sort3A_507 = tpu.sort %select_n3A_498, %select_n3A_499 masked %masked_sort3A_504 : (vector<16xf32>, vector<16xi32>, vector<16xi1>) -> (vector<16xi1>, vector<16xf32>, vector<16xi32>)
    %rev3A_508 = arith.constant 15 : i32
    %rev3A_509 = vector.broadcast %rev3A_508 : i32 to vector<16xi32>
    %rev3A_510 = tpu.iota {dimensions = array<i32: 0>} : vector<16xi32>
    %rev3A_511 = arith.subi %rev3A_509, %rev3A_510 : vector<16xi32>
    %rev3A_512 = tpu.dynamic_gather %masked_sort3A_506[%rev3A_511] in [0] : vector<16xf32>, vector<16xi32> -> vector<16xf32>
    %rev3A_513 = arith.constant 15 : i32
    %rev3A_514 = vector.broadcast %rev3A_513 : i32 to vector<16xi32>
    %rev3A_515 = tpu.iota {dimensions = array<i32: 0>} : vector<16xi32>
    %rev3A_516 = arith.subi %rev3A_514, %rev3A_515 : vector<16xi32>
    %rev3A_517 = tpu.dynamic_gather %masked_sort3A_507[%rev3A_516] in [0] : vector<16xi32>, vector<16xi32> -> vector<16xi32>
    %lt3A_518 = arith.cmpf olt, %rev3A_512, %masked_sort3A_475 : vector<16xf32>
    %select_n3A_519 = arith.select %lt3A_518, %rev3A_512, %masked_sort3A_475 : vector<16xi1>, vector<16xf32>
    %select_n3A_520 = arith.select %lt3A_518, %rev3A_517, %masked_sort3A_476 : vector<16xi1>, vector<16xi32>
    %masked_sort3A_521 = arith.constant dense<true> : vector<16xi1>
    %masked_sort3A_522, %masked_sort3A_523, %masked_sort3A_524 = tpu.sort %select_n3A_519, %select_n3A_520 masked %masked_sort3A_521 : (vector<16xf32>, vector<16xi32>, vector<16xi1>) -> (vector<16xi1>, vector<16xf32>, vector<16xi32>)
    %get3A_525 = arith.constant 10 : i32
    %get3A_526 = arith.index_cast %get3A_525 : i32 to index
    %get3A_527 = arith.constant 0 : index
    %get3A_528 = tpu.vector_load %arg12[%get3A_526, %get3A_527] {strides = array<i32>} : memref<16x16xf32, #tpu.memory_space<vmem>>, vector<16xf32>,
    %get3A_529 = arith.constant 10 : i32
    %get3A_530 = arith.index_cast %get3A_529 : i32 to index
    %get3A_531 = arith.constant 0 : index
    %get3A_532 = tpu.vector_load %arg13[%get3A_530, %get3A_531] {strides = array<i32>} : memref<16x16xi32, #tpu.memory_space<vmem>>, vector<16xi32>,
    %rev3A_533 = arith.constant 15 : i32
    %rev3A_534 = vector.broadcast %rev3A_533 : i32 to vector<16xi32>
    %rev3A_535 = tpu.iota {dimensions = array<i32: 0>} : vector<16xi32>
    %rev3A_536 = arith.subi %rev3A_534, %rev3A_535 : vector<16xi32>
    %rev3A_537 = tpu.dynamic_gather %get3A_528[%rev3A_536] in [0] : vector<16xf32>, vector<16xi32> -> vector<16xf32>
    %rev3A_538 = arith.constant 15 : i32
    %rev3A_539 = vector.broadcast %rev3A_538 : i32 to vector<16xi32>
    %rev3A_540 = tpu.iota {dimensions = array<i32: 0>} : vector<16xi32>
    %rev3A_541 = arith.subi %rev3A_539, %rev3A_540 : vector<16xi32>
    %rev3A_542 = tpu.dynamic_gather %get3A_532[%rev3A_541] in [0] : vector<16xi32>, vector<16xi32> -> vector<16xi32>
    %lt3A_543 = arith.cmpf olt, %rev3A_537, %masked_sort3A_502 : vector<16xf32>
    %select_n3A_544 = arith.select %lt3A_543, %rev3A_537, %masked_sort3A_502 : vector<16xi1>, vector<16xf32>
    %select_n3A_545 = arith.select %lt3A_543, %rev3A_542, %masked_sort3A_503 : vector<16xi1>, vector<16xi32>
    %select_n3A_546 = arith.select %lt3A_543, %masked_sort3A_502, %rev3A_537 : vector<16xi1>, vector<16xf32>
    %select_n3A_547 = arith.select %lt3A_543, %masked_sort3A_503, %rev3A_542 : vector<16xi1>, vector<16xi32>
    %masked_sort3A_548 = arith.constant dense<true> : vector<16xi1>
    %masked_sort3A_549, %masked_sort3A_550, %masked_sort3A_551 = tpu.sort %select_n3A_544, %select_n3A_545 masked %masked_sort3A_548 : (vector<16xf32>, vector<16xi32>, vector<16xi1>) -> (vector<16xi1>, vector<16xf32>, vector<16xi32>)
    %masked_sort3A_552 = arith.constant dense<true> : vector<16xi1>
    %masked_sort3A_553, %masked_sort3A_554, %masked_sort3A_555 = tpu.sort %select_n3A_546, %select_n3A_547 masked %masked_sort3A_552 : (vector<16xf32>, vector<16xi32>, vector<16xi1>) -> (vector<16xi1>, vector<16xf32>, vector<16xi32>)
    %rev3A_556 = arith.constant 15 : i32
    %rev3A_557 = vector.broadcast %rev3A_556 : i32 to vector<16xi32>
    %rev3A_558 = tpu.iota {dimensions = array<i32: 0>} : vector<16xi32>
    %rev3A_559 = arith.subi %rev3A_557, %rev3A_558 : vector<16xi32>
    %rev3A_560 = tpu.dynamic_gather %masked_sort3A_554[%rev3A_559] in [0] : vector<16xf32>, vector<16xi32> -> vector<16xf32>
    %rev3A_561 = arith.constant 15 : i32
    %rev3A_562 = vector.broadcast %rev3A_561 : i32 to vector<16xi32>
    %rev3A_563 = tpu.iota {dimensions = array<i32: 0>} : vector<16xi32>
    %rev3A_564 = arith.subi %rev3A_562, %rev3A_563 : vector<16xi32>
    %rev3A_565 = tpu.dynamic_gather %masked_sort3A_555[%rev3A_564] in [0] : vector<16xi32>, vector<16xi32> -> vector<16xi32>
    %lt3A_566 = arith.cmpf olt, %rev3A_560, %masked_sort3A_523 : vector<16xf32>
    %select_n3A_567 = arith.select %lt3A_566, %rev3A_560, %masked_sort3A_523 : vector<16xi1>, vector<16xf32>
    %select_n3A_568 = arith.select %lt3A_566, %rev3A_565, %masked_sort3A_524 : vector<16xi1>, vector<16xi32>
    %masked_sort3A_569 = arith.constant dense<true> : vector<16xi1>
    %masked_sort3A_570, %masked_sort3A_571, %masked_sort3A_572 = tpu.sort %select_n3A_567, %select_n3A_568 masked %masked_sort3A_569 : (vector<16xf32>, vector<16xi32>, vector<16xi1>) -> (vector<16xi1>, vector<16xf32>, vector<16xi32>)
    %get3A_573 = arith.constant 11 : i32
    %get3A_574 = arith.index_cast %get3A_573 : i32 to index
    %get3A_575 = arith.constant 0 : index
    %get3A_576 = tpu.vector_load %arg12[%get3A_574, %get3A_575] {strides = array<i32>} : memref<16x16xf32, #tpu.memory_space<vmem>>, vector<16xf32>,
    %get3A_577 = arith.constant 11 : i32
    %get3A_578 = arith.index_cast %get3A_577 : i32 to index
    %get3A_579 = arith.constant 0 : index
    %get3A_580 = tpu.vector_load %arg13[%get3A_578, %get3A_579] {strides = array<i32>} : memref<16x16xi32, #tpu.memory_space<vmem>>, vector<16xi32>,
    %rev3A_581 = arith.constant 15 : i32
    %rev3A_582 = vector.broadcast %rev3A_581 : i32 to vector<16xi32>
    %rev3A_583 = tpu.iota {dimensions = array<i32: 0>} : vector<16xi32>
    %rev3A_584 = arith.subi %rev3A_582, %rev3A_583 : vector<16xi32>
    %rev3A_585 = tpu.dynamic_gather %get3A_576[%rev3A_584] in [0] : vector<16xf32>, vector<16xi32> -> vector<16xf32>
    %rev3A_586 = arith.constant 15 : i32
    %rev3A_587 = vector.broadcast %rev3A_586 : i32 to vector<16xi32>
    %rev3A_588 = tpu.iota {dimensions = array<i32: 0>} : vector<16xi32>
    %rev3A_589 = arith.subi %rev3A_587, %rev3A_588 : vector<16xi32>
    %rev3A_590 = tpu.dynamic_gather %get3A_580[%rev3A_589] in [0] : vector<16xi32>, vector<16xi32> -> vector<16xi32>
    %lt3A_591 = arith.cmpf olt, %rev3A_585, %masked_sort3A_550 : vector<16xf32>
    %select_n3A_592 = arith.select %lt3A_591, %rev3A_585, %masked_sort3A_550 : vector<16xi1>, vector<16xf32>
    %select_n3A_593 = arith.select %lt3A_591, %rev3A_590, %masked_sort3A_551 : vector<16xi1>, vector<16xi32>
    %select_n3A_594 = arith.select %lt3A_591, %masked_sort3A_550, %rev3A_585 : vector<16xi1>, vector<16xf32>
    %select_n3A_595 = arith.select %lt3A_591, %masked_sort3A_551, %rev3A_590 : vector<16xi1>, vector<16xi32>
    %masked_sort3A_596 = arith.constant dense<true> : vector<16xi1>
    %masked_sort3A_597, %masked_sort3A_598, %masked_sort3A_599 = tpu.sort %select_n3A_592, %select_n3A_593 masked %masked_sort3A_596 : (vector<16xf32>, vector<16xi32>, vector<16xi1>) -> (vector<16xi1>, vector<16xf32>, vector<16xi32>)
    %masked_sort3A_600 = arith.constant dense<true> : vector<16xi1>
    %masked_sort3A_601, %masked_sort3A_602, %masked_sort3A_603 = tpu.sort %select_n3A_594, %select_n3A_595 masked %masked_sort3A_600 : (vector<16xf32>, vector<16xi32>, vector<16xi1>) -> (vector<16xi1>, vector<16xf32>, vector<16xi32>)
    %rev3A_604 = arith.constant 15 : i32
    %rev3A_605 = vector.broadcast %rev3A_604 : i32 to vector<16xi32>
    %rev3A_606 = tpu.iota {dimensions = array<i32: 0>} : vector<16xi32>
    %rev3A_607 = arith.subi %rev3A_605, %rev3A_606 : vector<16xi32>
    %rev3A_608 = tpu.dynamic_gather %masked_sort3A_602[%rev3A_607] in [0] : vector<16xf32>, vector<16xi32> -> vector<16xf32>
    %rev3A_609 = arith.constant 15 : i32
    %rev3A_610 = vector.broadcast %rev3A_609 : i32 to vector<16xi32>
    %rev3A_611 = tpu.iota {dimensions = array<i32: 0>} : vector<16xi32>
    %rev3A_612 = arith.subi %rev3A_610, %rev3A_611 : vector<16xi32>
    %rev3A_613 = tpu.dynamic_gather %masked_sort3A_603[%rev3A_612] in [0] : vector<16xi32>, vector<16xi32> -> vector<16xi32>
    %lt3A_614 = arith.cmpf olt, %rev3A_608, %masked_sort3A_571 : vector<16xf32>
    %select_n3A_615 = arith.select %lt3A_614, %rev3A_608, %masked_sort3A_571 : vector<16xi1>, vector<16xf32>
    %select_n3A_616 = arith.select %lt3A_614, %rev3A_613, %masked_sort3A_572 : vector<16xi1>, vector<16xi32>
    %masked_sort3A_617 = arith.constant dense<true> : vector<16xi1>
    %masked_sort3A_618, %masked_sort3A_619, %masked_sort3A_620 = tpu.sort %select_n3A_615, %select_n3A_616 masked %masked_sort3A_617 : (vector<16xf32>, vector<16xi32>, vector<16xi1>) -> (vector<16xi1>, vector<16xf32>, vector<16xi32>)
    %get3A_621 = arith.constant 12 : i32
    %get3A_622 = arith.index_cast %get3A_621 : i32 to index
    %get3A_623 = arith.constant 0 : index
    %get3A_624 = tpu.vector_load %arg12[%get3A_622, %get3A_623] {strides = array<i32>} : memref<16x16xf32, #tpu.memory_space<vmem>>, vector<16xf32>,
    %get3A_625 = arith.constant 12 : i32
    %get3A_626 = arith.index_cast %get3A_625 : i32 to index
    %get3A_627 = arith.constant 0 : index
    %get3A_628 = tpu.vector_load %arg13[%get3A_626, %get3A_627] {strides = array<i32>} : memref<16x16xi32, #tpu.memory_space<vmem>>, vector<16xi32>,
    %rev3A_629 = arith.constant 15 : i32
    %rev3A_630 = vector.broadcast %rev3A_629 : i32 to vector<16xi32>
    %rev3A_631 = tpu.iota {dimensions = array<i32: 0>} : vector<16xi32>
    %rev3A_632 = arith.subi %rev3A_630, %rev3A_631 : vector<16xi32>
    %rev3A_633 = tpu.dynamic_gather %get3A_624[%rev3A_632] in [0] : vector<16xf32>, vector<16xi32> -> vector<16xf32>
    %rev3A_634 = arith.constant 15 : i32
    %rev3A_635 = vector.broadcast %rev3A_634 : i32 to vector<16xi32>
    %rev3A_636 = tpu.iota {dimensions = array<i32: 0>} : vector<16xi32>
    %rev3A_637 = arith.subi %rev3A_635, %rev3A_636 : vector<16xi32>
    %rev3A_638 = tpu.dynamic_gather %get3A_628[%rev3A_637] in [0] : vector<16xi32>, vector<16xi32> -> vector<16xi32>
    %lt3A_639 = arith.cmpf olt, %rev3A_633, %masked_sort3A_598 : vector<16xf32>
    %select_n3A_640 = arith.select %lt3A_639, %rev3A_633, %masked_sort3A_598 : vector<16xi1>, vector<16xf32>
    %select_n3A_641 = arith.select %lt3A_639, %rev3A_638, %masked_sort3A_599 : vector<16xi1>, vector<16xi32>
    %select_n3A_642 = arith.select %lt3A_639, %masked_sort3A_598, %rev3A_633 : vector<16xi1>, vector<16xf32>
    %select_n3A_643 = arith.select %lt3A_639, %masked_sort3A_599, %rev3A_638 : vector<16xi1>, vector<16xi32>
    %masked_sort3A_644 = arith.constant dense<true> : vector<16xi1>
    %masked_sort3A_645, %masked_sort3A_646, %masked_sort3A_647 = tpu.sort %select_n3A_640, %select_n3A_641 masked %masked_sort3A_644 : (vector<16xf32>, vector<16xi32>, vector<16xi1>) -> (vector<16xi1>, vector<16xf32>, vector<16xi32>)
    %masked_sort3A_648 = arith.constant dense<true> : vector<16xi1>
    %masked_sort3A_649, %masked_sort3A_650, %masked_sort3A_651 = tpu.sort %select_n3A_642, %select_n3A_643 masked %masked_sort3A_648 : (vector<16xf32>, vector<16xi32>, vector<16xi1>) -> (vector<16xi1>, vector<16xf32>, vector<16xi32>)
    %rev3A_652 = arith.constant 15 : i32
    %rev3A_653 = vector.broadcast %rev3A_652 : i32 to vector<16xi32>
    %rev3A_654 = tpu.iota {dimensions = array<i32: 0>} : vector<16xi32>
    %rev3A_655 = arith.subi %rev3A_653, %rev3A_654 : vector<16xi32>
    %rev3A_656 = tpu.dynamic_gather %masked_sort3A_650[%rev3A_655] in [0] : vector<16xf32>, vector<16xi32> -> vector<16xf32>
    %rev3A_657 = arith.constant 15 : i32
    %rev3A_658 = vector.broadcast %rev3A_657 : i32 to vector<16xi32>
    %rev3A_659 = tpu.iota {dimensions = array<i32: 0>} : vector<16xi32>
    %rev3A_660 = arith.subi %rev3A_658, %rev3A_659 : vector<16xi32>
    %rev3A_661 = tpu.dynamic_gather %masked_sort3A_651[%rev3A_660] in [0] : vector<16xi32>, vector<16xi32> -> vector<16xi32>
    %lt3A_662 = arith.cmpf olt, %rev3A_656, %masked_sort3A_619 : vector<16xf32>
    %select_n3A_663 = arith.select %lt3A_662, %rev3A_656, %masked_sort3A_619 : vector<16xi1>, vector<16xf32>
    %select_n3A_664 = arith.select %lt3A_662, %rev3A_661, %masked_sort3A_620 : vector<16xi1>, vector<16xi32>
    %masked_sort3A_665 = arith.constant dense<true> : vector<16xi1>
    %masked_sort3A_666, %masked_sort3A_667, %masked_sort3A_668 = tpu.sort %select_n3A_663, %select_n3A_664 masked %masked_sort3A_665 : (vector<16xf32>, vector<16xi32>, vector<16xi1>) -> (vector<16xi1>, vector<16xf32>, vector<16xi32>)
    %get3A_669 = arith.constant 13 : i32
    %get3A_670 = arith.index_cast %get3A_669 : i32 to index
    %get3A_671 = arith.constant 0 : index
    %get3A_672 = tpu.vector_load %arg12[%get3A_670, %get3A_671] {strides = array<i32>} : memref<16x16xf32, #tpu.memory_space<vmem>>, vector<16xf32>,
    %get3A_673 = arith.constant 13 : i32
    %get3A_674 = arith.index_cast %get3A_673 : i32 to index
    %get3A_675 = arith.constant 0 : index
    %get3A_676 = tpu.vector_load %arg13[%get3A_674, %get3A_675] {strides = array<i32>} : memref<16x16xi32, #tpu.memory_space<vmem>>, vector<16xi32>,
    %rev3A_677 = arith.constant 15 : i32
    %rev3A_678 = vector.broadcast %rev3A_677 : i32 to vector<16xi32>
    %rev3A_679 = tpu.iota {dimensions = array<i32: 0>} : vector<16xi32>
    %rev3A_680 = arith.subi %rev3A_678, %rev3A_679 : vector<16xi32>
    %rev3A_681 = tpu.dynamic_gather %get3A_672[%rev3A_680] in [0] : vector<16xf32>, vector<16xi32> -> vector<16xf32>
    %rev3A_682 = arith.constant 15 : i32
    %rev3A_683 = vector.broadcast %rev3A_682 : i32 to vector<16xi32>
    %rev3A_684 = tpu.iota {dimensions = array<i32: 0>} : vector<16xi32>
    %rev3A_685 = arith.subi %rev3A_683, %rev3A_684 : vector<16xi32>
    %rev3A_686 = tpu.dynamic_gather %get3A_676[%rev3A_685] in [0] : vector<16xi32>, vector<16xi32> -> vector<16xi32>
    %lt3A_687 = arith.cmpf olt, %rev3A_681, %masked_sort3A_646 : vector<16xf32>
    %select_n3A_688 = arith.select %lt3A_687, %rev3A_681, %masked_sort3A_646 : vector<16xi1>, vector<16xf32>
    %select_n3A_689 = arith.select %lt3A_687, %rev3A_686, %masked_sort3A_647 : vector<16xi1>, vector<16xi32>
    %select_n3A_690 = arith.select %lt3A_687, %masked_sort3A_646, %rev3A_681 : vector<16xi1>, vector<16xf32>
    %select_n3A_691 = arith.select %lt3A_687, %masked_sort3A_647, %rev3A_686 : vector<16xi1>, vector<16xi32>
    %masked_sort3A_692 = arith.constant dense<true> : vector<16xi1>
    %masked_sort3A_693, %masked_sort3A_694, %masked_sort3A_695 = tpu.sort %select_n3A_688, %select_n3A_689 masked %masked_sort3A_692 : (vector<16xf32>, vector<16xi32>, vector<16xi1>) -> (vector<16xi1>, vector<16xf32>, vector<16xi32>)
    %masked_sort3A_696 = arith.constant dense<true> : vector<16xi1>
    %masked_sort3A_697, %masked_sort3A_698, %masked_sort3A_699 = tpu.sort %select_n3A_690, %select_n3A_691 masked %masked_sort3A_696 : (vector<16xf32>, vector<16xi32>, vector<16xi1>) -> (vector<16xi1>, vector<16xf32>, vector<16xi32>)
    %rev3A_700 = arith.constant 15 : i32
    %rev3A_701 = vector.broadcast %rev3A_700 : i32 to vector<16xi32>
    %rev3A_702 = tpu.iota {dimensions = array<i32: 0>} : vector<16xi32>
    %rev3A_703 = arith.subi %rev3A_701, %rev3A_702 : vector<16xi32>
    %rev3A_704 = tpu.dynamic_gather %masked_sort3A_698[%rev3A_703] in [0] : vector<16xf32>, vector<16xi32> -> vector<16xf32>
    %rev3A_705 = arith.constant 15 : i32
    %rev3A_706 = vector.broadcast %rev3A_705 : i32 to vector<16xi32>
    %rev3A_707 = tpu.iota {dimensions = array<i32: 0>} : vector<16xi32>
    %rev3A_708 = arith.subi %rev3A_706, %rev3A_707 : vector<16xi32>
    %rev3A_709 = tpu.dynamic_gather %masked_sort3A_699[%rev3A_708] in [0] : vector<16xi32>, vector<16xi32> -> vector<16xi32>
    %lt3A_710 = arith.cmpf olt, %rev3A_704, %masked_sort3A_667 : vector<16xf32>
    %select_n3A_711 = arith.select %lt3A_710, %rev3A_704, %masked_sort3A_667 : vector<16xi1>, vector<16xf32>
    %select_n3A_712 = arith.select %lt3A_710, %rev3A_709, %masked_sort3A_668 : vector<16xi1>, vector<16xi32>
    %masked_sort3A_713 = arith.constant dense<true> : vector<16xi1>
    %masked_sort3A_714, %masked_sort3A_715, %masked_sort3A_716 = tpu.sort %select_n3A_711, %select_n3A_712 masked %masked_sort3A_713 : (vector<16xf32>, vector<16xi32>, vector<16xi1>) -> (vector<16xi1>, vector<16xf32>, vector<16xi32>)
    %get3A_717 = arith.constant 14 : i32
    %get3A_718 = arith.index_cast %get3A_717 : i32 to index
    %get3A_719 = arith.constant 0 : index
    %get3A_720 = tpu.vector_load %arg12[%get3A_718, %get3A_719] {strides = array<i32>} : memref<16x16xf32, #tpu.memory_space<vmem>>, vector<16xf32>,
    %get3A_721 = arith.constant 14 : i32
    %get3A_722 = arith.index_cast %get3A_721 : i32 to index
    %get3A_723 = arith.constant 0 : index
    %get3A_724 = tpu.vector_load %arg13[%get3A_722, %get3A_723] {strides = array<i32>} : memref<16x16xi32, #tpu.memory_space<vmem>>, vector<16xi32>,
    %rev3A_725 = arith.constant 15 : i32
    %rev3A_726 = vector.broadcast %rev3A_725 : i32 to vector<16xi32>
    %rev3A_727 = tpu.iota {dimensions = array<i32: 0>} : vector<16xi32>
    %rev3A_728 = arith.subi %rev3A_726, %rev3A_727 : vector<16xi32>
    %rev3A_729 = tpu.dynamic_gather %get3A_720[%rev3A_728] in [0] : vector<16xf32>, vector<16xi32> -> vector<16xf32>
    %rev3A_730 = arith.constant 15 : i32
    %rev3A_731 = vector.broadcast %rev3A_730 : i32 to vector<16xi32>
    %rev3A_732 = tpu.iota {dimensions = array<i32: 0>} : vector<16xi32>
    %rev3A_733 = arith.subi %rev3A_731, %rev3A_732 : vector<16xi32>
    %rev3A_734 = tpu.dynamic_gather %get3A_724[%rev3A_733] in [0] : vector<16xi32>, vector<16xi32> -> vector<16xi32>
    %lt3A_735 = arith.cmpf olt, %rev3A_729, %masked_sort3A_694 : vector<16xf32>
    %select_n3A_736 = arith.select %lt3A_735, %rev3A_729, %masked_sort3A_694 : vector<16xi1>, vector<16xf32>
    %select_n3A_737 = arith.select %lt3A_735, %rev3A_734, %masked_sort3A_695 : vector<16xi1>, vector<16xi32>
    %select_n3A_738 = arith.select %lt3A_735, %masked_sort3A_694, %rev3A_729 : vector<16xi1>, vector<16xf32>
    %select_n3A_739 = arith.select %lt3A_735, %masked_sort3A_695, %rev3A_734 : vector<16xi1>, vector<16xi32>
    %masked_sort3A_740 = arith.constant dense<true> : vector<16xi1>
    %masked_sort3A_741, %masked_sort3A_742, %masked_sort3A_743 = tpu.sort %select_n3A_736, %select_n3A_737 masked %masked_sort3A_740 : (vector<16xf32>, vector<16xi32>, vector<16xi1>) -> (vector<16xi1>, vector<16xf32>, vector<16xi32>)
    %masked_sort3A_744 = arith.constant dense<true> : vector<16xi1>
    %masked_sort3A_745, %masked_sort3A_746, %masked_sort3A_747 = tpu.sort %select_n3A_738, %select_n3A_739 masked %masked_sort3A_744 : (vector<16xf32>, vector<16xi32>, vector<16xi1>) -> (vector<16xi1>, vector<16xf32>, vector<16xi32>)
    %rev3A_748 = arith.constant 15 : i32
    %rev3A_749 = vector.broadcast %rev3A_748 : i32 to vector<16xi32>
    %rev3A_750 = tpu.iota {dimensions = array<i32: 0>} : vector<16xi32>
    %rev3A_751 = arith.subi %rev3A_749, %rev3A_750 : vector<16xi32>
    %rev3A_752 = tpu.dynamic_gather %masked_sort3A_746[%rev3A_751] in [0] : vector<16xf32>, vector<16xi32> -> vector<16xf32>
    %rev3A_753 = arith.constant 15 : i32
    %rev3A_754 = vector.broadcast %rev3A_753 : i32 to vector<16xi32>
    %rev3A_755 = tpu.iota {dimensions = array<i32: 0>} : vector<16xi32>
    %rev3A_756 = arith.subi %rev3A_754, %rev3A_755 : vector<16xi32>
    %rev3A_757 = tpu.dynamic_gather %masked_sort3A_747[%rev3A_756] in [0] : vector<16xi32>, vector<16xi32> -> vector<16xi32>
    %lt3A_758 = arith.cmpf olt, %rev3A_752, %masked_sort3A_715 : vector<16xf32>
    %select_n3A_759 = arith.select %lt3A_758, %rev3A_752, %masked_sort3A_715 : vector<16xi1>, vector<16xf32>
    %select_n3A_760 = arith.select %lt3A_758, %rev3A_757, %masked_sort3A_716 : vector<16xi1>, vector<16xi32>
    %masked_sort3A_761 = arith.constant dense<true> : vector<16xi1>
    %masked_sort3A_762, %masked_sort3A_763, %masked_sort3A_764 = tpu.sort %select_n3A_759, %select_n3A_760 masked %masked_sort3A_761 : (vector<16xf32>, vector<16xi32>, vector<16xi1>) -> (vector<16xi1>, vector<16xf32>, vector<16xi32>)
    %get3A_765 = arith.constant 15 : i32
    %get3A_766 = arith.index_cast %get3A_765 : i32 to index
    %get3A_767 = arith.constant 0 : index
    %get3A_768 = tpu.vector_load %arg12[%get3A_766, %get3A_767] {strides = array<i32>} : memref<16x16xf32, #tpu.memory_space<vmem>>, vector<16xf32>,
    %get3A_769 = arith.constant 15 : i32
    %get3A_770 = arith.index_cast %get3A_769 : i32 to index
    %get3A_771 = arith.constant 0 : index
    %get3A_772 = tpu.vector_load %arg13[%get3A_770, %get3A_771] {strides = array<i32>} : memref<16x16xi32, #tpu.memory_space<vmem>>, vector<16xi32>,
    %rev3A_773 = arith.constant 15 : i32
    %rev3A_774 = vector.broadcast %rev3A_773 : i32 to vector<16xi32>
    %rev3A_775 = tpu.iota {dimensions = array<i32: 0>} : vector<16xi32>
    %rev3A_776 = arith.subi %rev3A_774, %rev3A_775 : vector<16xi32>
    %rev3A_777 = tpu.dynamic_gather %get3A_768[%rev3A_776] in [0] : vector<16xf32>, vector<16xi32> -> vector<16xf32>
    %rev3A_778 = arith.constant 15 : i32
    %rev3A_779 = vector.broadcast %rev3A_778 : i32 to vector<16xi32>
    %rev3A_780 = tpu.iota {dimensions = array<i32: 0>} : vector<16xi32>
    %rev3A_781 = arith.subi %rev3A_779, %rev3A_780 : vector<16xi32>
    %rev3A_782 = tpu.dynamic_gather %get3A_772[%rev3A_781] in [0] : vector<16xi32>, vector<16xi32> -> vector<16xi32>
    %lt3A_783 = arith.cmpf olt, %rev3A_777, %masked_sort3A_742 : vector<16xf32>
    %select_n3A_784 = arith.select %lt3A_783, %rev3A_777, %masked_sort3A_742 : vector<16xi1>, vector<16xf32>
    %select_n3A_785 = arith.select %lt3A_783, %rev3A_782, %masked_sort3A_743 : vector<16xi1>, vector<16xi32>
    %select_n3A_786 = arith.select %lt3A_783, %masked_sort3A_742, %rev3A_777 : vector<16xi1>, vector<16xf32>
    %select_n3A_787 = arith.select %lt3A_783, %masked_sort3A_743, %rev3A_782 : vector<16xi1>, vector<16xi32>
    %masked_sort3A_788 = arith.constant dense<true> : vector<16xi1>
    %masked_sort3A_789, %masked_sort3A_790, %masked_sort3A_791 = tpu.sort %select_n3A_784, %select_n3A_785 masked %masked_sort3A_788 : (vector<16xf32>, vector<16xi32>, vector<16xi1>) -> (vector<16xi1>, vector<16xf32>, vector<16xi32>)
    %masked_sort3A_792 = arith.constant dense<true> : vector<16xi1>
    %masked_sort3A_793, %masked_sort3A_794, %masked_sort3A_795 = tpu.sort %select_n3A_786, %select_n3A_787 masked %masked_sort3A_792 : (vector<16xf32>, vector<16xi32>, vector<16xi1>) -> (vector<16xi1>, vector<16xf32>, vector<16xi32>)
    %rev3A_796 = arith.constant 15 : i32
    %rev3A_797 = vector.broadcast %rev3A_796 : i32 to vector<16xi32>
    %rev3A_798 = tpu.iota {dimensions = array<i32: 0>} : vector<16xi32>
    %rev3A_799 = arith.subi %rev3A_797, %rev3A_798 : vector<16xi32>
    %rev3A_800 = tpu.dynamic_gather %masked_sort3A_794[%rev3A_799] in [0] : vector<16xf32>, vector<16xi32> -> vector<16xf32>
    %rev3A_801 = arith.constant 15 : i32
    %rev3A_802 = vector.broadcast %rev3A_801 : i32 to vector<16xi32>
    %rev3A_803 = tpu.iota {dimensions = array<i32: 0>} : vector<16xi32>
    %rev3A_804 = arith.subi %rev3A_802, %rev3A_803 : vector<16xi32>
    %rev3A_805 = tpu.dynamic_gather %masked_sort3A_795[%rev3A_804] in [0] : vector<16xi32>, vector<16xi32> -> vector<16xi32>
    %lt3A_806 = arith.cmpf olt, %rev3A_800, %masked_sort3A_763 : vector<16xf32>
    %select_n3A_807 = arith.select %lt3A_806, %rev3A_800, %masked_sort3A_763 : vector<16xi1>, vector<16xf32>
    %select_n3A_808 = arith.select %lt3A_806, %rev3A_805, %masked_sort3A_764 : vector<16xi1>, vector<16xi32>
    %masked_sort3A_809 = arith.constant dense<true> : vector<16xi1>
    %masked_sort3A_810, %masked_sort3A_811, %masked_sort3A_812 = tpu.sort %select_n3A_807, %select_n3A_808 masked %masked_sort3A_809 : (vector<16xf32>, vector<16xi32>, vector<16xi1>) -> (vector<16xi1>, vector<16xf32>, vector<16xi32>)
    %swap3A_813 = arith.constant 0 : index
    %swap3A_814 = tpu.vector_load %arg14[%swap3A_813] {strides = array<i32>} : memref<16xi32, #tpu.memory_space<vmem>>, vector<16xi32>,
    tpu.vector_store %arg14[%swap3A_813], %masked_sort3A_791 {strides = array<i32>} : memref<16xi32, #tpu.memory_space<vmem>>, vector<16xi32>,
    %swap3A_815 = arith.constant 0 : index
    %swap3A_816 = tpu.vector_load %arg15[%swap3A_815] {strides = array<i32>} : memref<16xi32, #tpu.memory_space<vmem>>, vector<16xi32>,
    tpu.vector_store %arg15[%swap3A_815], %masked_sort3A_812 {strides = array<i32>} : memref<16xi32, #tpu.memory_space<vmem>>, vector<16xi32>,
    %dma_start3A = arith.constant 0 : i32
    %dma_start3A_817 = arith.constant 0 : i32
    %dma_start3A_818 = tpu.memref_slice %arg16[%dma_start3A, %dma_start3A_817] : memref<32x128xf32, #tpu.memory_space<vmem>> -> memref<16x128xf32, #tpu.memory_space<vmem>>
    %dma_start3A_819 = arith.constant 0 : i32
    %dma_start3A_820 = arith.constant 0 : i32
    %dma_start3A_821 = tpu.memref_slice %arg4[%dma_start3A_819, %dma_start3A_820] : memref<100000x128xf32, #tpu.memory_space<hbm>> -> memref<100000x128xf32, #tpu.memory_space<hbm>>
    tpu.enqueue_indirect_dma source(%dma_start3A_821 : memref<100000x128xf32, #tpu.memory_space<hbm>>) target(%dma_start3A_818 : memref<16x128xf32, #tpu.memory_space<vmem>>) offsets(%arg14 : memref<16xi32, #tpu.memory_space<vmem>>) semaphore(%arg19 : memref<!tpu.dma_semaphore, #tpu.memory_space<semaphore_mem>>)
    %dma_wait3A = arith.constant 0 : i32
    %dma_wait3A_822 = arith.constant 0 : i32
    %dma_wait3A_823 = tpu.memref_slice %arg16[%dma_wait3A, %dma_wait3A_822] : memref<32x128xf32, #tpu.memory_space<vmem>> -> memref<16x128xf32, #tpu.memory_space<vmem>>
    %dma_wait3A_824 = arith.constant 0 : i32
    %dma_wait3A_825 = arith.constant 0 : i32
    %dma_wait3A_826 = tpu.memref_slice %arg4[%dma_wait3A_824, %dma_wait3A_825] : memref<100000x128xf32, #tpu.memory_space<hbm>> -> memref<100000x128xf32, #tpu.memory_space<hbm>>
    tpu.wait_indirect_dma semaphore(%arg19 : memref<!tpu.dma_semaphore, #tpu.memory_space<semaphore_mem>>) src(%dma_wait3A_826 : memref<100000x128xf32, #tpu.memory_space<hbm>>) dst(%dma_wait3A_823 : memref<16x128xf32, #tpu.memory_space<vmem>>)
    %dma_start3A_827 = arith.constant 16 : i32
    %dma_start3A_828 = arith.constant 0 : i32
    %dma_start3A_829 = tpu.memref_slice %arg16[%dma_start3A_827, %dma_start3A_828] : memref<32x128xf32, #tpu.memory_space<vmem>> -> memref<16x128xf32, #tpu.memory_space<vmem>>
    %dma_start3A_830 = arith.constant 0 : i32
    %dma_start3A_831 = arith.constant 0 : i32
    %dma_start3A_832 = tpu.memref_slice %arg4[%dma_start3A_830, %dma_start3A_831] : memref<100000x128xf32, #tpu.memory_space<hbm>> -> memref<100000x128xf32, #tpu.memory_space<hbm>>
    tpu.enqueue_indirect_dma source(%dma_start3A_832 : memref<100000x128xf32, #tpu.memory_space<hbm>>) target(%dma_start3A_829 : memref<16x128xf32, #tpu.memory_space<vmem>>) offsets(%arg15 : memref<16xi32, #tpu.memory_space<vmem>>) semaphore(%arg19 : memref<!tpu.dma_semaphore, #tpu.memory_space<semaphore_mem>>)
    %dma_wait3A_833 = arith.constant 16 : i32
    %dma_wait3A_834 = arith.constant 0 : i32
    %dma_wait3A_835 = tpu.memref_slice %arg16[%dma_wait3A_833, %dma_wait3A_834] : memref<32x128xf32, #tpu.memory_space<vmem>> -> memref<16x128xf32, #tpu.memory_space<vmem>>
    %dma_wait3A_836 = arith.constant 0 : i32
    %dma_wait3A_837 = arith.constant 0 : i32
    %dma_wait3A_838 = tpu.memref_slice %arg4[%dma_wait3A_836, %dma_wait3A_837] : memref<100000x128xf32, #tpu.memory_space<hbm>> -> memref<100000x128xf32, #tpu.memory_space<hbm>>
    tpu.wait_indirect_dma semaphore(%arg19 : memref<!tpu.dma_semaphore, #tpu.memory_space<semaphore_mem>>) src(%dma_wait3A_838 : memref<100000x128xf32, #tpu.memory_space<hbm>>) dst(%dma_wait3A_835 : memref<16x128xf32, #tpu.memory_space<vmem>>)
    %broadcast_in_dim3A_839 = arith.constant 0.000000e+00 : f32
    %broadcast_in_dim3A_840 = vector.broadcast %broadcast_in_dim3A_839 : f32 to vector<16xf32>
    %broadcast_in_dim3A_841 = arith.constant 0.000000e+00 : f32
    %broadcast_in_dim3A_842 = vector.broadcast %broadcast_in_dim3A_841 : f32 to vector<16xf32>
    %eq3A_843 = arith.constant 0 : i32
    %eq3A_844 = vector.broadcast %eq3A_843 : i32 to vector<16xi32>
    %eq3A_845 = arith.cmpi eq, %iota3A, %eq3A_844 : vector<16xi32>
    %broadcast_in_dim3A_846 = arith.constant 0.000000e+00 : f32
    %broadcast_in_dim3A_847 = vector.broadcast %broadcast_in_dim3A_846 : f32 to vector<16xf32>
    %get3A_848 = arith.constant 0 : i32
    %get3A_849 = arith.index_cast %get3A_848 : i32 to index
    %get3A_850 = arith.constant 0 : index
    %get3A_851 = tpu.vector_load %arg16[%get3A_849, %get3A_850] {strides = array<i32>} : memref<32x128xf32, #tpu.memory_space<vmem>>, vector<16xf32>,
    %get3A_852 = arith.constant 0 : index
    %get3A_853 = tpu.vector_load %arg17[%get3A_852] {strides = array<i32>} : memref<128xf32, #tpu.memory_space<vmem>>, vector<16xf32>,
    %sub3A = arith.subf %get3A_851, %get3A_853 : vector<16xf32>
    %mul3A_854 = arith.mulf %sub3A, %sub3A : vector<16xf32>
    %add3A = arith.addf %broadcast_in_dim3A_847, %mul3A_854 : vector<16xf32>
    %get3A_855 = arith.constant 0 : i32
    %get3A_856 = arith.index_cast %get3A_855 : i32 to index
    %get3A_857 = arith.constant 16 : index
    %get3A_858 = tpu.vector_load %arg16[%get3A_856, %get3A_857] {strides = array<i32>} : memref<32x128xf32, #tpu.memory_space<vmem>>, vector<16xf32>,
    %get3A_859 = arith.constant 16 : index
    %get3A_860 = tpu.vector_load %arg17[%get3A_859] {strides = array<i32>} : memref<128xf32, #tpu.memory_space<vmem>>, vector<16xf32>,
    %sub3A_861 = arith.subf %get3A_858, %get3A_860 : vector<16xf32>
    %mul3A_862 = arith.mulf %sub3A_861, %sub3A_861 : vector<16xf32>
    %add3A_863 = arith.addf %add3A, %mul3A_862 : vector<16xf32>
    %get3A_864 = arith.constant 0 : i32
    %get3A_865 = arith.index_cast %get3A_864 : i32 to index
    %get3A_866 = arith.constant 32 : index
    %get3A_867 = tpu.vector_load %arg16[%get3A_865, %get3A_866] {strides = array<i32>} : memref<32x128xf32, #tpu.memory_space<vmem>>, vector<16xf32>,
    %get3A_868 = arith.constant 32 : index
    %get3A_869 = tpu.vector_load %arg17[%get3A_868] {strides = array<i32>} : memref<128xf32, #tpu.memory_space<vmem>>, vector<16xf32>,
    %sub3A_870 = arith.subf %get3A_867, %get3A_869 : vector<16xf32>
    %mul3A_871 = arith.mulf %sub3A_870, %sub3A_870 : vector<16xf32>
    %add3A_872 = arith.addf %add3A_863, %mul3A_871 : vector<16xf32>
    %get3A_873 = arith.constant 0 : i32
    %get3A_874 = arith.index_cast %get3A_873 : i32 to index
    %get3A_875 = arith.constant 48 : index
    %get3A_876 = tpu.vector_load %arg16[%get3A_874, %get3A_875] {strides = array<i32>} : memref<32x128xf32, #tpu.memory_space<vmem>>, vector<16xf32>,
    %get3A_877 = arith.constant 48 : index
    %get3A_878 = tpu.vector_load %arg17[%get3A_877] {strides = array<i32>} : memref<128xf32, #tpu.memory_space<vmem>>, vector<16xf32>,
    %sub3A_879 = arith.subf %get3A_876, %get3A_878 : vector<16xf32>
    %mul3A_880 = arith.mulf %sub3A_879, %sub3A_879 : vector<16xf32>
    %add3A_881 = arith.addf %add3A_872, %mul3A_880 : vector<16xf32>
    %get3A_882 = arith.constant 0 : i32
    %get3A_883 = arith.index_cast %get3A_882 : i32 to index
    %get3A_884 = arith.constant 64 : index
    %get3A_885 = tpu.vector_load %arg16[%get3A_883, %get3A_884] {strides = array<i32>} : memref<32x128xf32, #tpu.memory_space<vmem>>, vector<16xf32>,
    %get3A_886 = arith.constant 64 : index
    %get3A_887 = tpu.vector_load %arg17[%get3A_886] {strides = array<i32>} : memref<128xf32, #tpu.memory_space<vmem>>, vector<16xf32>,
    %sub3A_888 = arith.subf %get3A_885, %get3A_887 : vector<16xf32>
    %mul3A_889 = arith.mulf %sub3A_888, %sub3A_888 : vector<16xf32>
    %add3A_890 = arith.addf %add3A_881, %mul3A_889 : vector<16xf32>
    %get3A_891 = arith.constant 0 : i32
    %get3A_892 = arith.index_cast %get3A_891 : i32 to index
    %get3A_893 = arith.constant 80 : index
    %get3A_894 = tpu.vector_load %arg16[%get3A_892, %get3A_893] {strides = array<i32>} : memref<32x128xf32, #tpu.memory_space<vmem>>, vector<16xf32>,
    %get3A_895 = arith.constant 80 : index
    %get3A_896 = tpu.vector_load %arg17[%get3A_895] {strides = array<i32>} : memref<128xf32, #tpu.memory_space<vmem>>, vector<16xf32>,
    %sub3A_897 = arith.subf %get3A_894, %get3A_896 : vector<16xf32>
    %mul3A_898 = arith.mulf %sub3A_897, %sub3A_897 : vector<16xf32>
    %add3A_899 = arith.addf %add3A_890, %mul3A_898 : vector<16xf32>
    %get3A_900 = arith.constant 0 : i32
    %get3A_901 = arith.index_cast %get3A_900 : i32 to index
    %get3A_902 = arith.constant 96 : index
    %get3A_903 = tpu.vector_load %arg16[%get3A_901, %get3A_902] {strides = array<i32>} : memref<32x128xf32, #tpu.memory_space<vmem>>, vector<16xf32>,
    %get3A_904 = arith.constant 96 : index
    %get3A_905 = tpu.vector_load %arg17[%get3A_904] {strides = array<i32>} : memref<128xf32, #tpu.memory_space<vmem>>, vector<16xf32>,
    %sub3A_906 = arith.subf %get3A_903, %get3A_905 : vector<16xf32>
    %mul3A_907 = arith.mulf %sub3A_906, %sub3A_906 : vector<16xf32>
    %add3A_908 = arith.addf %add3A_899, %mul3A_907 : vector<16xf32>
    %get3A_909 = arith.constant 0 : i32
    %get3A_910 = arith.index_cast %get3A_909 : i32 to index
    %get3A_911 = arith.constant 112 : index
    %get3A_912 = tpu.vector_load %arg16[%get3A_910, %get3A_911] {strides = array<i32>} : memref<32x128xf32, #tpu.memory_space<vmem>>, vector<16xf32>,
    %get3A_913 = arith.constant 112 : index
    %get3A_914 = tpu.vector_load %arg17[%get3A_913] {strides = array<i32>} : memref<128xf32, #tpu.memory_space<vmem>>, vector<16xf32>,
    %sub3A_915 = arith.subf %get3A_912, %get3A_914 : vector<16xf32>
    %mul3A_916 = arith.mulf %sub3A_915, %sub3A_915 : vector<16xf32>
    %add3A_917 = arith.addf %add3A_908, %mul3A_916 : vector<16xf32>
    %reduce_sum3A = arith.constant true
    %reduce_sum3A_918 = vector.broadcast %reduce_sum3A : i1 to vector<16xi1>
    %reduce_sum3A_919 = tpu.scan <sum>, %add3A_917 masked %reduce_sum3A_918 : vector<16xf32>, vector<16xi1> -> vector<16xf32>
    %reduce_sum3A_920 = vector.extract %reduce_sum3A_919[15] : f32 from vector<16xf32>
    %broadcast_in_dim3A_921 = vector.broadcast %reduce_sum3A_920 : f32 to vector<16xf32>
    %select_n3A_922 = arith.select %eq3A_845, %broadcast_in_dim3A_921, %broadcast_in_dim3A_840 : vector<16xi1>, vector<16xf32>
    %eq3A_923 = arith.constant 0 : i32
    %eq3A_924 = vector.broadcast %eq3A_923 : i32 to vector<16xi32>
    %eq3A_925 = arith.cmpi eq, %iota3A, %eq3A_924 : vector<16xi32>
    %broadcast_in_dim3A_926 = arith.constant 0.000000e+00 : f32
    %broadcast_in_dim3A_927 = vector.broadcast %broadcast_in_dim3A_926 : f32 to vector<16xf32>
    %get3A_928 = arith.constant 16 : i32
    %get3A_929 = arith.index_cast %get3A_928 : i32 to index
    %get3A_930 = arith.constant 0 : index
    %get3A_931 = tpu.vector_load %arg16[%get3A_929, %get3A_930] {strides = array<i32>} : memref<32x128xf32, #tpu.memory_space<vmem>>, vector<16xf32>,
    %get3A_932 = arith.constant 0 : index
    %get3A_933 = tpu.vector_load %arg17[%get3A_932] {strides = array<i32>} : memref<128xf32, #tpu.memory_space<vmem>>, vector<16xf32>,
    %sub3A_934 = arith.subf %get3A_931, %get3A_933 : vector<16xf32>
    %mul3A_935 = arith.mulf %sub3A_934, %sub3A_934 : vector<16xf32>
    %add3A_936 = arith.addf %broadcast_in_dim3A_927, %mul3A_935 : vector<16xf32>
    %get3A_937 = arith.constant 16 : i32
    %get3A_938 = arith.index_cast %get3A_937 : i32 to index
    %get3A_939 = arith.constant 16 : index
    %get3A_940 = tpu.vector_load %arg16[%get3A_938, %get3A_939] {strides = array<i32>} : memref<32x128xf32, #tpu.memory_space<vmem>>, vector<16xf32>,
    %get3A_941 = arith.constant 16 : index
    %get3A_942 = tpu.vector_load %arg17[%get3A_941] {strides = array<i32>} : memref<128xf32, #tpu.memory_space<vmem>>, vector<16xf32>,
    %sub3A_943 = arith.subf %get3A_940, %get3A_942 : vector<16xf32>
    %mul3A_944 = arith.mulf %sub3A_943, %sub3A_943 : vector<16xf32>
    %add3A_945 = arith.addf %add3A_936, %mul3A_944 : vector<16xf32>
    %get3A_946 = arith.constant 16 : i32
    %get3A_947 = arith.index_cast %get3A_946 : i32 to index
    %get3A_948 = arith.constant 32 : index
    %get3A_949 = tpu.vector_load %arg16[%get3A_947, %get3A_948] {strides = array<i32>} : memref<32x128xf32, #tpu.memory_space<vmem>>, vector<16xf32>,
    %get3A_950 = arith.constant 32 : index
    %get3A_951 = tpu.vector_load %arg17[%get3A_950] {strides = array<i32>} : memref<128xf32, #tpu.memory_space<vmem>>, vector<16xf32>,
    %sub3A_952 = arith.subf %get3A_949, %get3A_951 : vector<16xf32>
    %mul3A_953 = arith.mulf %sub3A_952, %sub3A_952 : vector<16xf32>
    %add3A_954 = arith.addf %add3A_945, %mul3A_953 : vector<16xf32>
    %get3A_955 = arith.constant 16 : i32
    %get3A_956 = arith.index_cast %get3A_955 : i32 to index
    %get3A_957 = arith.constant 48 : index
    %get3A_958 = tpu.vector_load %arg16[%get3A_956, %get3A_957] {strides = array<i32>} : memref<32x128xf32, #tpu.memory_space<vmem>>, vector<16xf32>,
    %get3A_959 = arith.constant 48 : index
    %get3A_960 = tpu.vector_load %arg17[%get3A_959] {strides = array<i32>} : memref<128xf32, #tpu.memory_space<vmem>>, vector<16xf32>,
    %sub3A_961 = arith.subf %get3A_958, %get3A_960 : vector<16xf32>
    %mul3A_962 = arith.mulf %sub3A_961, %sub3A_961 : vector<16xf32>
    %add3A_963 = arith.addf %add3A_954, %mul3A_962 : vector<16xf32>
    %get3A_964 = arith.constant 16 : i32
    %get3A_965 = arith.index_cast %get3A_964 : i32 to index
    %get3A_966 = arith.constant 64 : index
    %get3A_967 = tpu.vector_load %arg16[%get3A_965, %get3A_966] {strides = array<i32>} : memref<32x128xf32, #tpu.memory_space<vmem>>, vector<16xf32>,
    %get3A_968 = arith.constant 64 : index
    %get3A_969 = tpu.vector_load %arg17[%get3A_968] {strides = array<i32>} : memref<128xf32, #tpu.memory_space<vmem>>, vector<16xf32>,
    %sub3A_970 = arith.subf %get3A_967, %get3A_969 : vector<16xf32>
    %mul3A_971 = arith.mulf %sub3A_970, %sub3A_970 : vector<16xf32>
    %add3A_972 = arith.addf %add3A_963, %mul3A_971 : vector<16xf32>
    %get3A_973 = arith.constant 16 : i32
    %get3A_974 = arith.index_cast %get3A_973 : i32 to index
    %get3A_975 = arith.constant 80 : index
    %get3A_976 = tpu.vector_load %arg16[%get3A_974, %get3A_975] {strides = array<i32>} : memref<32x128xf32, #tpu.memory_space<vmem>>, vector<16xf32>,
    %get3A_977 = arith.constant 80 : index
    %get3A_978 = tpu.vector_load %arg17[%get3A_977] {strides = array<i32>} : memref<128xf32, #tpu.memory_space<vmem>>, vector<16xf32>,
    %sub3A_979 = arith.subf %get3A_976, %get3A_978 : vector<16xf32>
    %mul3A_980 = arith.mulf %sub3A_979, %sub3A_979 : vector<16xf32>
    %add3A_981 = arith.addf %add3A_972, %mul3A_980 : vector<16xf32>
    %get3A_982 = arith.constant 16 : i32
    %get3A_983 = arith.index_cast %get3A_982 : i32 to index
    %get3A_984 = arith.constant 96 : index
    %get3A_985 = tpu.vector_load %arg16[%get3A_983, %get3A_984] {strides = array<i32>} : memref<32x128xf32, #tpu.memory_space<vmem>>, vector<16xf32>,
    %get3A_986 = arith.constant 96 : index
    %get3A_987 = tpu.vector_load %arg17[%get3A_986] {strides = array<i32>} : memref<128xf32, #tpu.memory_space<vmem>>, vector<16xf32>,
    %sub3A_988 = arith.subf %get3A_985, %get3A_987 : vector<16xf32>
    %mul3A_989 = arith.mulf %sub3A_988, %sub3A_988 : vector<16xf32>
    %add3A_990 = arith.addf %add3A_981, %mul3A_989 : vector<16xf32>
    %get3A_991 = arith.constant 16 : i32
    %get3A_992 = arith.index_cast %get3A_991 : i32 to index
    %get3A_993 = arith.constant 112 : index
    %get3A_994 = tpu.vector_load %arg16[%get3A_992, %get3A_993] {strides = array<i32>} : memref<32x128xf32, #tpu.memory_space<vmem>>, vector<16xf32>,
    %get3A_995 = arith.constant 112 : index
    %get3A_996 = tpu.vector_load %arg17[%get3A_995] {strides = array<i32>} : memref<128xf32, #tpu.memory_space<vmem>>, vector<16xf32>,
    %sub3A_997 = arith.subf %get3A_994, %get3A_996 : vector<16xf32>
    %mul3A_998 = arith.mulf %sub3A_997, %sub3A_997 : vector<16xf32>
    %add3A_999 = arith.addf %add3A_990, %mul3A_998 : vector<16xf32>
    %reduce_sum3A_1000 = arith.constant true
    %reduce_sum3A_1001 = vector.broadcast %reduce_sum3A_1000 : i1 to vector<16xi1>
    %reduce_sum3A_1002 = tpu.scan <sum>, %add3A_999 masked %reduce_sum3A_1001 : vector<16xf32>, vector<16xi1> -> vector<16xf32>
    %reduce_sum3A_1003 = vector.extract %reduce_sum3A_1002[15] : f32 from vector<16xf32>
    %broadcast_in_dim3A_1004 = vector.broadcast %reduce_sum3A_1003 : f32 to vector<16xf32>
    %select_n3A_1005 = arith.select %eq3A_925, %broadcast_in_dim3A_1004, %broadcast_in_dim3A_842 : vector<16xi1>, vector<16xf32>
    %eq3A_1006 = arith.constant 1 : i32
    %eq3A_1007 = vector.broadcast %eq3A_1006 : i32 to vector<16xi32>
    %eq3A_1008 = arith.cmpi eq, %iota3A, %eq3A_1007 : vector<16xi32>
    %broadcast_in_dim3A_1009 = arith.constant 0.000000e+00 : f32
    %broadcast_in_dim3A_1010 = vector.broadcast %broadcast_in_dim3A_1009 : f32 to vector<16xf32>
    %get3A_1011 = arith.constant 1 : i32
    %get3A_1012 = arith.index_cast %get3A_1011 : i32 to index
    %get3A_1013 = arith.constant 0 : index
    %get3A_1014 = tpu.vector_load %arg16[%get3A_1012, %get3A_1013] {strides = array<i32>} : memref<32x128xf32, #tpu.memory_space<vmem>>, vector<16xf32>,
    %get3A_1015 = arith.constant 0 : index
    %get3A_1016 = tpu.vector_load %arg17[%get3A_1015] {strides = array<i32>} : memref<128xf32, #tpu.memory_space<vmem>>, vector<16xf32>,
    %sub3A_1017 = arith.subf %get3A_1014, %get3A_1016 : vector<16xf32>
    %mul3A_1018 = arith.mulf %sub3A_1017, %sub3A_1017 : vector<16xf32>
    %add3A_1019 = arith.addf %broadcast_in_dim3A_1010, %mul3A_1018 : vector<16xf32>
    %get3A_1020 = arith.constant 1 : i32
    %get3A_1021 = arith.index_cast %get3A_1020 : i32 to index
    %get3A_1022 = arith.constant 16 : index
    %get3A_1023 = tpu.vector_load %arg16[%get3A_1021, %get3A_1022] {strides = array<i32>} : memref<32x128xf32, #tpu.memory_space<vmem>>, vector<16xf32>,
    %get3A_1024 = arith.constant 16 : index
    %get3A_1025 = tpu.vector_load %arg17[%get3A_1024] {strides = array<i32>} : memref<128xf32, #tpu.memory_space<vmem>>, vector<16xf32>,
    %sub3A_1026 = arith.subf %get3A_1023, %get3A_1025 : vector<16xf32>
    %mul3A_1027 = arith.mulf %sub3A_1026, %sub3A_1026 : vector<16xf32>
    %add3A_1028 = arith.addf %add3A_1019, %mul3A_1027 : vector<16xf32>
    %get3A_1029 = arith.constant 1 : i32
    %get3A_1030 = arith.index_cast %get3A_1029 : i32 to index
    %get3A_1031 = arith.constant 32 : index
    %get3A_1032 = tpu.vector_load %arg16[%get3A_1030, %get3A_1031] {strides = array<i32>} : memref<32x128xf32, #tpu.memory_space<vmem>>, vector<16xf32>,
    %get3A_1033 = arith.constant 32 : index
    %get3A_1034 = tpu.vector_load %arg17[%get3A_1033] {strides = array<i32>} : memref<128xf32, #tpu.memory_space<vmem>>, vector<16xf32>,
    %sub3A_1035 = arith.subf %get3A_1032, %get3A_1034 : vector<16xf32>
    %mul3A_1036 = arith.mulf %sub3A_1035, %sub3A_1035 : vector<16xf32>
    %add3A_1037 = arith.addf %add3A_1028, %mul3A_1036 : vector<16xf32>
    %get3A_1038 = arith.constant 1 : i32
    %get3A_1039 = arith.index_cast %get3A_1038 : i32 to index
    %get3A_1040 = arith.constant 48 : index
    %get3A_1041 = tpu.vector_load %arg16[%get3A_1039, %get3A_1040] {strides = array<i32>} : memref<32x128xf32, #tpu.memory_space<vmem>>, vector<16xf32>,
    %get3A_1042 = arith.constant 48 : index
    %get3A_1043 = tpu.vector_load %arg17[%get3A_1042] {strides = array<i32>} : memref<128xf32, #tpu.memory_space<vmem>>, vector<16xf32>,
    %sub3A_1044 = arith.subf %get3A_1041, %get3A_1043 : vector<16xf32>
    %mul3A_1045 = arith.mulf %sub3A_1044, %sub3A_1044 : vector<16xf32>
    %add3A_1046 = arith.addf %add3A_1037, %mul3A_1045 : vector<16xf32>
    %get3A_1047 = arith.constant 1 : i32
    %get3A_1048 = arith.index_cast %get3A_1047 : i32 to index
    %get3A_1049 = arith.constant 64 : index
    %get3A_1050 = tpu.vector_load %arg16[%get3A_1048, %get3A_1049] {strides = array<i32>} : memref<32x128xf32, #tpu.memory_space<vmem>>, vector<16xf32>,
    %get3A_1051 = arith.constant 64 : index
    %get3A_1052 = tpu.vector_load %arg17[%get3A_1051] {strides = array<i32>} : memref<128xf32, #tpu.memory_space<vmem>>, vector<16xf32>,
    %sub3A_1053 = arith.subf %get3A_1050, %get3A_1052 : vector<16xf32>
    %mul3A_1054 = arith.mulf %sub3A_1053, %sub3A_1053 : vector<16xf32>
    %add3A_1055 = arith.addf %add3A_1046, %mul3A_1054 : vector<16xf32>
    %get3A_1056 = arith.constant 1 : i32
    %get3A_1057 = arith.index_cast %get3A_1056 : i32 to index
    %get3A_1058 = arith.constant 80 : index
    %get3A_1059 = tpu.vector_load %arg16[%get3A_1057, %get3A_1058] {strides = array<i32>} : memref<32x128xf32, #tpu.memory_space<vmem>>, vector<16xf32>,
    %get3A_1060 = arith.constant 80 : index
    %get3A_1061 = tpu.vector_load %arg17[%get3A_1060] {strides = array<i32>} : memref<128xf32, #tpu.memory_space<vmem>>, vector<16xf32>,
    %sub3A_1062 = arith.subf %get3A_1059, %get3A_1061 : vector<16xf32>
    %mul3A_1063 = arith.mulf %sub3A_1062, %sub3A_1062 : vector<16xf32>
    %add3A_1064 = arith.addf %add3A_1055, %mul3A_1063 : vector<16xf32>
    %get3A_1065 = arith.constant 1 : i32
    %get3A_1066 = arith.index_cast %get3A_1065 : i32 to index
    %get3A_1067 = arith.constant 96 : index
    %get3A_1068 = tpu.vector_load %arg16[%get3A_1066, %get3A_1067] {strides = array<i32>} : memref<32x128xf32, #tpu.memory_space<vmem>>, vector<16xf32>,
    %get3A_1069 = arith.constant 96 : index
    %get3A_1070 = tpu.vector_load %arg17[%get3A_1069] {strides = array<i32>} : memref<128xf32, #tpu.memory_space<vmem>>, vector<16xf32>,
    %sub3A_1071 = arith.subf %get3A_1068, %get3A_1070 : vector<16xf32>
    %mul3A_1072 = arith.mulf %sub3A_1071, %sub3A_1071 : vector<16xf32>
    %add3A_1073 = arith.addf %add3A_1064, %mul3A_1072 : vector<16xf32>
    %get3A_1074 = arith.constant 1 : i32
    %get3A_1075 = arith.index_cast %get3A_1074 : i32 to index
    %get3A_1076 = arith.constant 112 : index
    %get3A_1077 = tpu.vector_load %arg16[%get3A_1075, %get3A_1076] {strides = array<i32>} : memref<32x128xf32, #tpu.memory_space<vmem>>, vector<16xf32>,
    %get3A_1078 = arith.constant 112 : index
    %get3A_1079 = tpu.vector_load %arg17[%get3A_1078] {strides = array<i32>} : memref<128xf32, #tpu.memory_space<vmem>>, vector<16xf32>,
    %sub3A_1080 = arith.subf %get3A_1077, %get3A_1079 : vector<16xf32>
    %mul3A_1081 = arith.mulf %sub3A_1080, %sub3A_1080 : vector<16xf32>
    %add3A_1082 = arith.addf %add3A_1073, %mul3A_1081 : vector<16xf32>
    %reduce_sum3A_1083 = arith.constant true
    %reduce_sum3A_1084 = vector.broadcast %reduce_sum3A_1083 : i1 to vector<16xi1>
    %reduce_sum3A_1085 = tpu.scan <sum>, %add3A_1082 masked %reduce_sum3A_1084 : vector<16xf32>, vector<16xi1> -> vector<16xf32>
    %reduce_sum3A_1086 = vector.extract %reduce_sum3A_1085[15] : f32 from vector<16xf32>
    %broadcast_in_dim3A_1087 = vector.broadcast %reduce_sum3A_1086 : f32 to vector<16xf32>
    %select_n3A_1088 = arith.select %eq3A_1008, %broadcast_in_dim3A_1087, %select_n3A_922 : vector<16xi1>, vector<16xf32>
    %eq3A_1089 = arith.constant 1 : i32
    %eq3A_1090 = vector.broadcast %eq3A_1089 : i32 to vector<16xi32>
    %eq3A_1091 = arith.cmpi eq, %iota3A, %eq3A_1090 : vector<16xi32>
    %broadcast_in_dim3A_1092 = arith.constant 0.000000e+00 : f32
    %broadcast_in_dim3A_1093 = vector.broadcast %broadcast_in_dim3A_1092 : f32 to vector<16xf32>
    %get3A_1094 = arith.constant 17 : i32
    %get3A_1095 = arith.index_cast %get3A_1094 : i32 to index
    %get3A_1096 = arith.constant 0 : index
    %get3A_1097 = tpu.vector_load %arg16[%get3A_1095, %get3A_1096] {strides = array<i32>} : memref<32x128xf32, #tpu.memory_space<vmem>>, vector<16xf32>,
    %get3A_1098 = arith.constant 0 : index
    %get3A_1099 = tpu.vector_load %arg17[%get3A_1098] {strides = array<i32>} : memref<128xf32, #tpu.memory_space<vmem>>, vector<16xf32>,
    %sub3A_1100 = arith.subf %get3A_1097, %get3A_1099 : vector<16xf32>
    %mul3A_1101 = arith.mulf %sub3A_1100, %sub3A_1100 : vector<16xf32>
    %add3A_1102 = arith.addf %broadcast_in_dim3A_1093, %mul3A_1101 : vector<16xf32>
    %get3A_1103 = arith.constant 17 : i32
    %get3A_1104 = arith.index_cast %get3A_1103 : i32 to index
    %get3A_1105 = arith.constant 16 : index
    %get3A_1106 = tpu.vector_load %arg16[%get3A_1104, %get3A_1105] {strides = array<i32>} : memref<32x128xf32, #tpu.memory_space<vmem>>, vector<16xf32>,
    %get3A_1107 = arith.constant 16 : index
    %get3A_1108 = tpu.vector_load %arg17[%get3A_1107] {strides = array<i32>} : memref<128xf32, #tpu.memory_space<vmem>>, vector<16xf32>,
    %sub3A_1109 = arith.subf %get3A_1106, %get3A_1108 : vector<16xf32>
    %mul3A_1110 = arith.mulf %sub3A_1109, %sub3A_1109 : vector<16xf32>
    %add3A_1111 = arith.addf %add3A_1102, %mul3A_1110 : vector<16xf32>
    %get3A_1112 = arith.constant 17 : i32
    %get3A_1113 = arith.index_cast %get3A_1112 : i32 to index
    %get3A_1114 = arith.constant 32 : index
    %get3A_1115 = tpu.vector_load %arg16[%get3A_1113, %get3A_1114] {strides = array<i32>} : memref<32x128xf32, #tpu.memory_space<vmem>>, vector<16xf32>,
    %get3A_1116 = arith.constant 32 : index
    %get3A_1117 = tpu.vector_load %arg17[%get3A_1116] {strides = array<i32>} : memref<128xf32, #tpu.memory_space<vmem>>, vector<16xf32>,
    %sub3A_1118 = arith.subf %get3A_1115, %get3A_1117 : vector<16xf32>
    %mul3A_1119 = arith.mulf %sub3A_1118, %sub3A_1118 : vector<16xf32>
    %add3A_1120 = arith.addf %add3A_1111, %mul3A_1119 : vector<16xf32>
    %get3A_1121 = arith.constant 17 : i32
    %get3A_1122 = arith.index_cast %get3A_1121 : i32 to index
    %get3A_1123 = arith.constant 48 : index
    %get3A_1124 = tpu.vector_load %arg16[%get3A_1122, %get3A_1123] {strides = array<i32>} : memref<32x128xf32, #tpu.memory_space<vmem>>, vector<16xf32>,
    %get3A_1125 = arith.constant 48 : index
    %get3A_1126 = tpu.vector_load %arg17[%get3A_1125] {strides = array<i32>} : memref<128xf32, #tpu.memory_space<vmem>>, vector<16xf32>,
    %sub3A_1127 = arith.subf %get3A_1124, %get3A_1126 : vector<16xf32>
    %mul3A_1128 = arith.mulf %sub3A_1127, %sub3A_1127 : vector<16xf32>
    %add3A_1129 = arith.addf %add3A_1120, %mul3A_1128 : vector<16xf32>
    %get3A_1130 = arith.constant 17 : i32
    %get3A_1131 = arith.index_cast %get3A_1130 : i32 to index
    %get3A_1132 = arith.constant 64 : index
    %get3A_1133 = tpu.vector_load %arg16[%get3A_1131, %get3A_1132] {strides = array<i32>} : memref<32x128xf32, #tpu.memory_space<vmem>>, vector<16xf32>,
    %get3A_1134 = arith.constant 64 : index
    %get3A_1135 = tpu.vector_load %arg17[%get3A_1134] {strides = array<i32>} : memref<128xf32, #tpu.memory_space<vmem>>, vector<16xf32>,
    %sub3A_1136 = arith.subf %get3A_1133, %get3A_1135 : vector<16xf32>
    %mul3A_1137 = arith.mulf %sub3A_1136, %sub3A_1136 : vector<16xf32>
    %add3A_1138 = arith.addf %add3A_1129, %mul3A_1137 : vector<16xf32>
    %get3A_1139 = arith.constant 17 : i32
    %get3A_1140 = arith.index_cast %get3A_1139 : i32 to index
    %get3A_1141 = arith.constant 80 : index
    %get3A_1142 = tpu.vector_load %arg16[%get3A_1140, %get3A_1141] {strides = array<i32>} : memref<32x128xf32, #tpu.memory_space<vmem>>, vector<16xf32>,
    %get3A_1143 = arith.constant 80 : index
    %get3A_1144 = tpu.vector_load %arg17[%get3A_1143] {strides = array<i32>} : memref<128xf32, #tpu.memory_space<vmem>>, vector<16xf32>,
    %sub3A_1145 = arith.subf %get3A_1142, %get3A_1144 : vector<16xf32>
    %mul3A_1146 = arith.mulf %sub3A_1145, %sub3A_1145 : vector<16xf32>
    %add3A_1147 = arith.addf %add3A_1138, %mul3A_1146 : vector<16xf32>
    %get3A_1148 = arith.constant 17 : i32
    %get3A_1149 = arith.index_cast %get3A_1148 : i32 to index
    %get3A_1150 = arith.constant 96 : index
    %get3A_1151 = tpu.vector_load %arg16[%get3A_1149, %get3A_1150] {strides = array<i32>} : memref<32x128xf32, #tpu.memory_space<vmem>>, vector<16xf32>,
    %get3A_1152 = arith.constant 96 : index
    %get3A_1153 = tpu.vector_load %arg17[%get3A_1152] {strides = array<i32>} : memref<128xf32, #tpu.memory_space<vmem>>, vector<16xf32>,
    %sub3A_1154 = arith.subf %get3A_1151, %get3A_1153 : vector<16xf32>
    %mul3A_1155 = arith.mulf %sub3A_1154, %sub3A_1154 : vector<16xf32>
    %add3A_1156 = arith.addf %add3A_1147, %mul3A_1155 : vector<16xf32>
    %get3A_1157 = arith.constant 17 : i32
    %get3A_1158 = arith.index_cast %get3A_1157 : i32 to index
    %get3A_1159 = arith.constant 112 : index
    %get3A_1160 = tpu.vector_load %arg16[%get3A_1158, %get3A_1159] {strides = array<i32>} : memref<32x128xf32, #tpu.memory_space<vmem>>, vector<16xf32>,
    %get3A_1161 = arith.constant 112 : index
    %get3A_1162 = tpu.vector_load %arg17[%get3A_1161] {strides = array<i32>} : memref<128xf32, #tpu.memory_space<vmem>>, vector<16xf32>,
    %sub3A_1163 = arith.subf %get3A_1160, %get3A_1162 : vector<16xf32>
    %mul3A_1164 = arith.mulf %sub3A_1163, %sub3A_1163 : vector<16xf32>
    %add3A_1165 = arith.addf %add3A_1156, %mul3A_1164 : vector<16xf32>
    %reduce_sum3A_1166 = arith.constant true
    %reduce_sum3A_1167 = vector.broadcast %reduce_sum3A_1166 : i1 to vector<16xi1>
    %reduce_sum3A_1168 = tpu.scan <sum>, %add3A_1165 masked %reduce_sum3A_1167 : vector<16xf32>, vector<16xi1> -> vector<16xf32>
    %reduce_sum3A_1169 = vector.extract %reduce_sum3A_1168[15] : f32 from vector<16xf32>
    %broadcast_in_dim3A_1170 = vector.broadcast %reduce_sum3A_1169 : f32 to vector<16xf32>
    %select_n3A_1171 = arith.select %eq3A_1091, %broadcast_in_dim3A_1170, %select_n3A_1005 : vector<16xi1>, vector<16xf32>
    %eq3A_1172 = arith.constant 2 : i32
    %eq3A_1173 = vector.broadcast %eq3A_1172 : i32 to vector<16xi32>
    %eq3A_1174 = arith.cmpi eq, %iota3A, %eq3A_1173 : vector<16xi32>
    %broadcast_in_dim3A_1175 = arith.constant 0.000000e+00 : f32
    %broadcast_in_dim3A_1176 = vector.broadcast %broadcast_in_dim3A_1175 : f32 to vector<16xf32>
    %get3A_1177 = arith.constant 2 : i32
    %get3A_1178 = arith.index_cast %get3A_1177 : i32 to index
    %get3A_1179 = arith.constant 0 : index
    %get3A_1180 = tpu.vector_load %arg16[%get3A_1178, %get3A_1179] {strides = array<i32>} : memref<32x128xf32, #tpu.memory_space<vmem>>, vector<16xf32>,
    %get3A_1181 = arith.constant 0 : index
    %get3A_1182 = tpu.vector_load %arg17[%get3A_1181] {strides = array<i32>} : memref<128xf32, #tpu.memory_space<vmem>>, vector<16xf32>,
    %sub3A_1183 = arith.subf %get3A_1180, %get3A_1182 : vector<16xf32>
    %mul3A_1184 = arith.mulf %sub3A_1183, %sub3A_1183 : vector<16xf32>
    %add3A_1185 = arith.addf %broadcast_in_dim3A_1176, %mul3A_1184 : vector<16xf32>
    %get3A_1186 = arith.constant 2 : i32
    %get3A_1187 = arith.index_cast %get3A_1186 : i32 to index
    %get3A_1188 = arith.constant 16 : index
    %get3A_1189 = tpu.vector_load %arg16[%get3A_1187, %get3A_1188] {strides = array<i32>} : memref<32x128xf32, #tpu.memory_space<vmem>>, vector<16xf32>,
    %get3A_1190 = arith.constant 16 : index
    %get3A_1191 = tpu.vector_load %arg17[%get3A_1190] {strides = array<i32>} : memref<128xf32, #tpu.memory_space<vmem>>, vector<16xf32>,
    %sub3A_1192 = arith.subf %get3A_1189, %get3A_1191 : vector<16xf32>
    %mul3A_1193 = arith.mulf %sub3A_1192, %sub3A_1192 : vector<16xf32>
    %add3A_1194 = arith.addf %add3A_1185, %mul3A_1193 : vector<16xf32>
    %get3A_1195 = arith.constant 2 : i32
    %get3A_1196 = arith.index_cast %get3A_1195 : i32 to index
    %get3A_1197 = arith.constant 32 : index
    %get3A_1198 = tpu.vector_load %arg16[%get3A_1196, %get3A_1197] {strides = array<i32>} : memref<32x128xf32, #tpu.memory_space<vmem>>, vector<16xf32>,
    %get3A_1199 = arith.constant 32 : index
    %get3A_1200 = tpu.vector_load %arg17[%get3A_1199] {strides = array<i32>} : memref<128xf32, #tpu.memory_space<vmem>>, vector<16xf32>,
    %sub3A_1201 = arith.subf %get3A_1198, %get3A_1200 : vector<16xf32>
    %mul3A_1202 = arith.mulf %sub3A_1201, %sub3A_1201 : vector<16xf32>
    %add3A_1203 = arith.addf %add3A_1194, %mul3A_1202 : vector<16xf32>
    %get3A_1204 = arith.constant 2 : i32
    %get3A_1205 = arith.index_cast %get3A_1204 : i32 to index
    %get3A_1206 = arith.constant 48 : index
    %get3A_1207 = tpu.vector_load %arg16[%get3A_1205, %get3A_1206] {strides = array<i32>} : memref<32x128xf32, #tpu.memory_space<vmem>>, vector<16xf32>,
    %get3A_1208 = arith.constant 48 : index
    %get3A_1209 = tpu.vector_load %arg17[%get3A_1208] {strides = array<i32>} : memref<128xf32, #tpu.memory_space<vmem>>, vector<16xf32>,
    %sub3A_1210 = arith.subf %get3A_1207, %get3A_1209 : vector<16xf32>
    %mul3A_1211 = arith.mulf %sub3A_1210, %sub3A_1210 : vector<16xf32>
    %add3A_1212 = arith.addf %add3A_1203, %mul3A_1211 : vector<16xf32>
    %get3A_1213 = arith.constant 2 : i32
    %get3A_1214 = arith.index_cast %get3A_1213 : i32 to index
    %get3A_1215 = arith.constant 64 : index
    %get3A_1216 = tpu.vector_load %arg16[%get3A_1214, %get3A_1215] {strides = array<i32>} : memref<32x128xf32, #tpu.memory_space<vmem>>, vector<16xf32>,
    %get3A_1217 = arith.constant 64 : index
    %get3A_1218 = tpu.vector_load %arg17[%get3A_1217] {strides = array<i32>} : memref<128xf32, #tpu.memory_space<vmem>>, vector<16xf32>,
    %sub3A_1219 = arith.subf %get3A_1216, %get3A_1218 : vector<16xf32>
    %mul3A_1220 = arith.mulf %sub3A_1219, %sub3A_1219 : vector<16xf32>
    %add3A_1221 = arith.addf %add3A_1212, %mul3A_1220 : vector<16xf32>
    %get3A_1222 = arith.constant 2 : i32
    %get3A_1223 = arith.index_cast %get3A_1222 : i32 to index
    %get3A_1224 = arith.constant 80 : index
    %get3A_1225 = tpu.vector_load %arg16[%get3A_1223, %get3A_1224] {strides = array<i32>} : memref<32x128xf32, #tpu.memory_space<vmem>>, vector<16xf32>,
    %get3A_1226 = arith.constant 80 : index
    %get3A_1227 = tpu.vector_load %arg17[%get3A_1226] {strides = array<i32>} : memref<128xf32, #tpu.memory_space<vmem>>, vector<16xf32>,
    %sub3A_1228 = arith.subf %get3A_1225, %get3A_1227 : vector<16xf32>
    %mul3A_1229 = arith.mulf %sub3A_1228, %sub3A_1228 : vector<16xf32>
    %add3A_1230 = arith.addf %add3A_1221, %mul3A_1229 : vector<16xf32>
    %get3A_1231 = arith.constant 2 : i32
    %get3A_1232 = arith.index_cast %get3A_1231 : i32 to index
    %get3A_1233 = arith.constant 96 : index
    %get3A_1234 = tpu.vector_load %arg16[%get3A_1232, %get3A_1233] {strides = array<i32>} : memref<32x128xf32, #tpu.memory_space<vmem>>, vector<16xf32>,
    %get3A_1235 = arith.constant 96 : index
    %get3A_1236 = tpu.vector_load %arg17[%get3A_1235] {strides = array<i32>} : memref<128xf32, #tpu.memory_space<vmem>>, vector<16xf32>,
    %sub3A_1237 = arith.subf %get3A_1234, %get3A_1236 : vector<16xf32>
    %mul3A_1238 = arith.mulf %sub3A_1237, %sub3A_1237 : vector<16xf32>
    %add3A_1239 = arith.addf %add3A_1230, %mul3A_1238 : vector<16xf32>
    %get3A_1240 = arith.constant 2 : i32
    %get3A_1241 = arith.index_cast %get3A_1240 : i32 to index
    %get3A_1242 = arith.constant 112 : index
    %get3A_1243 = tpu.vector_load %arg16[%get3A_1241, %get3A_1242] {strides = array<i32>} : memref<32x128xf32, #tpu.memory_space<vmem>>, vector<16xf32>,
    %get3A_1244 = arith.constant 112 : index
    %get3A_1245 = tpu.vector_load %arg17[%get3A_1244] {strides = array<i32>} : memref<128xf32, #tpu.memory_space<vmem>>, vector<16xf32>,
    %sub3A_1246 = arith.subf %get3A_1243, %get3A_1245 : vector<16xf32>
    %mul3A_1247 = arith.mulf %sub3A_1246, %sub3A_1246 : vector<16xf32>
    %add3A_1248 = arith.addf %add3A_1239, %mul3A_1247 : vector<16xf32>
    %reduce_sum3A_1249 = arith.constant true
    %reduce_sum3A_1250 = vector.broadcast %reduce_sum3A_1249 : i1 to vector<16xi1>
    %reduce_sum3A_1251 = tpu.scan <sum>, %add3A_1248 masked %reduce_sum3A_1250 : vector<16xf32>, vector<16xi1> -> vector<16xf32>
    %reduce_sum3A_1252 = vector.extract %reduce_sum3A_1251[15] : f32 from vector<16xf32>
    %broadcast_in_dim3A_1253 = vector.broadcast %reduce_sum3A_1252 : f32 to vector<16xf32>
    %select_n3A_1254 = arith.select %eq3A_1174, %broadcast_in_dim3A_1253, %select_n3A_1088 : vector<16xi1>, vector<16xf32>
    %eq3A_1255 = arith.constant 2 : i32
    %eq3A_1256 = vector.broadcast %eq3A_1255 : i32 to vector<16xi32>
    %eq3A_1257 = arith.cmpi eq, %iota3A, %eq3A_1256 : vector<16xi32>
    %broadcast_in_dim3A_1258 = arith.constant 0.000000e+00 : f32
    %broadcast_in_dim3A_1259 = vector.broadcast %broadcast_in_dim3A_1258 : f32 to vector<16xf32>
    %get3A_1260 = arith.constant 18 : i32
    %get3A_1261 = arith.index_cast %get3A_1260 : i32 to index
    %get3A_1262 = arith.constant 0 : index
    %get3A_1263 = tpu.vector_load %arg16[%get3A_1261, %get3A_1262] {strides = array<i32>} : memref<32x128xf32, #tpu.memory_space<vmem>>, vector<16xf32>,
    %get3A_1264 = arith.constant 0 : index
    %get3A_1265 = tpu.vector_load %arg17[%get3A_1264] {strides = array<i32>} : memref<128xf32, #tpu.memory_space<vmem>>, vector<16xf32>,
    %sub3A_1266 = arith.subf %get3A_1263, %get3A_1265 : vector<16xf32>
    %mul3A_1267 = arith.mulf %sub3A_1266, %sub3A_1266 : vector<16xf32>
    %add3A_1268 = arith.addf %broadcast_in_dim3A_1259, %mul3A_1267 : vector<16xf32>
    %get3A_1269 = arith.constant 18 : i32
    %get3A_1270 = arith.index_cast %get3A_1269 : i32 to index
    %get3A_1271 = arith.constant 16 : index
    %get3A_1272 = tpu.vector_load %arg16[%get3A_1270, %get3A_1271] {strides = array<i32>} : memref<32x128xf32, #tpu.memory_space<vmem>>, vector<16xf32>,
    %get3A_1273 = arith.constant 16 : index
    %get3A_1274 = tpu.vector_load %arg17[%get3A_1273] {strides = array<i32>} : memref<128xf32, #tpu.memory_space<vmem>>, vector<16xf32>,
    %sub3A_1275 = arith.subf %get3A_1272, %get3A_1274 : vector<16xf32>
    %mul3A_1276 = arith.mulf %sub3A_1275, %sub3A_1275 : vector<16xf32>
    %add3A_1277 = arith.addf %add3A_1268, %mul3A_1276 : vector<16xf32>
    %get3A_1278 = arith.constant 18 : i32
    %get3A_1279 = arith.index_cast %get3A_1278 : i32 to index
    %get3A_1280 = arith.constant 32 : index
    %get3A_1281 = tpu.vector_load %arg16[%get3A_1279, %get3A_1280] {strides = array<i32>} : memref<32x128xf32, #tpu.memory_space<vmem>>, vector<16xf32>,
    %get3A_1282 = arith.constant 32 : index
    %get3A_1283 = tpu.vector_load %arg17[%get3A_1282] {strides = array<i32>} : memref<128xf32, #tpu.memory_space<vmem>>, vector<16xf32>,
    %sub3A_1284 = arith.subf %get3A_1281, %get3A_1283 : vector<16xf32>
    %mul3A_1285 = arith.mulf %sub3A_1284, %sub3A_1284 : vector<16xf32>
    %add3A_1286 = arith.addf %add3A_1277, %mul3A_1285 : vector<16xf32>
    %get3A_1287 = arith.constant 18 : i32
    %get3A_1288 = arith.index_cast %get3A_1287 : i32 to index
    %get3A_1289 = arith.constant 48 : index
    %get3A_1290 = tpu.vector_load %arg16[%get3A_1288, %get3A_1289] {strides = array<i32>} : memref<32x128xf32, #tpu.memory_space<vmem>>, vector<16xf32>,
    %get3A_1291 = arith.constant 48 : index
    %get3A_1292 = tpu.vector_load %arg17[%get3A_1291] {strides = array<i32>} : memref<128xf32, #tpu.memory_space<vmem>>, vector<16xf32>,
    %sub3A_1293 = arith.subf %get3A_1290, %get3A_1292 : vector<16xf32>
    %mul3A_1294 = arith.mulf %sub3A_1293, %sub3A_1293 : vector<16xf32>
    %add3A_1295 = arith.addf %add3A_1286, %mul3A_1294 : vector<16xf32>
    %get3A_1296 = arith.constant 18 : i32
    %get3A_1297 = arith.index_cast %get3A_1296 : i32 to index
    %get3A_1298 = arith.constant 64 : index
    %get3A_1299 = tpu.vector_load %arg16[%get3A_1297, %get3A_1298] {strides = array<i32>} : memref<32x128xf32, #tpu.memory_space<vmem>>, vector<16xf32>,
    %get3A_1300 = arith.constant 64 : index
    %get3A_1301 = tpu.vector_load %arg17[%get3A_1300] {strides = array<i32>} : memref<128xf32, #tpu.memory_space<vmem>>, vector<16xf32>,
    %sub3A_1302 = arith.subf %get3A_1299, %get3A_1301 : vector<16xf32>
    %mul3A_1303 = arith.mulf %sub3A_1302, %sub3A_1302 : vector<16xf32>
    %add3A_1304 = arith.addf %add3A_1295, %mul3A_1303 : vector<16xf32>
    %get3A_1305 = arith.constant 18 : i32
    %get3A_1306 = arith.index_cast %get3A_1305 : i32 to index
    %get3A_1307 = arith.constant 80 : index
    %get3A_1308 = tpu.vector_load %arg16[%get3A_1306, %get3A_1307] {strides = array<i32>} : memref<32x128xf32, #tpu.memory_space<vmem>>, vector<16xf32>,
    %get3A_1309 = arith.constant 80 : index
    %get3A_1310 = tpu.vector_load %arg17[%get3A_1309] {strides = array<i32>} : memref<128xf32, #tpu.memory_space<vmem>>, vector<16xf32>,
    %sub3A_1311 = arith.subf %get3A_1308, %get3A_1310 : vector<16xf32>
    %mul3A_1312 = arith.mulf %sub3A_1311, %sub3A_1311 : vector<16xf32>
    %add3A_1313 = arith.addf %add3A_1304, %mul3A_1312 : vector<16xf32>
    %get3A_1314 = arith.constant 18 : i32
    %get3A_1315 = arith.index_cast %get3A_1314 : i32 to index
    %get3A_1316 = arith.constant 96 : index
    %get3A_1317 = tpu.vector_load %arg16[%get3A_1315, %get3A_1316] {strides = array<i32>} : memref<32x128xf32, #tpu.memory_space<vmem>>, vector<16xf32>,
    %get3A_1318 = arith.constant 96 : index
    %get3A_1319 = tpu.vector_load %arg17[%get3A_1318] {strides = array<i32>} : memref<128xf32, #tpu.memory_space<vmem>>, vector<16xf32>,
    %sub3A_1320 = arith.subf %get3A_1317, %get3A_1319 : vector<16xf32>
    %mul3A_1321 = arith.mulf %sub3A_1320, %sub3A_1320 : vector<16xf32>
    %add3A_1322 = arith.addf %add3A_1313, %mul3A_1321 : vector<16xf32>
    %get3A_1323 = arith.constant 18 : i32
    %get3A_1324 = arith.index_cast %get3A_1323 : i32 to index
    %get3A_1325 = arith.constant 112 : index
    %get3A_1326 = tpu.vector_load %arg16[%get3A_1324, %get3A_1325] {strides = array<i32>} : memref<32x128xf32, #tpu.memory_space<vmem>>, vector<16xf32>,
    %get3A_1327 = arith.constant 112 : index
    %get3A_1328 = tpu.vector_load %arg17[%get3A_1327] {strides = array<i32>} : memref<128xf32, #tpu.memory_space<vmem>>, vector<16xf32>,
    %sub3A_1329 = arith.subf %get3A_1326, %get3A_1328 : vector<16xf32>
    %mul3A_1330 = arith.mulf %sub3A_1329, %sub3A_1329 : vector<16xf32>
    %add3A_1331 = arith.addf %add3A_1322, %mul3A_1330 : vector<16xf32>
    %reduce_sum3A_1332 = arith.constant true
    %reduce_sum3A_1333 = vector.broadcast %reduce_sum3A_1332 : i1 to vector<16xi1>
    %reduce_sum3A_1334 = tpu.scan <sum>, %add3A_1331 masked %reduce_sum3A_1333 : vector<16xf32>, vector<16xi1> -> vector<16xf32>
    %reduce_sum3A_1335 = vector.extract %reduce_sum3A_1334[15] : f32 from vector<16xf32>
    %broadcast_in_dim3A_1336 = vector.broadcast %reduce_sum3A_1335 : f32 to vector<16xf32>
    %select_n3A_1337 = arith.select %eq3A_1257, %broadcast_in_dim3A_1336, %select_n3A_1171 : vector<16xi1>, vector<16xf32>
    %eq3A_1338 = arith.constant 3 : i32
    %eq3A_1339 = vector.broadcast %eq3A_1338 : i32 to vector<16xi32>
    %eq3A_1340 = arith.cmpi eq, %iota3A, %eq3A_1339 : vector<16xi32>
    %broadcast_in_dim3A_1341 = arith.constant 0.000000e+00 : f32
    %broadcast_in_dim3A_1342 = vector.broadcast %broadcast_in_dim3A_1341 : f32 to vector<16xf32>
    %get3A_1343 = arith.constant 3 : i32
    %get3A_1344 = arith.index_cast %get3A_1343 : i32 to index
    %get3A_1345 = arith.constant 0 : index
    %get3A_1346 = tpu.vector_load %arg16[%get3A_1344, %get3A_1345] {strides = array<i32>} : memref<32x128xf32, #tpu.memory_space<vmem>>, vector<16xf32>,
    %get3A_1347 = arith.constant 0 : index
    %get3A_1348 = tpu.vector_load %arg17[%get3A_1347] {strides = array<i32>} : memref<128xf32, #tpu.memory_space<vmem>>, vector<16xf32>,
    %sub3A_1349 = arith.subf %get3A_1346, %get3A_1348 : vector<16xf32>
    %mul3A_1350 = arith.mulf %sub3A_1349, %sub3A_1349 : vector<16xf32>
    %add3A_1351 = arith.addf %broadcast_in_dim3A_1342, %mul3A_1350 : vector<16xf32>
    %get3A_1352 = arith.constant 3 : i32
    %get3A_1353 = arith.index_cast %get3A_1352 : i32 to index
    %get3A_1354 = arith.constant 16 : index
    %get3A_1355 = tpu.vector_load %arg16[%get3A_1353, %get3A_1354] {strides = array<i32>} : memref<32x128xf32, #tpu.memory_space<vmem>>, vector<16xf32>,
    %get3A_1356 = arith.constant 16 : index
    %get3A_1357 = tpu.vector_load %arg17[%get3A_1356] {strides = array<i32>} : memref<128xf32, #tpu.memory_space<vmem>>, vector<16xf32>,
    %sub3A_1358 = arith.subf %get3A_1355, %get3A_1357 : vector<16xf32>
    %mul3A_1359 = arith.mulf %sub3A_1358, %sub3A_1358 : vector<16xf32>
    %add3A_1360 = arith.addf %add3A_1351, %mul3A_1359 : vector<16xf32>
    %get3A_1361 = arith.constant 3 : i32
    %get3A_1362 = arith.index_cast %get3A_1361 : i32 to index
    %get3A_1363 = arith.constant 32 : index
    %get3A_1364 = tpu.vector_load %arg16[%get3A_1362, %get3A_1363] {strides = array<i32>} : memref<32x128xf32, #tpu.memory_space<vmem>>, vector<16xf32>,
    %get3A_1365 = arith.constant 32 : index
    %get3A_1366 = tpu.vector_load %arg17[%get3A_1365] {strides = array<i32>} : memref<128xf32, #tpu.memory_space<vmem>>, vector<16xf32>,
    %sub3A_1367 = arith.subf %get3A_1364, %get3A_1366 : vector<16xf32>
    %mul3A_1368 = arith.mulf %sub3A_1367, %sub3A_1367 : vector<16xf32>
    %add3A_1369 = arith.addf %add3A_1360, %mul3A_1368 : vector<16xf32>
    %get3A_1370 = arith.constant 3 : i32
    %get3A_1371 = arith.index_cast %get3A_1370 : i32 to index
    %get3A_1372 = arith.constant 48 : index
    %get3A_1373 = tpu.vector_load %arg16[%get3A_1371, %get3A_1372] {strides = array<i32>} : memref<32x128xf32, #tpu.memory_space<vmem>>, vector<16xf32>,
    %get3A_1374 = arith.constant 48 : index
    %get3A_1375 = tpu.vector_load %arg17[%get3A_1374] {strides = array<i32>} : memref<128xf32, #tpu.memory_space<vmem>>, vector<16xf32>,
    %sub3A_1376 = arith.subf %get3A_1373, %get3A_1375 : vector<16xf32>
    %mul3A_1377 = arith.mulf %sub3A_1376, %sub3A_1376 : vector<16xf32>
    %add3A_1378 = arith.addf %add3A_1369, %mul3A_1377 : vector<16xf32>
    %get3A_1379 = arith.constant 3 : i32
    %get3A_1380 = arith.index_cast %get3A_1379 : i32 to index
    %get3A_1381 = arith.constant 64 : index
    %get3A_1382 = tpu.vector_load %arg16[%get3A_1380, %get3A_1381] {strides = array<i32>} : memref<32x128xf32, #tpu.memory_space<vmem>>, vector<16xf32>,
    %get3A_1383 = arith.constant 64 : index
    %get3A_1384 = tpu.vector_load %arg17[%get3A_1383] {strides = array<i32>} : memref<128xf32, #tpu.memory_space<vmem>>, vector<16xf32>,
    %sub3A_1385 = arith.subf %get3A_1382, %get3A_1384 : vector<16xf32>
    %mul3A_1386 = arith.mulf %sub3A_1385, %sub3A_1385 : vector<16xf32>
    %add3A_1387 = arith.addf %add3A_1378, %mul3A_1386 : vector<16xf32>
    %get3A_1388 = arith.constant 3 : i32
    %get3A_1389 = arith.index_cast %get3A_1388 : i32 to index
    %get3A_1390 = arith.constant 80 : index
    %get3A_1391 = tpu.vector_load %arg16[%get3A_1389, %get3A_1390] {strides = array<i32>} : memref<32x128xf32, #tpu.memory_space<vmem>>, vector<16xf32>,
    %get3A_1392 = arith.constant 80 : index
    %get3A_1393 = tpu.vector_load %arg17[%get3A_1392] {strides = array<i32>} : memref<128xf32, #tpu.memory_space<vmem>>, vector<16xf32>,
    %sub3A_1394 = arith.subf %get3A_1391, %get3A_1393 : vector<16xf32>
    %mul3A_1395 = arith.mulf %sub3A_1394, %sub3A_1394 : vector<16xf32>
    %add3A_1396 = arith.addf %add3A_1387, %mul3A_1395 : vector<16xf32>
    %get3A_1397 = arith.constant 3 : i32
    %get3A_1398 = arith.index_cast %get3A_1397 : i32 to index
    %get3A_1399 = arith.constant 96 : index
    %get3A_1400 = tpu.vector_load %arg16[%get3A_1398, %get3A_1399] {strides = array<i32>} : memref<32x128xf32, #tpu.memory_space<vmem>>, vector<16xf32>,
    %get3A_1401 = arith.constant 96 : index
    %get3A_1402 = tpu.vector_load %arg17[%get3A_1401] {strides = array<i32>} : memref<128xf32, #tpu.memory_space<vmem>>, vector<16xf32>,
    %sub3A_1403 = arith.subf %get3A_1400, %get3A_1402 : vector<16xf32>
    %mul3A_1404 = arith.mulf %sub3A_1403, %sub3A_1403 : vector<16xf32>
    %add3A_1405 = arith.addf %add3A_1396, %mul3A_1404 : vector<16xf32>
    %get3A_1406 = arith.constant 3 : i32
    %get3A_1407 = arith.index_cast %get3A_1406 : i32 to index
    %get3A_1408 = arith.constant 112 : index
    %get3A_1409 = tpu.vector_load %arg16[%get3A_1407, %get3A_1408] {strides = array<i32>} : memref<32x128xf32, #tpu.memory_space<vmem>>, vector<16xf32>,
    %get3A_1410 = arith.constant 112 : index
    %get3A_1411 = tpu.vector_load %arg17[%get3A_1410] {strides = array<i32>} : memref<128xf32, #tpu.memory_space<vmem>>, vector<16xf32>,
    %sub3A_1412 = arith.subf %get3A_1409, %get3A_1411 : vector<16xf32>
    %mul3A_1413 = arith.mulf %sub3A_1412, %sub3A_1412 : vector<16xf32>
    %add3A_1414 = arith.addf %add3A_1405, %mul3A_1413 : vector<16xf32>
    %reduce_sum3A_1415 = arith.constant true
    %reduce_sum3A_1416 = vector.broadcast %reduce_sum3A_1415 : i1 to vector<16xi1>
    %reduce_sum3A_1417 = tpu.scan <sum>, %add3A_1414 masked %reduce_sum3A_1416 : vector<16xf32>, vector<16xi1> -> vector<16xf32>
    %reduce_sum3A_1418 = vector.extract %reduce_sum3A_1417[15] : f32 from vector<16xf32>
    %broadcast_in_dim3A_1419 = vector.broadcast %reduce_sum3A_1418 : f32 to vector<16xf32>
    %select_n3A_1420 = arith.select %eq3A_1340, %broadcast_in_dim3A_1419, %select_n3A_1254 : vector<16xi1>, vector<16xf32>
    %eq3A_1421 = arith.constant 3 : i32
    %eq3A_1422 = vector.broadcast %eq3A_1421 : i32 to vector<16xi32>
    %eq3A_1423 = arith.cmpi eq, %iota3A, %eq3A_1422 : vector<16xi32>
    %broadcast_in_dim3A_1424 = arith.constant 0.000000e+00 : f32
    %broadcast_in_dim3A_1425 = vector.broadcast %broadcast_in_dim3A_1424 : f32 to vector<16xf32>
    %get3A_1426 = arith.constant 19 : i32
    %get3A_1427 = arith.index_cast %get3A_1426 : i32 to index
    %get3A_1428 = arith.constant 0 : index
    %get3A_1429 = tpu.vector_load %arg16[%get3A_1427, %get3A_1428] {strides = array<i32>} : memref<32x128xf32, #tpu.memory_space<vmem>>, vector<16xf32>,
    %get3A_1430 = arith.constant 0 : index
    %get3A_1431 = tpu.vector_load %arg17[%get3A_1430] {strides = array<i32>} : memref<128xf32, #tpu.memory_space<vmem>>, vector<16xf32>,
    %sub3A_1432 = arith.subf %get3A_1429, %get3A_1431 : vector<16xf32>
    %mul3A_1433 = arith.mulf %sub3A_1432, %sub3A_1432 : vector<16xf32>
    %add3A_1434 = arith.addf %broadcast_in_dim3A_1425, %mul3A_1433 : vector<16xf32>
    %get3A_1435 = arith.constant 19 : i32
    %get3A_1436 = arith.index_cast %get3A_1435 : i32 to index
    %get3A_1437 = arith.constant 16 : index
    %get3A_1438 = tpu.vector_load %arg16[%get3A_1436, %get3A_1437] {strides = array<i32>} : memref<32x128xf32, #tpu.memory_space<vmem>>, vector<16xf32>,
    %get3A_1439 = arith.constant 16 : index
    %get3A_1440 = tpu.vector_load %arg17[%get3A_1439] {strides = array<i32>} : memref<128xf32, #tpu.memory_space<vmem>>, vector<16xf32>,
    %sub3A_1441 = arith.subf %get3A_1438, %get3A_1440 : vector<16xf32>
    %mul3A_1442 = arith.mulf %sub3A_1441, %sub3A_1441 : vector<16xf32>
    %add3A_1443 = arith.addf %add3A_1434, %mul3A_1442 : vector<16xf32>
    %get3A_1444 = arith.constant 19 : i32
    %get3A_1445 = arith.index_cast %get3A_1444 : i32 to index
    %get3A_1446 = arith.constant 32 : index
    %get3A_1447 = tpu.vector_load %arg16[%get3A_1445, %get3A_1446] {strides = array<i32>} : memref<32x128xf32, #tpu.memory_space<vmem>>, vector<16xf32>,
    %get3A_1448 = arith.constant 32 : index
    %get3A_1449 = tpu.vector_load %arg17[%get3A_1448] {strides = array<i32>} : memref<128xf32, #tpu.memory_space<vmem>>, vector<16xf32>,
    %sub3A_1450 = arith.subf %get3A_1447, %get3A_1449 : vector<16xf32>
    %mul3A_1451 = arith.mulf %sub3A_1450, %sub3A_1450 : vector<16xf32>
    %add3A_1452 = arith.addf %add3A_1443, %mul3A_1451 : vector<16xf32>
    %get3A_1453 = arith.constant 19 : i32
    %get3A_1454 = arith.index_cast %get3A_1453 : i32 to index
    %get3A_1455 = arith.constant 48 : index
    %get3A_1456 = tpu.vector_load %arg16[%get3A_1454, %get3A_1455] {strides = array<i32>} : memref<32x128xf32, #tpu.memory_space<vmem>>, vector<16xf32>,
    %get3A_1457 = arith.constant 48 : index
    %get3A_1458 = tpu.vector_load %arg17[%get3A_1457] {strides = array<i32>} : memref<128xf32, #tpu.memory_space<vmem>>, vector<16xf32>,
    %sub3A_1459 = arith.subf %get3A_1456, %get3A_1458 : vector<16xf32>
    %mul3A_1460 = arith.mulf %sub3A_1459, %sub3A_1459 : vector<16xf32>
    %add3A_1461 = arith.addf %add3A_1452, %mul3A_1460 : vector<16xf32>
    %get3A_1462 = arith.constant 19 : i32
    %get3A_1463 = arith.index_cast %get3A_1462 : i32 to index
    %get3A_1464 = arith.constant 64 : index
    %get3A_1465 = tpu.vector_load %arg16[%get3A_1463, %get3A_1464] {strides = array<i32>} : memref<32x128xf32, #tpu.memory_space<vmem>>, vector<16xf32>,
    %get3A_1466 = arith.constant 64 : index
    %get3A_1467 = tpu.vector_load %arg17[%get3A_1466] {strides = array<i32>} : memref<128xf32, #tpu.memory_space<vmem>>, vector<16xf32>,
    %sub3A_1468 = arith.subf %get3A_1465, %get3A_1467 : vector<16xf32>
    %mul3A_1469 = arith.mulf %sub3A_1468, %sub3A_1468 : vector<16xf32>
    %add3A_1470 = arith.addf %add3A_1461, %mul3A_1469 : vector<16xf32>
    %get3A_1471 = arith.constant 19 : i32
    %get3A_1472 = arith.index_cast %get3A_1471 : i32 to index
    %get3A_1473 = arith.constant 80 : index
    %get3A_1474 = tpu.vector_load %arg16[%get3A_1472, %get3A_1473] {strides = array<i32>} : memref<32x128xf32, #tpu.memory_space<vmem>>, vector<16xf32>,
    %get3A_1475 = arith.constant 80 : index
    %get3A_1476 = tpu.vector_load %arg17[%get3A_1475] {strides = array<i32>} : memref<128xf32, #tpu.memory_space<vmem>>, vector<16xf32>,
    %sub3A_1477 = arith.subf %get3A_1474, %get3A_1476 : vector<16xf32>
    %mul3A_1478 = arith.mulf %sub3A_1477, %sub3A_1477 : vector<16xf32>
    %add3A_1479 = arith.addf %add3A_1470, %mul3A_1478 : vector<16xf32>
    %get3A_1480 = arith.constant 19 : i32
    %get3A_1481 = arith.index_cast %get3A_1480 : i32 to index
    %get3A_1482 = arith.constant 96 : index
    %get3A_1483 = tpu.vector_load %arg16[%get3A_1481, %get3A_1482] {strides = array<i32>} : memref<32x128xf32, #tpu.memory_space<vmem>>, vector<16xf32>,
    %get3A_1484 = arith.constant 96 : index
    %get3A_1485 = tpu.vector_load %arg17[%get3A_1484] {strides = array<i32>} : memref<128xf32, #tpu.memory_space<vmem>>, vector<16xf32>,
    %sub3A_1486 = arith.subf %get3A_1483, %get3A_1485 : vector<16xf32>
    %mul3A_1487 = arith.mulf %sub3A_1486, %sub3A_1486 : vector<16xf32>
    %add3A_1488 = arith.addf %add3A_1479, %mul3A_1487 : vector<16xf32>
    %get3A_1489 = arith.constant 19 : i32
    %get3A_1490 = arith.index_cast %get3A_1489 : i32 to index
    %get3A_1491 = arith.constant 112 : index
    %get3A_1492 = tpu.vector_load %arg16[%get3A_1490, %get3A_1491] {strides = array<i32>} : memref<32x128xf32, #tpu.memory_space<vmem>>, vector<16xf32>,
    %get3A_1493 = arith.constant 112 : index
    %get3A_1494 = tpu.vector_load %arg17[%get3A_1493] {strides = array<i32>} : memref<128xf32, #tpu.memory_space<vmem>>, vector<16xf32>,
    %sub3A_1495 = arith.subf %get3A_1492, %get3A_1494 : vector<16xf32>
    %mul3A_1496 = arith.mulf %sub3A_1495, %sub3A_1495 : vector<16xf32>
    %add3A_1497 = arith.addf %add3A_1488, %mul3A_1496 : vector<16xf32>
    %reduce_sum3A_1498 = arith.constant true
    %reduce_sum3A_1499 = vector.broadcast %reduce_sum3A_1498 : i1 to vector<16xi1>
    %reduce_sum3A_1500 = tpu.scan <sum>, %add3A_1497 masked %reduce_sum3A_1499 : vector<16xf32>, vector<16xi1> -> vector<16xf32>
    %reduce_sum3A_1501 = vector.extract %reduce_sum3A_1500[15] : f32 from vector<16xf32>
    %broadcast_in_dim3A_1502 = vector.broadcast %reduce_sum3A_1501 : f32 to vector<16xf32>
    %select_n3A_1503 = arith.select %eq3A_1423, %broadcast_in_dim3A_1502, %select_n3A_1337 : vector<16xi1>, vector<16xf32>
    %eq3A_1504 = arith.constant 4 : i32
    %eq3A_1505 = vector.broadcast %eq3A_1504 : i32 to vector<16xi32>
    %eq3A_1506 = arith.cmpi eq, %iota3A, %eq3A_1505 : vector<16xi32>
    %broadcast_in_dim3A_1507 = arith.constant 0.000000e+00 : f32
    %broadcast_in_dim3A_1508 = vector.broadcast %broadcast_in_dim3A_1507 : f32 to vector<16xf32>
    %get3A_1509 = arith.constant 4 : i32
    %get3A_1510 = arith.index_cast %get3A_1509 : i32 to index
    %get3A_1511 = arith.constant 0 : index
    %get3A_1512 = tpu.vector_load %arg16[%get3A_1510, %get3A_1511] {strides = array<i32>} : memref<32x128xf32, #tpu.memory_space<vmem>>, vector<16xf32>,
    %get3A_1513 = arith.constant 0 : index
    %get3A_1514 = tpu.vector_load %arg17[%get3A_1513] {strides = array<i32>} : memref<128xf32, #tpu.memory_space<vmem>>, vector<16xf32>,
    %sub3A_1515 = arith.subf %get3A_1512, %get3A_1514 : vector<16xf32>
    %mul3A_1516 = arith.mulf %sub3A_1515, %sub3A_1515 : vector<16xf32>
    %add3A_1517 = arith.addf %broadcast_in_dim3A_1508, %mul3A_1516 : vector<16xf32>
    %get3A_1518 = arith.constant 4 : i32
    %get3A_1519 = arith.index_cast %get3A_1518 : i32 to index
    %get3A_1520 = arith.constant 16 : index
    %get3A_1521 = tpu.vector_load %arg16[%get3A_1519, %get3A_1520] {strides = array<i32>} : memref<32x128xf32, #tpu.memory_space<vmem>>, vector<16xf32>,
    %get3A_1522 = arith.constant 16 : index
    %get3A_1523 = tpu.vector_load %arg17[%get3A_1522] {strides = array<i32>} : memref<128xf32, #tpu.memory_space<vmem>>, vector<16xf32>,
    %sub3A_1524 = arith.subf %get3A_1521, %get3A_1523 : vector<16xf32>
    %mul3A_1525 = arith.mulf %sub3A_1524, %sub3A_1524 : vector<16xf32>
    %add3A_1526 = arith.addf %add3A_1517, %mul3A_1525 : vector<16xf32>
    %get3A_1527 = arith.constant 4 : i32
    %get3A_1528 = arith.index_cast %get3A_1527 : i32 to index
    %get3A_1529 = arith.constant 32 : index
    %get3A_1530 = tpu.vector_load %arg16[%get3A_1528, %get3A_1529] {strides = array<i32>} : memref<32x128xf32, #tpu.memory_space<vmem>>, vector<16xf32>,
    %get3A_1531 = arith.constant 32 : index
    %get3A_1532 = tpu.vector_load %arg17[%get3A_1531] {strides = array<i32>} : memref<128xf32, #tpu.memory_space<vmem>>, vector<16xf32>,
    %sub3A_1533 = arith.subf %get3A_1530, %get3A_1532 : vector<16xf32>
    %mul3A_1534 = arith.mulf %sub3A_1533, %sub3A_1533 : vector<16xf32>
    %add3A_1535 = arith.addf %add3A_1526, %mul3A_1534 : vector<16xf32>
    %get3A_1536 = arith.constant 4 : i32
    %get3A_1537 = arith.index_cast %get3A_1536 : i32 to index
    %get3A_1538 = arith.constant 48 : index
    %get3A_1539 = tpu.vector_load %arg16[%get3A_1537, %get3A_1538] {strides = array<i32>} : memref<32x128xf32, #tpu.memory_space<vmem>>, vector<16xf32>,
    %get3A_1540 = arith.constant 48 : index
    %get3A_1541 = tpu.vector_load %arg17[%get3A_1540] {strides = array<i32>} : memref<128xf32, #tpu.memory_space<vmem>>, vector<16xf32>,
    %sub3A_1542 = arith.subf %get3A_1539, %get3A_1541 : vector<16xf32>
    %mul3A_1543 = arith.mulf %sub3A_1542, %sub3A_1542 : vector<16xf32>
    %add3A_1544 = arith.addf %add3A_1535, %mul3A_1543 : vector<16xf32>
    %get3A_1545 = arith.constant 4 : i32
    %get3A_1546 = arith.index_cast %get3A_1545 : i32 to index
    %get3A_1547 = arith.constant 64 : index
    %get3A_1548 = tpu.vector_load %arg16[%get3A_1546, %get3A_1547] {strides = array<i32>} : memref<32x128xf32, #tpu.memory_space<vmem>>, vector<16xf32>,
    %get3A_1549 = arith.constant 64 : index
    %get3A_1550 = tpu.vector_load %arg17[%get3A_1549] {strides = array<i32>} : memref<128xf32, #tpu.memory_space<vmem>>, vector<16xf32>,
    %sub3A_1551 = arith.subf %get3A_1548, %get3A_1550 : vector<16xf32>
    %mul3A_1552 = arith.mulf %sub3A_1551, %sub3A_1551 : vector<16xf32>
    %add3A_1553 = arith.addf %add3A_1544, %mul3A_1552 : vector<16xf32>
    %get3A_1554 = arith.constant 4 : i32
    %get3A_1555 = arith.index_cast %get3A_1554 : i32 to index
    %get3A_1556 = arith.constant 80 : index
    %get3A_1557 = tpu.vector_load %arg16[%get3A_1555, %get3A_1556] {strides = array<i32>} : memref<32x128xf32, #tpu.memory_space<vmem>>, vector<16xf32>,
    %get3A_1558 = arith.constant 80 : index
    %get3A_1559 = tpu.vector_load %arg17[%get3A_1558] {strides = array<i32>} : memref<128xf32, #tpu.memory_space<vmem>>, vector<16xf32>,
    %sub3A_1560 = arith.subf %get3A_1557, %get3A_1559 : vector<16xf32>
    %mul3A_1561 = arith.mulf %sub3A_1560, %sub3A_1560 : vector<16xf32>
    %add3A_1562 = arith.addf %add3A_1553, %mul3A_1561 : vector<16xf32>
    %get3A_1563 = arith.constant 4 : i32
    %get3A_1564 = arith.index_cast %get3A_1563 : i32 to index
    %get3A_1565 = arith.constant 96 : index
    %get3A_1566 = tpu.vector_load %arg16[%get3A_1564, %get3A_1565] {strides = array<i32>} : memref<32x128xf32, #tpu.memory_space<vmem>>, vector<16xf32>,
    %get3A_1567 = arith.constant 96 : index
    %get3A_1568 = tpu.vector_load %arg17[%get3A_1567] {strides = array<i32>} : memref<128xf32, #tpu.memory_space<vmem>>, vector<16xf32>,
    %sub3A_1569 = arith.subf %get3A_1566, %get3A_1568 : vector<16xf32>
    %mul3A_1570 = arith.mulf %sub3A_1569, %sub3A_1569 : vector<16xf32>
    %add3A_1571 = arith.addf %add3A_1562, %mul3A_1570 : vector<16xf32>
    %get3A_1572 = arith.constant 4 : i32
    %get3A_1573 = arith.index_cast %get3A_1572 : i32 to index
    %get3A_1574 = arith.constant 112 : index
    %get3A_1575 = tpu.vector_load %arg16[%get3A_1573, %get3A_1574] {strides = array<i32>} : memref<32x128xf32, #tpu.memory_space<vmem>>, vector<16xf32>,
    %get3A_1576 = arith.constant 112 : index
    %get3A_1577 = tpu.vector_load %arg17[%get3A_1576] {strides = array<i32>} : memref<128xf32, #tpu.memory_space<vmem>>, vector<16xf32>,
    %sub3A_1578 = arith.subf %get3A_1575, %get3A_1577 : vector<16xf32>
    %mul3A_1579 = arith.mulf %sub3A_1578, %sub3A_1578 : vector<16xf32>
    %add3A_1580 = arith.addf %add3A_1571, %mul3A_1579 : vector<16xf32>
    %reduce_sum3A_1581 = arith.constant true
    %reduce_sum3A_1582 = vector.broadcast %reduce_sum3A_1581 : i1 to vector<16xi1>
    %reduce_sum3A_1583 = tpu.scan <sum>, %add3A_1580 masked %reduce_sum3A_1582 : vector<16xf32>, vector<16xi1> -> vector<16xf32>
    %reduce_sum3A_1584 = vector.extract %reduce_sum3A_1583[15] : f32 from vector<16xf32>
    %broadcast_in_dim3A_1585 = vector.broadcast %reduce_sum3A_1584 : f32 to vector<16xf32>
    %select_n3A_1586 = arith.select %eq3A_1506, %broadcast_in_dim3A_1585, %select_n3A_1420 : vector<16xi1>, vector<16xf32>
    %eq3A_1587 = arith.constant 4 : i32
    %eq3A_1588 = vector.broadcast %eq3A_1587 : i32 to vector<16xi32>
    %eq3A_1589 = arith.cmpi eq, %iota3A, %eq3A_1588 : vector<16xi32>
    %broadcast_in_dim3A_1590 = arith.constant 0.000000e+00 : f32
    %broadcast_in_dim3A_1591 = vector.broadcast %broadcast_in_dim3A_1590 : f32 to vector<16xf32>
    %get3A_1592 = arith.constant 20 : i32
    %get3A_1593 = arith.index_cast %get3A_1592 : i32 to index
    %get3A_1594 = arith.constant 0 : index
    %get3A_1595 = tpu.vector_load %arg16[%get3A_1593, %get3A_1594] {strides = array<i32>} : memref<32x128xf32, #tpu.memory_space<vmem>>, vector<16xf32>,
    %get3A_1596 = arith.constant 0 : index
    %get3A_1597 = tpu.vector_load %arg17[%get3A_1596] {strides = array<i32>} : memref<128xf32, #tpu.memory_space<vmem>>, vector<16xf32>,
    %sub3A_1598 = arith.subf %get3A_1595, %get3A_1597 : vector<16xf32>
    %mul3A_1599 = arith.mulf %sub3A_1598, %sub3A_1598 : vector<16xf32>
    %add3A_1600 = arith.addf %broadcast_in_dim3A_1591, %mul3A_1599 : vector<16xf32>
    %get3A_1601 = arith.constant 20 : i32
    %get3A_1602 = arith.index_cast %get3A_1601 : i32 to index
    %get3A_1603 = arith.constant 16 : index
    %get3A_1604 = tpu.vector_load %arg16[%get3A_1602, %get3A_1603] {strides = array<i32>} : memref<32x128xf32, #tpu.memory_space<vmem>>, vector<16xf32>,
    %get3A_1605 = arith.constant 16 : index
    %get3A_1606 = tpu.vector_load %arg17[%get3A_1605] {strides = array<i32>} : memref<128xf32, #tpu.memory_space<vmem>>, vector<16xf32>,
    %sub3A_1607 = arith.subf %get3A_1604, %get3A_1606 : vector<16xf32>
    %mul3A_1608 = arith.mulf %sub3A_1607, %sub3A_1607 : vector<16xf32>
    %add3A_1609 = arith.addf %add3A_1600, %mul3A_1608 : vector<16xf32>
    %get3A_1610 = arith.constant 20 : i32
    %get3A_1611 = arith.index_cast %get3A_1610 : i32 to index
    %get3A_1612 = arith.constant 32 : index
    %get3A_1613 = tpu.vector_load %arg16[%get3A_1611, %get3A_1612] {strides = array<i32>} : memref<32x128xf32, #tpu.memory_space<vmem>>, vector<16xf32>,
    %get3A_1614 = arith.constant 32 : index
    %get3A_1615 = tpu.vector_load %arg17[%get3A_1614] {strides = array<i32>} : memref<128xf32, #tpu.memory_space<vmem>>, vector<16xf32>,
    %sub3A_1616 = arith.subf %get3A_1613, %get3A_1615 : vector<16xf32>
    %mul3A_1617 = arith.mulf %sub3A_1616, %sub3A_1616 : vector<16xf32>
    %add3A_1618 = arith.addf %add3A_1609, %mul3A_1617 : vector<16xf32>
    %get3A_1619 = arith.constant 20 : i32
    %get3A_1620 = arith.index_cast %get3A_1619 : i32 to index
    %get3A_1621 = arith.constant 48 : index
    %get3A_1622 = tpu.vector_load %arg16[%get3A_1620, %get3A_1621] {strides = array<i32>} : memref<32x128xf32, #tpu.memory_space<vmem>>, vector<16xf32>,
    %get3A_1623 = arith.constant 48 : index
    %get3A_1624 = tpu.vector_load %arg17[%get3A_1623] {strides = array<i32>} : memref<128xf32, #tpu.memory_space<vmem>>, vector<16xf32>,
    %sub3A_1625 = arith.subf %get3A_1622, %get3A_1624 : vector<16xf32>
    %mul3A_1626 = arith.mulf %sub3A_1625, %sub3A_1625 : vector<16xf32>
    %add3A_1627 = arith.addf %add3A_1618, %mul3A_1626 : vector<16xf32>
    %get3A_1628 = arith.constant 20 : i32
    %get3A_1629 = arith.index_cast %get3A_1628 : i32 to index
    %get3A_1630 = arith.constant 64 : index
    %get3A_1631 = tpu.vector_load %arg16[%get3A_1629, %get3A_1630] {strides = array<i32>} : memref<32x128xf32, #tpu.memory_space<vmem>>, vector<16xf32>,
    %get3A_1632 = arith.constant 64 : index
    %get3A_1633 = tpu.vector_load %arg17[%get3A_1632] {strides = array<i32>} : memref<128xf32, #tpu.memory_space<vmem>>, vector<16xf32>,
    %sub3A_1634 = arith.subf %get3A_1631, %get3A_1633 : vector<16xf32>
    %mul3A_1635 = arith.mulf %sub3A_1634, %sub3A_1634 : vector<16xf32>
    %add3A_1636 = arith.addf %add3A_1627, %mul3A_1635 : vector<16xf32>
    %get3A_1637 = arith.constant 20 : i32
    %get3A_1638 = arith.index_cast %get3A_1637 : i32 to index
    %get3A_1639 = arith.constant 80 : index
    %get3A_1640 = tpu.vector_load %arg16[%get3A_1638, %get3A_1639] {strides = array<i32>} : memref<32x128xf32, #tpu.memory_space<vmem>>, vector<16xf32>,
    %get3A_1641 = arith.constant 80 : index
    %get3A_1642 = tpu.vector_load %arg17[%get3A_1641] {strides = array<i32>} : memref<128xf32, #tpu.memory_space<vmem>>, vector<16xf32>,
    %sub3A_1643 = arith.subf %get3A_1640, %get3A_1642 : vector<16xf32>
    %mul3A_1644 = arith.mulf %sub3A_1643, %sub3A_1643 : vector<16xf32>
    %add3A_1645 = arith.addf %add3A_1636, %mul3A_1644 : vector<16xf32>
    %get3A_1646 = arith.constant 20 : i32
    %get3A_1647 = arith.index_cast %get3A_1646 : i32 to index
    %get3A_1648 = arith.constant 96 : index
    %get3A_1649 = tpu.vector_load %arg16[%get3A_1647, %get3A_1648] {strides = array<i32>} : memref<32x128xf32, #tpu.memory_space<vmem>>, vector<16xf32>,
    %get3A_1650 = arith.constant 96 : index
    %get3A_1651 = tpu.vector_load %arg17[%get3A_1650] {strides = array<i32>} : memref<128xf32, #tpu.memory_space<vmem>>, vector<16xf32>,
    %sub3A_1652 = arith.subf %get3A_1649, %get3A_1651 : vector<16xf32>
    %mul3A_1653 = arith.mulf %sub3A_1652, %sub3A_1652 : vector<16xf32>
    %add3A_1654 = arith.addf %add3A_1645, %mul3A_1653 : vector<16xf32>
    %get3A_1655 = arith.constant 20 : i32
    %get3A_1656 = arith.index_cast %get3A_1655 : i32 to index
    %get3A_1657 = arith.constant 112 : index
    %get3A_1658 = tpu.vector_load %arg16[%get3A_1656, %get3A_1657] {strides = array<i32>} : memref<32x128xf32, #tpu.memory_space<vmem>>, vector<16xf32>,
    %get3A_1659 = arith.constant 112 : index
    %get3A_1660 = tpu.vector_load %arg17[%get3A_1659] {strides = array<i32>} : memref<128xf32, #tpu.memory_space<vmem>>, vector<16xf32>,
    %sub3A_1661 = arith.subf %get3A_1658, %get3A_1660 : vector<16xf32>
    %mul3A_1662 = arith.mulf %sub3A_1661, %sub3A_1661 : vector<16xf32>
    %add3A_1663 = arith.addf %add3A_1654, %mul3A_1662 : vector<16xf32>
    %reduce_sum3A_1664 = arith.constant true
    %reduce_sum3A_1665 = vector.broadcast %reduce_sum3A_1664 : i1 to vector<16xi1>
    %reduce_sum3A_1666 = tpu.scan <sum>, %add3A_1663 masked %reduce_sum3A_1665 : vector<16xf32>, vector<16xi1> -> vector<16xf32>
    %reduce_sum3A_1667 = vector.extract %reduce_sum3A_1666[15] : f32 from vector<16xf32>
    %broadcast_in_dim3A_1668 = vector.broadcast %reduce_sum3A_1667 : f32 to vector<16xf32>
    %select_n3A_1669 = arith.select %eq3A_1589, %broadcast_in_dim3A_1668, %select_n3A_1503 : vector<16xi1>, vector<16xf32>
    %eq3A_1670 = arith.constant 5 : i32
    %eq3A_1671 = vector.broadcast %eq3A_1670 : i32 to vector<16xi32>
    %eq3A_1672 = arith.cmpi eq, %iota3A, %eq3A_1671 : vector<16xi32>
    %broadcast_in_dim3A_1673 = arith.constant 0.000000e+00 : f32
    %broadcast_in_dim3A_1674 = vector.broadcast %broadcast_in_dim3A_1673 : f32 to vector<16xf32>
    %get3A_1675 = arith.constant 5 : i32
    %get3A_1676 = arith.index_cast %get3A_1675 : i32 to index
    %get3A_1677 = arith.constant 0 : index
    %get3A_1678 = tpu.vector_load %arg16[%get3A_1676, %get3A_1677] {strides = array<i32>} : memref<32x128xf32, #tpu.memory_space<vmem>>, vector<16xf32>,
    %get3A_1679 = arith.constant 0 : index
    %get3A_1680 = tpu.vector_load %arg17[%get3A_1679] {strides = array<i32>} : memref<128xf32, #tpu.memory_space<vmem>>, vector<16xf32>,
    %sub3A_1681 = arith.subf %get3A_1678, %get3A_1680 : vector<16xf32>
    %mul3A_1682 = arith.mulf %sub3A_1681, %sub3A_1681 : vector<16xf32>
    %add3A_1683 = arith.addf %broadcast_in_dim3A_1674, %mul3A_1682 : vector<16xf32>
    %get3A_1684 = arith.constant 5 : i32
    %get3A_1685 = arith.index_cast %get3A_1684 : i32 to index
    %get3A_1686 = arith.constant 16 : index
    %get3A_1687 = tpu.vector_load %arg16[%get3A_1685, %get3A_1686] {strides = array<i32>} : memref<32x128xf32, #tpu.memory_space<vmem>>, vector<16xf32>,
    %get3A_1688 = arith.constant 16 : index
    %get3A_1689 = tpu.vector_load %arg17[%get3A_1688] {strides = array<i32>} : memref<128xf32, #tpu.memory_space<vmem>>, vector<16xf32>,
    %sub3A_1690 = arith.subf %get3A_1687, %get3A_1689 : vector<16xf32>
    %mul3A_1691 = arith.mulf %sub3A_1690, %sub3A_1690 : vector<16xf32>
    %add3A_1692 = arith.addf %add3A_1683, %mul3A_1691 : vector<16xf32>
    %get3A_1693 = arith.constant 5 : i32
    %get3A_1694 = arith.index_cast %get3A_1693 : i32 to index
    %get3A_1695 = arith.constant 32 : index
    %get3A_1696 = tpu.vector_load %arg16[%get3A_1694, %get3A_1695] {strides = array<i32>} : memref<32x128xf32, #tpu.memory_space<vmem>>, vector<16xf32>,
    %get3A_1697 = arith.constant 32 : index
    %get3A_1698 = tpu.vector_load %arg17[%get3A_1697] {strides = array<i32>} : memref<128xf32, #tpu.memory_space<vmem>>, vector<16xf32>,
    %sub3A_1699 = arith.subf %get3A_1696, %get3A_1698 : vector<16xf32>
    %mul3A_1700 = arith.mulf %sub3A_1699, %sub3A_1699 : vector<16xf32>
    %add3A_1701 = arith.addf %add3A_1692, %mul3A_1700 : vector<16xf32>
    %get3A_1702 = arith.constant 5 : i32
    %get3A_1703 = arith.index_cast %get3A_1702 : i32 to index
    %get3A_1704 = arith.constant 48 : index
    %get3A_1705 = tpu.vector_load %arg16[%get3A_1703, %get3A_1704] {strides = array<i32>} : memref<32x128xf32, #tpu.memory_space<vmem>>, vector<16xf32>,
    %get3A_1706 = arith.constant 48 : index
    %get3A_1707 = tpu.vector_load %arg17[%get3A_1706] {strides = array<i32>} : memref<128xf32, #tpu.memory_space<vmem>>, vector<16xf32>,
    %sub3A_1708 = arith.subf %get3A_1705, %get3A_1707 : vector<16xf32>
    %mul3A_1709 = arith.mulf %sub3A_1708, %sub3A_1708 : vector<16xf32>
    %add3A_1710 = arith.addf %add3A_1701, %mul3A_1709 : vector<16xf32>
    %get3A_1711 = arith.constant 5 : i32
    %get3A_1712 = arith.index_cast %get3A_1711 : i32 to index
    %get3A_1713 = arith.constant 64 : index
    %get3A_1714 = tpu.vector_load %arg16[%get3A_1712, %get3A_1713] {strides = array<i32>} : memref<32x128xf32, #tpu.memory_space<vmem>>, vector<16xf32>,
    %get3A_1715 = arith.constant 64 : index
    %get3A_1716 = tpu.vector_load %arg17[%get3A_1715] {strides = array<i32>} : memref<128xf32, #tpu.memory_space<vmem>>, vector<16xf32>,
    %sub3A_1717 = arith.subf %get3A_1714, %get3A_1716 : vector<16xf32>
    %mul3A_1718 = arith.mulf %sub3A_1717, %sub3A_1717 : vector<16xf32>
    %add3A_1719 = arith.addf %add3A_1710, %mul3A_1718 : vector<16xf32>
    %get3A_1720 = arith.constant 5 : i32
    %get3A_1721 = arith.index_cast %get3A_1720 : i32 to index
    %get3A_1722 = arith.constant 80 : index
    %get3A_1723 = tpu.vector_load %arg16[%get3A_1721, %get3A_1722] {strides = array<i32>} : memref<32x128xf32, #tpu.memory_space<vmem>>, vector<16xf32>,
    %get3A_1724 = arith.constant 80 : index
    %get3A_1725 = tpu.vector_load %arg17[%get3A_1724] {strides = array<i32>} : memref<128xf32, #tpu.memory_space<vmem>>, vector<16xf32>,
    %sub3A_1726 = arith.subf %get3A_1723, %get3A_1725 : vector<16xf32>
    %mul3A_1727 = arith.mulf %sub3A_1726, %sub3A_1726 : vector<16xf32>
    %add3A_1728 = arith.addf %add3A_1719, %mul3A_1727 : vector<16xf32>
    %get3A_1729 = arith.constant 5 : i32
    %get3A_1730 = arith.index_cast %get3A_1729 : i32 to index
    %get3A_1731 = arith.constant 96 : index
    %get3A_1732 = tpu.vector_load %arg16[%get3A_1730, %get3A_1731] {strides = array<i32>} : memref<32x128xf32, #tpu.memory_space<vmem>>, vector<16xf32>,
    %get3A_1733 = arith.constant 96 : index
    %get3A_1734 = tpu.vector_load %arg17[%get3A_1733] {strides = array<i32>} : memref<128xf32, #tpu.memory_space<vmem>>, vector<16xf32>,
    %sub3A_1735 = arith.subf %get3A_1732, %get3A_1734 : vector<16xf32>
    %mul3A_1736 = arith.mulf %sub3A_1735, %sub3A_1735 : vector<16xf32>
    %add3A_1737 = arith.addf %add3A_1728, %mul3A_1736 : vector<16xf32>
    %get3A_1738 = arith.constant 5 : i32
    %get3A_1739 = arith.index_cast %get3A_1738 : i32 to index
    %get3A_1740 = arith.constant 112 : index
    %get3A_1741 = tpu.vector_load %arg16[%get3A_1739, %get3A_1740] {strides = array<i32>} : memref<32x128xf32, #tpu.memory_space<vmem>>, vector<16xf32>,
    %get3A_1742 = arith.constant 112 : index
    %get3A_1743 = tpu.vector_load %arg17[%get3A_1742] {strides = array<i32>} : memref<128xf32, #tpu.memory_space<vmem>>, vector<16xf32>,
    %sub3A_1744 = arith.subf %get3A_1741, %get3A_1743 : vector<16xf32>
    %mul3A_1745 = arith.mulf %sub3A_1744, %sub3A_1744 : vector<16xf32>
    %add3A_1746 = arith.addf %add3A_1737, %mul3A_1745 : vector<16xf32>
    %reduce_sum3A_1747 = arith.constant true
    %reduce_sum3A_1748 = vector.broadcast %reduce_sum3A_1747 : i1 to vector<16xi1>
    %reduce_sum3A_1749 = tpu.scan <sum>, %add3A_1746 masked %reduce_sum3A_1748 : vector<16xf32>, vector<16xi1> -> vector<16xf32>
    %reduce_sum3A_1750 = vector.extract %reduce_sum3A_1749[15] : f32 from vector<16xf32>
    %broadcast_in_dim3A_1751 = vector.broadcast %reduce_sum3A_1750 : f32 to vector<16xf32>
    %select_n3A_1752 = arith.select %eq3A_1672, %broadcast_in_dim3A_1751, %select_n3A_1586 : vector<16xi1>, vector<16xf32>
    %eq3A_1753 = arith.constant 5 : i32
    %eq3A_1754 = vector.broadcast %eq3A_1753 : i32 to vector<16xi32>
    %eq3A_1755 = arith.cmpi eq, %iota3A, %eq3A_1754 : vector<16xi32>
    %broadcast_in_dim3A_1756 = arith.constant 0.000000e+00 : f32
    %broadcast_in_dim3A_1757 = vector.broadcast %broadcast_in_dim3A_1756 : f32 to vector<16xf32>
    %get3A_1758 = arith.constant 21 : i32
    %get3A_1759 = arith.index_cast %get3A_1758 : i32 to index
    %get3A_1760 = arith.constant 0 : index
    %get3A_1761 = tpu.vector_load %arg16[%get3A_1759, %get3A_1760] {strides = array<i32>} : memref<32x128xf32, #tpu.memory_space<vmem>>, vector<16xf32>,
    %get3A_1762 = arith.constant 0 : index
    %get3A_1763 = tpu.vector_load %arg17[%get3A_1762] {strides = array<i32>} : memref<128xf32, #tpu.memory_space<vmem>>, vector<16xf32>,
    %sub3A_1764 = arith.subf %get3A_1761, %get3A_1763 : vector<16xf32>
    %mul3A_1765 = arith.mulf %sub3A_1764, %sub3A_1764 : vector<16xf32>
    %add3A_1766 = arith.addf %broadcast_in_dim3A_1757, %mul3A_1765 : vector<16xf32>
    %get3A_1767 = arith.constant 21 : i32
    %get3A_1768 = arith.index_cast %get3A_1767 : i32 to index
    %get3A_1769 = arith.constant 16 : index
    %get3A_1770 = tpu.vector_load %arg16[%get3A_1768, %get3A_1769] {strides = array<i32>} : memref<32x128xf32, #tpu.memory_space<vmem>>, vector<16xf32>,
    %get3A_1771 = arith.constant 16 : index
    %get3A_1772 = tpu.vector_load %arg17[%get3A_1771] {strides = array<i32>} : memref<128xf32, #tpu.memory_space<vmem>>, vector<16xf32>,
    %sub3A_1773 = arith.subf %get3A_1770, %get3A_1772 : vector<16xf32>
    %mul3A_1774 = arith.mulf %sub3A_1773, %sub3A_1773 : vector<16xf32>
    %add3A_1775 = arith.addf %add3A_1766, %mul3A_1774 : vector<16xf32>
    %get3A_1776 = arith.constant 21 : i32
    %get3A_1777 = arith.index_cast %get3A_1776 : i32 to index
    %get3A_1778 = arith.constant 32 : index
    %get3A_1779 = tpu.vector_load %arg16[%get3A_1777, %get3A_1778] {strides = array<i32>} : memref<32x128xf32, #tpu.memory_space<vmem>>, vector<16xf32>,
    %get3A_1780 = arith.constant 32 : index
    %get3A_1781 = tpu.vector_load %arg17[%get3A_1780] {strides = array<i32>} : memref<128xf32, #tpu.memory_space<vmem>>, vector<16xf32>,
    %sub3A_1782 = arith.subf %get3A_1779, %get3A_1781 : vector<16xf32>
    %mul3A_1783 = arith.mulf %sub3A_1782, %sub3A_1782 : vector<16xf32>
    %add3A_1784 = arith.addf %add3A_1775, %mul3A_1783 : vector<16xf32>
    %get3A_1785 = arith.constant 21 : i32
    %get3A_1786 = arith.index_cast %get3A_1785 : i32 to index
    %get3A_1787 = arith.constant 48 : index
    %get3A_1788 = tpu.vector_load %arg16[%get3A_1786, %get3A_1787] {strides = array<i32>} : memref<32x128xf32, #tpu.memory_space<vmem>>, vector<16xf32>,
    %get3A_1789 = arith.constant 48 : index
    %get3A_1790 = tpu.vector_load %arg17[%get3A_1789] {strides = array<i32>} : memref<128xf32, #tpu.memory_space<vmem>>, vector<16xf32>,
    %sub3A_1791 = arith.subf %get3A_1788, %get3A_1790 : vector<16xf32>
    %mul3A_1792 = arith.mulf %sub3A_1791, %sub3A_1791 : vector<16xf32>
    %add3A_1793 = arith.addf %add3A_1784, %mul3A_1792 : vector<16xf32>
    %get3A_1794 = arith.constant 21 : i32
    %get3A_1795 = arith.index_cast %get3A_1794 : i32 to index
    %get3A_1796 = arith.constant 64 : index
    %get3A_1797 = tpu.vector_load %arg16[%get3A_1795, %get3A_1796] {strides = array<i32>} : memref<32x128xf32, #tpu.memory_space<vmem>>, vector<16xf32>,
    %get3A_1798 = arith.constant 64 : index
    %get3A_1799 = tpu.vector_load %arg17[%get3A_1798] {strides = array<i32>} : memref<128xf32, #tpu.memory_space<vmem>>, vector<16xf32>,
    %sub3A_1800 = arith.subf %get3A_1797, %get3A_1799 : vector<16xf32>
    %mul3A_1801 = arith.mulf %sub3A_1800, %sub3A_1800 : vector<16xf32>
    %add3A_1802 = arith.addf %add3A_1793, %mul3A_1801 : vector<16xf32>
    %get3A_1803 = arith.constant 21 : i32
    %get3A_1804 = arith.index_cast %get3A_1803 : i32 to index
    %get3A_1805 = arith.constant 80 : index
    %get3A_1806 = tpu.vector_load %arg16[%get3A_1804, %get3A_1805] {strides = array<i32>} : memref<32x128xf32, #tpu.memory_space<vmem>>, vector<16xf32>,
    %get3A_1807 = arith.constant 80 : index
    %get3A_1808 = tpu.vector_load %arg17[%get3A_1807] {strides = array<i32>} : memref<128xf32, #tpu.memory_space<vmem>>, vector<16xf32>,
    %sub3A_1809 = arith.subf %get3A_1806, %get3A_1808 : vector<16xf32>
    %mul3A_1810 = arith.mulf %sub3A_1809, %sub3A_1809 : vector<16xf32>
    %add3A_1811 = arith.addf %add3A_1802, %mul3A_1810 : vector<16xf32>
    %get3A_1812 = arith.constant 21 : i32
    %get3A_1813 = arith.index_cast %get3A_1812 : i32 to index
    %get3A_1814 = arith.constant 96 : index
    %get3A_1815 = tpu.vector_load %arg16[%get3A_1813, %get3A_1814] {strides = array<i32>} : memref<32x128xf32, #tpu.memory_space<vmem>>, vector<16xf32>,
    %get3A_1816 = arith.constant 96 : index
    %get3A_1817 = tpu.vector_load %arg17[%get3A_1816] {strides = array<i32>} : memref<128xf32, #tpu.memory_space<vmem>>, vector<16xf32>,
    %sub3A_1818 = arith.subf %get3A_1815, %get3A_1817 : vector<16xf32>
    %mul3A_1819 = arith.mulf %sub3A_1818, %sub3A_1818 : vector<16xf32>
    %add3A_1820 = arith.addf %add3A_1811, %mul3A_1819 : vector<16xf32>
    %get3A_1821 = arith.constant 21 : i32
    %get3A_1822 = arith.index_cast %get3A_1821 : i32 to index
    %get3A_1823 = arith.constant 112 : index
    %get3A_1824 = tpu.vector_load %arg16[%get3A_1822, %get3A_1823] {strides = array<i32>} : memref<32x128xf32, #tpu.memory_space<vmem>>, vector<16xf32>,
    %get3A_1825 = arith.constant 112 : index
    %get3A_1826 = tpu.vector_load %arg17[%get3A_1825] {strides = array<i32>} : memref<128xf32, #tpu.memory_space<vmem>>, vector<16xf32>,
    %sub3A_1827 = arith.subf %get3A_1824, %get3A_1826 : vector<16xf32>
    %mul3A_1828 = arith.mulf %sub3A_1827, %sub3A_1827 : vector<16xf32>
    %add3A_1829 = arith.addf %add3A_1820, %mul3A_1828 : vector<16xf32>
    %reduce_sum3A_1830 = arith.constant true
    %reduce_sum3A_1831 = vector.broadcast %reduce_sum3A_1830 : i1 to vector<16xi1>
    %reduce_sum3A_1832 = tpu.scan <sum>, %add3A_1829 masked %reduce_sum3A_1831 : vector<16xf32>, vector<16xi1> -> vector<16xf32>
    %reduce_sum3A_1833 = vector.extract %reduce_sum3A_1832[15] : f32 from vector<16xf32>
    %broadcast_in_dim3A_1834 = vector.broadcast %reduce_sum3A_1833 : f32 to vector<16xf32>
    %select_n3A_1835 = arith.select %eq3A_1755, %broadcast_in_dim3A_1834, %select_n3A_1669 : vector<16xi1>, vector<16xf32>
    %eq3A_1836 = arith.constant 6 : i32
    %eq3A_1837 = vector.broadcast %eq3A_1836 : i32 to vector<16xi32>
    %eq3A_1838 = arith.cmpi eq, %iota3A, %eq3A_1837 : vector<16xi32>
    %broadcast_in_dim3A_1839 = arith.constant 0.000000e+00 : f32
    %broadcast_in_dim3A_1840 = vector.broadcast %broadcast_in_dim3A_1839 : f32 to vector<16xf32>
    %get3A_1841 = arith.constant 6 : i32
    %get3A_1842 = arith.index_cast %get3A_1841 : i32 to index
    %get3A_1843 = arith.constant 0 : index
    %get3A_1844 = tpu.vector_load %arg16[%get3A_1842, %get3A_1843] {strides = array<i32>} : memref<32x128xf32, #tpu.memory_space<vmem>>, vector<16xf32>,
    %get3A_1845 = arith.constant 0 : index
    %get3A_1846 = tpu.vector_load %arg17[%get3A_1845] {strides = array<i32>} : memref<128xf32, #tpu.memory_space<vmem>>, vector<16xf32>,
    %sub3A_1847 = arith.subf %get3A_1844, %get3A_1846 : vector<16xf32>
    %mul3A_1848 = arith.mulf %sub3A_1847, %sub3A_1847 : vector<16xf32>
    %add3A_1849 = arith.addf %broadcast_in_dim3A_1840, %mul3A_1848 : vector<16xf32>
    %get3A_1850 = arith.constant 6 : i32
    %get3A_1851 = arith.index_cast %get3A_1850 : i32 to index
    %get3A_1852 = arith.constant 16 : index
    %get3A_1853 = tpu.vector_load %arg16[%get3A_1851, %get3A_1852] {strides = array<i32>} : memref<32x128xf32, #tpu.memory_space<vmem>>, vector<16xf32>,
    %get3A_1854 = arith.constant 16 : index
    %get3A_1855 = tpu.vector_load %arg17[%get3A_1854] {strides = array<i32>} : memref<128xf32, #tpu.memory_space<vmem>>, vector<16xf32>,
    %sub3A_1856 = arith.subf %get3A_1853, %get3A_1855 : vector<16xf32>
    %mul3A_1857 = arith.mulf %sub3A_1856, %sub3A_1856 : vector<16xf32>
    %add3A_1858 = arith.addf %add3A_1849, %mul3A_1857 : vector<16xf32>
    %get3A_1859 = arith.constant 6 : i32
    %get3A_1860 = arith.index_cast %get3A_1859 : i32 to index
    %get3A_1861 = arith.constant 32 : index
    %get3A_1862 = tpu.vector_load %arg16[%get3A_1860, %get3A_1861] {strides = array<i32>} : memref<32x128xf32, #tpu.memory_space<vmem>>, vector<16xf32>,
    %get3A_1863 = arith.constant 32 : index
    %get3A_1864 = tpu.vector_load %arg17[%get3A_1863] {strides = array<i32>} : memref<128xf32, #tpu.memory_space<vmem>>, vector<16xf32>,
    %sub3A_1865 = arith.subf %get3A_1862, %get3A_1864 : vector<16xf32>
    %mul3A_1866 = arith.mulf %sub3A_1865, %sub3A_1865 : vector<16xf32>
    %add3A_1867 = arith.addf %add3A_1858, %mul3A_1866 : vector<16xf32>
    %get3A_1868 = arith.constant 6 : i32
    %get3A_1869 = arith.index_cast %get3A_1868 : i32 to index
    %get3A_1870 = arith.constant 48 : index
    %get3A_1871 = tpu.vector_load %arg16[%get3A_1869, %get3A_1870] {strides = array<i32>} : memref<32x128xf32, #tpu.memory_space<vmem>>, vector<16xf32>,
    %get3A_1872 = arith.constant 48 : index
    %get3A_1873 = tpu.vector_load %arg17[%get3A_1872] {strides = array<i32>} : memref<128xf32, #tpu.memory_space<vmem>>, vector<16xf32>,
    %sub3A_1874 = arith.subf %get3A_1871, %get3A_1873 : vector<16xf32>
    %mul3A_1875 = arith.mulf %sub3A_1874, %sub3A_1874 : vector<16xf32>
    %add3A_1876 = arith.addf %add3A_1867, %mul3A_1875 : vector<16xf32>
    %get3A_1877 = arith.constant 6 : i32
    %get3A_1878 = arith.index_cast %get3A_1877 : i32 to index
    %get3A_1879 = arith.constant 64 : index
    %get3A_1880 = tpu.vector_load %arg16[%get3A_1878, %get3A_1879] {strides = array<i32>} : memref<32x128xf32, #tpu.memory_space<vmem>>, vector<16xf32>,
    %get3A_1881 = arith.constant 64 : index
    %get3A_1882 = tpu.vector_load %arg17[%get3A_1881] {strides = array<i32>} : memref<128xf32, #tpu.memory_space<vmem>>, vector<16xf32>,
    %sub3A_1883 = arith.subf %get3A_1880, %get3A_1882 : vector<16xf32>
    %mul3A_1884 = arith.mulf %sub3A_1883, %sub3A_1883 : vector<16xf32>
    %add3A_1885 = arith.addf %add3A_1876, %mul3A_1884 : vector<16xf32>
    %get3A_1886 = arith.constant 6 : i32
    %get3A_1887 = arith.index_cast %get3A_1886 : i32 to index
    %get3A_1888 = arith.constant 80 : index
    %get3A_1889 = tpu.vector_load %arg16[%get3A_1887, %get3A_1888] {strides = array<i32>} : memref<32x128xf32, #tpu.memory_space<vmem>>, vector<16xf32>,
    %get3A_1890 = arith.constant 80 : index
    %get3A_1891 = tpu.vector_load %arg17[%get3A_1890] {strides = array<i32>} : memref<128xf32, #tpu.memory_space<vmem>>, vector<16xf32>,
    %sub3A_1892 = arith.subf %get3A_1889, %get3A_1891 : vector<16xf32>
    %mul3A_1893 = arith.mulf %sub3A_1892, %sub3A_1892 : vector<16xf32>
    %add3A_1894 = arith.addf %add3A_1885, %mul3A_1893 : vector<16xf32>
    %get3A_1895 = arith.constant 6 : i32
    %get3A_1896 = arith.index_cast %get3A_1895 : i32 to index
    %get3A_1897 = arith.constant 96 : index
    %get3A_1898 = tpu.vector_load %arg16[%get3A_1896, %get3A_1897] {strides = array<i32>} : memref<32x128xf32, #tpu.memory_space<vmem>>, vector<16xf32>,
    %get3A_1899 = arith.constant 96 : index
    %get3A_1900 = tpu.vector_load %arg17[%get3A_1899] {strides = array<i32>} : memref<128xf32, #tpu.memory_space<vmem>>, vector<16xf32>,
    %sub3A_1901 = arith.subf %get3A_1898, %get3A_1900 : vector<16xf32>
    %mul3A_1902 = arith.mulf %sub3A_1901, %sub3A_1901 : vector<16xf32>
    %add3A_1903 = arith.addf %add3A_1894, %mul3A_1902 : vector<16xf32>
    %get3A_1904 = arith.constant 6 : i32
    %get3A_1905 = arith.index_cast %get3A_1904 : i32 to index
    %get3A_1906 = arith.constant 112 : index
    %get3A_1907 = tpu.vector_load %arg16[%get3A_1905, %get3A_1906] {strides = array<i32>} : memref<32x128xf32, #tpu.memory_space<vmem>>, vector<16xf32>,
    %get3A_1908 = arith.constant 112 : index
    %get3A_1909 = tpu.vector_load %arg17[%get3A_1908] {strides = array<i32>} : memref<128xf32, #tpu.memory_space<vmem>>, vector<16xf32>,
    %sub3A_1910 = arith.subf %get3A_1907, %get3A_1909 : vector<16xf32>
    %mul3A_1911 = arith.mulf %sub3A_1910, %sub3A_1910 : vector<16xf32>
    %add3A_1912 = arith.addf %add3A_1903, %mul3A_1911 : vector<16xf32>
    %reduce_sum3A_1913 = arith.constant true
    %reduce_sum3A_1914 = vector.broadcast %reduce_sum3A_1913 : i1 to vector<16xi1>
    %reduce_sum3A_1915 = tpu.scan <sum>, %add3A_1912 masked %reduce_sum3A_1914 : vector<16xf32>, vector<16xi1> -> vector<16xf32>
    %reduce_sum3A_1916 = vector.extract %reduce_sum3A_1915[15] : f32 from vector<16xf32>
    %broadcast_in_dim3A_1917 = vector.broadcast %reduce_sum3A_1916 : f32 to vector<16xf32>
    %select_n3A_1918 = arith.select %eq3A_1838, %broadcast_in_dim3A_1917, %select_n3A_1752 : vector<16xi1>, vector<16xf32>
    %eq3A_1919 = arith.constant 6 : i32
    %eq3A_1920 = vector.broadcast %eq3A_1919 : i32 to vector<16xi32>
    %eq3A_1921 = arith.cmpi eq, %iota3A, %eq3A_1920 : vector<16xi32>
    %broadcast_in_dim3A_1922 = arith.constant 0.000000e+00 : f32
    %broadcast_in_dim3A_1923 = vector.broadcast %broadcast_in_dim3A_1922 : f32 to vector<16xf32>
    %get3A_1924 = arith.constant 22 : i32
    %get3A_1925 = arith.index_cast %get3A_1924 : i32 to index
    %get3A_1926 = arith.constant 0 : index
    %get3A_1927 = tpu.vector_load %arg16[%get3A_1925, %get3A_1926] {strides = array<i32>} : memref<32x128xf32, #tpu.memory_space<vmem>>, vector<16xf32>,
    %get3A_1928 = arith.constant 0 : index
    %get3A_1929 = tpu.vector_load %arg17[%get3A_1928] {strides = array<i32>} : memref<128xf32, #tpu.memory_space<vmem>>, vector<16xf32>,
    %sub3A_1930 = arith.subf %get3A_1927, %get3A_1929 : vector<16xf32>
    %mul3A_1931 = arith.mulf %sub3A_1930, %sub3A_1930 : vector<16xf32>
    %add3A_1932 = arith.addf %broadcast_in_dim3A_1923, %mul3A_1931 : vector<16xf32>
    %get3A_1933 = arith.constant 22 : i32
    %get3A_1934 = arith.index_cast %get3A_1933 : i32 to index
    %get3A_1935 = arith.constant 16 : index
    %get3A_1936 = tpu.vector_load %arg16[%get3A_1934, %get3A_1935] {strides = array<i32>} : memref<32x128xf32, #tpu.memory_space<vmem>>, vector<16xf32>,
    %get3A_1937 = arith.constant 16 : index
    %get3A_1938 = tpu.vector_load %arg17[%get3A_1937] {strides = array<i32>} : memref<128xf32, #tpu.memory_space<vmem>>, vector<16xf32>,
    %sub3A_1939 = arith.subf %get3A_1936, %get3A_1938 : vector<16xf32>
    %mul3A_1940 = arith.mulf %sub3A_1939, %sub3A_1939 : vector<16xf32>
    %add3A_1941 = arith.addf %add3A_1932, %mul3A_1940 : vector<16xf32>
    %get3A_1942 = arith.constant 22 : i32
    %get3A_1943 = arith.index_cast %get3A_1942 : i32 to index
    %get3A_1944 = arith.constant 32 : index
    %get3A_1945 = tpu.vector_load %arg16[%get3A_1943, %get3A_1944] {strides = array<i32>} : memref<32x128xf32, #tpu.memory_space<vmem>>, vector<16xf32>,
    %get3A_1946 = arith.constant 32 : index
    %get3A_1947 = tpu.vector_load %arg17[%get3A_1946] {strides = array<i32>} : memref<128xf32, #tpu.memory_space<vmem>>, vector<16xf32>,
    %sub3A_1948 = arith.subf %get3A_1945, %get3A_1947 : vector<16xf32>
    %mul3A_1949 = arith.mulf %sub3A_1948, %sub3A_1948 : vector<16xf32>
    %add3A_1950 = arith.addf %add3A_1941, %mul3A_1949 : vector<16xf32>
    %get3A_1951 = arith.constant 22 : i32
    %get3A_1952 = arith.index_cast %get3A_1951 : i32 to index
    %get3A_1953 = arith.constant 48 : index
    %get3A_1954 = tpu.vector_load %arg16[%get3A_1952, %get3A_1953] {strides = array<i32>} : memref<32x128xf32, #tpu.memory_space<vmem>>, vector<16xf32>,
    %get3A_1955 = arith.constant 48 : index
    %get3A_1956 = tpu.vector_load %arg17[%get3A_1955] {strides = array<i32>} : memref<128xf32, #tpu.memory_space<vmem>>, vector<16xf32>,
    %sub3A_1957 = arith.subf %get3A_1954, %get3A_1956 : vector<16xf32>
    %mul3A_1958 = arith.mulf %sub3A_1957, %sub3A_1957 : vector<16xf32>
    %add3A_1959 = arith.addf %add3A_1950, %mul3A_1958 : vector<16xf32>
    %get3A_1960 = arith.constant 22 : i32
    %get3A_1961 = arith.index_cast %get3A_1960 : i32 to index
    %get3A_1962 = arith.constant 64 : index
    %get3A_1963 = tpu.vector_load %arg16[%get3A_1961, %get3A_1962] {strides = array<i32>} : memref<32x128xf32, #tpu.memory_space<vmem>>, vector<16xf32>,
    %get3A_1964 = arith.constant 64 : index
    %get3A_1965 = tpu.vector_load %arg17[%get3A_1964] {strides = array<i32>} : memref<128xf32, #tpu.memory_space<vmem>>, vector<16xf32>,
    %sub3A_1966 = arith.subf %get3A_1963, %get3A_1965 : vector<16xf32>
    %mul3A_1967 = arith.mulf %sub3A_1966, %sub3A_1966 : vector<16xf32>
    %add3A_1968 = arith.addf %add3A_1959, %mul3A_1967 : vector<16xf32>
    %get3A_1969 = arith.constant 22 : i32
    %get3A_1970 = arith.index_cast %get3A_1969 : i32 to index
    %get3A_1971 = arith.constant 80 : index
    %get3A_1972 = tpu.vector_load %arg16[%get3A_1970, %get3A_1971] {strides = array<i32>} : memref<32x128xf32, #tpu.memory_space<vmem>>, vector<16xf32>,
    %get3A_1973 = arith.constant 80 : index
    %get3A_1974 = tpu.vector_load %arg17[%get3A_1973] {strides = array<i32>} : memref<128xf32, #tpu.memory_space<vmem>>, vector<16xf32>,
    %sub3A_1975 = arith.subf %get3A_1972, %get3A_1974 : vector<16xf32>
    %mul3A_1976 = arith.mulf %sub3A_1975, %sub3A_1975 : vector<16xf32>
    %add3A_1977 = arith.addf %add3A_1968, %mul3A_1976 : vector<16xf32>
    %get3A_1978 = arith.constant 22 : i32
    %get3A_1979 = arith.index_cast %get3A_1978 : i32 to index
    %get3A_1980 = arith.constant 96 : index
    %get3A_1981 = tpu.vector_load %arg16[%get3A_1979, %get3A_1980] {strides = array<i32>} : memref<32x128xf32, #tpu.memory_space<vmem>>, vector<16xf32>,
    %get3A_1982 = arith.constant 96 : index
    %get3A_1983 = tpu.vector_load %arg17[%get3A_1982] {strides = array<i32>} : memref<128xf32, #tpu.memory_space<vmem>>, vector<16xf32>,
    %sub3A_1984 = arith.subf %get3A_1981, %get3A_1983 : vector<16xf32>
    %mul3A_1985 = arith.mulf %sub3A_1984, %sub3A_1984 : vector<16xf32>
    %add3A_1986 = arith.addf %add3A_1977, %mul3A_1985 : vector<16xf32>
    %get3A_1987 = arith.constant 22 : i32
    %get3A_1988 = arith.index_cast %get3A_1987 : i32 to index
    %get3A_1989 = arith.constant 112 : index
    %get3A_1990 = tpu.vector_load %arg16[%get3A_1988, %get3A_1989] {strides = array<i32>} : memref<32x128xf32, #tpu.memory_space<vmem>>, vector<16xf32>,
    %get3A_1991 = arith.constant 112 : index
    %get3A_1992 = tpu.vector_load %arg17[%get3A_1991] {strides = array<i32>} : memref<128xf32, #tpu.memory_space<vmem>>, vector<16xf32>,
    %sub3A_1993 = arith.subf %get3A_1990, %get3A_1992 : vector<16xf32>
    %mul3A_1994 = arith.mulf %sub3A_1993, %sub3A_1993 : vector<16xf32>
    %add3A_1995 = arith.addf %add3A_1986, %mul3A_1994 : vector<16xf32>
    %reduce_sum3A_1996 = arith.constant true
    %reduce_sum3A_1997 = vector.broadcast %reduce_sum3A_1996 : i1 to vector<16xi1>
    %reduce_sum3A_1998 = tpu.scan <sum>, %add3A_1995 masked %reduce_sum3A_1997 : vector<16xf32>, vector<16xi1> -> vector<16xf32>
    %reduce_sum3A_1999 = vector.extract %reduce_sum3A_1998[15] : f32 from vector<16xf32>
    %broadcast_in_dim3A_2000 = vector.broadcast %reduce_sum3A_1999 : f32 to vector<16xf32>
    %select_n3A_2001 = arith.select %eq3A_1921, %broadcast_in_dim3A_2000, %select_n3A_1835 : vector<16xi1>, vector<16xf32>
    %eq3A_2002 = arith.constant 7 : i32
    %eq3A_2003 = vector.broadcast %eq3A_2002 : i32 to vector<16xi32>
    %eq3A_2004 = arith.cmpi eq, %iota3A, %eq3A_2003 : vector<16xi32>
    %broadcast_in_dim3A_2005 = arith.constant 0.000000e+00 : f32
    %broadcast_in_dim3A_2006 = vector.broadcast %broadcast_in_dim3A_2005 : f32 to vector<16xf32>
    %get3A_2007 = arith.constant 7 : i32
    %get3A_2008 = arith.index_cast %get3A_2007 : i32 to index
    %get3A_2009 = arith.constant 0 : index
    %get3A_2010 = tpu.vector_load %arg16[%get3A_2008, %get3A_2009] {strides = array<i32>} : memref<32x128xf32, #tpu.memory_space<vmem>>, vector<16xf32>,
    %get3A_2011 = arith.constant 0 : index
    %get3A_2012 = tpu.vector_load %arg17[%get3A_2011] {strides = array<i32>} : memref<128xf32, #tpu.memory_space<vmem>>, vector<16xf32>,
    %sub3A_2013 = arith.subf %get3A_2010, %get3A_2012 : vector<16xf32>
    %mul3A_2014 = arith.mulf %sub3A_2013, %sub3A_2013 : vector<16xf32>
    %add3A_2015 = arith.addf %broadcast_in_dim3A_2006, %mul3A_2014 : vector<16xf32>
    %get3A_2016 = arith.constant 7 : i32
    %get3A_2017 = arith.index_cast %get3A_2016 : i32 to index
    %get3A_2018 = arith.constant 16 : index
    %get3A_2019 = tpu.vector_load %arg16[%get3A_2017, %get3A_2018] {strides = array<i32>} : memref<32x128xf32, #tpu.memory_space<vmem>>, vector<16xf32>,
    %get3A_2020 = arith.constant 16 : index
    %get3A_2021 = tpu.vector_load %arg17[%get3A_2020] {strides = array<i32>} : memref<128xf32, #tpu.memory_space<vmem>>, vector<16xf32>,
    %sub3A_2022 = arith.subf %get3A_2019, %get3A_2021 : vector<16xf32>
    %mul3A_2023 = arith.mulf %sub3A_2022, %sub3A_2022 : vector<16xf32>
    %add3A_2024 = arith.addf %add3A_2015, %mul3A_2023 : vector<16xf32>
    %get3A_2025 = arith.constant 7 : i32
    %get3A_2026 = arith.index_cast %get3A_2025 : i32 to index
    %get3A_2027 = arith.constant 32 : index
    %get3A_2028 = tpu.vector_load %arg16[%get3A_2026, %get3A_2027] {strides = array<i32>} : memref<32x128xf32, #tpu.memory_space<vmem>>, vector<16xf32>,
    %get3A_2029 = arith.constant 32 : index
    %get3A_2030 = tpu.vector_load %arg17[%get3A_2029] {strides = array<i32>} : memref<128xf32, #tpu.memory_space<vmem>>, vector<16xf32>,
    %sub3A_2031 = arith.subf %get3A_2028, %get3A_2030 : vector<16xf32>
    %mul3A_2032 = arith.mulf %sub3A_2031, %sub3A_2031 : vector<16xf32>
    %add3A_2033 = arith.addf %add3A_2024, %mul3A_2032 : vector<16xf32>
    %get3A_2034 = arith.constant 7 : i32
    %get3A_2035 = arith.index_cast %get3A_2034 : i32 to index
    %get3A_2036 = arith.constant 48 : index
    %get3A_2037 = tpu.vector_load %arg16[%get3A_2035, %get3A_2036] {strides = array<i32>} : memref<32x128xf32, #tpu.memory_space<vmem>>, vector<16xf32>,
    %get3A_2038 = arith.constant 48 : index
    %get3A_2039 = tpu.vector_load %arg17[%get3A_2038] {strides = array<i32>} : memref<128xf32, #tpu.memory_space<vmem>>, vector<16xf32>,
    %sub3A_2040 = arith.subf %get3A_2037, %get3A_2039 : vector<16xf32>
    %mul3A_2041 = arith.mulf %sub3A_2040, %sub3A_2040 : vector<16xf32>
    %add3A_2042 = arith.addf %add3A_2033, %mul3A_2041 : vector<16xf32>
    %get3A_2043 = arith.constant 7 : i32
    %get3A_2044 = arith.index_cast %get3A_2043 : i32 to index
    %get3A_2045 = arith.constant 64 : index
    %get3A_2046 = tpu.vector_load %arg16[%get3A_2044, %get3A_2045] {strides = array<i32>} : memref<32x128xf32, #tpu.memory_space<vmem>>, vector<16xf32>,
    %get3A_2047 = arith.constant 64 : index
    %get3A_2048 = tpu.vector_load %arg17[%get3A_2047] {strides = array<i32>} : memref<128xf32, #tpu.memory_space<vmem>>, vector<16xf32>,
    %sub3A_2049 = arith.subf %get3A_2046, %get3A_2048 : vector<16xf32>
    %mul3A_2050 = arith.mulf %sub3A_2049, %sub3A_2049 : vector<16xf32>
    %add3A_2051 = arith.addf %add3A_2042, %mul3A_2050 : vector<16xf32>
    %get3A_2052 = arith.constant 7 : i32
    %get3A_2053 = arith.index_cast %get3A_2052 : i32 to index
    %get3A_2054 = arith.constant 80 : index
    %get3A_2055 = tpu.vector_load %arg16[%get3A_2053, %get3A_2054] {strides = array<i32>} : memref<32x128xf32, #tpu.memory_space<vmem>>, vector<16xf32>,
    %get3A_2056 = arith.constant 80 : index
    %get3A_2057 = tpu.vector_load %arg17[%get3A_2056] {strides = array<i32>} : memref<128xf32, #tpu.memory_space<vmem>>, vector<16xf32>,
    %sub3A_2058 = arith.subf %get3A_2055, %get3A_2057 : vector<16xf32>
    %mul3A_2059 = arith.mulf %sub3A_2058, %sub3A_2058 : vector<16xf32>
    %add3A_2060 = arith.addf %add3A_2051, %mul3A_2059 : vector<16xf32>
    %get3A_2061 = arith.constant 7 : i32
    %get3A_2062 = arith.index_cast %get3A_2061 : i32 to index
    %get3A_2063 = arith.constant 96 : index
    %get3A_2064 = tpu.vector_load %arg16[%get3A_2062, %get3A_2063] {strides = array<i32>} : memref<32x128xf32, #tpu.memory_space<vmem>>, vector<16xf32>,
    %get3A_2065 = arith.constant 96 : index
    %get3A_2066 = tpu.vector_load %arg17[%get3A_2065] {strides = array<i32>} : memref<128xf32, #tpu.memory_space<vmem>>, vector<16xf32>,
    %sub3A_2067 = arith.subf %get3A_2064, %get3A_2066 : vector<16xf32>
    %mul3A_2068 = arith.mulf %sub3A_2067, %sub3A_2067 : vector<16xf32>
    %add3A_2069 = arith.addf %add3A_2060, %mul3A_2068 : vector<16xf32>
    %get3A_2070 = arith.constant 7 : i32
    %get3A_2071 = arith.index_cast %get3A_2070 : i32 to index
    %get3A_2072 = arith.constant 112 : index
    %get3A_2073 = tpu.vector_load %arg16[%get3A_2071, %get3A_2072] {strides = array<i32>} : memref<32x128xf32, #tpu.memory_space<vmem>>, vector<16xf32>,
    %get3A_2074 = arith.constant 112 : index
    %get3A_2075 = tpu.vector_load %arg17[%get3A_2074] {strides = array<i32>} : memref<128xf32, #tpu.memory_space<vmem>>, vector<16xf32>,
    %sub3A_2076 = arith.subf %get3A_2073, %get3A_2075 : vector<16xf32>
    %mul3A_2077 = arith.mulf %sub3A_2076, %sub3A_2076 : vector<16xf32>
    %add3A_2078 = arith.addf %add3A_2069, %mul3A_2077 : vector<16xf32>
    %reduce_sum3A_2079 = arith.constant true
    %reduce_sum3A_2080 = vector.broadcast %reduce_sum3A_2079 : i1 to vector<16xi1>
    %reduce_sum3A_2081 = tpu.scan <sum>, %add3A_2078 masked %reduce_sum3A_2080 : vector<16xf32>, vector<16xi1> -> vector<16xf32>
    %reduce_sum3A_2082 = vector.extract %reduce_sum3A_2081[15] : f32 from vector<16xf32>
    %broadcast_in_dim3A_2083 = vector.broadcast %reduce_sum3A_2082 : f32 to vector<16xf32>
    %select_n3A_2084 = arith.select %eq3A_2004, %broadcast_in_dim3A_2083, %select_n3A_1918 : vector<16xi1>, vector<16xf32>
    %eq3A_2085 = arith.constant 7 : i32
    %eq3A_2086 = vector.broadcast %eq3A_2085 : i32 to vector<16xi32>
    %eq3A_2087 = arith.cmpi eq, %iota3A, %eq3A_2086 : vector<16xi32>
    %broadcast_in_dim3A_2088 = arith.constant 0.000000e+00 : f32
    %broadcast_in_dim3A_2089 = vector.broadcast %broadcast_in_dim3A_2088 : f32 to vector<16xf32>
    %get3A_2090 = arith.constant 23 : i32
    %get3A_2091 = arith.index_cast %get3A_2090 : i32 to index
    %get3A_2092 = arith.constant 0 : index
    %get3A_2093 = tpu.vector_load %arg16[%get3A_2091, %get3A_2092] {strides = array<i32>} : memref<32x128xf32, #tpu.memory_space<vmem>>, vector<16xf32>,
    %get3A_2094 = arith.constant 0 : index
    %get3A_2095 = tpu.vector_load %arg17[%get3A_2094] {strides = array<i32>} : memref<128xf32, #tpu.memory_space<vmem>>, vector<16xf32>,
    %sub3A_2096 = arith.subf %get3A_2093, %get3A_2095 : vector<16xf32>
    %mul3A_2097 = arith.mulf %sub3A_2096, %sub3A_2096 : vector<16xf32>
    %add3A_2098 = arith.addf %broadcast_in_dim3A_2089, %mul3A_2097 : vector<16xf32>
    %get3A_2099 = arith.constant 23 : i32
    %get3A_2100 = arith.index_cast %get3A_2099 : i32 to index
    %get3A_2101 = arith.constant 16 : index
    %get3A_2102 = tpu.vector_load %arg16[%get3A_2100, %get3A_2101] {strides = array<i32>} : memref<32x128xf32, #tpu.memory_space<vmem>>, vector<16xf32>,
    %get3A_2103 = arith.constant 16 : index
    %get3A_2104 = tpu.vector_load %arg17[%get3A_2103] {strides = array<i32>} : memref<128xf32, #tpu.memory_space<vmem>>, vector<16xf32>,
    %sub3A_2105 = arith.subf %get3A_2102, %get3A_2104 : vector<16xf32>
    %mul3A_2106 = arith.mulf %sub3A_2105, %sub3A_2105 : vector<16xf32>
    %add3A_2107 = arith.addf %add3A_2098, %mul3A_2106 : vector<16xf32>
    %get3A_2108 = arith.constant 23 : i32
    %get3A_2109 = arith.index_cast %get3A_2108 : i32 to index
    %get3A_2110 = arith.constant 32 : index
    %get3A_2111 = tpu.vector_load %arg16[%get3A_2109, %get3A_2110] {strides = array<i32>} : memref<32x128xf32, #tpu.memory_space<vmem>>, vector<16xf32>,
    %get3A_2112 = arith.constant 32 : index
    %get3A_2113 = tpu.vector_load %arg17[%get3A_2112] {strides = array<i32>} : memref<128xf32, #tpu.memory_space<vmem>>, vector<16xf32>,
    %sub3A_2114 = arith.subf %get3A_2111, %get3A_2113 : vector<16xf32>
    %mul3A_2115 = arith.mulf %sub3A_2114, %sub3A_2114 : vector<16xf32>
    %add3A_2116 = arith.addf %add3A_2107, %mul3A_2115 : vector<16xf32>
    %get3A_2117 = arith.constant 23 : i32
    %get3A_2118 = arith.index_cast %get3A_2117 : i32 to index
    %get3A_2119 = arith.constant 48 : index
    %get3A_2120 = tpu.vector_load %arg16[%get3A_2118, %get3A_2119] {strides = array<i32>} : memref<32x128xf32, #tpu.memory_space<vmem>>, vector<16xf32>,
    %get3A_2121 = arith.constant 48 : index
    %get3A_2122 = tpu.vector_load %arg17[%get3A_2121] {strides = array<i32>} : memref<128xf32, #tpu.memory_space<vmem>>, vector<16xf32>,
    %sub3A_2123 = arith.subf %get3A_2120, %get3A_2122 : vector<16xf32>
    %mul3A_2124 = arith.mulf %sub3A_2123, %sub3A_2123 : vector<16xf32>
    %add3A_2125 = arith.addf %add3A_2116, %mul3A_2124 : vector<16xf32>
    %get3A_2126 = arith.constant 23 : i32
    %get3A_2127 = arith.index_cast %get3A_2126 : i32 to index
    %get3A_2128 = arith.constant 64 : index
    %get3A_2129 = tpu.vector_load %arg16[%get3A_2127, %get3A_2128] {strides = array<i32>} : memref<32x128xf32, #tpu.memory_space<vmem>>, vector<16xf32>,
    %get3A_2130 = arith.constant 64 : index
    %get3A_2131 = tpu.vector_load %arg17[%get3A_2130] {strides = array<i32>} : memref<128xf32, #tpu.memory_space<vmem>>, vector<16xf32>,
    %sub3A_2132 = arith.subf %get3A_2129, %get3A_2131 : vector<16xf32>
    %mul3A_2133 = arith.mulf %sub3A_2132, %sub3A_2132 : vector<16xf32>
    %add3A_2134 = arith.addf %add3A_2125, %mul3A_2133 : vector<16xf32>
    %get3A_2135 = arith.constant 23 : i32
    %get3A_2136 = arith.index_cast %get3A_2135 : i32 to index
    %get3A_2137 = arith.constant 80 : index
    %get3A_2138 = tpu.vector_load %arg16[%get3A_2136, %get3A_2137] {strides = array<i32>} : memref<32x128xf32, #tpu.memory_space<vmem>>, vector<16xf32>,
    %get3A_2139 = arith.constant 80 : index
    %get3A_2140 = tpu.vector_load %arg17[%get3A_2139] {strides = array<i32>} : memref<128xf32, #tpu.memory_space<vmem>>, vector<16xf32>,
    %sub3A_2141 = arith.subf %get3A_2138, %get3A_2140 : vector<16xf32>
    %mul3A_2142 = arith.mulf %sub3A_2141, %sub3A_2141 : vector<16xf32>
    %add3A_2143 = arith.addf %add3A_2134, %mul3A_2142 : vector<16xf32>
    %get3A_2144 = arith.constant 23 : i32
    %get3A_2145 = arith.index_cast %get3A_2144 : i32 to index
    %get3A_2146 = arith.constant 96 : index
    %get3A_2147 = tpu.vector_load %arg16[%get3A_2145, %get3A_2146] {strides = array<i32>} : memref<32x128xf32, #tpu.memory_space<vmem>>, vector<16xf32>,
    %get3A_2148 = arith.constant 96 : index
    %get3A_2149 = tpu.vector_load %arg17[%get3A_2148] {strides = array<i32>} : memref<128xf32, #tpu.memory_space<vmem>>, vector<16xf32>,
    %sub3A_2150 = arith.subf %get3A_2147, %get3A_2149 : vector<16xf32>
    %mul3A_2151 = arith.mulf %sub3A_2150, %sub3A_2150 : vector<16xf32>
    %add3A_2152 = arith.addf %add3A_2143, %mul3A_2151 : vector<16xf32>
    %get3A_2153 = arith.constant 23 : i32
    %get3A_2154 = arith.index_cast %get3A_2153 : i32 to index
    %get3A_2155 = arith.constant 112 : index
    %get3A_2156 = tpu.vector_load %arg16[%get3A_2154, %get3A_2155] {strides = array<i32>} : memref<32x128xf32, #tpu.memory_space<vmem>>, vector<16xf32>,
    %get3A_2157 = arith.constant 112 : index
    %get3A_2158 = tpu.vector_load %arg17[%get3A_2157] {strides = array<i32>} : memref<128xf32, #tpu.memory_space<vmem>>, vector<16xf32>,
    %sub3A_2159 = arith.subf %get3A_2156, %get3A_2158 : vector<16xf32>
    %mul3A_2160 = arith.mulf %sub3A_2159, %sub3A_2159 : vector<16xf32>
    %add3A_2161 = arith.addf %add3A_2152, %mul3A_2160 : vector<16xf32>
    %reduce_sum3A_2162 = arith.constant true
    %reduce_sum3A_2163 = vector.broadcast %reduce_sum3A_2162 : i1 to vector<16xi1>
    %reduce_sum3A_2164 = tpu.scan <sum>, %add3A_2161 masked %reduce_sum3A_2163 : vector<16xf32>, vector<16xi1> -> vector<16xf32>
    %reduce_sum3A_2165 = vector.extract %reduce_sum3A_2164[15] : f32 from vector<16xf32>
    %broadcast_in_dim3A_2166 = vector.broadcast %reduce_sum3A_2165 : f32 to vector<16xf32>
    %select_n3A_2167 = arith.select %eq3A_2087, %broadcast_in_dim3A_2166, %select_n3A_2001 : vector<16xi1>, vector<16xf32>
    %eq3A_2168 = arith.constant 8 : i32
    %eq3A_2169 = vector.broadcast %eq3A_2168 : i32 to vector<16xi32>
    %eq3A_2170 = arith.cmpi eq, %iota3A, %eq3A_2169 : vector<16xi32>
    %broadcast_in_dim3A_2171 = arith.constant 0.000000e+00 : f32
    %broadcast_in_dim3A_2172 = vector.broadcast %broadcast_in_dim3A_2171 : f32 to vector<16xf32>
    %get3A_2173 = arith.constant 8 : i32
    %get3A_2174 = arith.index_cast %get3A_2173 : i32 to index
    %get3A_2175 = arith.constant 0 : index
    %get3A_2176 = tpu.vector_load %arg16[%get3A_2174, %get3A_2175] {strides = array<i32>} : memref<32x128xf32, #tpu.memory_space<vmem>>, vector<16xf32>,
    %get3A_2177 = arith.constant 0 : index
    %get3A_2178 = tpu.vector_load %arg17[%get3A_2177] {strides = array<i32>} : memref<128xf32, #tpu.memory_space<vmem>>, vector<16xf32>,
    %sub3A_2179 = arith.subf %get3A_2176, %get3A_2178 : vector<16xf32>
    %mul3A_2180 = arith.mulf %sub3A_2179, %sub3A_2179 : vector<16xf32>
    %add3A_2181 = arith.addf %broadcast_in_dim3A_2172, %mul3A_2180 : vector<16xf32>
    %get3A_2182 = arith.constant 8 : i32
    %get3A_2183 = arith.index_cast %get3A_2182 : i32 to index
    %get3A_2184 = arith.constant 16 : index
    %get3A_2185 = tpu.vector_load %arg16[%get3A_2183, %get3A_2184] {strides = array<i32>} : memref<32x128xf32, #tpu.memory_space<vmem>>, vector<16xf32>,
    %get3A_2186 = arith.constant 16 : index
    %get3A_2187 = tpu.vector_load %arg17[%get3A_2186] {strides = array<i32>} : memref<128xf32, #tpu.memory_space<vmem>>, vector<16xf32>,
    %sub3A_2188 = arith.subf %get3A_2185, %get3A_2187 : vector<16xf32>
    %mul3A_2189 = arith.mulf %sub3A_2188, %sub3A_2188 : vector<16xf32>
    %add3A_2190 = arith.addf %add3A_2181, %mul3A_2189 : vector<16xf32>
    %get3A_2191 = arith.constant 8 : i32
    %get3A_2192 = arith.index_cast %get3A_2191 : i32 to index
    %get3A_2193 = arith.constant 32 : index
    %get3A_2194 = tpu.vector_load %arg16[%get3A_2192, %get3A_2193] {strides = array<i32>} : memref<32x128xf32, #tpu.memory_space<vmem>>, vector<16xf32>,
    %get3A_2195 = arith.constant 32 : index
    %get3A_2196 = tpu.vector_load %arg17[%get3A_2195] {strides = array<i32>} : memref<128xf32, #tpu.memory_space<vmem>>, vector<16xf32>,
    %sub3A_2197 = arith.subf %get3A_2194, %get3A_2196 : vector<16xf32>
    %mul3A_2198 = arith.mulf %sub3A_2197, %sub3A_2197 : vector<16xf32>
    %add3A_2199 = arith.addf %add3A_2190, %mul3A_2198 : vector<16xf32>
    %get3A_2200 = arith.constant 8 : i32
    %get3A_2201 = arith.index_cast %get3A_2200 : i32 to index
    %get3A_2202 = arith.constant 48 : index
    %get3A_2203 = tpu.vector_load %arg16[%get3A_2201, %get3A_2202] {strides = array<i32>} : memref<32x128xf32, #tpu.memory_space<vmem>>, vector<16xf32>,
    %get3A_2204 = arith.constant 48 : index
    %get3A_2205 = tpu.vector_load %arg17[%get3A_2204] {strides = array<i32>} : memref<128xf32, #tpu.memory_space<vmem>>, vector<16xf32>,
    %sub3A_2206 = arith.subf %get3A_2203, %get3A_2205 : vector<16xf32>
    %mul3A_2207 = arith.mulf %sub3A_2206, %sub3A_2206 : vector<16xf32>
    %add3A_2208 = arith.addf %add3A_2199, %mul3A_2207 : vector<16xf32>
    %get3A_2209 = arith.constant 8 : i32
    %get3A_2210 = arith.index_cast %get3A_2209 : i32 to index
    %get3A_2211 = arith.constant 64 : index
    %get3A_2212 = tpu.vector_load %arg16[%get3A_2210, %get3A_2211] {strides = array<i32>} : memref<32x128xf32, #tpu.memory_space<vmem>>, vector<16xf32>,
    %get3A_2213 = arith.constant 64 : index
    %get3A_2214 = tpu.vector_load %arg17[%get3A_2213] {strides = array<i32>} : memref<128xf32, #tpu.memory_space<vmem>>, vector<16xf32>,
    %sub3A_2215 = arith.subf %get3A_2212, %get3A_2214 : vector<16xf32>
    %mul3A_2216 = arith.mulf %sub3A_2215, %sub3A_2215 : vector<16xf32>
    %add3A_2217 = arith.addf %add3A_2208, %mul3A_2216 : vector<16xf32>
    %get3A_2218 = arith.constant 8 : i32
    %get3A_2219 = arith.index_cast %get3A_2218 : i32 to index
    %get3A_2220 = arith.constant 80 : index
    %get3A_2221 = tpu.vector_load %arg16[%get3A_2219, %get3A_2220] {strides = array<i32>} : memref<32x128xf32, #tpu.memory_space<vmem>>, vector<16xf32>,
    %get3A_2222 = arith.constant 80 : index
    %get3A_2223 = tpu.vector_load %arg17[%get3A_2222] {strides = array<i32>} : memref<128xf32, #tpu.memory_space<vmem>>, vector<16xf32>,
    %sub3A_2224 = arith.subf %get3A_2221, %get3A_2223 : vector<16xf32>
    %mul3A_2225 = arith.mulf %sub3A_2224, %sub3A_2224 : vector<16xf32>
    %add3A_2226 = arith.addf %add3A_2217, %mul3A_2225 : vector<16xf32>
    %get3A_2227 = arith.constant 8 : i32
    %get3A_2228 = arith.index_cast %get3A_2227 : i32 to index
    %get3A_2229 = arith.constant 96 : index
    %get3A_2230 = tpu.vector_load %arg16[%get3A_2228, %get3A_2229] {strides = array<i32>} : memref<32x128xf32, #tpu.memory_space<vmem>>, vector<16xf32>,
    %get3A_2231 = arith.constant 96 : index
    %get3A_2232 = tpu.vector_load %arg17[%get3A_2231] {strides = array<i32>} : memref<128xf32, #tpu.memory_space<vmem>>, vector<16xf32>,
    %sub3A_2233 = arith.subf %get3A_2230, %get3A_2232 : vector<16xf32>
    %mul3A_2234 = arith.mulf %sub3A_2233, %sub3A_2233 : vector<16xf32>
    %add3A_2235 = arith.addf %add3A_2226, %mul3A_2234 : vector<16xf32>
    %get3A_2236 = arith.constant 8 : i32
    %get3A_2237 = arith.index_cast %get3A_2236 : i32 to index
    %get3A_2238 = arith.constant 112 : index
    %get3A_2239 = tpu.vector_load %arg16[%get3A_2237, %get3A_2238] {strides = array<i32>} : memref<32x128xf32, #tpu.memory_space<vmem>>, vector<16xf32>,
    %get3A_2240 = arith.constant 112 : index
    %get3A_2241 = tpu.vector_load %arg17[%get3A_2240] {strides = array<i32>} : memref<128xf32, #tpu.memory_space<vmem>>, vector<16xf32>,
    %sub3A_2242 = arith.subf %get3A_2239, %get3A_2241 : vector<16xf32>
    %mul3A_2243 = arith.mulf %sub3A_2242, %sub3A_2242 : vector<16xf32>
    %add3A_2244 = arith.addf %add3A_2235, %mul3A_2243 : vector<16xf32>
    %reduce_sum3A_2245 = arith.constant true
    %reduce_sum3A_2246 = vector.broadcast %reduce_sum3A_2245 : i1 to vector<16xi1>
    %reduce_sum3A_2247 = tpu.scan <sum>, %add3A_2244 masked %reduce_sum3A_2246 : vector<16xf32>, vector<16xi1> -> vector<16xf32>
    %reduce_sum3A_2248 = vector.extract %reduce_sum3A_2247[15] : f32 from vector<16xf32>
    %broadcast_in_dim3A_2249 = vector.broadcast %reduce_sum3A_2248 : f32 to vector<16xf32>
    %select_n3A_2250 = arith.select %eq3A_2170, %broadcast_in_dim3A_2249, %select_n3A_2084 : vector<16xi1>, vector<16xf32>
    %eq3A_2251 = arith.constant 8 : i32
    %eq3A_2252 = vector.broadcast %eq3A_2251 : i32 to vector<16xi32>
    %eq3A_2253 = arith.cmpi eq, %iota3A, %eq3A_2252 : vector<16xi32>
    %broadcast_in_dim3A_2254 = arith.constant 0.000000e+00 : f32
    %broadcast_in_dim3A_2255 = vector.broadcast %broadcast_in_dim3A_2254 : f32 to vector<16xf32>
    %get3A_2256 = arith.constant 24 : i32
    %get3A_2257 = arith.index_cast %get3A_2256 : i32 to index
    %get3A_2258 = arith.constant 0 : index
    %get3A_2259 = tpu.vector_load %arg16[%get3A_2257, %get3A_2258] {strides = array<i32>} : memref<32x128xf32, #tpu.memory_space<vmem>>, vector<16xf32>,
    %get3A_2260 = arith.constant 0 : index
    %get3A_2261 = tpu.vector_load %arg17[%get3A_2260] {strides = array<i32>} : memref<128xf32, #tpu.memory_space<vmem>>, vector<16xf32>,
    %sub3A_2262 = arith.subf %get3A_2259, %get3A_2261 : vector<16xf32>
    %mul3A_2263 = arith.mulf %sub3A_2262, %sub3A_2262 : vector<16xf32>
    %add3A_2264 = arith.addf %broadcast_in_dim3A_2255, %mul3A_2263 : vector<16xf32>
    %get3A_2265 = arith.constant 24 : i32
    %get3A_2266 = arith.index_cast %get3A_2265 : i32 to index
    %get3A_2267 = arith.constant 16 : index
    %get3A_2268 = tpu.vector_load %arg16[%get3A_2266, %get3A_2267] {strides = array<i32>} : memref<32x128xf32, #tpu.memory_space<vmem>>, vector<16xf32>,
    %get3A_2269 = arith.constant 16 : index
    %get3A_2270 = tpu.vector_load %arg17[%get3A_2269] {strides = array<i32>} : memref<128xf32, #tpu.memory_space<vmem>>, vector<16xf32>,
    %sub3A_2271 = arith.subf %get3A_2268, %get3A_2270 : vector<16xf32>
    %mul3A_2272 = arith.mulf %sub3A_2271, %sub3A_2271 : vector<16xf32>
    %add3A_2273 = arith.addf %add3A_2264, %mul3A_2272 : vector<16xf32>
    %get3A_2274 = arith.constant 24 : i32
    %get3A_2275 = arith.index_cast %get3A_2274 : i32 to index
    %get3A_2276 = arith.constant 32 : index
    %get3A_2277 = tpu.vector_load %arg16[%get3A_2275, %get3A_2276] {strides = array<i32>} : memref<32x128xf32, #tpu.memory_space<vmem>>, vector<16xf32>,
    %get3A_2278 = arith.constant 32 : index
    %get3A_2279 = tpu.vector_load %arg17[%get3A_2278] {strides = array<i32>} : memref<128xf32, #tpu.memory_space<vmem>>, vector<16xf32>,
    %sub3A_2280 = arith.subf %get3A_2277, %get3A_2279 : vector<16xf32>
    %mul3A_2281 = arith.mulf %sub3A_2280, %sub3A_2280 : vector<16xf32>
    %add3A_2282 = arith.addf %add3A_2273, %mul3A_2281 : vector<16xf32>
    %get3A_2283 = arith.constant 24 : i32
    %get3A_2284 = arith.index_cast %get3A_2283 : i32 to index
    %get3A_2285 = arith.constant 48 : index
    %get3A_2286 = tpu.vector_load %arg16[%get3A_2284, %get3A_2285] {strides = array<i32>} : memref<32x128xf32, #tpu.memory_space<vmem>>, vector<16xf32>,
    %get3A_2287 = arith.constant 48 : index
    %get3A_2288 = tpu.vector_load %arg17[%get3A_2287] {strides = array<i32>} : memref<128xf32, #tpu.memory_space<vmem>>, vector<16xf32>,
    %sub3A_2289 = arith.subf %get3A_2286, %get3A_2288 : vector<16xf32>
    %mul3A_2290 = arith.mulf %sub3A_2289, %sub3A_2289 : vector<16xf32>
    %add3A_2291 = arith.addf %add3A_2282, %mul3A_2290 : vector<16xf32>
    %get3A_2292 = arith.constant 24 : i32
    %get3A_2293 = arith.index_cast %get3A_2292 : i32 to index
    %get3A_2294 = arith.constant 64 : index
    %get3A_2295 = tpu.vector_load %arg16[%get3A_2293, %get3A_2294] {strides = array<i32>} : memref<32x128xf32, #tpu.memory_space<vmem>>, vector<16xf32>,
    %get3A_2296 = arith.constant 64 : index
    %get3A_2297 = tpu.vector_load %arg17[%get3A_2296] {strides = array<i32>} : memref<128xf32, #tpu.memory_space<vmem>>, vector<16xf32>,
    %sub3A_2298 = arith.subf %get3A_2295, %get3A_2297 : vector<16xf32>
    %mul3A_2299 = arith.mulf %sub3A_2298, %sub3A_2298 : vector<16xf32>
    %add3A_2300 = arith.addf %add3A_2291, %mul3A_2299 : vector<16xf32>
    %get3A_2301 = arith.constant 24 : i32
    %get3A_2302 = arith.index_cast %get3A_2301 : i32 to index
    %get3A_2303 = arith.constant 80 : index
    %get3A_2304 = tpu.vector_load %arg16[%get3A_2302, %get3A_2303] {strides = array<i32>} : memref<32x128xf32, #tpu.memory_space<vmem>>, vector<16xf32>,
    %get3A_2305 = arith.constant 80 : index
    %get3A_2306 = tpu.vector_load %arg17[%get3A_2305] {strides = array<i32>} : memref<128xf32, #tpu.memory_space<vmem>>, vector<16xf32>,
    %sub3A_2307 = arith.subf %get3A_2304, %get3A_2306 : vector<16xf32>
    %mul3A_2308 = arith.mulf %sub3A_2307, %sub3A_2307 : vector<16xf32>
    %add3A_2309 = arith.addf %add3A_2300, %mul3A_2308 : vector<16xf32>
    %get3A_2310 = arith.constant 24 : i32
    %get3A_2311 = arith.index_cast %get3A_2310 : i32 to index
    %get3A_2312 = arith.constant 96 : index
    %get3A_2313 = tpu.vector_load %arg16[%get3A_2311, %get3A_2312] {strides = array<i32>} : memref<32x128xf32, #tpu.memory_space<vmem>>, vector<16xf32>,
    %get3A_2314 = arith.constant 96 : index
    %get3A_2315 = tpu.vector_load %arg17[%get3A_2314] {strides = array<i32>} : memref<128xf32, #tpu.memory_space<vmem>>, vector<16xf32>,
    %sub3A_2316 = arith.subf %get3A_2313, %get3A_2315 : vector<16xf32>
    %mul3A_2317 = arith.mulf %sub3A_2316, %sub3A_2316 : vector<16xf32>
    %add3A_2318 = arith.addf %add3A_2309, %mul3A_2317 : vector<16xf32>
    %get3A_2319 = arith.constant 24 : i32
    %get3A_2320 = arith.index_cast %get3A_2319 : i32 to index
    %get3A_2321 = arith.constant 112 : index
    %get3A_2322 = tpu.vector_load %arg16[%get3A_2320, %get3A_2321] {strides = array<i32>} : memref<32x128xf32, #tpu.memory_space<vmem>>, vector<16xf32>,
    %get3A_2323 = arith.constant 112 : index
    %get3A_2324 = tpu.vector_load %arg17[%get3A_2323] {strides = array<i32>} : memref<128xf32, #tpu.memory_space<vmem>>, vector<16xf32>,
    %sub3A_2325 = arith.subf %get3A_2322, %get3A_2324 : vector<16xf32>
    %mul3A_2326 = arith.mulf %sub3A_2325, %sub3A_2325 : vector<16xf32>
    %add3A_2327 = arith.addf %add3A_2318, %mul3A_2326 : vector<16xf32>
    %reduce_sum3A_2328 = arith.constant true
    %reduce_sum3A_2329 = vector.broadcast %reduce_sum3A_2328 : i1 to vector<16xi1>
    %reduce_sum3A_2330 = tpu.scan <sum>, %add3A_2327 masked %reduce_sum3A_2329 : vector<16xf32>, vector<16xi1> -> vector<16xf32>
    %reduce_sum3A_2331 = vector.extract %reduce_sum3A_2330[15] : f32 from vector<16xf32>
    %broadcast_in_dim3A_2332 = vector.broadcast %reduce_sum3A_2331 : f32 to vector<16xf32>
    %select_n3A_2333 = arith.select %eq3A_2253, %broadcast_in_dim3A_2332, %select_n3A_2167 : vector<16xi1>, vector<16xf32>
    %eq3A_2334 = arith.constant 9 : i32
    %eq3A_2335 = vector.broadcast %eq3A_2334 : i32 to vector<16xi32>
    %eq3A_2336 = arith.cmpi eq, %iota3A, %eq3A_2335 : vector<16xi32>
    %broadcast_in_dim3A_2337 = arith.constant 0.000000e+00 : f32
    %broadcast_in_dim3A_2338 = vector.broadcast %broadcast_in_dim3A_2337 : f32 to vector<16xf32>
    %get3A_2339 = arith.constant 9 : i32
    %get3A_2340 = arith.index_cast %get3A_2339 : i32 to index
    %get3A_2341 = arith.constant 0 : index
    %get3A_2342 = tpu.vector_load %arg16[%get3A_2340, %get3A_2341] {strides = array<i32>} : memref<32x128xf32, #tpu.memory_space<vmem>>, vector<16xf32>,
    %get3A_2343 = arith.constant 0 : index
    %get3A_2344 = tpu.vector_load %arg17[%get3A_2343] {strides = array<i32>} : memref<128xf32, #tpu.memory_space<vmem>>, vector<16xf32>,
    %sub3A_2345 = arith.subf %get3A_2342, %get3A_2344 : vector<16xf32>
    %mul3A_2346 = arith.mulf %sub3A_2345, %sub3A_2345 : vector<16xf32>
    %add3A_2347 = arith.addf %broadcast_in_dim3A_2338, %mul3A_2346 : vector<16xf32>
    %get3A_2348 = arith.constant 9 : i32
    %get3A_2349 = arith.index_cast %get3A_2348 : i32 to index
    %get3A_2350 = arith.constant 16 : index
    %get3A_2351 = tpu.vector_load %arg16[%get3A_2349, %get3A_2350] {strides = array<i32>} : memref<32x128xf32, #tpu.memory_space<vmem>>, vector<16xf32>,
    %get3A_2352 = arith.constant 16 : index
    %get3A_2353 = tpu.vector_load %arg17[%get3A_2352] {strides = array<i32>} : memref<128xf32, #tpu.memory_space<vmem>>, vector<16xf32>,
    %sub3A_2354 = arith.subf %get3A_2351, %get3A_2353 : vector<16xf32>
    %mul3A_2355 = arith.mulf %sub3A_2354, %sub3A_2354 : vector<16xf32>
    %add3A_2356 = arith.addf %add3A_2347, %mul3A_2355 : vector<16xf32>
    %get3A_2357 = arith.constant 9 : i32
    %get3A_2358 = arith.index_cast %get3A_2357 : i32 to index
    %get3A_2359 = arith.constant 32 : index
    %get3A_2360 = tpu.vector_load %arg16[%get3A_2358, %get3A_2359] {strides = array<i32>} : memref<32x128xf32, #tpu.memory_space<vmem>>, vector<16xf32>,
    %get3A_2361 = arith.constant 32 : index
    %get3A_2362 = tpu.vector_load %arg17[%get3A_2361] {strides = array<i32>} : memref<128xf32, #tpu.memory_space<vmem>>, vector<16xf32>,
    %sub3A_2363 = arith.subf %get3A_2360, %get3A_2362 : vector<16xf32>
    %mul3A_2364 = arith.mulf %sub3A_2363, %sub3A_2363 : vector<16xf32>
    %add3A_2365 = arith.addf %add3A_2356, %mul3A_2364 : vector<16xf32>
    %get3A_2366 = arith.constant 9 : i32
    %get3A_2367 = arith.index_cast %get3A_2366 : i32 to index
    %get3A_2368 = arith.constant 48 : index
    %get3A_2369 = tpu.vector_load %arg16[%get3A_2367, %get3A_2368] {strides = array<i32>} : memref<32x128xf32, #tpu.memory_space<vmem>>, vector<16xf32>,
    %get3A_2370 = arith.constant 48 : index
    %get3A_2371 = tpu.vector_load %arg17[%get3A_2370] {strides = array<i32>} : memref<128xf32, #tpu.memory_space<vmem>>, vector<16xf32>,
    %sub3A_2372 = arith.subf %get3A_2369, %get3A_2371 : vector<16xf32>
    %mul3A_2373 = arith.mulf %sub3A_2372, %sub3A_2372 : vector<16xf32>
    %add3A_2374 = arith.addf %add3A_2365, %mul3A_2373 : vector<16xf32>
    %get3A_2375 = arith.constant 9 : i32
    %get3A_2376 = arith.index_cast %get3A_2375 : i32 to index
    %get3A_2377 = arith.constant 64 : index
    %get3A_2378 = tpu.vector_load %arg16[%get3A_2376, %get3A_2377] {strides = array<i32>} : memref<32x128xf32, #tpu.memory_space<vmem>>, vector<16xf32>,
    %get3A_2379 = arith.constant 64 : index
    %get3A_2380 = tpu.vector_load %arg17[%get3A_2379] {strides = array<i32>} : memref<128xf32, #tpu.memory_space<vmem>>, vector<16xf32>,
    %sub3A_2381 = arith.subf %get3A_2378, %get3A_2380 : vector<16xf32>
    %mul3A_2382 = arith.mulf %sub3A_2381, %sub3A_2381 : vector<16xf32>
    %add3A_2383 = arith.addf %add3A_2374, %mul3A_2382 : vector<16xf32>
    %get3A_2384 = arith.constant 9 : i32
    %get3A_2385 = arith.index_cast %get3A_2384 : i32 to index
    %get3A_2386 = arith.constant 80 : index
    %get3A_2387 = tpu.vector_load %arg16[%get3A_2385, %get3A_2386] {strides = array<i32>} : memref<32x128xf32, #tpu.memory_space<vmem>>, vector<16xf32>,
    %get3A_2388 = arith.constant 80 : index
    %get3A_2389 = tpu.vector_load %arg17[%get3A_2388] {strides = array<i32>} : memref<128xf32, #tpu.memory_space<vmem>>, vector<16xf32>,
    %sub3A_2390 = arith.subf %get3A_2387, %get3A_2389 : vector<16xf32>
    %mul3A_2391 = arith.mulf %sub3A_2390, %sub3A_2390 : vector<16xf32>
    %add3A_2392 = arith.addf %add3A_2383, %mul3A_2391 : vector<16xf32>
    %get3A_2393 = arith.constant 9 : i32
    %get3A_2394 = arith.index_cast %get3A_2393 : i32 to index
    %get3A_2395 = arith.constant 96 : index
    %get3A_2396 = tpu.vector_load %arg16[%get3A_2394, %get3A_2395] {strides = array<i32>} : memref<32x128xf32, #tpu.memory_space<vmem>>, vector<16xf32>,
    %get3A_2397 = arith.constant 96 : index
    %get3A_2398 = tpu.vector_load %arg17[%get3A_2397] {strides = array<i32>} : memref<128xf32, #tpu.memory_space<vmem>>, vector<16xf32>,
    %sub3A_2399 = arith.subf %get3A_2396, %get3A_2398 : vector<16xf32>
    %mul3A_2400 = arith.mulf %sub3A_2399, %sub3A_2399 : vector<16xf32>
    %add3A_2401 = arith.addf %add3A_2392, %mul3A_2400 : vector<16xf32>
    %get3A_2402 = arith.constant 9 : i32
    %get3A_2403 = arith.index_cast %get3A_2402 : i32 to index
    %get3A_2404 = arith.constant 112 : index
    %get3A_2405 = tpu.vector_load %arg16[%get3A_2403, %get3A_2404] {strides = array<i32>} : memref<32x128xf32, #tpu.memory_space<vmem>>, vector<16xf32>,
    %get3A_2406 = arith.constant 112 : index
    %get3A_2407 = tpu.vector_load %arg17[%get3A_2406] {strides = array<i32>} : memref<128xf32, #tpu.memory_space<vmem>>, vector<16xf32>,
    %sub3A_2408 = arith.subf %get3A_2405, %get3A_2407 : vector<16xf32>
    %mul3A_2409 = arith.mulf %sub3A_2408, %sub3A_2408 : vector<16xf32>
    %add3A_2410 = arith.addf %add3A_2401, %mul3A_2409 : vector<16xf32>
    %reduce_sum3A_2411 = arith.constant true
    %reduce_sum3A_2412 = vector.broadcast %reduce_sum3A_2411 : i1 to vector<16xi1>
    %reduce_sum3A_2413 = tpu.scan <sum>, %add3A_2410 masked %reduce_sum3A_2412 : vector<16xf32>, vector<16xi1> -> vector<16xf32>
    %reduce_sum3A_2414 = vector.extract %reduce_sum3A_2413[15] : f32 from vector<16xf32>
    %broadcast_in_dim3A_2415 = vector.broadcast %reduce_sum3A_2414 : f32 to vector<16xf32>
    %select_n3A_2416 = arith.select %eq3A_2336, %broadcast_in_dim3A_2415, %select_n3A_2250 : vector<16xi1>, vector<16xf32>
    %eq3A_2417 = arith.constant 9 : i32
    %eq3A_2418 = vector.broadcast %eq3A_2417 : i32 to vector<16xi32>
    %eq3A_2419 = arith.cmpi eq, %iota3A, %eq3A_2418 : vector<16xi32>
    %broadcast_in_dim3A_2420 = arith.constant 0.000000e+00 : f32
    %broadcast_in_dim3A_2421 = vector.broadcast %broadcast_in_dim3A_2420 : f32 to vector<16xf32>
    %get3A_2422 = arith.constant 25 : i32
    %get3A_2423 = arith.index_cast %get3A_2422 : i32 to index
    %get3A_2424 = arith.constant 0 : index
    %get3A_2425 = tpu.vector_load %arg16[%get3A_2423, %get3A_2424] {strides = array<i32>} : memref<32x128xf32, #tpu.memory_space<vmem>>, vector<16xf32>,
    %get3A_2426 = arith.constant 0 : index
    %get3A_2427 = tpu.vector_load %arg17[%get3A_2426] {strides = array<i32>} : memref<128xf32, #tpu.memory_space<vmem>>, vector<16xf32>,
    %sub3A_2428 = arith.subf %get3A_2425, %get3A_2427 : vector<16xf32>
    %mul3A_2429 = arith.mulf %sub3A_2428, %sub3A_2428 : vector<16xf32>
    %add3A_2430 = arith.addf %broadcast_in_dim3A_2421, %mul3A_2429 : vector<16xf32>
    %get3A_2431 = arith.constant 25 : i32
    %get3A_2432 = arith.index_cast %get3A_2431 : i32 to index
    %get3A_2433 = arith.constant 16 : index
    %get3A_2434 = tpu.vector_load %arg16[%get3A_2432, %get3A_2433] {strides = array<i32>} : memref<32x128xf32, #tpu.memory_space<vmem>>, vector<16xf32>,
    %get3A_2435 = arith.constant 16 : index
    %get3A_2436 = tpu.vector_load %arg17[%get3A_2435] {strides = array<i32>} : memref<128xf32, #tpu.memory_space<vmem>>, vector<16xf32>,
    %sub3A_2437 = arith.subf %get3A_2434, %get3A_2436 : vector<16xf32>
    %mul3A_2438 = arith.mulf %sub3A_2437, %sub3A_2437 : vector<16xf32>
    %add3A_2439 = arith.addf %add3A_2430, %mul3A_2438 : vector<16xf32>
    %get3A_2440 = arith.constant 25 : i32
    %get3A_2441 = arith.index_cast %get3A_2440 : i32 to index
    %get3A_2442 = arith.constant 32 : index
    %get3A_2443 = tpu.vector_load %arg16[%get3A_2441, %get3A_2442] {strides = array<i32>} : memref<32x128xf32, #tpu.memory_space<vmem>>, vector<16xf32>,
    %get3A_2444 = arith.constant 32 : index
    %get3A_2445 = tpu.vector_load %arg17[%get3A_2444] {strides = array<i32>} : memref<128xf32, #tpu.memory_space<vmem>>, vector<16xf32>,
    %sub3A_2446 = arith.subf %get3A_2443, %get3A_2445 : vector<16xf32>
    %mul3A_2447 = arith.mulf %sub3A_2446, %sub3A_2446 : vector<16xf32>
    %add3A_2448 = arith.addf %add3A_2439, %mul3A_2447 : vector<16xf32>
    %get3A_2449 = arith.constant 25 : i32
    %get3A_2450 = arith.index_cast %get3A_2449 : i32 to index
    %get3A_2451 = arith.constant 48 : index
    %get3A_2452 = tpu.vector_load %arg16[%get3A_2450, %get3A_2451] {strides = array<i32>} : memref<32x128xf32, #tpu.memory_space<vmem>>, vector<16xf32>,
    %get3A_2453 = arith.constant 48 : index
    %get3A_2454 = tpu.vector_load %arg17[%get3A_2453] {strides = array<i32>} : memref<128xf32, #tpu.memory_space<vmem>>, vector<16xf32>,
    %sub3A_2455 = arith.subf %get3A_2452, %get3A_2454 : vector<16xf32>
    %mul3A_2456 = arith.mulf %sub3A_2455, %sub3A_2455 : vector<16xf32>
    %add3A_2457 = arith.addf %add3A_2448, %mul3A_2456 : vector<16xf32>
    %get3A_2458 = arith.constant 25 : i32
    %get3A_2459 = arith.index_cast %get3A_2458 : i32 to index
    %get3A_2460 = arith.constant 64 : index
    %get3A_2461 = tpu.vector_load %arg16[%get3A_2459, %get3A_2460] {strides = array<i32>} : memref<32x128xf32, #tpu.memory_space<vmem>>, vector<16xf32>,
    %get3A_2462 = arith.constant 64 : index
    %get3A_2463 = tpu.vector_load %arg17[%get3A_2462] {strides = array<i32>} : memref<128xf32, #tpu.memory_space<vmem>>, vector<16xf32>,
    %sub3A_2464 = arith.subf %get3A_2461, %get3A_2463 : vector<16xf32>
    %mul3A_2465 = arith.mulf %sub3A_2464, %sub3A_2464 : vector<16xf32>
    %add3A_2466 = arith.addf %add3A_2457, %mul3A_2465 : vector<16xf32>
    %get3A_2467 = arith.constant 25 : i32
    %get3A_2468 = arith.index_cast %get3A_2467 : i32 to index
    %get3A_2469 = arith.constant 80 : index
    %get3A_2470 = tpu.vector_load %arg16[%get3A_2468, %get3A_2469] {strides = array<i32>} : memref<32x128xf32, #tpu.memory_space<vmem>>, vector<16xf32>,
    %get3A_2471 = arith.constant 80 : index
    %get3A_2472 = tpu.vector_load %arg17[%get3A_2471] {strides = array<i32>} : memref<128xf32, #tpu.memory_space<vmem>>, vector<16xf32>,
    %sub3A_2473 = arith.subf %get3A_2470, %get3A_2472 : vector<16xf32>
    %mul3A_2474 = arith.mulf %sub3A_2473, %sub3A_2473 : vector<16xf32>
    %add3A_2475 = arith.addf %add3A_2466, %mul3A_2474 : vector<16xf32>
    %get3A_2476 = arith.constant 25 : i32
    %get3A_2477 = arith.index_cast %get3A_2476 : i32 to index
    %get3A_2478 = arith.constant 96 : index
    %get3A_2479 = tpu.vector_load %arg16[%get3A_2477, %get3A_2478] {strides = array<i32>} : memref<32x128xf32, #tpu.memory_space<vmem>>, vector<16xf32>,
    %get3A_2480 = arith.constant 96 : index
    %get3A_2481 = tpu.vector_load %arg17[%get3A_2480] {strides = array<i32>} : memref<128xf32, #tpu.memory_space<vmem>>, vector<16xf32>,
    %sub3A_2482 = arith.subf %get3A_2479, %get3A_2481 : vector<16xf32>
    %mul3A_2483 = arith.mulf %sub3A_2482, %sub3A_2482 : vector<16xf32>
    %add3A_2484 = arith.addf %add3A_2475, %mul3A_2483 : vector<16xf32>
    %get3A_2485 = arith.constant 25 : i32
    %get3A_2486 = arith.index_cast %get3A_2485 : i32 to index
    %get3A_2487 = arith.constant 112 : index
    %get3A_2488 = tpu.vector_load %arg16[%get3A_2486, %get3A_2487] {strides = array<i32>} : memref<32x128xf32, #tpu.memory_space<vmem>>, vector<16xf32>,
    %get3A_2489 = arith.constant 112 : index
    %get3A_2490 = tpu.vector_load %arg17[%get3A_2489] {strides = array<i32>} : memref<128xf32, #tpu.memory_space<vmem>>, vector<16xf32>,
    %sub3A_2491 = arith.subf %get3A_2488, %get3A_2490 : vector<16xf32>
    %mul3A_2492 = arith.mulf %sub3A_2491, %sub3A_2491 : vector<16xf32>
    %add3A_2493 = arith.addf %add3A_2484, %mul3A_2492 : vector<16xf32>
    %reduce_sum3A_2494 = arith.constant true
    %reduce_sum3A_2495 = vector.broadcast %reduce_sum3A_2494 : i1 to vector<16xi1>
    %reduce_sum3A_2496 = tpu.scan <sum>, %add3A_2493 masked %reduce_sum3A_2495 : vector<16xf32>, vector<16xi1> -> vector<16xf32>
    %reduce_sum3A_2497 = vector.extract %reduce_sum3A_2496[15] : f32 from vector<16xf32>
    %broadcast_in_dim3A_2498 = vector.broadcast %reduce_sum3A_2497 : f32 to vector<16xf32>
    %select_n3A_2499 = arith.select %eq3A_2419, %broadcast_in_dim3A_2498, %select_n3A_2333 : vector<16xi1>, vector<16xf32>
    %eq3A_2500 = arith.constant 10 : i32
    %eq3A_2501 = vector.broadcast %eq3A_2500 : i32 to vector<16xi32>
    %eq3A_2502 = arith.cmpi eq, %iota3A, %eq3A_2501 : vector<16xi32>
    %broadcast_in_dim3A_2503 = arith.constant 0.000000e+00 : f32
    %broadcast_in_dim3A_2504 = vector.broadcast %broadcast_in_dim3A_2503 : f32 to vector<16xf32>
    %get3A_2505 = arith.constant 10 : i32
    %get3A_2506 = arith.index_cast %get3A_2505 : i32 to index
    %get3A_2507 = arith.constant 0 : index
    %get3A_2508 = tpu.vector_load %arg16[%get3A_2506, %get3A_2507] {strides = array<i32>} : memref<32x128xf32, #tpu.memory_space<vmem>>, vector<16xf32>,
    %get3A_2509 = arith.constant 0 : index
    %get3A_2510 = tpu.vector_load %arg17[%get3A_2509] {strides = array<i32>} : memref<128xf32, #tpu.memory_space<vmem>>, vector<16xf32>,
    %sub3A_2511 = arith.subf %get3A_2508, %get3A_2510 : vector<16xf32>
    %mul3A_2512 = arith.mulf %sub3A_2511, %sub3A_2511 : vector<16xf32>
    %add3A_2513 = arith.addf %broadcast_in_dim3A_2504, %mul3A_2512 : vector<16xf32>
    %get3A_2514 = arith.constant 10 : i32
    %get3A_2515 = arith.index_cast %get3A_2514 : i32 to index
    %get3A_2516 = arith.constant 16 : index
    %get3A_2517 = tpu.vector_load %arg16[%get3A_2515, %get3A_2516] {strides = array<i32>} : memref<32x128xf32, #tpu.memory_space<vmem>>, vector<16xf32>,
    %get3A_2518 = arith.constant 16 : index
    %get3A_2519 = tpu.vector_load %arg17[%get3A_2518] {strides = array<i32>} : memref<128xf32, #tpu.memory_space<vmem>>, vector<16xf32>,
    %sub3A_2520 = arith.subf %get3A_2517, %get3A_2519 : vector<16xf32>
    %mul3A_2521 = arith.mulf %sub3A_2520, %sub3A_2520 : vector<16xf32>
    %add3A_2522 = arith.addf %add3A_2513, %mul3A_2521 : vector<16xf32>
    %get3A_2523 = arith.constant 10 : i32
    %get3A_2524 = arith.index_cast %get3A_2523 : i32 to index
    %get3A_2525 = arith.constant 32 : index
    %get3A_2526 = tpu.vector_load %arg16[%get3A_2524, %get3A_2525] {strides = array<i32>} : memref<32x128xf32, #tpu.memory_space<vmem>>, vector<16xf32>,
    %get3A_2527 = arith.constant 32 : index
    %get3A_2528 = tpu.vector_load %arg17[%get3A_2527] {strides = array<i32>} : memref<128xf32, #tpu.memory_space<vmem>>, vector<16xf32>,
    %sub3A_2529 = arith.subf %get3A_2526, %get3A_2528 : vector<16xf32>
    %mul3A_2530 = arith.mulf %sub3A_2529, %sub3A_2529 : vector<16xf32>
    %add3A_2531 = arith.addf %add3A_2522, %mul3A_2530 : vector<16xf32>
    %get3A_2532 = arith.constant 10 : i32
    %get3A_2533 = arith.index_cast %get3A_2532 : i32 to index
    %get3A_2534 = arith.constant 48 : index
    %get3A_2535 = tpu.vector_load %arg16[%get3A_2533, %get3A_2534] {strides = array<i32>} : memref<32x128xf32, #tpu.memory_space<vmem>>, vector<16xf32>,
    %get3A_2536 = arith.constant 48 : index
    %get3A_2537 = tpu.vector_load %arg17[%get3A_2536] {strides = array<i32>} : memref<128xf32, #tpu.memory_space<vmem>>, vector<16xf32>,
    %sub3A_2538 = arith.subf %get3A_2535, %get3A_2537 : vector<16xf32>
    %mul3A_2539 = arith.mulf %sub3A_2538, %sub3A_2538 : vector<16xf32>
    %add3A_2540 = arith.addf %add3A_2531, %mul3A_2539 : vector<16xf32>
    %get3A_2541 = arith.constant 10 : i32
    %get3A_2542 = arith.index_cast %get3A_2541 : i32 to index
    %get3A_2543 = arith.constant 64 : index
    %get3A_2544 = tpu.vector_load %arg16[%get3A_2542, %get3A_2543] {strides = array<i32>} : memref<32x128xf32, #tpu.memory_space<vmem>>, vector<16xf32>,
    %get3A_2545 = arith.constant 64 : index
    %get3A_2546 = tpu.vector_load %arg17[%get3A_2545] {strides = array<i32>} : memref<128xf32, #tpu.memory_space<vmem>>, vector<16xf32>,
    %sub3A_2547 = arith.subf %get3A_2544, %get3A_2546 : vector<16xf32>
    %mul3A_2548 = arith.mulf %sub3A_2547, %sub3A_2547 : vector<16xf32>
    %add3A_2549 = arith.addf %add3A_2540, %mul3A_2548 : vector<16xf32>
    %get3A_2550 = arith.constant 10 : i32
    %get3A_2551 = arith.index_cast %get3A_2550 : i32 to index
    %get3A_2552 = arith.constant 80 : index
    %get3A_2553 = tpu.vector_load %arg16[%get3A_2551, %get3A_2552] {strides = array<i32>} : memref<32x128xf32, #tpu.memory_space<vmem>>, vector<16xf32>,
    %get3A_2554 = arith.constant 80 : index
    %get3A_2555 = tpu.vector_load %arg17[%get3A_2554] {strides = array<i32>} : memref<128xf32, #tpu.memory_space<vmem>>, vector<16xf32>,
    %sub3A_2556 = arith.subf %get3A_2553, %get3A_2555 : vector<16xf32>
    %mul3A_2557 = arith.mulf %sub3A_2556, %sub3A_2556 : vector<16xf32>
    %add3A_2558 = arith.addf %add3A_2549, %mul3A_2557 : vector<16xf32>
    %get3A_2559 = arith.constant 10 : i32
    %get3A_2560 = arith.index_cast %get3A_2559 : i32 to index
    %get3A_2561 = arith.constant 96 : index
    %get3A_2562 = tpu.vector_load %arg16[%get3A_2560, %get3A_2561] {strides = array<i32>} : memref<32x128xf32, #tpu.memory_space<vmem>>, vector<16xf32>,
    %get3A_2563 = arith.constant 96 : index
    %get3A_2564 = tpu.vector_load %arg17[%get3A_2563] {strides = array<i32>} : memref<128xf32, #tpu.memory_space<vmem>>, vector<16xf32>,
    %sub3A_2565 = arith.subf %get3A_2562, %get3A_2564 : vector<16xf32>
    %mul3A_2566 = arith.mulf %sub3A_2565, %sub3A_2565 : vector<16xf32>
    %add3A_2567 = arith.addf %add3A_2558, %mul3A_2566 : vector<16xf32>
    %get3A_2568 = arith.constant 10 : i32
    %get3A_2569 = arith.index_cast %get3A_2568 : i32 to index
    %get3A_2570 = arith.constant 112 : index
    %get3A_2571 = tpu.vector_load %arg16[%get3A_2569, %get3A_2570] {strides = array<i32>} : memref<32x128xf32, #tpu.memory_space<vmem>>, vector<16xf32>,
    %get3A_2572 = arith.constant 112 : index
    %get3A_2573 = tpu.vector_load %arg17[%get3A_2572] {strides = array<i32>} : memref<128xf32, #tpu.memory_space<vmem>>, vector<16xf32>,
    %sub3A_2574 = arith.subf %get3A_2571, %get3A_2573 : vector<16xf32>
    %mul3A_2575 = arith.mulf %sub3A_2574, %sub3A_2574 : vector<16xf32>
    %add3A_2576 = arith.addf %add3A_2567, %mul3A_2575 : vector<16xf32>
    %reduce_sum3A_2577 = arith.constant true
    %reduce_sum3A_2578 = vector.broadcast %reduce_sum3A_2577 : i1 to vector<16xi1>
    %reduce_sum3A_2579 = tpu.scan <sum>, %add3A_2576 masked %reduce_sum3A_2578 : vector<16xf32>, vector<16xi1> -> vector<16xf32>
    %reduce_sum3A_2580 = vector.extract %reduce_sum3A_2579[15] : f32 from vector<16xf32>
    %broadcast_in_dim3A_2581 = vector.broadcast %reduce_sum3A_2580 : f32 to vector<16xf32>
    %select_n3A_2582 = arith.select %eq3A_2502, %broadcast_in_dim3A_2581, %select_n3A_2416 : vector<16xi1>, vector<16xf32>
    %eq3A_2583 = arith.constant 10 : i32
    %eq3A_2584 = vector.broadcast %eq3A_2583 : i32 to vector<16xi32>
    %eq3A_2585 = arith.cmpi eq, %iota3A, %eq3A_2584 : vector<16xi32>
    %broadcast_in_dim3A_2586 = arith.constant 0.000000e+00 : f32
    %broadcast_in_dim3A_2587 = vector.broadcast %broadcast_in_dim3A_2586 : f32 to vector<16xf32>
    %get3A_2588 = arith.constant 26 : i32
    %get3A_2589 = arith.index_cast %get3A_2588 : i32 to index
    %get3A_2590 = arith.constant 0 : index
    %get3A_2591 = tpu.vector_load %arg16[%get3A_2589, %get3A_2590] {strides = array<i32>} : memref<32x128xf32, #tpu.memory_space<vmem>>, vector<16xf32>,
    %get3A_2592 = arith.constant 0 : index
    %get3A_2593 = tpu.vector_load %arg17[%get3A_2592] {strides = array<i32>} : memref<128xf32, #tpu.memory_space<vmem>>, vector<16xf32>,
    %sub3A_2594 = arith.subf %get3A_2591, %get3A_2593 : vector<16xf32>
    %mul3A_2595 = arith.mulf %sub3A_2594, %sub3A_2594 : vector<16xf32>
    %add3A_2596 = arith.addf %broadcast_in_dim3A_2587, %mul3A_2595 : vector<16xf32>
    %get3A_2597 = arith.constant 26 : i32
    %get3A_2598 = arith.index_cast %get3A_2597 : i32 to index
    %get3A_2599 = arith.constant 16 : index
    %get3A_2600 = tpu.vector_load %arg16[%get3A_2598, %get3A_2599] {strides = array<i32>} : memref<32x128xf32, #tpu.memory_space<vmem>>, vector<16xf32>,
    %get3A_2601 = arith.constant 16 : index
    %get3A_2602 = tpu.vector_load %arg17[%get3A_2601] {strides = array<i32>} : memref<128xf32, #tpu.memory_space<vmem>>, vector<16xf32>,
    %sub3A_2603 = arith.subf %get3A_2600, %get3A_2602 : vector<16xf32>
    %mul3A_2604 = arith.mulf %sub3A_2603, %sub3A_2603 : vector<16xf32>
    %add3A_2605 = arith.addf %add3A_2596, %mul3A_2604 : vector<16xf32>
    %get3A_2606 = arith.constant 26 : i32
    %get3A_2607 = arith.index_cast %get3A_2606 : i32 to index
    %get3A_2608 = arith.constant 32 : index
    %get3A_2609 = tpu.vector_load %arg16[%get3A_2607, %get3A_2608] {strides = array<i32>} : memref<32x128xf32, #tpu.memory_space<vmem>>, vector<16xf32>,
    %get3A_2610 = arith.constant 32 : index
    %get3A_2611 = tpu.vector_load %arg17[%get3A_2610] {strides = array<i32>} : memref<128xf32, #tpu.memory_space<vmem>>, vector<16xf32>,
    %sub3A_2612 = arith.subf %get3A_2609, %get3A_2611 : vector<16xf32>
    %mul3A_2613 = arith.mulf %sub3A_2612, %sub3A_2612 : vector<16xf32>
    %add3A_2614 = arith.addf %add3A_2605, %mul3A_2613 : vector<16xf32>
    %get3A_2615 = arith.constant 26 : i32
    %get3A_2616 = arith.index_cast %get3A_2615 : i32 to index
    %get3A_2617 = arith.constant 48 : index
    %get3A_2618 = tpu.vector_load %arg16[%get3A_2616, %get3A_2617] {strides = array<i32>} : memref<32x128xf32, #tpu.memory_space<vmem>>, vector<16xf32>,
    %get3A_2619 = arith.constant 48 : index
    %get3A_2620 = tpu.vector_load %arg17[%get3A_2619] {strides = array<i32>} : memref<128xf32, #tpu.memory_space<vmem>>, vector<16xf32>,
    %sub3A_2621 = arith.subf %get3A_2618, %get3A_2620 : vector<16xf32>
    %mul3A_2622 = arith.mulf %sub3A_2621, %sub3A_2621 : vector<16xf32>
    %add3A_2623 = arith.addf %add3A_2614, %mul3A_2622 : vector<16xf32>
    %get3A_2624 = arith.constant 26 : i32
    %get3A_2625 = arith.index_cast %get3A_2624 : i32 to index
    %get3A_2626 = arith.constant 64 : index
    %get3A_2627 = tpu.vector_load %arg16[%get3A_2625, %get3A_2626] {strides = array<i32>} : memref<32x128xf32, #tpu.memory_space<vmem>>, vector<16xf32>,
    %get3A_2628 = arith.constant 64 : index
    %get3A_2629 = tpu.vector_load %arg17[%get3A_2628] {strides = array<i32>} : memref<128xf32, #tpu.memory_space<vmem>>, vector<16xf32>,
    %sub3A_2630 = arith.subf %get3A_2627, %get3A_2629 : vector<16xf32>
    %mul3A_2631 = arith.mulf %sub3A_2630, %sub3A_2630 : vector<16xf32>
    %add3A_2632 = arith.addf %add3A_2623, %mul3A_2631 : vector<16xf32>
    %get3A_2633 = arith.constant 26 : i32
    %get3A_2634 = arith.index_cast %get3A_2633 : i32 to index
    %get3A_2635 = arith.constant 80 : index
    %get3A_2636 = tpu.vector_load %arg16[%get3A_2634, %get3A_2635] {strides = array<i32>} : memref<32x128xf32, #tpu.memory_space<vmem>>, vector<16xf32>,
    %get3A_2637 = arith.constant 80 : index
    %get3A_2638 = tpu.vector_load %arg17[%get3A_2637] {strides = array<i32>} : memref<128xf32, #tpu.memory_space<vmem>>, vector<16xf32>,
    %sub3A_2639 = arith.subf %get3A_2636, %get3A_2638 : vector<16xf32>
    %mul3A_2640 = arith.mulf %sub3A_2639, %sub3A_2639 : vector<16xf32>
    %add3A_2641 = arith.addf %add3A_2632, %mul3A_2640 : vector<16xf32>
    %get3A_2642 = arith.constant 26 : i32
    %get3A_2643 = arith.index_cast %get3A_2642 : i32 to index
    %get3A_2644 = arith.constant 96 : index
    %get3A_2645 = tpu.vector_load %arg16[%get3A_2643, %get3A_2644] {strides = array<i32>} : memref<32x128xf32, #tpu.memory_space<vmem>>, vector<16xf32>,
    %get3A_2646 = arith.constant 96 : index
    %get3A_2647 = tpu.vector_load %arg17[%get3A_2646] {strides = array<i32>} : memref<128xf32, #tpu.memory_space<vmem>>, vector<16xf32>,
    %sub3A_2648 = arith.subf %get3A_2645, %get3A_2647 : vector<16xf32>
    %mul3A_2649 = arith.mulf %sub3A_2648, %sub3A_2648 : vector<16xf32>
    %add3A_2650 = arith.addf %add3A_2641, %mul3A_2649 : vector<16xf32>
    %get3A_2651 = arith.constant 26 : i32
    %get3A_2652 = arith.index_cast %get3A_2651 : i32 to index
    %get3A_2653 = arith.constant 112 : index
    %get3A_2654 = tpu.vector_load %arg16[%get3A_2652, %get3A_2653] {strides = array<i32>} : memref<32x128xf32, #tpu.memory_space<vmem>>, vector<16xf32>,
    %get3A_2655 = arith.constant 112 : index
    %get3A_2656 = tpu.vector_load %arg17[%get3A_2655] {strides = array<i32>} : memref<128xf32, #tpu.memory_space<vmem>>, vector<16xf32>,
    %sub3A_2657 = arith.subf %get3A_2654, %get3A_2656 : vector<16xf32>
    %mul3A_2658 = arith.mulf %sub3A_2657, %sub3A_2657 : vector<16xf32>
    %add3A_2659 = arith.addf %add3A_2650, %mul3A_2658 : vector<16xf32>
    %reduce_sum3A_2660 = arith.constant true
    %reduce_sum3A_2661 = vector.broadcast %reduce_sum3A_2660 : i1 to vector<16xi1>
    %reduce_sum3A_2662 = tpu.scan <sum>, %add3A_2659 masked %reduce_sum3A_2661 : vector<16xf32>, vector<16xi1> -> vector<16xf32>
    %reduce_sum3A_2663 = vector.extract %reduce_sum3A_2662[15] : f32 from vector<16xf32>
    %broadcast_in_dim3A_2664 = vector.broadcast %reduce_sum3A_2663 : f32 to vector<16xf32>
    %select_n3A_2665 = arith.select %eq3A_2585, %broadcast_in_dim3A_2664, %select_n3A_2499 : vector<16xi1>, vector<16xf32>
    %eq3A_2666 = arith.constant 11 : i32
    %eq3A_2667 = vector.broadcast %eq3A_2666 : i32 to vector<16xi32>
    %eq3A_2668 = arith.cmpi eq, %iota3A, %eq3A_2667 : vector<16xi32>
    %broadcast_in_dim3A_2669 = arith.constant 0.000000e+00 : f32
    %broadcast_in_dim3A_2670 = vector.broadcast %broadcast_in_dim3A_2669 : f32 to vector<16xf32>
    %get3A_2671 = arith.constant 11 : i32
    %get3A_2672 = arith.index_cast %get3A_2671 : i32 to index
    %get3A_2673 = arith.constant 0 : index
    %get3A_2674 = tpu.vector_load %arg16[%get3A_2672, %get3A_2673] {strides = array<i32>} : memref<32x128xf32, #tpu.memory_space<vmem>>, vector<16xf32>,
    %get3A_2675 = arith.constant 0 : index
    %get3A_2676 = tpu.vector_load %arg17[%get3A_2675] {strides = array<i32>} : memref<128xf32, #tpu.memory_space<vmem>>, vector<16xf32>,
    %sub3A_2677 = arith.subf %get3A_2674, %get3A_2676 : vector<16xf32>
    %mul3A_2678 = arith.mulf %sub3A_2677, %sub3A_2677 : vector<16xf32>
    %add3A_2679 = arith.addf %broadcast_in_dim3A_2670, %mul3A_2678 : vector<16xf32>
    %get3A_2680 = arith.constant 11 : i32
    %get3A_2681 = arith.index_cast %get3A_2680 : i32 to index
    %get3A_2682 = arith.constant 16 : index
    %get3A_2683 = tpu.vector_load %arg16[%get3A_2681, %get3A_2682] {strides = array<i32>} : memref<32x128xf32, #tpu.memory_space<vmem>>, vector<16xf32>,
    %get3A_2684 = arith.constant 16 : index
    %get3A_2685 = tpu.vector_load %arg17[%get3A_2684] {strides = array<i32>} : memref<128xf32, #tpu.memory_space<vmem>>, vector<16xf32>,
    %sub3A_2686 = arith.subf %get3A_2683, %get3A_2685 : vector<16xf32>
    %mul3A_2687 = arith.mulf %sub3A_2686, %sub3A_2686 : vector<16xf32>
    %add3A_2688 = arith.addf %add3A_2679, %mul3A_2687 : vector<16xf32>
    %get3A_2689 = arith.constant 11 : i32
    %get3A_2690 = arith.index_cast %get3A_2689 : i32 to index
    %get3A_2691 = arith.constant 32 : index
    %get3A_2692 = tpu.vector_load %arg16[%get3A_2690, %get3A_2691] {strides = array<i32>} : memref<32x128xf32, #tpu.memory_space<vmem>>, vector<16xf32>,
    %get3A_2693 = arith.constant 32 : index
    %get3A_2694 = tpu.vector_load %arg17[%get3A_2693] {strides = array<i32>} : memref<128xf32, #tpu.memory_space<vmem>>, vector<16xf32>,
    %sub3A_2695 = arith.subf %get3A_2692, %get3A_2694 : vector<16xf32>
    %mul3A_2696 = arith.mulf %sub3A_2695, %sub3A_2695 : vector<16xf32>
    %add3A_2697 = arith.addf %add3A_2688, %mul3A_2696 : vector<16xf32>
    %get3A_2698 = arith.constant 11 : i32
    %get3A_2699 = arith.index_cast %get3A_2698 : i32 to index
    %get3A_2700 = arith.constant 48 : index
    %get3A_2701 = tpu.vector_load %arg16[%get3A_2699, %get3A_2700] {strides = array<i32>} : memref<32x128xf32, #tpu.memory_space<vmem>>, vector<16xf32>,
    %get3A_2702 = arith.constant 48 : index
    %get3A_2703 = tpu.vector_load %arg17[%get3A_2702] {strides = array<i32>} : memref<128xf32, #tpu.memory_space<vmem>>, vector<16xf32>,
    %sub3A_2704 = arith.subf %get3A_2701, %get3A_2703 : vector<16xf32>
    %mul3A_2705 = arith.mulf %sub3A_2704, %sub3A_2704 : vector<16xf32>
    %add3A_2706 = arith.addf %add3A_2697, %mul3A_2705 : vector<16xf32>
    %get3A_2707 = arith.constant 11 : i32
    %get3A_2708 = arith.index_cast %get3A_2707 : i32 to index
    %get3A_2709 = arith.constant 64 : index
    %get3A_2710 = tpu.vector_load %arg16[%get3A_2708, %get3A_2709] {strides = array<i32>} : memref<32x128xf32, #tpu.memory_space<vmem>>, vector<16xf32>,
    %get3A_2711 = arith.constant 64 : index
    %get3A_2712 = tpu.vector_load %arg17[%get3A_2711] {strides = array<i32>} : memref<128xf32, #tpu.memory_space<vmem>>, vector<16xf32>,
    %sub3A_2713 = arith.subf %get3A_2710, %get3A_2712 : vector<16xf32>
    %mul3A_2714 = arith.mulf %sub3A_2713, %sub3A_2713 : vector<16xf32>
    %add3A_2715 = arith.addf %add3A_2706, %mul3A_2714 : vector<16xf32>
    %get3A_2716 = arith.constant 11 : i32
    %get3A_2717 = arith.index_cast %get3A_2716 : i32 to index
    %get3A_2718 = arith.constant 80 : index
    %get3A_2719 = tpu.vector_load %arg16[%get3A_2717, %get3A_2718] {strides = array<i32>} : memref<32x128xf32, #tpu.memory_space<vmem>>, vector<16xf32>,
    %get3A_2720 = arith.constant 80 : index
    %get3A_2721 = tpu.vector_load %arg17[%get3A_2720] {strides = array<i32>} : memref<128xf32, #tpu.memory_space<vmem>>, vector<16xf32>,
    %sub3A_2722 = arith.subf %get3A_2719, %get3A_2721 : vector<16xf32>
    %mul3A_2723 = arith.mulf %sub3A_2722, %sub3A_2722 : vector<16xf32>
    %add3A_2724 = arith.addf %add3A_2715, %mul3A_2723 : vector<16xf32>
    %get3A_2725 = arith.constant 11 : i32
    %get3A_2726 = arith.index_cast %get3A_2725 : i32 to index
    %get3A_2727 = arith.constant 96 : index
    %get3A_2728 = tpu.vector_load %arg16[%get3A_2726, %get3A_2727] {strides = array<i32>} : memref<32x128xf32, #tpu.memory_space<vmem>>, vector<16xf32>,
    %get3A_2729 = arith.constant 96 : index
    %get3A_2730 = tpu.vector_load %arg17[%get3A_2729] {strides = array<i32>} : memref<128xf32, #tpu.memory_space<vmem>>, vector<16xf32>,
    %sub3A_2731 = arith.subf %get3A_2728, %get3A_2730 : vector<16xf32>
    %mul3A_2732 = arith.mulf %sub3A_2731, %sub3A_2731 : vector<16xf32>
    %add3A_2733 = arith.addf %add3A_2724, %mul3A_2732 : vector<16xf32>
    %get3A_2734 = arith.constant 11 : i32
    %get3A_2735 = arith.index_cast %get3A_2734 : i32 to index
    %get3A_2736 = arith.constant 112 : index
    %get3A_2737 = tpu.vector_load %arg16[%get3A_2735, %get3A_2736] {strides = array<i32>} : memref<32x128xf32, #tpu.memory_space<vmem>>, vector<16xf32>,
    %get3A_2738 = arith.constant 112 : index
    %get3A_2739 = tpu.vector_load %arg17[%get3A_2738] {strides = array<i32>} : memref<128xf32, #tpu.memory_space<vmem>>, vector<16xf32>,
    %sub3A_2740 = arith.subf %get3A_2737, %get3A_2739 : vector<16xf32>
    %mul3A_2741 = arith.mulf %sub3A_2740, %sub3A_2740 : vector<16xf32>
    %add3A_2742 = arith.addf %add3A_2733, %mul3A_2741 : vector<16xf32>
    %reduce_sum3A_2743 = arith.constant true
    %reduce_sum3A_2744 = vector.broadcast %reduce_sum3A_2743 : i1 to vector<16xi1>
    %reduce_sum3A_2745 = tpu.scan <sum>, %add3A_2742 masked %reduce_sum3A_2744 : vector<16xf32>, vector<16xi1> -> vector<16xf32>
    %reduce_sum3A_2746 = vector.extract %reduce_sum3A_2745[15] : f32 from vector<16xf32>
    %broadcast_in_dim3A_2747 = vector.broadcast %reduce_sum3A_2746 : f32 to vector<16xf32>
    %select_n3A_2748 = arith.select %eq3A_2668, %broadcast_in_dim3A_2747, %select_n3A_2582 : vector<16xi1>, vector<16xf32>
    %eq3A_2749 = arith.constant 11 : i32
    %eq3A_2750 = vector.broadcast %eq3A_2749 : i32 to vector<16xi32>
    %eq3A_2751 = arith.cmpi eq, %iota3A, %eq3A_2750 : vector<16xi32>
    %broadcast_in_dim3A_2752 = arith.constant 0.000000e+00 : f32
    %broadcast_in_dim3A_2753 = vector.broadcast %broadcast_in_dim3A_2752 : f32 to vector<16xf32>
    %get3A_2754 = arith.constant 27 : i32
    %get3A_2755 = arith.index_cast %get3A_2754 : i32 to index
    %get3A_2756 = arith.constant 0 : index
    %get3A_2757 = tpu.vector_load %arg16[%get3A_2755, %get3A_2756] {strides = array<i32>} : memref<32x128xf32, #tpu.memory_space<vmem>>, vector<16xf32>,
    %get3A_2758 = arith.constant 0 : index
    %get3A_2759 = tpu.vector_load %arg17[%get3A_2758] {strides = array<i32>} : memref<128xf32, #tpu.memory_space<vmem>>, vector<16xf32>,
    %sub3A_2760 = arith.subf %get3A_2757, %get3A_2759 : vector<16xf32>
    %mul3A_2761 = arith.mulf %sub3A_2760, %sub3A_2760 : vector<16xf32>
    %add3A_2762 = arith.addf %broadcast_in_dim3A_2753, %mul3A_2761 : vector<16xf32>
    %get3A_2763 = arith.constant 27 : i32
    %get3A_2764 = arith.index_cast %get3A_2763 : i32 to index
    %get3A_2765 = arith.constant 16 : index
    %get3A_2766 = tpu.vector_load %arg16[%get3A_2764, %get3A_2765] {strides = array<i32>} : memref<32x128xf32, #tpu.memory_space<vmem>>, vector<16xf32>,
    %get3A_2767 = arith.constant 16 : index
    %get3A_2768 = tpu.vector_load %arg17[%get3A_2767] {strides = array<i32>} : memref<128xf32, #tpu.memory_space<vmem>>, vector<16xf32>,
    %sub3A_2769 = arith.subf %get3A_2766, %get3A_2768 : vector<16xf32>
    %mul3A_2770 = arith.mulf %sub3A_2769, %sub3A_2769 : vector<16xf32>
    %add3A_2771 = arith.addf %add3A_2762, %mul3A_2770 : vector<16xf32>
    %get3A_2772 = arith.constant 27 : i32
    %get3A_2773 = arith.index_cast %get3A_2772 : i32 to index
    %get3A_2774 = arith.constant 32 : index
    %get3A_2775 = tpu.vector_load %arg16[%get3A_2773, %get3A_2774] {strides = array<i32>} : memref<32x128xf32, #tpu.memory_space<vmem>>, vector<16xf32>,
    %get3A_2776 = arith.constant 32 : index
    %get3A_2777 = tpu.vector_load %arg17[%get3A_2776] {strides = array<i32>} : memref<128xf32, #tpu.memory_space<vmem>>, vector<16xf32>,
    %sub3A_2778 = arith.subf %get3A_2775, %get3A_2777 : vector<16xf32>
    %mul3A_2779 = arith.mulf %sub3A_2778, %sub3A_2778 : vector<16xf32>
    %add3A_2780 = arith.addf %add3A_2771, %mul3A_2779 : vector<16xf32>
    %get3A_2781 = arith.constant 27 : i32
    %get3A_2782 = arith.index_cast %get3A_2781 : i32 to index
    %get3A_2783 = arith.constant 48 : index
    %get3A_2784 = tpu.vector_load %arg16[%get3A_2782, %get3A_2783] {strides = array<i32>} : memref<32x128xf32, #tpu.memory_space<vmem>>, vector<16xf32>,
    %get3A_2785 = arith.constant 48 : index
    %get3A_2786 = tpu.vector_load %arg17[%get3A_2785] {strides = array<i32>} : memref<128xf32, #tpu.memory_space<vmem>>, vector<16xf32>,
    %sub3A_2787 = arith.subf %get3A_2784, %get3A_2786 : vector<16xf32>
    %mul3A_2788 = arith.mulf %sub3A_2787, %sub3A_2787 : vector<16xf32>
    %add3A_2789 = arith.addf %add3A_2780, %mul3A_2788 : vector<16xf32>
    %get3A_2790 = arith.constant 27 : i32
    %get3A_2791 = arith.index_cast %get3A_2790 : i32 to index
    %get3A_2792 = arith.constant 64 : index
    %get3A_2793 = tpu.vector_load %arg16[%get3A_2791, %get3A_2792] {strides = array<i32>} : memref<32x128xf32, #tpu.memory_space<vmem>>, vector<16xf32>,
    %get3A_2794 = arith.constant 64 : index
    %get3A_2795 = tpu.vector_load %arg17[%get3A_2794] {strides = array<i32>} : memref<128xf32, #tpu.memory_space<vmem>>, vector<16xf32>,
    %sub3A_2796 = arith.subf %get3A_2793, %get3A_2795 : vector<16xf32>
    %mul3A_2797 = arith.mulf %sub3A_2796, %sub3A_2796 : vector<16xf32>
    %add3A_2798 = arith.addf %add3A_2789, %mul3A_2797 : vector<16xf32>
    %get3A_2799 = arith.constant 27 : i32
    %get3A_2800 = arith.index_cast %get3A_2799 : i32 to index
    %get3A_2801 = arith.constant 80 : index
    %get3A_2802 = tpu.vector_load %arg16[%get3A_2800, %get3A_2801] {strides = array<i32>} : memref<32x128xf32, #tpu.memory_space<vmem>>, vector<16xf32>,
    %get3A_2803 = arith.constant 80 : index
    %get3A_2804 = tpu.vector_load %arg17[%get3A_2803] {strides = array<i32>} : memref<128xf32, #tpu.memory_space<vmem>>, vector<16xf32>,
    %sub3A_2805 = arith.subf %get3A_2802, %get3A_2804 : vector<16xf32>
    %mul3A_2806 = arith.mulf %sub3A_2805, %sub3A_2805 : vector<16xf32>
    %add3A_2807 = arith.addf %add3A_2798, %mul3A_2806 : vector<16xf32>
    %get3A_2808 = arith.constant 27 : i32
    %get3A_2809 = arith.index_cast %get3A_2808 : i32 to index
    %get3A_2810 = arith.constant 96 : index
    %get3A_2811 = tpu.vector_load %arg16[%get3A_2809, %get3A_2810] {strides = array<i32>} : memref<32x128xf32, #tpu.memory_space<vmem>>, vector<16xf32>,
    %get3A_2812 = arith.constant 96 : index
    %get3A_2813 = tpu.vector_load %arg17[%get3A_2812] {strides = array<i32>} : memref<128xf32, #tpu.memory_space<vmem>>, vector<16xf32>,
    %sub3A_2814 = arith.subf %get3A_2811, %get3A_2813 : vector<16xf32>
    %mul3A_2815 = arith.mulf %sub3A_2814, %sub3A_2814 : vector<16xf32>
    %add3A_2816 = arith.addf %add3A_2807, %mul3A_2815 : vector<16xf32>
    %get3A_2817 = arith.constant 27 : i32
    %get3A_2818 = arith.index_cast %get3A_2817 : i32 to index
    %get3A_2819 = arith.constant 112 : index
    %get3A_2820 = tpu.vector_load %arg16[%get3A_2818, %get3A_2819] {strides = array<i32>} : memref<32x128xf32, #tpu.memory_space<vmem>>, vector<16xf32>,
    %get3A_2821 = arith.constant 112 : index
    %get3A_2822 = tpu.vector_load %arg17[%get3A_2821] {strides = array<i32>} : memref<128xf32, #tpu.memory_space<vmem>>, vector<16xf32>,
    %sub3A_2823 = arith.subf %get3A_2820, %get3A_2822 : vector<16xf32>
    %mul3A_2824 = arith.mulf %sub3A_2823, %sub3A_2823 : vector<16xf32>
    %add3A_2825 = arith.addf %add3A_2816, %mul3A_2824 : vector<16xf32>
    %reduce_sum3A_2826 = arith.constant true
    %reduce_sum3A_2827 = vector.broadcast %reduce_sum3A_2826 : i1 to vector<16xi1>
    %reduce_sum3A_2828 = tpu.scan <sum>, %add3A_2825 masked %reduce_sum3A_2827 : vector<16xf32>, vector<16xi1> -> vector<16xf32>
    %reduce_sum3A_2829 = vector.extract %reduce_sum3A_2828[15] : f32 from vector<16xf32>
    %broadcast_in_dim3A_2830 = vector.broadcast %reduce_sum3A_2829 : f32 to vector<16xf32>
    %select_n3A_2831 = arith.select %eq3A_2751, %broadcast_in_dim3A_2830, %select_n3A_2665 : vector<16xi1>, vector<16xf32>
    %eq3A_2832 = arith.constant 12 : i32
    %eq3A_2833 = vector.broadcast %eq3A_2832 : i32 to vector<16xi32>
    %eq3A_2834 = arith.cmpi eq, %iota3A, %eq3A_2833 : vector<16xi32>
    %broadcast_in_dim3A_2835 = arith.constant 0.000000e+00 : f32
    %broadcast_in_dim3A_2836 = vector.broadcast %broadcast_in_dim3A_2835 : f32 to vector<16xf32>
    %get3A_2837 = arith.constant 12 : i32
    %get3A_2838 = arith.index_cast %get3A_2837 : i32 to index
    %get3A_2839 = arith.constant 0 : index
    %get3A_2840 = tpu.vector_load %arg16[%get3A_2838, %get3A_2839] {strides = array<i32>} : memref<32x128xf32, #tpu.memory_space<vmem>>, vector<16xf32>,
    %get3A_2841 = arith.constant 0 : index
    %get3A_2842 = tpu.vector_load %arg17[%get3A_2841] {strides = array<i32>} : memref<128xf32, #tpu.memory_space<vmem>>, vector<16xf32>,
    %sub3A_2843 = arith.subf %get3A_2840, %get3A_2842 : vector<16xf32>
    %mul3A_2844 = arith.mulf %sub3A_2843, %sub3A_2843 : vector<16xf32>
    %add3A_2845 = arith.addf %broadcast_in_dim3A_2836, %mul3A_2844 : vector<16xf32>
    %get3A_2846 = arith.constant 12 : i32
    %get3A_2847 = arith.index_cast %get3A_2846 : i32 to index
    %get3A_2848 = arith.constant 16 : index
    %get3A_2849 = tpu.vector_load %arg16[%get3A_2847, %get3A_2848] {strides = array<i32>} : memref<32x128xf32, #tpu.memory_space<vmem>>, vector<16xf32>,
    %get3A_2850 = arith.constant 16 : index
    %get3A_2851 = tpu.vector_load %arg17[%get3A_2850] {strides = array<i32>} : memref<128xf32, #tpu.memory_space<vmem>>, vector<16xf32>,
    %sub3A_2852 = arith.subf %get3A_2849, %get3A_2851 : vector<16xf32>
    %mul3A_2853 = arith.mulf %sub3A_2852, %sub3A_2852 : vector<16xf32>
    %add3A_2854 = arith.addf %add3A_2845, %mul3A_2853 : vector<16xf32>
    %get3A_2855 = arith.constant 12 : i32
    %get3A_2856 = arith.index_cast %get3A_2855 : i32 to index
    %get3A_2857 = arith.constant 32 : index
    %get3A_2858 = tpu.vector_load %arg16[%get3A_2856, %get3A_2857] {strides = array<i32>} : memref<32x128xf32, #tpu.memory_space<vmem>>, vector<16xf32>,
    %get3A_2859 = arith.constant 32 : index
    %get3A_2860 = tpu.vector_load %arg17[%get3A_2859] {strides = array<i32>} : memref<128xf32, #tpu.memory_space<vmem>>, vector<16xf32>,
    %sub3A_2861 = arith.subf %get3A_2858, %get3A_2860 : vector<16xf32>
    %mul3A_2862 = arith.mulf %sub3A_2861, %sub3A_2861 : vector<16xf32>
    %add3A_2863 = arith.addf %add3A_2854, %mul3A_2862 : vector<16xf32>
    %get3A_2864 = arith.constant 12 : i32
    %get3A_2865 = arith.index_cast %get3A_2864 : i32 to index
    %get3A_2866 = arith.constant 48 : index
    %get3A_2867 = tpu.vector_load %arg16[%get3A_2865, %get3A_2866] {strides = array<i32>} : memref<32x128xf32, #tpu.memory_space<vmem>>, vector<16xf32>,
    %get3A_2868 = arith.constant 48 : index
    %get3A_2869 = tpu.vector_load %arg17[%get3A_2868] {strides = array<i32>} : memref<128xf32, #tpu.memory_space<vmem>>, vector<16xf32>,
    %sub3A_2870 = arith.subf %get3A_2867, %get3A_2869 : vector<16xf32>
    %mul3A_2871 = arith.mulf %sub3A_2870, %sub3A_2870 : vector<16xf32>
    %add3A_2872 = arith.addf %add3A_2863, %mul3A_2871 : vector<16xf32>
    %get3A_2873 = arith.constant 12 : i32
    %get3A_2874 = arith.index_cast %get3A_2873 : i32 to index
    %get3A_2875 = arith.constant 64 : index
    %get3A_2876 = tpu.vector_load %arg16[%get3A_2874, %get3A_2875] {strides = array<i32>} : memref<32x128xf32, #tpu.memory_space<vmem>>, vector<16xf32>,
    %get3A_2877 = arith.constant 64 : index
    %get3A_2878 = tpu.vector_load %arg17[%get3A_2877] {strides = array<i32>} : memref<128xf32, #tpu.memory_space<vmem>>, vector<16xf32>,
    %sub3A_2879 = arith.subf %get3A_2876, %get3A_2878 : vector<16xf32>
    %mul3A_2880 = arith.mulf %sub3A_2879, %sub3A_2879 : vector<16xf32>
    %add3A_2881 = arith.addf %add3A_2872, %mul3A_2880 : vector<16xf32>
    %get3A_2882 = arith.constant 12 : i32
    %get3A_2883 = arith.index_cast %get3A_2882 : i32 to index
    %get3A_2884 = arith.constant 80 : index
    %get3A_2885 = tpu.vector_load %arg16[%get3A_2883, %get3A_2884] {strides = array<i32>} : memref<32x128xf32, #tpu.memory_space<vmem>>, vector<16xf32>,
    %get3A_2886 = arith.constant 80 : index
    %get3A_2887 = tpu.vector_load %arg17[%get3A_2886] {strides = array<i32>} : memref<128xf32, #tpu.memory_space<vmem>>, vector<16xf32>,
    %sub3A_2888 = arith.subf %get3A_2885, %get3A_2887 : vector<16xf32>
    %mul3A_2889 = arith.mulf %sub3A_2888, %sub3A_2888 : vector<16xf32>
    %add3A_2890 = arith.addf %add3A_2881, %mul3A_2889 : vector<16xf32>
    %get3A_2891 = arith.constant 12 : i32
    %get3A_2892 = arith.index_cast %get3A_2891 : i32 to index
    %get3A_2893 = arith.constant 96 : index
    %get3A_2894 = tpu.vector_load %arg16[%get3A_2892, %get3A_2893] {strides = array<i32>} : memref<32x128xf32, #tpu.memory_space<vmem>>, vector<16xf32>,
    %get3A_2895 = arith.constant 96 : index
    %get3A_2896 = tpu.vector_load %arg17[%get3A_2895] {strides = array<i32>} : memref<128xf32, #tpu.memory_space<vmem>>, vector<16xf32>,
    %sub3A_2897 = arith.subf %get3A_2894, %get3A_2896 : vector<16xf32>
    %mul3A_2898 = arith.mulf %sub3A_2897, %sub3A_2897 : vector<16xf32>
    %add3A_2899 = arith.addf %add3A_2890, %mul3A_2898 : vector<16xf32>
    %get3A_2900 = arith.constant 12 : i32
    %get3A_2901 = arith.index_cast %get3A_2900 : i32 to index
    %get3A_2902 = arith.constant 112 : index
    %get3A_2903 = tpu.vector_load %arg16[%get3A_2901, %get3A_2902] {strides = array<i32>} : memref<32x128xf32, #tpu.memory_space<vmem>>, vector<16xf32>,
    %get3A_2904 = arith.constant 112 : index
    %get3A_2905 = tpu.vector_load %arg17[%get3A_2904] {strides = array<i32>} : memref<128xf32, #tpu.memory_space<vmem>>, vector<16xf32>,
    %sub3A_2906 = arith.subf %get3A_2903, %get3A_2905 : vector<16xf32>
    %mul3A_2907 = arith.mulf %sub3A_2906, %sub3A_2906 : vector<16xf32>
    %add3A_2908 = arith.addf %add3A_2899, %mul3A_2907 : vector<16xf32>
    %reduce_sum3A_2909 = arith.constant true
    %reduce_sum3A_2910 = vector.broadcast %reduce_sum3A_2909 : i1 to vector<16xi1>
    %reduce_sum3A_2911 = tpu.scan <sum>, %add3A_2908 masked %reduce_sum3A_2910 : vector<16xf32>, vector<16xi1> -> vector<16xf32>
    %reduce_sum3A_2912 = vector.extract %reduce_sum3A_2911[15] : f32 from vector<16xf32>
    %broadcast_in_dim3A_2913 = vector.broadcast %reduce_sum3A_2912 : f32 to vector<16xf32>
    %select_n3A_2914 = arith.select %eq3A_2834, %broadcast_in_dim3A_2913, %select_n3A_2748 : vector<16xi1>, vector<16xf32>
    %eq3A_2915 = arith.constant 12 : i32
    %eq3A_2916 = vector.broadcast %eq3A_2915 : i32 to vector<16xi32>
    %eq3A_2917 = arith.cmpi eq, %iota3A, %eq3A_2916 : vector<16xi32>
    %broadcast_in_dim3A_2918 = arith.constant 0.000000e+00 : f32
    %broadcast_in_dim3A_2919 = vector.broadcast %broadcast_in_dim3A_2918 : f32 to vector<16xf32>
    %get3A_2920 = arith.constant 28 : i32
    %get3A_2921 = arith.index_cast %get3A_2920 : i32 to index
    %get3A_2922 = arith.constant 0 : index
    %get3A_2923 = tpu.vector_load %arg16[%get3A_2921, %get3A_2922] {strides = array<i32>} : memref<32x128xf32, #tpu.memory_space<vmem>>, vector<16xf32>,
    %get3A_2924 = arith.constant 0 : index
    %get3A_2925 = tpu.vector_load %arg17[%get3A_2924] {strides = array<i32>} : memref<128xf32, #tpu.memory_space<vmem>>, vector<16xf32>,
    %sub3A_2926 = arith.subf %get3A_2923, %get3A_2925 : vector<16xf32>
    %mul3A_2927 = arith.mulf %sub3A_2926, %sub3A_2926 : vector<16xf32>
    %add3A_2928 = arith.addf %broadcast_in_dim3A_2919, %mul3A_2927 : vector<16xf32>
    %get3A_2929 = arith.constant 28 : i32
    %get3A_2930 = arith.index_cast %get3A_2929 : i32 to index
    %get3A_2931 = arith.constant 16 : index
    %get3A_2932 = tpu.vector_load %arg16[%get3A_2930, %get3A_2931] {strides = array<i32>} : memref<32x128xf32, #tpu.memory_space<vmem>>, vector<16xf32>,
    %get3A_2933 = arith.constant 16 : index
    %get3A_2934 = tpu.vector_load %arg17[%get3A_2933] {strides = array<i32>} : memref<128xf32, #tpu.memory_space<vmem>>, vector<16xf32>,
    %sub3A_2935 = arith.subf %get3A_2932, %get3A_2934 : vector<16xf32>
    %mul3A_2936 = arith.mulf %sub3A_2935, %sub3A_2935 : vector<16xf32>
    %add3A_2937 = arith.addf %add3A_2928, %mul3A_2936 : vector<16xf32>
    %get3A_2938 = arith.constant 28 : i32
    %get3A_2939 = arith.index_cast %get3A_2938 : i32 to index
    %get3A_2940 = arith.constant 32 : index
    %get3A_2941 = tpu.vector_load %arg16[%get3A_2939, %get3A_2940] {strides = array<i32>} : memref<32x128xf32, #tpu.memory_space<vmem>>, vector<16xf32>,
    %get3A_2942 = arith.constant 32 : index
    %get3A_2943 = tpu.vector_load %arg17[%get3A_2942] {strides = array<i32>} : memref<128xf32, #tpu.memory_space<vmem>>, vector<16xf32>,
    %sub3A_2944 = arith.subf %get3A_2941, %get3A_2943 : vector<16xf32>
    %mul3A_2945 = arith.mulf %sub3A_2944, %sub3A_2944 : vector<16xf32>
    %add3A_2946 = arith.addf %add3A_2937, %mul3A_2945 : vector<16xf32>
    %get3A_2947 = arith.constant 28 : i32
    %get3A_2948 = arith.index_cast %get3A_2947 : i32 to index
    %get3A_2949 = arith.constant 48 : index
    %get3A_2950 = tpu.vector_load %arg16[%get3A_2948, %get3A_2949] {strides = array<i32>} : memref<32x128xf32, #tpu.memory_space<vmem>>, vector<16xf32>,
    %get3A_2951 = arith.constant 48 : index
    %get3A_2952 = tpu.vector_load %arg17[%get3A_2951] {strides = array<i32>} : memref<128xf32, #tpu.memory_space<vmem>>, vector<16xf32>,
    %sub3A_2953 = arith.subf %get3A_2950, %get3A_2952 : vector<16xf32>
    %mul3A_2954 = arith.mulf %sub3A_2953, %sub3A_2953 : vector<16xf32>
    %add3A_2955 = arith.addf %add3A_2946, %mul3A_2954 : vector<16xf32>
    %get3A_2956 = arith.constant 28 : i32
    %get3A_2957 = arith.index_cast %get3A_2956 : i32 to index
    %get3A_2958 = arith.constant 64 : index
    %get3A_2959 = tpu.vector_load %arg16[%get3A_2957, %get3A_2958] {strides = array<i32>} : memref<32x128xf32, #tpu.memory_space<vmem>>, vector<16xf32>,
    %get3A_2960 = arith.constant 64 : index
    %get3A_2961 = tpu.vector_load %arg17[%get3A_2960] {strides = array<i32>} : memref<128xf32, #tpu.memory_space<vmem>>, vector<16xf32>,
    %sub3A_2962 = arith.subf %get3A_2959, %get3A_2961 : vector<16xf32>
    %mul3A_2963 = arith.mulf %sub3A_2962, %sub3A_2962 : vector<16xf32>
    %add3A_2964 = arith.addf %add3A_2955, %mul3A_2963 : vector<16xf32>
    %get3A_2965 = arith.constant 28 : i32
    %get3A_2966 = arith.index_cast %get3A_2965 : i32 to index
    %get3A_2967 = arith.constant 80 : index
    %get3A_2968 = tpu.vector_load %arg16[%get3A_2966, %get3A_2967] {strides = array<i32>} : memref<32x128xf32, #tpu.memory_space<vmem>>, vector<16xf32>,
    %get3A_2969 = arith.constant 80 : index
    %get3A_2970 = tpu.vector_load %arg17[%get3A_2969] {strides = array<i32>} : memref<128xf32, #tpu.memory_space<vmem>>, vector<16xf32>,
    %sub3A_2971 = arith.subf %get3A_2968, %get3A_2970 : vector<16xf32>
    %mul3A_2972 = arith.mulf %sub3A_2971, %sub3A_2971 : vector<16xf32>
    %add3A_2973 = arith.addf %add3A_2964, %mul3A_2972 : vector<16xf32>
    %get3A_2974 = arith.constant 28 : i32
    %get3A_2975 = arith.index_cast %get3A_2974 : i32 to index
    %get3A_2976 = arith.constant 96 : index
    %get3A_2977 = tpu.vector_load %arg16[%get3A_2975, %get3A_2976] {strides = array<i32>} : memref<32x128xf32, #tpu.memory_space<vmem>>, vector<16xf32>,
    %get3A_2978 = arith.constant 96 : index
    %get3A_2979 = tpu.vector_load %arg17[%get3A_2978] {strides = array<i32>} : memref<128xf32, #tpu.memory_space<vmem>>, vector<16xf32>,
    %sub3A_2980 = arith.subf %get3A_2977, %get3A_2979 : vector<16xf32>
    %mul3A_2981 = arith.mulf %sub3A_2980, %sub3A_2980 : vector<16xf32>
    %add3A_2982 = arith.addf %add3A_2973, %mul3A_2981 : vector<16xf32>
    %get3A_2983 = arith.constant 28 : i32
    %get3A_2984 = arith.index_cast %get3A_2983 : i32 to index
    %get3A_2985 = arith.constant 112 : index
    %get3A_2986 = tpu.vector_load %arg16[%get3A_2984, %get3A_2985] {strides = array<i32>} : memref<32x128xf32, #tpu.memory_space<vmem>>, vector<16xf32>,
    %get3A_2987 = arith.constant 112 : index
    %get3A_2988 = tpu.vector_load %arg17[%get3A_2987] {strides = array<i32>} : memref<128xf32, #tpu.memory_space<vmem>>, vector<16xf32>,
    %sub3A_2989 = arith.subf %get3A_2986, %get3A_2988 : vector<16xf32>
    %mul3A_2990 = arith.mulf %sub3A_2989, %sub3A_2989 : vector<16xf32>
    %add3A_2991 = arith.addf %add3A_2982, %mul3A_2990 : vector<16xf32>
    %reduce_sum3A_2992 = arith.constant true
    %reduce_sum3A_2993 = vector.broadcast %reduce_sum3A_2992 : i1 to vector<16xi1>
    %reduce_sum3A_2994 = tpu.scan <sum>, %add3A_2991 masked %reduce_sum3A_2993 : vector<16xf32>, vector<16xi1> -> vector<16xf32>
    %reduce_sum3A_2995 = vector.extract %reduce_sum3A_2994[15] : f32 from vector<16xf32>
    %broadcast_in_dim3A_2996 = vector.broadcast %reduce_sum3A_2995 : f32 to vector<16xf32>
    %select_n3A_2997 = arith.select %eq3A_2917, %broadcast_in_dim3A_2996, %select_n3A_2831 : vector<16xi1>, vector<16xf32>
    %eq3A_2998 = arith.constant 13 : i32
    %eq3A_2999 = vector.broadcast %eq3A_2998 : i32 to vector<16xi32>
    %eq3A_3000 = arith.cmpi eq, %iota3A, %eq3A_2999 : vector<16xi32>
    %broadcast_in_dim3A_3001 = arith.constant 0.000000e+00 : f32
    %broadcast_in_dim3A_3002 = vector.broadcast %broadcast_in_dim3A_3001 : f32 to vector<16xf32>
    %get3A_3003 = arith.constant 13 : i32
    %get3A_3004 = arith.index_cast %get3A_3003 : i32 to index
    %get3A_3005 = arith.constant 0 : index
    %get3A_3006 = tpu.vector_load %arg16[%get3A_3004, %get3A_3005] {strides = array<i32>} : memref<32x128xf32, #tpu.memory_space<vmem>>, vector<16xf32>,
    %get3A_3007 = arith.constant 0 : index
    %get3A_3008 = tpu.vector_load %arg17[%get3A_3007] {strides = array<i32>} : memref<128xf32, #tpu.memory_space<vmem>>, vector<16xf32>,
    %sub3A_3009 = arith.subf %get3A_3006, %get3A_3008 : vector<16xf32>
    %mul3A_3010 = arith.mulf %sub3A_3009, %sub3A_3009 : vector<16xf32>
    %add3A_3011 = arith.addf %broadcast_in_dim3A_3002, %mul3A_3010 : vector<16xf32>
    %get3A_3012 = arith.constant 13 : i32
    %get3A_3013 = arith.index_cast %get3A_3012 : i32 to index
    %get3A_3014 = arith.constant 16 : index
    %get3A_3015 = tpu.vector_load %arg16[%get3A_3013, %get3A_3014] {strides = array<i32>} : memref<32x128xf32, #tpu.memory_space<vmem>>, vector<16xf32>,
    %get3A_3016 = arith.constant 16 : index
    %get3A_3017 = tpu.vector_load %arg17[%get3A_3016] {strides = array<i32>} : memref<128xf32, #tpu.memory_space<vmem>>, vector<16xf32>,
    %sub3A_3018 = arith.subf %get3A_3015, %get3A_3017 : vector<16xf32>
    %mul3A_3019 = arith.mulf %sub3A_3018, %sub3A_3018 : vector<16xf32>
    %add3A_3020 = arith.addf %add3A_3011, %mul3A_3019 : vector<16xf32>
    %get3A_3021 = arith.constant 13 : i32
    %get3A_3022 = arith.index_cast %get3A_3021 : i32 to index
    %get3A_3023 = arith.constant 32 : index
    %get3A_3024 = tpu.vector_load %arg16[%get3A_3022, %get3A_3023] {strides = array<i32>} : memref<32x128xf32, #tpu.memory_space<vmem>>, vector<16xf32>,
    %get3A_3025 = arith.constant 32 : index
    %get3A_3026 = tpu.vector_load %arg17[%get3A_3025] {strides = array<i32>} : memref<128xf32, #tpu.memory_space<vmem>>, vector<16xf32>,
    %sub3A_3027 = arith.subf %get3A_3024, %get3A_3026 : vector<16xf32>
    %mul3A_3028 = arith.mulf %sub3A_3027, %sub3A_3027 : vector<16xf32>
    %add3A_3029 = arith.addf %add3A_3020, %mul3A_3028 : vector<16xf32>
    %get3A_3030 = arith.constant 13 : i32
    %get3A_3031 = arith.index_cast %get3A_3030 : i32 to index
    %get3A_3032 = arith.constant 48 : index
    %get3A_3033 = tpu.vector_load %arg16[%get3A_3031, %get3A_3032] {strides = array<i32>} : memref<32x128xf32, #tpu.memory_space<vmem>>, vector<16xf32>,
    %get3A_3034 = arith.constant 48 : index
    %get3A_3035 = tpu.vector_load %arg17[%get3A_3034] {strides = array<i32>} : memref<128xf32, #tpu.memory_space<vmem>>, vector<16xf32>,
    %sub3A_3036 = arith.subf %get3A_3033, %get3A_3035 : vector<16xf32>
    %mul3A_3037 = arith.mulf %sub3A_3036, %sub3A_3036 : vector<16xf32>
    %add3A_3038 = arith.addf %add3A_3029, %mul3A_3037 : vector<16xf32>
    %get3A_3039 = arith.constant 13 : i32
    %get3A_3040 = arith.index_cast %get3A_3039 : i32 to index
    %get3A_3041 = arith.constant 64 : index
    %get3A_3042 = tpu.vector_load %arg16[%get3A_3040, %get3A_3041] {strides = array<i32>} : memref<32x128xf32, #tpu.memory_space<vmem>>, vector<16xf32>,
    %get3A_3043 = arith.constant 64 : index
    %get3A_3044 = tpu.vector_load %arg17[%get3A_3043] {strides = array<i32>} : memref<128xf32, #tpu.memory_space<vmem>>, vector<16xf32>,
    %sub3A_3045 = arith.subf %get3A_3042, %get3A_3044 : vector<16xf32>
    %mul3A_3046 = arith.mulf %sub3A_3045, %sub3A_3045 : vector<16xf32>
    %add3A_3047 = arith.addf %add3A_3038, %mul3A_3046 : vector<16xf32>
    %get3A_3048 = arith.constant 13 : i32
    %get3A_3049 = arith.index_cast %get3A_3048 : i32 to index
    %get3A_3050 = arith.constant 80 : index
    %get3A_3051 = tpu.vector_load %arg16[%get3A_3049, %get3A_3050] {strides = array<i32>} : memref<32x128xf32, #tpu.memory_space<vmem>>, vector<16xf32>,
    %get3A_3052 = arith.constant 80 : index
    %get3A_3053 = tpu.vector_load %arg17[%get3A_3052] {strides = array<i32>} : memref<128xf32, #tpu.memory_space<vmem>>, vector<16xf32>,
    %sub3A_3054 = arith.subf %get3A_3051, %get3A_3053 : vector<16xf32>
    %mul3A_3055 = arith.mulf %sub3A_3054, %sub3A_3054 : vector<16xf32>
    %add3A_3056 = arith.addf %add3A_3047, %mul3A_3055 : vector<16xf32>
    %get3A_3057 = arith.constant 13 : i32
    %get3A_3058 = arith.index_cast %get3A_3057 : i32 to index
    %get3A_3059 = arith.constant 96 : index
    %get3A_3060 = tpu.vector_load %arg16[%get3A_3058, %get3A_3059] {strides = array<i32>} : memref<32x128xf32, #tpu.memory_space<vmem>>, vector<16xf32>,
    %get3A_3061 = arith.constant 96 : index
    %get3A_3062 = tpu.vector_load %arg17[%get3A_3061] {strides = array<i32>} : memref<128xf32, #tpu.memory_space<vmem>>, vector<16xf32>,
    %sub3A_3063 = arith.subf %get3A_3060, %get3A_3062 : vector<16xf32>
    %mul3A_3064 = arith.mulf %sub3A_3063, %sub3A_3063 : vector<16xf32>
    %add3A_3065 = arith.addf %add3A_3056, %mul3A_3064 : vector<16xf32>
    %get3A_3066 = arith.constant 13 : i32
    %get3A_3067 = arith.index_cast %get3A_3066 : i32 to index
    %get3A_3068 = arith.constant 112 : index
    %get3A_3069 = tpu.vector_load %arg16[%get3A_3067, %get3A_3068] {strides = array<i32>} : memref<32x128xf32, #tpu.memory_space<vmem>>, vector<16xf32>,
    %get3A_3070 = arith.constant 112 : index
    %get3A_3071 = tpu.vector_load %arg17[%get3A_3070] {strides = array<i32>} : memref<128xf32, #tpu.memory_space<vmem>>, vector<16xf32>,
    %sub3A_3072 = arith.subf %get3A_3069, %get3A_3071 : vector<16xf32>
    %mul3A_3073 = arith.mulf %sub3A_3072, %sub3A_3072 : vector<16xf32>
    %add3A_3074 = arith.addf %add3A_3065, %mul3A_3073 : vector<16xf32>
    %reduce_sum3A_3075 = arith.constant true
    %reduce_sum3A_3076 = vector.broadcast %reduce_sum3A_3075 : i1 to vector<16xi1>
    %reduce_sum3A_3077 = tpu.scan <sum>, %add3A_3074 masked %reduce_sum3A_3076 : vector<16xf32>, vector<16xi1> -> vector<16xf32>
    %reduce_sum3A_3078 = vector.extract %reduce_sum3A_3077[15] : f32 from vector<16xf32>
    %broadcast_in_dim3A_3079 = vector.broadcast %reduce_sum3A_3078 : f32 to vector<16xf32>
    %select_n3A_3080 = arith.select %eq3A_3000, %broadcast_in_dim3A_3079, %select_n3A_2914 : vector<16xi1>, vector<16xf32>
    %eq3A_3081 = arith.constant 13 : i32
    %eq3A_3082 = vector.broadcast %eq3A_3081 : i32 to vector<16xi32>
    %eq3A_3083 = arith.cmpi eq, %iota3A, %eq3A_3082 : vector<16xi32>
    %broadcast_in_dim3A_3084 = arith.constant 0.000000e+00 : f32
    %broadcast_in_dim3A_3085 = vector.broadcast %broadcast_in_dim3A_3084 : f32 to vector<16xf32>
    %get3A_3086 = arith.constant 29 : i32
    %get3A_3087 = arith.index_cast %get3A_3086 : i32 to index
    %get3A_3088 = arith.constant 0 : index
    %get3A_3089 = tpu.vector_load %arg16[%get3A_3087, %get3A_3088] {strides = array<i32>} : memref<32x128xf32, #tpu.memory_space<vmem>>, vector<16xf32>,
    %get3A_3090 = arith.constant 0 : index
    %get3A_3091 = tpu.vector_load %arg17[%get3A_3090] {strides = array<i32>} : memref<128xf32, #tpu.memory_space<vmem>>, vector<16xf32>,
    %sub3A_3092 = arith.subf %get3A_3089, %get3A_3091 : vector<16xf32>
    %mul3A_3093 = arith.mulf %sub3A_3092, %sub3A_3092 : vector<16xf32>
    %add3A_3094 = arith.addf %broadcast_in_dim3A_3085, %mul3A_3093 : vector<16xf32>
    %get3A_3095 = arith.constant 29 : i32
    %get3A_3096 = arith.index_cast %get3A_3095 : i32 to index
    %get3A_3097 = arith.constant 16 : index
    %get3A_3098 = tpu.vector_load %arg16[%get3A_3096, %get3A_3097] {strides = array<i32>} : memref<32x128xf32, #tpu.memory_space<vmem>>, vector<16xf32>,
    %get3A_3099 = arith.constant 16 : index
    %get3A_3100 = tpu.vector_load %arg17[%get3A_3099] {strides = array<i32>} : memref<128xf32, #tpu.memory_space<vmem>>, vector<16xf32>,
    %sub3A_3101 = arith.subf %get3A_3098, %get3A_3100 : vector<16xf32>
    %mul3A_3102 = arith.mulf %sub3A_3101, %sub3A_3101 : vector<16xf32>
    %add3A_3103 = arith.addf %add3A_3094, %mul3A_3102 : vector<16xf32>
    %get3A_3104 = arith.constant 29 : i32
    %get3A_3105 = arith.index_cast %get3A_3104 : i32 to index
    %get3A_3106 = arith.constant 32 : index
    %get3A_3107 = tpu.vector_load %arg16[%get3A_3105, %get3A_3106] {strides = array<i32>} : memref<32x128xf32, #tpu.memory_space<vmem>>, vector<16xf32>,
    %get3A_3108 = arith.constant 32 : index
    %get3A_3109 = tpu.vector_load %arg17[%get3A_3108] {strides = array<i32>} : memref<128xf32, #tpu.memory_space<vmem>>, vector<16xf32>,
    %sub3A_3110 = arith.subf %get3A_3107, %get3A_3109 : vector<16xf32>
    %mul3A_3111 = arith.mulf %sub3A_3110, %sub3A_3110 : vector<16xf32>
    %add3A_3112 = arith.addf %add3A_3103, %mul3A_3111 : vector<16xf32>
    %get3A_3113 = arith.constant 29 : i32
    %get3A_3114 = arith.index_cast %get3A_3113 : i32 to index
    %get3A_3115 = arith.constant 48 : index
    %get3A_3116 = tpu.vector_load %arg16[%get3A_3114, %get3A_3115] {strides = array<i32>} : memref<32x128xf32, #tpu.memory_space<vmem>>, vector<16xf32>,
    %get3A_3117 = arith.constant 48 : index
    %get3A_3118 = tpu.vector_load %arg17[%get3A_3117] {strides = array<i32>} : memref<128xf32, #tpu.memory_space<vmem>>, vector<16xf32>,
    %sub3A_3119 = arith.subf %get3A_3116, %get3A_3118 : vector<16xf32>
    %mul3A_3120 = arith.mulf %sub3A_3119, %sub3A_3119 : vector<16xf32>
    %add3A_3121 = arith.addf %add3A_3112, %mul3A_3120 : vector<16xf32>
    %get3A_3122 = arith.constant 29 : i32
    %get3A_3123 = arith.index_cast %get3A_3122 : i32 to index
    %get3A_3124 = arith.constant 64 : index
    %get3A_3125 = tpu.vector_load %arg16[%get3A_3123, %get3A_3124] {strides = array<i32>} : memref<32x128xf32, #tpu.memory_space<vmem>>, vector<16xf32>,
    %get3A_3126 = arith.constant 64 : index
    %get3A_3127 = tpu.vector_load %arg17[%get3A_3126] {strides = array<i32>} : memref<128xf32, #tpu.memory_space<vmem>>, vector<16xf32>,
    %sub3A_3128 = arith.subf %get3A_3125, %get3A_3127 : vector<16xf32>
    %mul3A_3129 = arith.mulf %sub3A_3128, %sub3A_3128 : vector<16xf32>
    %add3A_3130 = arith.addf %add3A_3121, %mul3A_3129 : vector<16xf32>
    %get3A_3131 = arith.constant 29 : i32
    %get3A_3132 = arith.index_cast %get3A_3131 : i32 to index
    %get3A_3133 = arith.constant 80 : index
    %get3A_3134 = tpu.vector_load %arg16[%get3A_3132, %get3A_3133] {strides = array<i32>} : memref<32x128xf32, #tpu.memory_space<vmem>>, vector<16xf32>,
    %get3A_3135 = arith.constant 80 : index
    %get3A_3136 = tpu.vector_load %arg17[%get3A_3135] {strides = array<i32>} : memref<128xf32, #tpu.memory_space<vmem>>, vector<16xf32>,
    %sub3A_3137 = arith.subf %get3A_3134, %get3A_3136 : vector<16xf32>
    %mul3A_3138 = arith.mulf %sub3A_3137, %sub3A_3137 : vector<16xf32>
    %add3A_3139 = arith.addf %add3A_3130, %mul3A_3138 : vector<16xf32>
    %get3A_3140 = arith.constant 29 : i32
    %get3A_3141 = arith.index_cast %get3A_3140 : i32 to index
    %get3A_3142 = arith.constant 96 : index
    %get3A_3143 = tpu.vector_load %arg16[%get3A_3141, %get3A_3142] {strides = array<i32>} : memref<32x128xf32, #tpu.memory_space<vmem>>, vector<16xf32>,
    %get3A_3144 = arith.constant 96 : index
    %get3A_3145 = tpu.vector_load %arg17[%get3A_3144] {strides = array<i32>} : memref<128xf32, #tpu.memory_space<vmem>>, vector<16xf32>,
    %sub3A_3146 = arith.subf %get3A_3143, %get3A_3145 : vector<16xf32>
    %mul3A_3147 = arith.mulf %sub3A_3146, %sub3A_3146 : vector<16xf32>
    %add3A_3148 = arith.addf %add3A_3139, %mul3A_3147 : vector<16xf32>
    %get3A_3149 = arith.constant 29 : i32
    %get3A_3150 = arith.index_cast %get3A_3149 : i32 to index
    %get3A_3151 = arith.constant 112 : index
    %get3A_3152 = tpu.vector_load %arg16[%get3A_3150, %get3A_3151] {strides = array<i32>} : memref<32x128xf32, #tpu.memory_space<vmem>>, vector<16xf32>,
    %get3A_3153 = arith.constant 112 : index
    %get3A_3154 = tpu.vector_load %arg17[%get3A_3153] {strides = array<i32>} : memref<128xf32, #tpu.memory_space<vmem>>, vector<16xf32>,
    %sub3A_3155 = arith.subf %get3A_3152, %get3A_3154 : vector<16xf32>
    %mul3A_3156 = arith.mulf %sub3A_3155, %sub3A_3155 : vector<16xf32>
    %add3A_3157 = arith.addf %add3A_3148, %mul3A_3156 : vector<16xf32>
    %reduce_sum3A_3158 = arith.constant true
    %reduce_sum3A_3159 = vector.broadcast %reduce_sum3A_3158 : i1 to vector<16xi1>
    %reduce_sum3A_3160 = tpu.scan <sum>, %add3A_3157 masked %reduce_sum3A_3159 : vector<16xf32>, vector<16xi1> -> vector<16xf32>
    %reduce_sum3A_3161 = vector.extract %reduce_sum3A_3160[15] : f32 from vector<16xf32>
    %broadcast_in_dim3A_3162 = vector.broadcast %reduce_sum3A_3161 : f32 to vector<16xf32>
    %select_n3A_3163 = arith.select %eq3A_3083, %broadcast_in_dim3A_3162, %select_n3A_2997 : vector<16xi1>, vector<16xf32>
    %eq3A_3164 = arith.constant 14 : i32
    %eq3A_3165 = vector.broadcast %eq3A_3164 : i32 to vector<16xi32>
    %eq3A_3166 = arith.cmpi eq, %iota3A, %eq3A_3165 : vector<16xi32>
    %broadcast_in_dim3A_3167 = arith.constant 0.000000e+00 : f32
    %broadcast_in_dim3A_3168 = vector.broadcast %broadcast_in_dim3A_3167 : f32 to vector<16xf32>
    %get3A_3169 = arith.constant 14 : i32
    %get3A_3170 = arith.index_cast %get3A_3169 : i32 to index
    %get3A_3171 = arith.constant 0 : index
    %get3A_3172 = tpu.vector_load %arg16[%get3A_3170, %get3A_3171] {strides = array<i32>} : memref<32x128xf32, #tpu.memory_space<vmem>>, vector<16xf32>,
    %get3A_3173 = arith.constant 0 : index
    %get3A_3174 = tpu.vector_load %arg17[%get3A_3173] {strides = array<i32>} : memref<128xf32, #tpu.memory_space<vmem>>, vector<16xf32>,
    %sub3A_3175 = arith.subf %get3A_3172, %get3A_3174 : vector<16xf32>
    %mul3A_3176 = arith.mulf %sub3A_3175, %sub3A_3175 : vector<16xf32>
    %add3A_3177 = arith.addf %broadcast_in_dim3A_3168, %mul3A_3176 : vector<16xf32>
    %get3A_3178 = arith.constant 14 : i32
    %get3A_3179 = arith.index_cast %get3A_3178 : i32 to index
    %get3A_3180 = arith.constant 16 : index
    %get3A_3181 = tpu.vector_load %arg16[%get3A_3179, %get3A_3180] {strides = array<i32>} : memref<32x128xf32, #tpu.memory_space<vmem>>, vector<16xf32>,
    %get3A_3182 = arith.constant 16 : index
    %get3A_3183 = tpu.vector_load %arg17[%get3A_3182] {strides = array<i32>} : memref<128xf32, #tpu.memory_space<vmem>>, vector<16xf32>,
    %sub3A_3184 = arith.subf %get3A_3181, %get3A_3183 : vector<16xf32>
    %mul3A_3185 = arith.mulf %sub3A_3184, %sub3A_3184 : vector<16xf32>
    %add3A_3186 = arith.addf %add3A_3177, %mul3A_3185 : vector<16xf32>
    %get3A_3187 = arith.constant 14 : i32
    %get3A_3188 = arith.index_cast %get3A_3187 : i32 to index
    %get3A_3189 = arith.constant 32 : index
    %get3A_3190 = tpu.vector_load %arg16[%get3A_3188, %get3A_3189] {strides = array<i32>} : memref<32x128xf32, #tpu.memory_space<vmem>>, vector<16xf32>,
    %get3A_3191 = arith.constant 32 : index
    %get3A_3192 = tpu.vector_load %arg17[%get3A_3191] {strides = array<i32>} : memref<128xf32, #tpu.memory_space<vmem>>, vector<16xf32>,
    %sub3A_3193 = arith.subf %get3A_3190, %get3A_3192 : vector<16xf32>
    %mul3A_3194 = arith.mulf %sub3A_3193, %sub3A_3193 : vector<16xf32>
    %add3A_3195 = arith.addf %add3A_3186, %mul3A_3194 : vector<16xf32>
    %get3A_3196 = arith.constant 14 : i32
    %get3A_3197 = arith.index_cast %get3A_3196 : i32 to index
    %get3A_3198 = arith.constant 48 : index
    %get3A_3199 = tpu.vector_load %arg16[%get3A_3197, %get3A_3198] {strides = array<i32>} : memref<32x128xf32, #tpu.memory_space<vmem>>, vector<16xf32>,
    %get3A_3200 = arith.constant 48 : index
    %get3A_3201 = tpu.vector_load %arg17[%get3A_3200] {strides = array<i32>} : memref<128xf32, #tpu.memory_space<vmem>>, vector<16xf32>,
    %sub3A_3202 = arith.subf %get3A_3199, %get3A_3201 : vector<16xf32>
    %mul3A_3203 = arith.mulf %sub3A_3202, %sub3A_3202 : vector<16xf32>
    %add3A_3204 = arith.addf %add3A_3195, %mul3A_3203 : vector<16xf32>
    %get3A_3205 = arith.constant 14 : i32
    %get3A_3206 = arith.index_cast %get3A_3205 : i32 to index
    %get3A_3207 = arith.constant 64 : index
    %get3A_3208 = tpu.vector_load %arg16[%get3A_3206, %get3A_3207] {strides = array<i32>} : memref<32x128xf32, #tpu.memory_space<vmem>>, vector<16xf32>,
    %get3A_3209 = arith.constant 64 : index
    %get3A_3210 = tpu.vector_load %arg17[%get3A_3209] {strides = array<i32>} : memref<128xf32, #tpu.memory_space<vmem>>, vector<16xf32>,
    %sub3A_3211 = arith.subf %get3A_3208, %get3A_3210 : vector<16xf32>
    %mul3A_3212 = arith.mulf %sub3A_3211, %sub3A_3211 : vector<16xf32>
    %add3A_3213 = arith.addf %add3A_3204, %mul3A_3212 : vector<16xf32>
    %get3A_3214 = arith.constant 14 : i32
    %get3A_3215 = arith.index_cast %get3A_3214 : i32 to index
    %get3A_3216 = arith.constant 80 : index
    %get3A_3217 = tpu.vector_load %arg16[%get3A_3215, %get3A_3216] {strides = array<i32>} : memref<32x128xf32, #tpu.memory_space<vmem>>, vector<16xf32>,
    %get3A_3218 = arith.constant 80 : index
    %get3A_3219 = tpu.vector_load %arg17[%get3A_3218] {strides = array<i32>} : memref<128xf32, #tpu.memory_space<vmem>>, vector<16xf32>,
    %sub3A_3220 = arith.subf %get3A_3217, %get3A_3219 : vector<16xf32>
    %mul3A_3221 = arith.mulf %sub3A_3220, %sub3A_3220 : vector<16xf32>
    %add3A_3222 = arith.addf %add3A_3213, %mul3A_3221 : vector<16xf32>
    %get3A_3223 = arith.constant 14 : i32
    %get3A_3224 = arith.index_cast %get3A_3223 : i32 to index
    %get3A_3225 = arith.constant 96 : index
    %get3A_3226 = tpu.vector_load %arg16[%get3A_3224, %get3A_3225] {strides = array<i32>} : memref<32x128xf32, #tpu.memory_space<vmem>>, vector<16xf32>,
    %get3A_3227 = arith.constant 96 : index
    %get3A_3228 = tpu.vector_load %arg17[%get3A_3227] {strides = array<i32>} : memref<128xf32, #tpu.memory_space<vmem>>, vector<16xf32>,
    %sub3A_3229 = arith.subf %get3A_3226, %get3A_3228 : vector<16xf32>
    %mul3A_3230 = arith.mulf %sub3A_3229, %sub3A_3229 : vector<16xf32>
    %add3A_3231 = arith.addf %add3A_3222, %mul3A_3230 : vector<16xf32>
    %get3A_3232 = arith.constant 14 : i32
    %get3A_3233 = arith.index_cast %get3A_3232 : i32 to index
    %get3A_3234 = arith.constant 112 : index
    %get3A_3235 = tpu.vector_load %arg16[%get3A_3233, %get3A_3234] {strides = array<i32>} : memref<32x128xf32, #tpu.memory_space<vmem>>, vector<16xf32>,
    %get3A_3236 = arith.constant 112 : index
    %get3A_3237 = tpu.vector_load %arg17[%get3A_3236] {strides = array<i32>} : memref<128xf32, #tpu.memory_space<vmem>>, vector<16xf32>,
    %sub3A_3238 = arith.subf %get3A_3235, %get3A_3237 : vector<16xf32>
    %mul3A_3239 = arith.mulf %sub3A_3238, %sub3A_3238 : vector<16xf32>
    %add3A_3240 = arith.addf %add3A_3231, %mul3A_3239 : vector<16xf32>
    %reduce_sum3A_3241 = arith.constant true
    %reduce_sum3A_3242 = vector.broadcast %reduce_sum3A_3241 : i1 to vector<16xi1>
    %reduce_sum3A_3243 = tpu.scan <sum>, %add3A_3240 masked %reduce_sum3A_3242 : vector<16xf32>, vector<16xi1> -> vector<16xf32>
    %reduce_sum3A_3244 = vector.extract %reduce_sum3A_3243[15] : f32 from vector<16xf32>
    %broadcast_in_dim3A_3245 = vector.broadcast %reduce_sum3A_3244 : f32 to vector<16xf32>
    %select_n3A_3246 = arith.select %eq3A_3166, %broadcast_in_dim3A_3245, %select_n3A_3080 : vector<16xi1>, vector<16xf32>
    %eq3A_3247 = arith.constant 14 : i32
    %eq3A_3248 = vector.broadcast %eq3A_3247 : i32 to vector<16xi32>
    %eq3A_3249 = arith.cmpi eq, %iota3A, %eq3A_3248 : vector<16xi32>
    %broadcast_in_dim3A_3250 = arith.constant 0.000000e+00 : f32
    %broadcast_in_dim3A_3251 = vector.broadcast %broadcast_in_dim3A_3250 : f32 to vector<16xf32>
    %get3A_3252 = arith.constant 30 : i32
    %get3A_3253 = arith.index_cast %get3A_3252 : i32 to index
    %get3A_3254 = arith.constant 0 : index
    %get3A_3255 = tpu.vector_load %arg16[%get3A_3253, %get3A_3254] {strides = array<i32>} : memref<32x128xf32, #tpu.memory_space<vmem>>, vector<16xf32>,
    %get3A_3256 = arith.constant 0 : index
    %get3A_3257 = tpu.vector_load %arg17[%get3A_3256] {strides = array<i32>} : memref<128xf32, #tpu.memory_space<vmem>>, vector<16xf32>,
    %sub3A_3258 = arith.subf %get3A_3255, %get3A_3257 : vector<16xf32>
    %mul3A_3259 = arith.mulf %sub3A_3258, %sub3A_3258 : vector<16xf32>
    %add3A_3260 = arith.addf %broadcast_in_dim3A_3251, %mul3A_3259 : vector<16xf32>
    %get3A_3261 = arith.constant 30 : i32
    %get3A_3262 = arith.index_cast %get3A_3261 : i32 to index
    %get3A_3263 = arith.constant 16 : index
    %get3A_3264 = tpu.vector_load %arg16[%get3A_3262, %get3A_3263] {strides = array<i32>} : memref<32x128xf32, #tpu.memory_space<vmem>>, vector<16xf32>,
    %get3A_3265 = arith.constant 16 : index
    %get3A_3266 = tpu.vector_load %arg17[%get3A_3265] {strides = array<i32>} : memref<128xf32, #tpu.memory_space<vmem>>, vector<16xf32>,
    %sub3A_3267 = arith.subf %get3A_3264, %get3A_3266 : vector<16xf32>
    %mul3A_3268 = arith.mulf %sub3A_3267, %sub3A_3267 : vector<16xf32>
    %add3A_3269 = arith.addf %add3A_3260, %mul3A_3268 : vector<16xf32>
    %get3A_3270 = arith.constant 30 : i32
    %get3A_3271 = arith.index_cast %get3A_3270 : i32 to index
    %get3A_3272 = arith.constant 32 : index
    %get3A_3273 = tpu.vector_load %arg16[%get3A_3271, %get3A_3272] {strides = array<i32>} : memref<32x128xf32, #tpu.memory_space<vmem>>, vector<16xf32>,
    %get3A_3274 = arith.constant 32 : index
    %get3A_3275 = tpu.vector_load %arg17[%get3A_3274] {strides = array<i32>} : memref<128xf32, #tpu.memory_space<vmem>>, vector<16xf32>,
    %sub3A_3276 = arith.subf %get3A_3273, %get3A_3275 : vector<16xf32>
    %mul3A_3277 = arith.mulf %sub3A_3276, %sub3A_3276 : vector<16xf32>
    %add3A_3278 = arith.addf %add3A_3269, %mul3A_3277 : vector<16xf32>
    %get3A_3279 = arith.constant 30 : i32
    %get3A_3280 = arith.index_cast %get3A_3279 : i32 to index
    %get3A_3281 = arith.constant 48 : index
    %get3A_3282 = tpu.vector_load %arg16[%get3A_3280, %get3A_3281] {strides = array<i32>} : memref<32x128xf32, #tpu.memory_space<vmem>>, vector<16xf32>,
    %get3A_3283 = arith.constant 48 : index
    %get3A_3284 = tpu.vector_load %arg17[%get3A_3283] {strides = array<i32>} : memref<128xf32, #tpu.memory_space<vmem>>, vector<16xf32>,
    %sub3A_3285 = arith.subf %get3A_3282, %get3A_3284 : vector<16xf32>
    %mul3A_3286 = arith.mulf %sub3A_3285, %sub3A_3285 : vector<16xf32>
    %add3A_3287 = arith.addf %add3A_3278, %mul3A_3286 : vector<16xf32>
    %get3A_3288 = arith.constant 30 : i32
    %get3A_3289 = arith.index_cast %get3A_3288 : i32 to index
    %get3A_3290 = arith.constant 64 : index
    %get3A_3291 = tpu.vector_load %arg16[%get3A_3289, %get3A_3290] {strides = array<i32>} : memref<32x128xf32, #tpu.memory_space<vmem>>, vector<16xf32>,
    %get3A_3292 = arith.constant 64 : index
    %get3A_3293 = tpu.vector_load %arg17[%get3A_3292] {strides = array<i32>} : memref<128xf32, #tpu.memory_space<vmem>>, vector<16xf32>,
    %sub3A_3294 = arith.subf %get3A_3291, %get3A_3293 : vector<16xf32>
    %mul3A_3295 = arith.mulf %sub3A_3294, %sub3A_3294 : vector<16xf32>
    %add3A_3296 = arith.addf %add3A_3287, %mul3A_3295 : vector<16xf32>
    %get3A_3297 = arith.constant 30 : i32
    %get3A_3298 = arith.index_cast %get3A_3297 : i32 to index
    %get3A_3299 = arith.constant 80 : index
    %get3A_3300 = tpu.vector_load %arg16[%get3A_3298, %get3A_3299] {strides = array<i32>} : memref<32x128xf32, #tpu.memory_space<vmem>>, vector<16xf32>,
    %get3A_3301 = arith.constant 80 : index
    %get3A_3302 = tpu.vector_load %arg17[%get3A_3301] {strides = array<i32>} : memref<128xf32, #tpu.memory_space<vmem>>, vector<16xf32>,
    %sub3A_3303 = arith.subf %get3A_3300, %get3A_3302 : vector<16xf32>
    %mul3A_3304 = arith.mulf %sub3A_3303, %sub3A_3303 : vector<16xf32>
    %add3A_3305 = arith.addf %add3A_3296, %mul3A_3304 : vector<16xf32>
    %get3A_3306 = arith.constant 30 : i32
    %get3A_3307 = arith.index_cast %get3A_3306 : i32 to index
    %get3A_3308 = arith.constant 96 : index
    %get3A_3309 = tpu.vector_load %arg16[%get3A_3307, %get3A_3308] {strides = array<i32>} : memref<32x128xf32, #tpu.memory_space<vmem>>, vector<16xf32>,
    %get3A_3310 = arith.constant 96 : index
    %get3A_3311 = tpu.vector_load %arg17[%get3A_3310] {strides = array<i32>} : memref<128xf32, #tpu.memory_space<vmem>>, vector<16xf32>,
    %sub3A_3312 = arith.subf %get3A_3309, %get3A_3311 : vector<16xf32>
    %mul3A_3313 = arith.mulf %sub3A_3312, %sub3A_3312 : vector<16xf32>
    %add3A_3314 = arith.addf %add3A_3305, %mul3A_3313 : vector<16xf32>
    %get3A_3315 = arith.constant 30 : i32
    %get3A_3316 = arith.index_cast %get3A_3315 : i32 to index
    %get3A_3317 = arith.constant 112 : index
    %get3A_3318 = tpu.vector_load %arg16[%get3A_3316, %get3A_3317] {strides = array<i32>} : memref<32x128xf32, #tpu.memory_space<vmem>>, vector<16xf32>,
    %get3A_3319 = arith.constant 112 : index
    %get3A_3320 = tpu.vector_load %arg17[%get3A_3319] {strides = array<i32>} : memref<128xf32, #tpu.memory_space<vmem>>, vector<16xf32>,
    %sub3A_3321 = arith.subf %get3A_3318, %get3A_3320 : vector<16xf32>
    %mul3A_3322 = arith.mulf %sub3A_3321, %sub3A_3321 : vector<16xf32>
    %add3A_3323 = arith.addf %add3A_3314, %mul3A_3322 : vector<16xf32>
    %reduce_sum3A_3324 = arith.constant true
    %reduce_sum3A_3325 = vector.broadcast %reduce_sum3A_3324 : i1 to vector<16xi1>
    %reduce_sum3A_3326 = tpu.scan <sum>, %add3A_3323 masked %reduce_sum3A_3325 : vector<16xf32>, vector<16xi1> -> vector<16xf32>
    %reduce_sum3A_3327 = vector.extract %reduce_sum3A_3326[15] : f32 from vector<16xf32>
    %broadcast_in_dim3A_3328 = vector.broadcast %reduce_sum3A_3327 : f32 to vector<16xf32>
    %select_n3A_3329 = arith.select %eq3A_3249, %broadcast_in_dim3A_3328, %select_n3A_3163 : vector<16xi1>, vector<16xf32>
    %eq3A_3330 = arith.constant 15 : i32
    %eq3A_3331 = vector.broadcast %eq3A_3330 : i32 to vector<16xi32>
    %eq3A_3332 = arith.cmpi eq, %iota3A, %eq3A_3331 : vector<16xi32>
    %broadcast_in_dim3A_3333 = arith.constant 0.000000e+00 : f32
    %broadcast_in_dim3A_3334 = vector.broadcast %broadcast_in_dim3A_3333 : f32 to vector<16xf32>
    %get3A_3335 = arith.constant 15 : i32
    %get3A_3336 = arith.index_cast %get3A_3335 : i32 to index
    %get3A_3337 = arith.constant 0 : index
    %get3A_3338 = tpu.vector_load %arg16[%get3A_3336, %get3A_3337] {strides = array<i32>} : memref<32x128xf32, #tpu.memory_space<vmem>>, vector<16xf32>,
    %get3A_3339 = arith.constant 0 : index
    %get3A_3340 = tpu.vector_load %arg17[%get3A_3339] {strides = array<i32>} : memref<128xf32, #tpu.memory_space<vmem>>, vector<16xf32>,
    %sub3A_3341 = arith.subf %get3A_3338, %get3A_3340 : vector<16xf32>
    %mul3A_3342 = arith.mulf %sub3A_3341, %sub3A_3341 : vector<16xf32>
    %add3A_3343 = arith.addf %broadcast_in_dim3A_3334, %mul3A_3342 : vector<16xf32>
    %get3A_3344 = arith.constant 15 : i32
    %get3A_3345 = arith.index_cast %get3A_3344 : i32 to index
    %get3A_3346 = arith.constant 16 : index
    %get3A_3347 = tpu.vector_load %arg16[%get3A_3345, %get3A_3346] {strides = array<i32>} : memref<32x128xf32, #tpu.memory_space<vmem>>, vector<16xf32>,
    %get3A_3348 = arith.constant 16 : index
    %get3A_3349 = tpu.vector_load %arg17[%get3A_3348] {strides = array<i32>} : memref<128xf32, #tpu.memory_space<vmem>>, vector<16xf32>,
    %sub3A_3350 = arith.subf %get3A_3347, %get3A_3349 : vector<16xf32>
    %mul3A_3351 = arith.mulf %sub3A_3350, %sub3A_3350 : vector<16xf32>
    %add3A_3352 = arith.addf %add3A_3343, %mul3A_3351 : vector<16xf32>
    %get3A_3353 = arith.constant 15 : i32
    %get3A_3354 = arith.index_cast %get3A_3353 : i32 to index
    %get3A_3355 = arith.constant 32 : index
    %get3A_3356 = tpu.vector_load %arg16[%get3A_3354, %get3A_3355] {strides = array<i32>} : memref<32x128xf32, #tpu.memory_space<vmem>>, vector<16xf32>,
    %get3A_3357 = arith.constant 32 : index
    %get3A_3358 = tpu.vector_load %arg17[%get3A_3357] {strides = array<i32>} : memref<128xf32, #tpu.memory_space<vmem>>, vector<16xf32>,
    %sub3A_3359 = arith.subf %get3A_3356, %get3A_3358 : vector<16xf32>
    %mul3A_3360 = arith.mulf %sub3A_3359, %sub3A_3359 : vector<16xf32>
    %add3A_3361 = arith.addf %add3A_3352, %mul3A_3360 : vector<16xf32>
    %get3A_3362 = arith.constant 15 : i32
    %get3A_3363 = arith.index_cast %get3A_3362 : i32 to index
    %get3A_3364 = arith.constant 48 : index
    %get3A_3365 = tpu.vector_load %arg16[%get3A_3363, %get3A_3364] {strides = array<i32>} : memref<32x128xf32, #tpu.memory_space<vmem>>, vector<16xf32>,
    %get3A_3366 = arith.constant 48 : index
    %get3A_3367 = tpu.vector_load %arg17[%get3A_3366] {strides = array<i32>} : memref<128xf32, #tpu.memory_space<vmem>>, vector<16xf32>,
    %sub3A_3368 = arith.subf %get3A_3365, %get3A_3367 : vector<16xf32>
    %mul3A_3369 = arith.mulf %sub3A_3368, %sub3A_3368 : vector<16xf32>
    %add3A_3370 = arith.addf %add3A_3361, %mul3A_3369 : vector<16xf32>
    %get3A_3371 = arith.constant 15 : i32
    %get3A_3372 = arith.index_cast %get3A_3371 : i32 to index
    %get3A_3373 = arith.constant 64 : index
    %get3A_3374 = tpu.vector_load %arg16[%get3A_3372, %get3A_3373] {strides = array<i32>} : memref<32x128xf32, #tpu.memory_space<vmem>>, vector<16xf32>,
    %get3A_3375 = arith.constant 64 : index
    %get3A_3376 = tpu.vector_load %arg17[%get3A_3375] {strides = array<i32>} : memref<128xf32, #tpu.memory_space<vmem>>, vector<16xf32>,
    %sub3A_3377 = arith.subf %get3A_3374, %get3A_3376 : vector<16xf32>
    %mul3A_3378 = arith.mulf %sub3A_3377, %sub3A_3377 : vector<16xf32>
    %add3A_3379 = arith.addf %add3A_3370, %mul3A_3378 : vector<16xf32>
    %get3A_3380 = arith.constant 15 : i32
    %get3A_3381 = arith.index_cast %get3A_3380 : i32 to index
    %get3A_3382 = arith.constant 80 : index
    %get3A_3383 = tpu.vector_load %arg16[%get3A_3381, %get3A_3382] {strides = array<i32>} : memref<32x128xf32, #tpu.memory_space<vmem>>, vector<16xf32>,
    %get3A_3384 = arith.constant 80 : index
    %get3A_3385 = tpu.vector_load %arg17[%get3A_3384] {strides = array<i32>} : memref<128xf32, #tpu.memory_space<vmem>>, vector<16xf32>,
    %sub3A_3386 = arith.subf %get3A_3383, %get3A_3385 : vector<16xf32>
    %mul3A_3387 = arith.mulf %sub3A_3386, %sub3A_3386 : vector<16xf32>
    %add3A_3388 = arith.addf %add3A_3379, %mul3A_3387 : vector<16xf32>
    %get3A_3389 = arith.constant 15 : i32
    %get3A_3390 = arith.index_cast %get3A_3389 : i32 to index
    %get3A_3391 = arith.constant 96 : index
    %get3A_3392 = tpu.vector_load %arg16[%get3A_3390, %get3A_3391] {strides = array<i32>} : memref<32x128xf32, #tpu.memory_space<vmem>>, vector<16xf32>,
    %get3A_3393 = arith.constant 96 : index
    %get3A_3394 = tpu.vector_load %arg17[%get3A_3393] {strides = array<i32>} : memref<128xf32, #tpu.memory_space<vmem>>, vector<16xf32>,
    %sub3A_3395 = arith.subf %get3A_3392, %get3A_3394 : vector<16xf32>
    %mul3A_3396 = arith.mulf %sub3A_3395, %sub3A_3395 : vector<16xf32>
    %add3A_3397 = arith.addf %add3A_3388, %mul3A_3396 : vector<16xf32>
    %get3A_3398 = arith.constant 15 : i32
    %get3A_3399 = arith.index_cast %get3A_3398 : i32 to index
    %get3A_3400 = arith.constant 112 : index
    %get3A_3401 = tpu.vector_load %arg16[%get3A_3399, %get3A_3400] {strides = array<i32>} : memref<32x128xf32, #tpu.memory_space<vmem>>, vector<16xf32>,
    %get3A_3402 = arith.constant 112 : index
    %get3A_3403 = tpu.vector_load %arg17[%get3A_3402] {strides = array<i32>} : memref<128xf32, #tpu.memory_space<vmem>>, vector<16xf32>,
    %sub3A_3404 = arith.subf %get3A_3401, %get3A_3403 : vector<16xf32>
    %mul3A_3405 = arith.mulf %sub3A_3404, %sub3A_3404 : vector<16xf32>
    %add3A_3406 = arith.addf %add3A_3397, %mul3A_3405 : vector<16xf32>
    %reduce_sum3A_3407 = arith.constant true
    %reduce_sum3A_3408 = vector.broadcast %reduce_sum3A_3407 : i1 to vector<16xi1>
    %reduce_sum3A_3409 = tpu.scan <sum>, %add3A_3406 masked %reduce_sum3A_3408 : vector<16xf32>, vector<16xi1> -> vector<16xf32>
    %reduce_sum3A_3410 = vector.extract %reduce_sum3A_3409[15] : f32 from vector<16xf32>
    %broadcast_in_dim3A_3411 = vector.broadcast %reduce_sum3A_3410 : f32 to vector<16xf32>
    %select_n3A_3412 = arith.select %eq3A_3332, %broadcast_in_dim3A_3411, %select_n3A_3246 : vector<16xi1>, vector<16xf32>
    %eq3A_3413 = arith.constant 15 : i32
    %eq3A_3414 = vector.broadcast %eq3A_3413 : i32 to vector<16xi32>
    %eq3A_3415 = arith.cmpi eq, %iota3A, %eq3A_3414 : vector<16xi32>
    %broadcast_in_dim3A_3416 = arith.constant 0.000000e+00 : f32
    %broadcast_in_dim3A_3417 = vector.broadcast %broadcast_in_dim3A_3416 : f32 to vector<16xf32>
    %get3A_3418 = arith.constant 31 : i32
    %get3A_3419 = arith.index_cast %get3A_3418 : i32 to index
    %get3A_3420 = arith.constant 0 : index
    %get3A_3421 = tpu.vector_load %arg16[%get3A_3419, %get3A_3420] {strides = array<i32>} : memref<32x128xf32, #tpu.memory_space<vmem>>, vector<16xf32>,
    %get3A_3422 = arith.constant 0 : index
    %get3A_3423 = tpu.vector_load %arg17[%get3A_3422] {strides = array<i32>} : memref<128xf32, #tpu.memory_space<vmem>>, vector<16xf32>,
    %sub3A_3424 = arith.subf %get3A_3421, %get3A_3423 : vector<16xf32>
    %mul3A_3425 = arith.mulf %sub3A_3424, %sub3A_3424 : vector<16xf32>
    %add3A_3426 = arith.addf %broadcast_in_dim3A_3417, %mul3A_3425 : vector<16xf32>
    %get3A_3427 = arith.constant 31 : i32
    %get3A_3428 = arith.index_cast %get3A_3427 : i32 to index
    %get3A_3429 = arith.constant 16 : index
    %get3A_3430 = tpu.vector_load %arg16[%get3A_3428, %get3A_3429] {strides = array<i32>} : memref<32x128xf32, #tpu.memory_space<vmem>>, vector<16xf32>,
    %get3A_3431 = arith.constant 16 : index
    %get3A_3432 = tpu.vector_load %arg17[%get3A_3431] {strides = array<i32>} : memref<128xf32, #tpu.memory_space<vmem>>, vector<16xf32>,
    %sub3A_3433 = arith.subf %get3A_3430, %get3A_3432 : vector<16xf32>
    %mul3A_3434 = arith.mulf %sub3A_3433, %sub3A_3433 : vector<16xf32>
    %add3A_3435 = arith.addf %add3A_3426, %mul3A_3434 : vector<16xf32>
    %get3A_3436 = arith.constant 31 : i32
    %get3A_3437 = arith.index_cast %get3A_3436 : i32 to index
    %get3A_3438 = arith.constant 32 : index
    %get3A_3439 = tpu.vector_load %arg16[%get3A_3437, %get3A_3438] {strides = array<i32>} : memref<32x128xf32, #tpu.memory_space<vmem>>, vector<16xf32>,
    %get3A_3440 = arith.constant 32 : index
    %get3A_3441 = tpu.vector_load %arg17[%get3A_3440] {strides = array<i32>} : memref<128xf32, #tpu.memory_space<vmem>>, vector<16xf32>,
    %sub3A_3442 = arith.subf %get3A_3439, %get3A_3441 : vector<16xf32>
    %mul3A_3443 = arith.mulf %sub3A_3442, %sub3A_3442 : vector<16xf32>
    %add3A_3444 = arith.addf %add3A_3435, %mul3A_3443 : vector<16xf32>
    %get3A_3445 = arith.constant 31 : i32
    %get3A_3446 = arith.index_cast %get3A_3445 : i32 to index
    %get3A_3447 = arith.constant 48 : index
    %get3A_3448 = tpu.vector_load %arg16[%get3A_3446, %get3A_3447] {strides = array<i32>} : memref<32x128xf32, #tpu.memory_space<vmem>>, vector<16xf32>,
    %get3A_3449 = arith.constant 48 : index
    %get3A_3450 = tpu.vector_load %arg17[%get3A_3449] {strides = array<i32>} : memref<128xf32, #tpu.memory_space<vmem>>, vector<16xf32>,
    %sub3A_3451 = arith.subf %get3A_3448, %get3A_3450 : vector<16xf32>
    %mul3A_3452 = arith.mulf %sub3A_3451, %sub3A_3451 : vector<16xf32>
    %add3A_3453 = arith.addf %add3A_3444, %mul3A_3452 : vector<16xf32>
    %get3A_3454 = arith.constant 31 : i32
    %get3A_3455 = arith.index_cast %get3A_3454 : i32 to index
    %get3A_3456 = arith.constant 64 : index
    %get3A_3457 = tpu.vector_load %arg16[%get3A_3455, %get3A_3456] {strides = array<i32>} : memref<32x128xf32, #tpu.memory_space<vmem>>, vector<16xf32>,
    %get3A_3458 = arith.constant 64 : index
    %get3A_3459 = tpu.vector_load %arg17[%get3A_3458] {strides = array<i32>} : memref<128xf32, #tpu.memory_space<vmem>>, vector<16xf32>,
    %sub3A_3460 = arith.subf %get3A_3457, %get3A_3459 : vector<16xf32>
    %mul3A_3461 = arith.mulf %sub3A_3460, %sub3A_3460 : vector<16xf32>
    %add3A_3462 = arith.addf %add3A_3453, %mul3A_3461 : vector<16xf32>
    %get3A_3463 = arith.constant 31 : i32
    %get3A_3464 = arith.index_cast %get3A_3463 : i32 to index
    %get3A_3465 = arith.constant 80 : index
    %get3A_3466 = tpu.vector_load %arg16[%get3A_3464, %get3A_3465] {strides = array<i32>} : memref<32x128xf32, #tpu.memory_space<vmem>>, vector<16xf32>,
    %get3A_3467 = arith.constant 80 : index
    %get3A_3468 = tpu.vector_load %arg17[%get3A_3467] {strides = array<i32>} : memref<128xf32, #tpu.memory_space<vmem>>, vector<16xf32>,
    %sub3A_3469 = arith.subf %get3A_3466, %get3A_3468 : vector<16xf32>
    %mul3A_3470 = arith.mulf %sub3A_3469, %sub3A_3469 : vector<16xf32>
    %add3A_3471 = arith.addf %add3A_3462, %mul3A_3470 : vector<16xf32>
    %get3A_3472 = arith.constant 31 : i32
    %get3A_3473 = arith.index_cast %get3A_3472 : i32 to index
    %get3A_3474 = arith.constant 96 : index
    %get3A_3475 = tpu.vector_load %arg16[%get3A_3473, %get3A_3474] {strides = array<i32>} : memref<32x128xf32, #tpu.memory_space<vmem>>, vector<16xf32>,
    %get3A_3476 = arith.constant 96 : index
    %get3A_3477 = tpu.vector_load %arg17[%get3A_3476] {strides = array<i32>} : memref<128xf32, #tpu.memory_space<vmem>>, vector<16xf32>,
    %sub3A_3478 = arith.subf %get3A_3475, %get3A_3477 : vector<16xf32>
    %mul3A_3479 = arith.mulf %sub3A_3478, %sub3A_3478 : vector<16xf32>
    %add3A_3480 = arith.addf %add3A_3471, %mul3A_3479 : vector<16xf32>
    %get3A_3481 = arith.constant 31 : i32
    %get3A_3482 = arith.index_cast %get3A_3481 : i32 to index
    %get3A_3483 = arith.constant 112 : index
    %get3A_3484 = tpu.vector_load %arg16[%get3A_3482, %get3A_3483] {strides = array<i32>} : memref<32x128xf32, #tpu.memory_space<vmem>>, vector<16xf32>,
    %get3A_3485 = arith.constant 112 : index
    %get3A_3486 = tpu.vector_load %arg17[%get3A_3485] {strides = array<i32>} : memref<128xf32, #tpu.memory_space<vmem>>, vector<16xf32>,
    %sub3A_3487 = arith.subf %get3A_3484, %get3A_3486 : vector<16xf32>
    %mul3A_3488 = arith.mulf %sub3A_3487, %sub3A_3487 : vector<16xf32>
    %add3A_3489 = arith.addf %add3A_3480, %mul3A_3488 : vector<16xf32>
    %reduce_sum3A_3490 = arith.constant true
    %reduce_sum3A_3491 = vector.broadcast %reduce_sum3A_3490 : i1 to vector<16xi1>
    %reduce_sum3A_3492 = tpu.scan <sum>, %add3A_3489 masked %reduce_sum3A_3491 : vector<16xf32>, vector<16xi1> -> vector<16xf32>
    %reduce_sum3A_3493 = vector.extract %reduce_sum3A_3492[15] : f32 from vector<16xf32>
    %broadcast_in_dim3A_3494 = vector.broadcast %reduce_sum3A_3493 : f32 to vector<16xf32>
    %select_n3A_3495 = arith.select %eq3A_3415, %broadcast_in_dim3A_3494, %select_n3A_3329 : vector<16xi1>, vector<16xf32>
    %masked_sort3A_3496 = arith.constant dense<true> : vector<16xi1>
    %masked_sort3A_3497, %masked_sort3A_3498, %masked_sort3A_3499 = tpu.sort %select_n3A_3412, %masked_sort3A_791 masked %masked_sort3A_3496 : (vector<16xf32>, vector<16xi32>, vector<16xi1>) -> (vector<16xi1>, vector<16xf32>, vector<16xi32>)
    %masked_sort3A_3500 = arith.constant dense<true> : vector<16xi1>
    %masked_sort3A_3501, %masked_sort3A_3502, %masked_sort3A_3503 = tpu.sort %select_n3A_3495, %masked_sort3A_812 masked %masked_sort3A_3500 : (vector<16xf32>, vector<16xi32>, vector<16xi1>) -> (vector<16xi1>, vector<16xf32>, vector<16xi32>)
    %rev3A_3504 = arith.constant 15 : i32
    %rev3A_3505 = vector.broadcast %rev3A_3504 : i32 to vector<16xi32>
    %rev3A_3506 = tpu.iota {dimensions = array<i32: 0>} : vector<16xi32>
    %rev3A_3507 = arith.subi %rev3A_3505, %rev3A_3506 : vector<16xi32>
    %rev3A_3508 = tpu.dynamic_gather %masked_sort3A_3502[%rev3A_3507] in [0] : vector<16xf32>, vector<16xi32> -> vector<16xf32>
    %rev3A_3509 = arith.constant 15 : i32
    %rev3A_3510 = vector.broadcast %rev3A_3509 : i32 to vector<16xi32>
    %rev3A_3511 = tpu.iota {dimensions = array<i32: 0>} : vector<16xi32>
    %rev3A_3512 = arith.subi %rev3A_3510, %rev3A_3511 : vector<16xi32>
    %rev3A_3513 = tpu.dynamic_gather %masked_sort3A_3503[%rev3A_3512] in [0] : vector<16xi32>, vector<16xi32> -> vector<16xi32>
    %lt3A_3514 = arith.cmpf olt, %rev3A_3508, %masked_sort3A_3498 : vector<16xf32>
    %select_n3A_3515 = arith.select %lt3A_3514, %rev3A_3508, %masked_sort3A_3498 : vector<16xi1>, vector<16xf32>
    %select_n3A_3516 = arith.select %lt3A_3514, %rev3A_3513, %masked_sort3A_3499 : vector<16xi1>, vector<16xi32>
    %masked_sort3A_3517 = arith.constant dense<true> : vector<16xi1>
    %masked_sort3A_3518, %masked_sort3A_3519, %masked_sort3A_3520 = tpu.sort %select_n3A_3515, %select_n3A_3516 masked %masked_sort3A_3517 : (vector<16xf32>, vector<16xi32>, vector<16xi1>) -> (vector<16xi1>, vector<16xf32>, vector<16xi32>)
    %swap3A_3521 = arith.constant 0 : index
    %swap3A_3522 = tpu.vector_load %arg14[%swap3A_3521] {strides = array<i32>} : memref<16xi32, #tpu.memory_space<vmem>>, vector<16xi32>,
    tpu.vector_store %arg14[%swap3A_3521], %masked_sort3A_3520 {strides = array<i32>} : memref<16xi32, #tpu.memory_space<vmem>>, vector<16xi32>,
    %dma_start3A_3523 = arith.constant 0 : i32
    %dma_start3A_3524 = tpu.memref_slice %arg5[%dma_start3A_3523] : memref<100000xi32, #tpu.memory_space<hbm>> -> memref<100000xi32, #tpu.memory_space<hbm>>
    tpu.enqueue_indirect_dma source(%dma_start3A_3524 : memref<100000xi32, #tpu.memory_space<hbm>>) target(%arg18 : memref<16xi32, #tpu.memory_space<vmem>>) offsets(%arg14 : memref<16xi32, #tpu.memory_space<vmem>>) semaphore(%arg19 : memref<!tpu.dma_semaphore, #tpu.memory_space<semaphore_mem>>)
    %dma_wait3A_3525 = arith.constant 0 : i32
    %dma_wait3A_3526 = tpu.memref_slice %arg5[%dma_wait3A_3525] : memref<100000xi32, #tpu.memory_space<hbm>> -> memref<100000xi32, #tpu.memory_space<hbm>>
    tpu.wait_indirect_dma semaphore(%arg19 : memref<!tpu.dma_semaphore, #tpu.memory_space<semaphore_mem>>) src(%dma_wait3A_3526 : memref<100000xi32, #tpu.memory_space<hbm>>) dst(%arg18 : memref<16xi32, #tpu.memory_space<vmem>>)
    %get3A_3527 = arith.constant 0 : index
    %get3A_3528 = tpu.vector_load %arg18[%get3A_3527] {strides = array<i32>} : memref<16xi32, #tpu.memory_space<vmem>>, vector<16xi32>,
    %lt3A_3529 = arith.constant 15 : i32
    %lt3A_3530 = vector.broadcast %lt3A_3529 : i32 to vector<16xi32>
    %lt3A_3531 = arith.cmpi slt, %iota3A, %lt3A_3530 : vector<16xi32>
    %broadcast_in_dim3A_3532 = arith.constant -1 : i32
    %broadcast_in_dim3A_3533 = vector.broadcast %broadcast_in_dim3A_3532 : i32 to vector<16xi32>
    %broadcast_in_dim3A_3534 = arith.constant 0 : i32
    %broadcast_in_dim3A_3535 = vector.broadcast %broadcast_in_dim3A_3534 : i32 to vector<16xi32>
    %eq3A_3536 = arith.constant 0 : i32
    %eq3A_3537 = vector.broadcast %eq3A_3536 : i32 to vector<16xi32>
    %eq3A_3538 = arith.cmpi eq, %get3A_3528, %eq3A_3537 : vector<16xi32>
    %and3A = arith.andi %eq3A_3538, %lt3A_3531 : vector<16xi1>
    %all_reduce_population_count3A = tpu.all_reduce %and3A {dim = 0 : i64, kind = #tpu.reduction_kind<sum>} : vector<16xi1> -> vector<16xi32>
    %gt3A = arith.cmpi sgt, %all_reduce_population_count3A, %broadcast_in_dim3A_3533 : vector<16xi32>
    %select_n3A_3539 = arith.select %gt3A, %all_reduce_population_count3A, %broadcast_in_dim3A_3533 : vector<16xi1>, vector<16xi32>
    %broadcast_in_dim3A_3540 = arith.constant 0 : i32
    %broadcast_in_dim3A_3541 = vector.broadcast %broadcast_in_dim3A_3540 : i32 to vector<16xi32>
    %select_n3A_3542 = arith.select %gt3A, %broadcast_in_dim3A_3541, %broadcast_in_dim3A_3535 : vector<16xi1>, vector<16xi32>
    %eq3A_3543 = arith.constant 1 : i32
    %eq3A_3544 = vector.broadcast %eq3A_3543 : i32 to vector<16xi32>
    %eq3A_3545 = arith.cmpi eq, %get3A_3528, %eq3A_3544 : vector<16xi32>
    %and3A_3546 = arith.andi %eq3A_3545, %lt3A_3531 : vector<16xi1>
    %all_reduce_population_count3A_3547 = tpu.all_reduce %and3A_3546 {dim = 0 : i64, kind = #tpu.reduction_kind<sum>} : vector<16xi1> -> vector<16xi32>
    %gt3A_3548 = arith.cmpi sgt, %all_reduce_population_count3A_3547, %select_n3A_3539 : vector<16xi32>
    %select_n3A_3549 = arith.select %gt3A_3548, %all_reduce_population_count3A_3547, %select_n3A_3539 : vector<16xi1>, vector<16xi32>
    %broadcast_in_dim3A_3550 = arith.constant 1 : i32
    %broadcast_in_dim3A_3551 = vector.broadcast %broadcast_in_dim3A_3550 : i32 to vector<16xi32>
    %select_n3A_3552 = arith.select %gt3A_3548, %broadcast_in_dim3A_3551, %select_n3A_3542 : vector<16xi1>, vector<16xi32>
    %eq3A_3553 = arith.constant 2 : i32
    %eq3A_3554 = vector.broadcast %eq3A_3553 : i32 to vector<16xi32>
    %eq3A_3555 = arith.cmpi eq, %get3A_3528, %eq3A_3554 : vector<16xi32>
    %and3A_3556 = arith.andi %eq3A_3555, %lt3A_3531 : vector<16xi1>
    %all_reduce_population_count3A_3557 = tpu.all_reduce %and3A_3556 {dim = 0 : i64, kind = #tpu.reduction_kind<sum>} : vector<16xi1> -> vector<16xi32>
    %gt3A_3558 = arith.cmpi sgt, %all_reduce_population_count3A_3557, %select_n3A_3549 : vector<16xi32>
    %select_n3A_3559 = arith.select %gt3A_3558, %all_reduce_population_count3A_3557, %select_n3A_3549 : vector<16xi1>, vector<16xi32>
    %broadcast_in_dim3A_3560 = arith.constant 2 : i32
    %broadcast_in_dim3A_3561 = vector.broadcast %broadcast_in_dim3A_3560 : i32 to vector<16xi32>
    %select_n3A_3562 = arith.select %gt3A_3558, %broadcast_in_dim3A_3561, %select_n3A_3552 : vector<16xi1>, vector<16xi32>
    %eq3A_3563 = arith.constant 3 : i32
    %eq3A_3564 = vector.broadcast %eq3A_3563 : i32 to vector<16xi32>
    %eq3A_3565 = arith.cmpi eq, %get3A_3528, %eq3A_3564 : vector<16xi32>
    %and3A_3566 = arith.andi %eq3A_3565, %lt3A_3531 : vector<16xi1>
    %all_reduce_population_count3A_3567 = tpu.all_reduce %and3A_3566 {dim = 0 : i64, kind = #tpu.reduction_kind<sum>} : vector<16xi1> -> vector<16xi32>
    %gt3A_3568 = arith.cmpi sgt, %all_reduce_population_count3A_3567, %select_n3A_3559 : vector<16xi32>
    %select_n3A_3569 = arith.select %gt3A_3568, %all_reduce_population_count3A_3567, %select_n3A_3559 : vector<16xi1>, vector<16xi32>
    %broadcast_in_dim3A_3570 = arith.constant 3 : i32
    %broadcast_in_dim3A_3571 = vector.broadcast %broadcast_in_dim3A_3570 : i32 to vector<16xi32>
    %select_n3A_3572 = arith.select %gt3A_3568, %broadcast_in_dim3A_3571, %select_n3A_3562 : vector<16xi1>, vector<16xi32>
    %eq3A_3573 = arith.constant 4 : i32
    %eq3A_3574 = vector.broadcast %eq3A_3573 : i32 to vector<16xi32>
    %eq3A_3575 = arith.cmpi eq, %get3A_3528, %eq3A_3574 : vector<16xi32>
    %and3A_3576 = arith.andi %eq3A_3575, %lt3A_3531 : vector<16xi1>
    %all_reduce_population_count3A_3577 = tpu.all_reduce %and3A_3576 {dim = 0 : i64, kind = #tpu.reduction_kind<sum>} : vector<16xi1> -> vector<16xi32>
    %gt3A_3578 = arith.cmpi sgt, %all_reduce_population_count3A_3577, %select_n3A_3569 : vector<16xi32>
    %select_n3A_3579 = arith.select %gt3A_3578, %all_reduce_population_count3A_3577, %select_n3A_3569 : vector<16xi1>, vector<16xi32>
    %broadcast_in_dim3A_3580 = arith.constant 4 : i32
    %broadcast_in_dim3A_3581 = vector.broadcast %broadcast_in_dim3A_3580 : i32 to vector<16xi32>
    %select_n3A_3582 = arith.select %gt3A_3578, %broadcast_in_dim3A_3581, %select_n3A_3572 : vector<16xi1>, vector<16xi32>
    %eq3A_3583 = arith.constant 5 : i32
    %eq3A_3584 = vector.broadcast %eq3A_3583 : i32 to vector<16xi32>
    %eq3A_3585 = arith.cmpi eq, %get3A_3528, %eq3A_3584 : vector<16xi32>
    %and3A_3586 = arith.andi %eq3A_3585, %lt3A_3531 : vector<16xi1>
    %all_reduce_population_count3A_3587 = tpu.all_reduce %and3A_3586 {dim = 0 : i64, kind = #tpu.reduction_kind<sum>} : vector<16xi1> -> vector<16xi32>
    %gt3A_3588 = arith.cmpi sgt, %all_reduce_population_count3A_3587, %select_n3A_3579 : vector<16xi32>
    %select_n3A_3589 = arith.select %gt3A_3588, %all_reduce_population_count3A_3587, %select_n3A_3579 : vector<16xi1>, vector<16xi32>
    %broadcast_in_dim3A_3590 = arith.constant 5 : i32
    %broadcast_in_dim3A_3591 = vector.broadcast %broadcast_in_dim3A_3590 : i32 to vector<16xi32>
    %select_n3A_3592 = arith.select %gt3A_3588, %broadcast_in_dim3A_3591, %select_n3A_3582 : vector<16xi1>, vector<16xi32>
    %eq3A_3593 = arith.constant 6 : i32
    %eq3A_3594 = vector.broadcast %eq3A_3593 : i32 to vector<16xi32>
    %eq3A_3595 = arith.cmpi eq, %get3A_3528, %eq3A_3594 : vector<16xi32>
    %and3A_3596 = arith.andi %eq3A_3595, %lt3A_3531 : vector<16xi1>
    %all_reduce_population_count3A_3597 = tpu.all_reduce %and3A_3596 {dim = 0 : i64, kind = #tpu.reduction_kind<sum>} : vector<16xi1> -> vector<16xi32>
    %gt3A_3598 = arith.cmpi sgt, %all_reduce_population_count3A_3597, %select_n3A_3589 : vector<16xi32>
    %select_n3A_3599 = arith.select %gt3A_3598, %all_reduce_population_count3A_3597, %select_n3A_3589 : vector<16xi1>, vector<16xi32>
    %broadcast_in_dim3A_3600 = arith.constant 6 : i32
    %broadcast_in_dim3A_3601 = vector.broadcast %broadcast_in_dim3A_3600 : i32 to vector<16xi32>
    %select_n3A_3602 = arith.select %gt3A_3598, %broadcast_in_dim3A_3601, %select_n3A_3592 : vector<16xi1>, vector<16xi32>
    %eq3A_3603 = arith.constant 7 : i32
    %eq3A_3604 = vector.broadcast %eq3A_3603 : i32 to vector<16xi32>
    %eq3A_3605 = arith.cmpi eq, %get3A_3528, %eq3A_3604 : vector<16xi32>
    %and3A_3606 = arith.andi %eq3A_3605, %lt3A_3531 : vector<16xi1>
    %all_reduce_population_count3A_3607 = tpu.all_reduce %and3A_3606 {dim = 0 : i64, kind = #tpu.reduction_kind<sum>} : vector<16xi1> -> vector<16xi32>
    %gt3A_3608 = arith.cmpi sgt, %all_reduce_population_count3A_3607, %select_n3A_3599 : vector<16xi32>
    %select_n3A_3609 = arith.select %gt3A_3608, %all_reduce_population_count3A_3607, %select_n3A_3599 : vector<16xi1>, vector<16xi32>
    %broadcast_in_dim3A_3610 = arith.constant 7 : i32
    %broadcast_in_dim3A_3611 = vector.broadcast %broadcast_in_dim3A_3610 : i32 to vector<16xi32>
    %select_n3A_3612 = arith.select %gt3A_3608, %broadcast_in_dim3A_3611, %select_n3A_3602 : vector<16xi1>, vector<16xi32>
    %eq3A_3613 = arith.constant 8 : i32
    %eq3A_3614 = vector.broadcast %eq3A_3613 : i32 to vector<16xi32>
    %eq3A_3615 = arith.cmpi eq, %get3A_3528, %eq3A_3614 : vector<16xi32>
    %and3A_3616 = arith.andi %eq3A_3615, %lt3A_3531 : vector<16xi1>
    %all_reduce_population_count3A_3617 = tpu.all_reduce %and3A_3616 {dim = 0 : i64, kind = #tpu.reduction_kind<sum>} : vector<16xi1> -> vector<16xi32>
    %gt3A_3618 = arith.cmpi sgt, %all_reduce_population_count3A_3617, %select_n3A_3609 : vector<16xi32>
    %select_n3A_3619 = arith.select %gt3A_3618, %all_reduce_population_count3A_3617, %select_n3A_3609 : vector<16xi1>, vector<16xi32>
    %broadcast_in_dim3A_3620 = arith.constant 8 : i32
    %broadcast_in_dim3A_3621 = vector.broadcast %broadcast_in_dim3A_3620 : i32 to vector<16xi32>
    %select_n3A_3622 = arith.select %gt3A_3618, %broadcast_in_dim3A_3621, %select_n3A_3612 : vector<16xi1>, vector<16xi32>
    %eq3A_3623 = arith.constant 9 : i32
    %eq3A_3624 = vector.broadcast %eq3A_3623 : i32 to vector<16xi32>
    %eq3A_3625 = arith.cmpi eq, %get3A_3528, %eq3A_3624 : vector<16xi32>
    %and3A_3626 = arith.andi %eq3A_3625, %lt3A_3531 : vector<16xi1>
    %all_reduce_population_count3A_3627 = tpu.all_reduce %and3A_3626 {dim = 0 : i64, kind = #tpu.reduction_kind<sum>} : vector<16xi1> -> vector<16xi32>
    %gt3A_3628 = arith.cmpi sgt, %all_reduce_population_count3A_3627, %select_n3A_3619 : vector<16xi32>
    %select_n3A_3629 = arith.select %gt3A_3628, %all_reduce_population_count3A_3627, %select_n3A_3619 : vector<16xi1>, vector<16xi32>
    %broadcast_in_dim3A_3630 = arith.constant 9 : i32
    %broadcast_in_dim3A_3631 = vector.broadcast %broadcast_in_dim3A_3630 : i32 to vector<16xi32>
    %select_n3A_3632 = arith.select %gt3A_3628, %broadcast_in_dim3A_3631, %select_n3A_3622 : vector<16xi1>, vector<16xi32>
    %swap3A_3633 = arith.constant 0 : index
    %swap3A_3634 = tpu.vector_load %arg15[%swap3A_3633] {strides = array<i32>} : memref<16xi32, #tpu.memory_space<vmem>>, vector<16xi32>,
    tpu.vector_store %arg15[%swap3A_3633], %select_n3A_3632 {strides = array<i32>} : memref<16xi32, #tpu.memory_space<vmem>>, vector<16xi32>,
    %eq3A_3635 = arith.constant 0 : i32
    %eq3A_3636 = arith.cmpi eq, %arg0, %eq3A_3635 : i32
    %eq3A_3637 = arith.constant 0 : i32
    %eq3A_3638 = arith.cmpi eq, %arg1, %eq3A_3637 : i32
    %and3A_3639 = arith.andi %eq3A_3636, %eq3A_3638 : i1
    %convert_element_type3A_3640 = arith.extui %and3A_3639 : i1 to i32
    %cond3A_3641 = arith.constant 0 : i32
    %cond3A_3642 = arith.cmpi ne, %convert_element_type3A_3640, %cond3A_3641 : i32
    scf.if %cond3A_3642 {
      "tpu.region"() ({
        %run_scoped3A = tpu.sem_alloc : memref<!tpu.dma_semaphore, #tpu.memory_space<semaphore_mem>>
        tpu.enqueue_dma source(%arg15 : memref<16xi32, #tpu.memory_space<vmem>>) target(%arg6 : memref<16xi32, #tpu.memory_space<hbm>>) target_semaphore(%run_scoped3A : memref<!tpu.dma_semaphore, #tpu.memory_space<semaphore_mem>>)
        tpu.wait_dma2 semaphore(%run_scoped3A : memref<!tpu.dma_semaphore, #tpu.memory_space<semaphore_mem>>) src(%arg15 : memref<16xi32, #tpu.memory_space<vmem>>) dst(%arg6 : memref<16xi32, #tpu.memory_space<hbm>>)
        tpu.yield
      }) : () -> ()
    } else {
    }
    return
  }
}

module attributes {stable_mosaic.version = 14 : i64} {
  func.func @_dist_body(%arg0: i32, %arg1: memref<1x128xf32, #tpu.memory_space<vmem>>, %arg2: memref<5000x128xf32, #tpu.memory_space<vmem>>, %arg3: memref<1x1x5000xf32, #tpu.memory_space<vmem>>) attributes {dimension_semantics = [#tpu.dimension_semantics<arbitrary>], iteration_bounds = array<i64: 20>, scalar_prefetch = 0 : i64, scratch_operands = 0 : i64, tpu.core_type = #tpu.core_type<tc>, window_params = [{pipeline_mode = #tpu.pipeline_mode<synchronous>, transform_indices = @transform_0, window_bounds = array<i64: 1, 128>}, {transform_indices = @transform_1, window_bounds = array<i64: 5000, 128>}, {transform_indices = @transform_2, window_bounds = array<i64: 1, 1, 5000>}]} {
    %get3A = arith.constant 0 : index
    %get3A_0 = arith.constant 0 : index
    %get3A_1 = vector.load %arg2[%get3A, %get3A_0] : memref<5000x128xf32, #tpu.memory_space<vmem>>, vector<5000x128xf32>
    %get3A_2 = arith.constant 0 : index
    %get3A_3 = arith.constant 0 : index
    %get3A_4 = vector.load %arg1[%get3A_2, %get3A_3] : memref<1x128xf32, #tpu.memory_space<vmem>>, vector<1x128xf32>
    %sub3A = vector.broadcast %get3A_4 : vector<1x128xf32> to vector<5000x128xf32>
    %sub3A_5 = arith.subf %get3A_1, %sub3A : vector<5000x128xf32>
    %mul3A = arith.mulf %sub3A_5, %sub3A_5 : vector<5000x128xf32>
    %convert_element_type3A = arith.truncf %mul3A : vector<5000x128xf32> to vector<5000x128xbf16>
    %broadcast_in_dim3A = arith.constant 1.000000e+00 : bf16
    %broadcast_in_dim3A_6 = vector.broadcast %broadcast_in_dim3A : bf16 to vector<1x128xbf16>
    %dot_general3A = arith.constant dense<0.000000e+00> : vector<1x5000xf32>
    %dot_general3A_7 = tpu.matmul %broadcast_in_dim3A_6, %convert_element_type3A, %dot_general3A {dimension_numbers = #tpu.dot_dimension_numbers<[1], [1], [0], [0], [0, 0, 1, 0], [], []>, transpose_lhs_hint = false} : vector<1x128xbf16>, vector<5000x128xbf16>, vector<1x5000xf32> -> vector<1x5000xf32>
    %reshape3A = vector.shape_cast %dot_general3A_7 : vector<1x5000xf32> to vector<1x1x5000xf32>
    %swap3A = arith.constant 0 : index
    %swap3A_8 = arith.constant 0 : index
    %swap3A_9 = arith.constant 0 : index
    %swap3A_10 = vector.load %arg3[%swap3A, %swap3A_8, %swap3A_9] : memref<1x1x5000xf32, #tpu.memory_space<vmem>>, vector<1x1x5000xf32>
    tpu.vector_store %arg3[%swap3A, %swap3A_8, %swap3A_9], %reshape3A {strides = array<i32>} : memref<1x1x5000xf32, #tpu.memory_space<vmem>>, vector<1x1x5000xf32>,
    return
  }
  func.func @transform_0(%arg0: i32) -> (i32, i32) {
    %c0_i32 = arith.constant 0 : i32
    %c0_i32_0 = arith.constant 0 : i32
    %c0_i32_1 = arith.constant 0 : i32
    return %c0_i32, %c0_i32_0 : i32, i32
  }
  func.func @transform_1(%arg0: i32) -> (i32, i32) {
    %c0_i32 = arith.constant 0 : i32
    %c0_i32_0 = arith.constant 0 : i32
    return %arg0, %c0_i32 : i32, i32
  }
  func.func @transform_2(%arg0: i32) -> (i32, i32, i32) {
    %c0_i32 = arith.constant 0 : i32
    %c0_i32_0 = arith.constant 0 : i32
    %c0_i32_1 = arith.constant 0 : i32
    return %arg0, %c0_i32, %c0_i32_0 : i32, i32, i32
  }
}

</mosaic_0001>

<sc_bundles>
// kernel: kernel.4.cloned.1.call-start
scs
__scs_entry_jumppad:
0x0: {  	(pc) =	sbr.rel $0x88, $3  }
0x1: {  	(tag) =	ssettag $0x0;
	lr =	simm.s32 $0x1  }
0x2: {  	[smem:$0x3F9E] =	sst lr;
	_ =	strace $0xD0000000  }
0x3: {  	_ = 	snop  }
0x4: {  	_ = 	snop  }
0x5: {  	_ = 	snop  }
0x6: {  	_ = 	snop  }
0x7: {  	_ = 	snop  }
__scs_overlays_trampoline_lowered:
0x8: {  	[smem:$0x3FAD] =	sst s0  }
0x9: {  	[smem:$0x3FAE] =	sst s1  }
0xa: {  	[smem:$0x3FAF] =	sst s2  }
0xb: {  	[smem:$0x3FB0] =	sst s3  }
0xc: {  	[smem:$0x3FB1] =	sst s4  }
0xd: {  	[smem:$0x3FB2] =	sst s5  }
0xe: {  	[smem:$0x3FB3] =	sst s6  }
0xf: {  	[smem:$0x3FB4] =	sst s7  }
0x10: {  	[smem:$0x3FB5] =	sst s8  }
0x11: {  	[smem:$0x3FB6] =	sst s9;
	s0 =	simm.s32 @!p0 $0x0  }
0x12: {  	s1 =	sld [smem:$0x3F9C];
	s0 =	simm.s32 @p0 $0x1  }
0x13: {  	[smem:$0x3FB7] =	sst s0;
	s0 =	simm.s32 @!p1 $0x0  }
0x14: {  	s2 =	sld [smem:$0x3F9B];
	s0 =	simm.s32 @p1 $0x1  }
0x15: {  	[smem:$0x3FB8] =	sst s0;
	s0 =	simm.s32 @!p2 $0x0  }
0x16: {  	s3 =	sld [smem:$0x3FDB];
	s0 =	simm.s32 @p2 $0x1  }
0x17: {  	s4 =	simm.s32 $0x1BF5;
	[smem:$0x3FBA] =	sst s0  }
0x18: {  	s0 =	sld [smem:$0x3F9D];
	_ =	swait.ge [sflag:s4], $0x0  }
0x19: {  	s7 =	sld [smem:$0x3F9E]  }
0x1a: {  	s8 =	sadd.s32 $0xFFFFE003, lr  }
0x1b: {  	s9 =	sadd.s32 $0xFFFFFEF7, lr;
	s5 =	simm.s32 $0xFFFFFFFF;
	p2 =	slt.u32 s8, $0xFFFFF086  }
0x1c: {  	p1 =	slt.u32 s9, $0xF7A;
	s5 =	simm.s32 @!p2 $0x0  }
0x1d: {  	s5 =	simm.s32 @p1 $0x1;
	p0 =	seq.s32 s7, s2  }
0x1e: {  	s7 =	smul.u32 @!p0 $0xF7A, s2;
	p2 =	seq.s32 @!p0 s5, $0x0  }
0x1f: {  	s9 =	smul.u32 $0xF7A, s1;
	s8 =	simm.s32 @!p0 $0x1BF5;
	p2 =	por !p2, p0  }
0x20: {  	[sflag:s8] =	ssyncset.s32 @!p0 $0xFFFFF086;
	s6 =	sadd.s32 @!p0 s3, s7;
	s7 =	simm.s32 @!p0 $0x108  }
0x21: {  	s3 =	sadd.s32 s3, s9;
	s6 =	sadd.s32 @!p0 $0x88, s6;
	s7 =	simm.s32 @p2 $0x1082  }
0x22: {  	[simem:s7], [sflag:s8] =	dma.local @!p0 [hbm:s6], $0xF7A  }
0x23: {  	s9 =	sor.u32 $0xD0000000, s2;
	s6 =	simm.s32 $0x108;
	_ =	swait.ge @!p0 [sflag:s8], $0x0  }
0x24: {  	s3 =	sadd.s32 $0x88, s3;
	s6 =	simm.s32 @!p1 $0x1082;
	[sflag:s4] =	ssyncset.s32 $0xFFFFF086  }
0x25: {  	[simem:s6], [sflag:s4] =	dma.local [hbm:s3], $0xF7A  }
0x26: {  	[smem:$0x3F9E] =	sst s1;
	(tag) =	ssettag s2;
	_ =	strace s9  }
0x27: {  	s1 =	sld [smem:$0x3FAE]  }
0x28: {  	s2 =	sld [smem:$0x3FAF]  }
0x29: {  	s4 =	sld [smem:$0x3FB1]  }
0x2a: {  	p0 =	seq.s32 s5, $0x0;
	s5 =	sld [smem:$0x3FB2]  }
0x2b: {  	s6 =	sld [smem:$0x3FB3]  }
0x2c: {  	s7 =	sld [smem:$0x3FB4]  }
0x2d: {  	s3 =	simm.s32 $0x108;
	s8 =	sld [smem:$0x3FB5]  }
0x2e: {  	s3 =	simm.s32 @!p0 $0x1082;
	s9 =	sld [smem:$0x3FB6]  }
0x2f: {  	lr =	sadd.s32 s0, s3;
	s0 =	sld [smem:$0x3FAD]  }
0x30: {  	s3 =	sld [smem:$0x3FB0]  }
0x31: {  	[smem:$0x3FB9] =	sst s10  }
0x32: {  	s10 =	sld [smem:$0x3FB7];
	_ =	sdelay $0x3  }
0x33: {  	p0 =	seq.s32 s10, $0x1;
	s10 =	sld [smem:$0x3FB9];
	_ =	sdelay $0x3  }
0x34: {  	[smem:$0x3FB9] =	sst s10  }
0x35: {  	s10 =	sld [smem:$0x3FB8];
	_ =	sdelay $0x3  }
0x36: {  	p1 =	seq.s32 s10, $0x1;
	s10 =	sld [smem:$0x3FB9];
	_ =	sdelay $0x3  }
0x37: {  	[smem:$0x3FB9] =	sst s10  }
0x38: {  	s10 =	sld [smem:$0x3FBA]  }
0x39: {  	_ = 	snop;
	(pc) =	sbr.ind lr, $3  }
0x3a: {  	_ = 	snop  }
0x3b: {  	_ = 	snop  }
0x3c: {  	p2 =	seq.s32 s10, $0x1;
	s10 =	sld [smem:$0x3FB9]  }
0x3d: {  	_ =	shalt  }
0x3e: {  	_ =	shalt  }
0x3f: {  	_ =	shalt  }
0x40: {  	_ =	shalt  }
0x41: {  	_ =	shalt  }
0x42: {  	_ =	shalt  }
0x43: {  	_ =	shalt  }
0x44: {  	_ =	shalt  }
0x45: {  	_ =	shalt  }
0x46: {  	_ =	shalt  }
0x47: {  	_ =	shalt  }
0x48: {  	_ =	shalt  }
0x49: {  	_ =	shalt  }
0x4a: {  	_ =	shalt  }
0x4b: {  	_ =	shalt  }
0x4c: {  	_ =	shalt  }
0x4d: {  	_ =	shalt  }
0x4e: {  	_ =	shalt  }
0x4f: {  	_ =	shalt  }
0x50: {  	_ =	shalt  }
0x51: {  	_ =	shalt  }
0x52: {  	_ =	shalt  }
0x53: {  	_ =	shalt  }
0x54: {  	_ =	shalt  }
0x55: {  	_ =	shalt  }
0x56: {  	_ =	shalt  }
0x57: {  	_ =	shalt  }
0x58: {  	_ =	shalt  }
0x59: {  	_ =	shalt  }
0x5a: {  	_ =	shalt  }
0x5b: {  	_ =	shalt  }
0x5c: {  	_ =	shalt  }
0x5d: {  	_ =	shalt  }
0x5e: {  	_ =	shalt  }
0x5f: {  	_ =	shalt  }
0x60: {  	_ =	shalt  }
0x61: {  	_ =	shalt  }
0x62: {  	_ =	shalt  }
0x63: {  	_ =	shalt  }
0x64: {  	_ =	shalt  }
0x65: {  	_ =	shalt  }
0x66: {  	_ =	shalt  }
0x67: {  	_ =	shalt  }
0x68: {  	_ =	shalt  }
0x69: {  	_ =	shalt  }
0x6a: {  	_ =	shalt  }
0x6b: {  	_ =	shalt  }
0x6c: {  	_ =	shalt  }
0x6d: {  	_ =	shalt  }
0x6e: {  	_ =	shalt  }
0x6f: {  	_ =	shalt  }
0x70: {  	_ =	shalt  }
0x71: {  	_ =	shalt  }
0x72: {  	_ =	shalt  }
0x73: {  	_ =	shalt  }
0x74: {  	_ =	shalt  }
0x75: {  	_ =	shalt  }
0x76: {  	_ =	shalt  }
0x77: {  	_ =	shalt  }
0x78: {  	_ =	shalt  }
0x79: {  	_ =	shalt  }
0x7a: {  	_ =	shalt  }
0x7b: {  	_ =	shalt  }
0x7c: {  	_ =	shalt  }
0x7d: {  	_ =	shalt  }
0x7e: {  	_ =	shalt  }
0x7f: {  	_ =	shalt  }
0x80: {  	_ =	shalt  }
0x81: {  	_ =	shalt  }
0x82: {  	_ =	shalt  }
0x83: {  	_ =	shalt  }
0x84: {  	_ =	shalt  }
0x85: {  	_ =	shalt  }
0x86: {  	_ =	shalt  }
0x87: {  	_ =	shalt  }
.Lfunc_end0:
.L_simem_size_0:
called_computation_lowered:
.L_overlay_start_0:
0x88: {  	s2 =	sld [smem:$0x3FD9]  }
0x89: {  	s3 =	sld [smem:$0x3FFE];
	_ =	sdelay $0x1  }
0x8a: {  	s1 =	srdreg.scid  }
0x8b: {  	s0 =	sand.u32 $0x1, s1  }
0x8c: {  	s17 =	sshll.u32 s0, $0xA;
	s2 =	sadd.s32 s3, s2  }
0x8d: {  	s2 =	sadd.s32 s2, s17  }
0x8e: {  	[smem:$0x3FC5] =	sst s2  }
0x8f: {  	_ = 	snop  }
0x90: {  	s2 =	sld [smem:$0x3FC9]  }
0x91: {  	s18 =	sld [smem:$0x3FC8]  }
0x92: {  	s4 =	sld [smem:$0x3FC7]  }
0x93: {  	s5 =	sld [smem:$0x3FD0];
	(tm) =	ssettm $0x1  }
0x94: {  	s6 =	sld [smem:$0x3FFB];
	_ =	sdelay $0x3  }
0x95: {  	_ =	strace s6  }
0x96: {  	s6 =	sld [smem:$0x3FFC];
	_ =	sdelay $0x3  }
0x97: {  	_ =	strace s6  }
0x98: {  	s6 =	sld [smem:$0x3FFD];
	_ =	sdelay $0x3  }
0x99: {  	_ =	strace s6  }
0x9a: {  	_ =	strace $0x8FFFFFFF  }
0x9b: {  	s19 =	sld [smem:$0x3FDB];
	_ =	sdelay $0x1  }
0x9c: {  	s7 =	simm.s32 $_scs_section_size  }
0x9d: {  	s8 =	simm.s32 $_size__tile_overlayer_lowered;
	s9 =	simm.s32 $_tile_overlayer_lowered  }
0x9e: {  	s22 =	simm.s32 $0x1BFF;
	s21 =	sshll.u32 s9, $0x1;
	s6 =	sadd.s32 s7, s19  }
0x9f: {  	s10 =	simm.s32 $0x0;
	s20 =	sshll.u32 s8, $0x1;
	s8 =	sadd.s32 s21, s6  }
0xa0: {  	[timem:s10], [sflag:s22] =	dma.local [hbm:s8], s20  }
0xa1: {  	_ =	swait.ge [sflag:s22], s20  }
0xa2: {  	s7 =	ssub.s32 $0x0, s20;
	[sflag:s22] =	ssyncset.done $0x0  }
0xa3: {  	[sflag:s22] =	ssyncadd.s32 s7;
	_ =	sdelay $0x1  }
0xa4: {  	s23 =	simm.s32 $0x1B8B  }
0xa5: {  	_ =	swait.ge [sflag:s23], $0x1  }
0xa6: {  	[sflag:s23] =	ssyncset.done $0x0  }
0xa7: {  	s25 =	simm.s32 $0x1B8E;
	s24 =	sld [smem:$0x3FFE];
	[sflag:s23] =	ssyncadd.s32 $0xFFFFFFFF  }
0xa8: {  	s26 =	simm.s32 $execute0_lowered;
	[smem:$0x3FD2] =	sst s25  }
0xa9: {  	s8 =	sshll.u32 s26, $0x1;
	_ =	strace $0x80000046;
	[dreg:$0x1] =	wrdreg $0xFFFFFFFF  }
0xaa: {  	s28 =	simm.s32 $_size_execute0_lowered;
	s6 =	sadd.s32 s6, s8;
	[dreg:$0x0] =	wrdreg $0x0  }
0xab: {  	s8 =	sshll.u32 s28, $0x1;
	[dreg:$0x2] =	wrdreg s6  }
0xac: {  	[dreg:$0x3] =	wrdreg s8  }
0xad: {  	[dreg:$0x4] =	wrdreg $0xC0  }
0xae: {  	_ =	task [dreg:s10], $0x5FFFF  }
0xaf: {  	[dreg:$0x1] =	wrdreg $0xFFFFFFFF  }
0xb0: {  	[dreg:$0x0] =	wrdreg $0x60  }
0xb1: {  	[dreg:$0x2] =	wrdreg s24  }
0xb2: {  	[dreg:$0x3] =	wrdreg s2  }
0xb3: {  	[dreg:$0x4] =	wrdreg s18  }
0xb4: {  	[dreg:$0x5] =	wrdreg s4  }
0xb5: {  	[dreg:$0x6] =	wrdreg s5  }
0xb6: {  	[dreg:$0x7] =	wrdreg $0x9  }
0xb7: {  	_ =	task.clear_ibuf [dreg:s10], $0x8FFFF;
	_ =	strace $0x90000046  }
0xb8: {  	s29 =	simm.s32 $0x9;
	_ =	strace $0x80000048  }
0xb9: {  	_ =	swait.ge [sflag:s29], $0x1  }
0xba: {  	[sflag:s29] =	ssyncadd.s32 $0xFFFFFFFF  }
0xbb: {  	_ =	strace $0x90000048  }
0xbc: {  	_ =	sfence  }
0xbd: {  	s30 =	sld [smem:$0x0];
	_ =	sdelay $0x2  }
0xbe: {  	s31 =	sshll.u32 s1, $0xD;
	s1 =	sshrl.u32 s1, $0x2  }
0xbf: {  	s3 =	sand.u32 $0x4000, s31;
	s1 =	sadd.s32 s1, s30  }
0xc0: {  	s0 =	sor.u32 s3, s0;
	s1 =	sshll.u32 s1, $0x11  }
0xc1: {  	s0 =	sor.u32 s1, s0  }
0xc2: {  	s0 =	sadd.s32 $0x8F2B, s0  }
0xc3: {  	[sflag:s0] =	ssyncadd.remote.s32 $0x1  }
0xc4: {  	_ =	sfence.sel $0xFFFF  }
0xc5: {  	[dreg:$0x0] =	wrdreg $0xFFFFFFFF;
	(pc) =	sbr.abs _section_cstart, $3  }
0xc6: {  	[dreg:$0x1] =	wrdreg $0xFFFFFFFF  }
0xc7: {  	_ =	task.clear_ibuf [dreg:s10], $0x2FFFF;
	_ =	strace $0x9FFFFFFF  }
0xc8: {  	(tm) =	ssettm $0x7FFFFFFF  }
0xc9: {  	_ =	shalt  }
tec
execute0_lowered:
.L_overlay_start_1:
0x0: {  	(tag) =	ssettag $0x1  }
0x1: {  	s9 =	rddreg [dreg:$0x0]  }
0x2: {  	s2 =	rddreg [dreg:$0x1]  }
0x3: {  	s3 =	rddreg [dreg:$0x2]  }
0x4: {  	s4 =	rddreg [dreg:$0x3]  }
0x5: {  	s5 =	rddreg [dreg:$0x4];
	s1 =	stileid.u32;
	s6 =	simm.s32 $0x0  }
0x6: {  	s8 =	srdreg.scid;
	s19 =	simm.s32 $0x1980;
	s20 =	simm.s32 $0x2180  }
0x7: {  	s21 =	simm.s32 $0x10;
	s22 =	simm.s32 $0x2980;
	s23 =	simm.s32 $0x2A80  }
0x8: {  	s24 =	simm.s32 $0x1;
	s25 =	simm.s32 $0x2A00;
	s28 =	simm.s32 $0x3B00  }
0x9: {  	s29 =	simm.s32 $0x0;
	s7 =	smul.u32 $0x1880, s1;
	[smem:$0x7FF] =	sst s6  }
0xa: {  	v0 =	vlaneseq.u32;
	v1 =	vimm.f32 $+Inf;
	s14 =	sand.u32 $0x1, s8;
	s12 =	sadd.s32 $0x3800, s9;
	s15 =	sshll.u32 s1, $0x4  }
0xb: {  	vm0 =	vmmov $0x1;
	v3 =	vimm.s32 $0x0;
	vm3 =	vmmov $0xf;
	s16 =	sadd.s32 $0x3A00, s9;
	p0 =	seq.s32 s1, $0xF;
	_ =	strace $0x80000047  }
0xc: {  	vm4 =	vmmov $0x1f;
	vm5 =	vmmov $0x3f;
	vm6 =	vmmov $0x7f;
	s30 =	ssub.s32 $0x2, s14;
	s13 =	sshll.u32 s14, $0x8;
	s18 =	sor.u32 s1, s14  }
0xd: {  	vm7 =	vmmov $0xff;
	vm8 =	vmmov $0x1ff;
	v3 =	vsel vm0, $0xFFFFFFFF, v3;
	s10 =	sshrl.u32 s7, $0x3;
	s11 =	sshrl.u32 s30, $0x1;
	s31 =	sor.u32 s15, s13  }
0xe: {  	vm9 =	vmmov $0x3ff;
	vm0 =	vmmov $0x3;
	[tilespmem:$0x1FFD0] =	vst v3;
	v3 =	vimm.s32 $0x0;
	s15 =	simm.s32 $0x3A80;
	p1 =	sne.s32 s18, $0x0;
	s18 =	simm.s32 $0x1900  }
0xf: {  	vm10 =	vmmov $0x7ff;
	vm11 =	vmmov $0xfff;
	v3 =	vsel vm0, $0xFFFFFFFF, v3;
	s26 =	sadd.s32 s10, s9;
	s17 =	ssub.s32 s30, s11;
	s9 =	sadd.s32 $0x33F0, s9  }
0x10: {  	v2 =	vmul.u32 $0xFFFFFFFF, v0;
	vm0 =	vmmov $0x7;
	s10 =	sadd.s32 s12, s31;
	s11 =	sadd.s32 s16, s31;
	s12 =	sadd.s32 s12, s13;
	[tilespmem:$0x1FFE0] =	vst v3;
	v3 =	vimm.s32 $0x0  }
0x11: {  	vm12 =	vmmov $0x1fff;
	vm13 =	vmmov $0x3fff;
	s13 =	sadd.s32 s16, s13;
	s16 =	simm.s32 $0x2;
	s8 =	sadd.s32 $0x600, s26;
	v3 =	vsel vm0, $0xFFFFFFFF, v3  }
0x12: {  	vm14 =	vmmov $0x7fff;
	v2 =	vadd.s32 $0xF, v2;
	s14 =	smax.u32 s17, $0x1;
	s17 =	simm.s32 $0x1880;
	s26 =	simm.s32 $0x3280;
	[tilespmem:$0x1FFF0] =	vst v3;
	v3 =	vimm.s32 $0x0  }
.LBB2_1:
0x13: {  	[tilespmem:$0x1720] =	vst v1  }
0x14: {  	[tilespmem:$0x1730] =	vst v1  }
0x15: {  	[tilespmem:$0x1740] =	vst v1  }
0x16: {  	[tilespmem:$0x1750] =	vst v1  }
0x17: {  	[tilespmem:$0x1760] =	vst v1  }
0x18: {  	[tilespmem:$0x1770] =	vst v1  }
0x19: {  	[tilespmem:$0x1780] =	vst v1  }
0x1a: {  	[tilespmem:$0x1790] =	vst v1  }
0x1b: {  	[tilespmem:$0x17A0] =	vst v1  }
0x1c: {  	[tilespmem:$0x17B0] =	vst v1  }
0x1d: {  	[tilespmem:$0x17C0] =	vst v1  }
0x1e: {  	[tilespmem:$0x17D0] =	vst v1  }
0x1f: {  	[tilespmem:$0x17E0] =	vst v1  }
0x20: {  	[tilespmem:$0x17F0] =	vst v1  }
0x21: {  	[tilespmem:$0x1800] =	vst v1  }
0x22: {  	[tilespmem:$0x1810] =	vst v1  }
0x23: {  	[tilespmem:$0x1820] =	vst v1  }
0x24: {  	[tilespmem:$0x1830] =	vst v1  }
0x25: {  	[tilespmem:$0x1840] =	vst v1  }
0x26: {  	[tilespmem:$0x1850] =	vst v1  }
0x27: {  	[tilespmem:$0x1860] =	vst v1  }
0x28: {  	[tilespmem:$0x1870] =	vst v1;
	s30 =	simm.s32 @p0 $0x0  }
0x29: {  	[tilespmem:s30], [sflag:$0x2] =	stream.linear.gather @p0 [hbm4b:s9+s30], $0x1720, $0x38;
	[tilespmem:$0x3B80] =	vst v63  }
0x2a: {  	s30 =	simm.s32 @p0 $0x2  }
0x2b: {  	_ =	swait.ge @p0 [sflag:s30], $0x1720  }
0x2c: {  	[sflag:s30] =	ssyncset.done @p0 $0x0  }
0x2d: {  	[sflag:s30] =	ssyncadd.s32 @p0 $0xFFFFE8E0;
	s30 =	simm.s32 @!p0 $0x0  }
0x2e: {  	[tilespmem:s30], [sflag:$0x2] =	stream.linear.gather @!p0 [hbm4b:s8+s30], $0x1880, $0x38;
	[tilespmem:$0x3B80] =	vst v63  }
0x2f: {  	s30 =	simm.s32 @!p0 $0x2  }
0x30: {  	_ =	swait.ge @!p0 [sflag:s30], $0x1880  }
0x31: {  	[sflag:s30] =	ssyncset.done @!p0 $0x0  }
0x32: {  	[sflag:s30] =	ssyncadd.s32 @!p0 $0xFFFFE780  }
0x33: {  	[tilespmem:s15], [sflag:$0x2] =	stream.linear.gather [hbm4b:s2+s6], $0x80, $0x38;
	[tilespmem:$0x3B80] =	vst v63  }
0x34: {  	_ =	swait.ge [sflag:s16], $0x80  }
0x35: {  	[sflag:s16] =	ssyncset.done $0x0  }
0x36: {  	s30 =	simm.s32 $0x0;
	[sflag:s16] =	ssyncadd.s32 $0xFFFFFF80  }
0x37: {  	v4 =	vld [tilespmem:s30+$0x0]  }
0x38: {  	v5 =	vld [tilespmem:s30+$0xC40];
	_ =	sdelay $0x2  }
0x39: {  	v6 =	vor.u32 s7, v0;
	s30 =	sadd.s32 $0xC40, s7  }
0x3a: {  	v7 =	vor.u32 s30, v0;
	(xrf1) =	vsort.ascd.msk.f32 $0xffff, v4, v6  }
0x3b: {  	(xrf1) =	vsort.ascd.msk.f32 $0xffff, v5, v7;
	_ =	sdelay $0x8  }
0x3c: {  	s30 =	simm.s32 $0x10  }
0x3d: {  	v4 =	vld [tilespmem:s30+$0x0]  }
0x3e: {  	v5 =	vld [tilespmem:s30+$0xC40];
	_ =	sdelay $0x1  }
0x3f: {  	s30 =	sadd.s32 $0x10, s7;
	v6, v7, _ =	vpop (xrf1)  }
0x40: {  	v10 =	vor.u32 s30, v0;
	s31 =	sadd.s32 $0xC40, s30;
	v8, v9, _ =	vpop (xrf1);
	v6 =	vperm.xlane v6, v2  }
0x41: {  	v11 =	vor.u32 s31, v0;
	(xrf1) =	vsort.ascd.msk.f32 $0xffff, v4, v10;
	v4 =	vperm.xlane v7, v2;
	v7 =	vperm.xlane v8, v2  }
0x42: {  	(xrf1) =	vsort.ascd.msk.f32 $0xffff, v5, v11;
	v5 =	vperm.xlane v9, v2;
	vm15 =	vlt.f32 v6, v1  }
0x43: {  	v6 =	vsel vm15, v6, v1;
	v4 =	vsel vm15, v4, v3;
	vm15 =	vlt.f32 v7, v1  }
0x44: {  	v7 =	vsel vm15, v7, v1;
	v63 =	vsel vm15, v5, v3;
	(xrf1) =	vsort.ascd.msk.f32 $0xffff, v6, v4  }
0x45: {  	(xrf1) =	vsort.ascd.msk.f32 $0xffff, v7, v63;
	_ =	sdelay $0x6  }
0x46: {  	s31 =	simm.s32 $0x20  }
0x47: {  	v5 =	vld [tilespmem:s31+$0x0]  }
0x48: {  	v4 =	vld [tilespmem:s31+$0xC40];
	s31 =	simm.s32 $0xC0  }
.LBB2_2:
0x49: {  	p2 =	sne.s32 s31, $0x30C0;
	v6, v7, _ =	vpop (xrf1)  }
0x4a: {  	s30 =	sadd.s32 $0x10, s30;
	v8, v9, _ =	vpop (xrf1)  }
0x4b: {  	v12 =	vor.u32 s30, v0;
	s0 =	sadd.s32 $0xC40, s30;
	v6 =	vperm.xlane v6, v2  }
0x4c: {  	v13 =	vor.u32 s0, v0;
	(xrf1) =	vsort.ascd.msk.f32 $0xffff, v5, v12;
	v5 =	vperm.xlane v7, v2;
	v7 =	vperm.xlane v8, v2;
	v8, v10, _ =	vpop (xrf1)  }
0x4d: {  	(xrf1) =	vsort.ascd.msk.f32 $0xffff, v4, v13;
	vm15 =	vlt.f32 v6, v8;
	v4 =	vperm.xlane v9, v2;
	v9, v11, _ =	vpop (xrf1)  }
0x4e: {  	v6 =	vsel vm15, v6, v8;
	v5 =	vsel vm15, v5, v10;
	vm15 =	vlt.f32 v7, v9  }
0x4f: {  	v7 =	vsel vm15, v7, v9;
	v4 =	vsel vm15, v4, v11;
	(xrf1) =	vsort.ascd.msk.f32 $0xffff, v6, v5  }
0x50: {  	(xrf1) =	vsort.ascd.msk.f32 $0xffff, v7, v4;
	_ =	sdelay $0x4  }
.Ltmp0:
0x51: {  	(pc) =	sbr.rel @p2 .LBB2_2-.Ltmp0, $4  }
0x52: {  	_ = 	snop  }
0x53: {  	s0 =	sshra.s32 s31, $0x2  }
0x54: {  	v5 =	vld [tilespmem:s0+$0x0]  }
0x55: {  	s31 =	sadd.s32 $0x40, s31;
	v4 =	vld [tilespmem:s0+$0xC40]  }
0x56: {  	_ = 	snop  }
0x57: {  	s0 =	sadd.s32 $0x10, s30;
	v6, v7, _ =	vpop (xrf1)  }
0x58: {  	v8 =	vor.u32 s0, v0;
	s0 =	sadd.s32 $0xC40, s0;
	v9, v10, _ =	vpop (xrf1);
	v6 =	vperm.xlane v6, v2  }
0x59: {  	v11 =	vor.u32 s0, v0;
	v42 =	vperm.xlane v9, v2;
	(xrf1) =	vsort.ascd.msk.f32 $0xffff, v5, v8;
	v5 =	vperm.xlane v7, v2;
	v43, v44, _ =	vpop (xrf1)  }
0x5a: {  	(xrf1) =	vsort.ascd.msk.f32 $0xffff, v4, v11;
	vm15 =	vlt.f32 v6, v43;
	v4 =	vperm.xlane v10, v2;
	v46, v45, _ =	vpop (xrf1)  }
0x5b: {  	v6 =	vsel vm15, v6, v43;
	v5 =	vsel vm15, v5, v44;
	vm15 =	vlt.f32 v42, v46  }
0x5c: {  	v7 =	vsel vm15, v42, v46;
	v4 =	vsel vm15, v4, v45;
	(xrf1) =	vsort.ascd.msk.f32 $0xffff, v6, v5  }
0x5d: {  	(xrf1) =	vsort.ascd.msk.f32 $0xffff, v7, v4;
	_ =	sdelay $0xa  }
0x5e: {  	v4, v5, _ =	vpop (xrf1)  }
0x5f: {  	v47, v48, _ =	vpop (xrf1);
	v4 =	vperm.xlane v4, v2  }
0x60: {  	v5 =	vperm.xlane v5, v2;
	v6 =	vperm.xlane v47, v2;
	v49, v50, _ =	vpop (xrf1)  }
0x61: {  	v7 =	vperm.xlane v48, v2;
	vm15 =	vlt.f32 v4, v49;
	v51, v52, _ =	vpop (xrf1)  }
0x62: {  	v4 =	vsel vm15, v4, v49;
	v5 =	vsel vm15, v5, v50;
	vm15 =	vlt.f32 v6, v51  }
0x63: {  	v6 =	vsel vm15, v6, v51;
	v7 =	vsel vm15, v7, v52;
	(xrf1) =	vsort.ascd.msk.f32 $0xffff, v4, v5  }
0x64: {  	(xrf1) =	vsort.ascd.msk.f32 $0xffff, v6, v7;
	_ =	sdelay $0xc  }
0x65: {  	v4, v5, _ =	vpop (xrf1)  }
0x66: {  	v6, v7, _ =	vpop (xrf1)  }
0x67: {  	v6 =	vperm.xlane v6, v2  }
0x68: {  	v7 =	vperm.xlane v7, v2  }
0x69: {  	vm15 =	vlt.f32 v6, v4  }
0x6a: {  	v4 =	vsel vm15, v6, v4;
	v5 =	vsel vm15, v7, v5  }
0x6b: {  	(xrf1) =	vsort.ascd.msk.f32 $0xffff, v4, v5;
	_ =	sdelay $0xd  }
0x6c: {  	v4, v5, _ =	vpop (xrf1)  }
0x6d: {  	[tilespmem:$0x1880] =	vst v4  }
0x6e: {  	[tilespmem:$0x1900] =	vst v5  }
0x6f: {  	[hbm4b:s10+s6] =	stream.linear.scatter [tilespmem:s17], [sflag:$0x2], $0x80, $0x38;
	[tilespmem:$0x3B80] =	vst v63  }
0x70: {  	_ =	swait.ge [sflag:s16], $0x80  }
0x71: {  	[sflag:s16] =	ssyncset.done $0x0  }
0x72: {  	[sflag:s16] =	ssyncadd.s32 $0xFFFFFF80  }
0x73: {  	[hbm4b:s11+s6] =	stream.linear.scatter [tilespmem:s18], [sflag:$0x2], $0x80, $0x38;
	[tilespmem:$0x3B80] =	vst v63  }
0x74: {  	_ =	swait.ge [sflag:s16], $0x80  }
0x75: {  	[sflag:s16] =	ssyncset.done $0x0  }
0x76: {  	[sflag:s16] =	ssyncadd.s32 $0xFFFFFF80  }
0x77: {  	[bflag:$0x0] =	sbarrier.arrive $0xFFFF  }
0x78: {  	[tilespmem:s19], [sflag:$0x2] =	stream.linear.gather [hbm4b:s12+s6], $0x800, $0x38;
	[tilespmem:$0x3B80] =	vst v63  }
0x79: {  	_ =	swait.ge [sflag:s16], $0x800  }
0x7a: {  	[sflag:s16] =	ssyncset.done $0x0  }
0x7b: {  	[sflag:s16] =	ssyncadd.s32 $0xFFFFF800  }
0x7c: {  	[tilespmem:s20], [sflag:$0x2] =	stream.linear.gather [hbm4b:s13+s6], $0x800, $0x38;
	[tilespmem:$0x3B80] =	vst v63  }
0x7d: {  	_ =	swait.ge [sflag:s16], $0x800  }
0x7e: {  	[sflag:s16] =	ssyncset.done $0x0  }
0x7f: {  	[sflag:s16] =	ssyncadd.s32 $0xFFFFF800  }
0x80: {  	v4 =	vld [tilespmem:$0x1A00]  }
0x81: {  	v5 =	vld [tilespmem:$0x2200]  }
0x82: {  	v53 =	vld [tilespmem:$0x1980]  }
0x83: {  	v54 =	vld [tilespmem:$0x2180];
	_ =	sdelay $0x1  }
0x84: {  	v4 =	vperm.xlane v4, v2  }
0x85: {  	v5 =	vperm.xlane v5, v2  }
0x86: {  	vm15 =	vlt.f32 v4, v53  }
0x87: {  	v55 =	vsel vm15, v4, v53;
	v56 =	vsel vm15, v5, v54  }
0x88: {  	v4 =	vsel vm15, v53, v4;
	v5 =	vsel vm15, v54, v5;
	(xrf1) =	vsort.ascd.msk.f32 $0xffff, v55, v56  }
0x89: {  	(xrf1) =	vsort.ascd.msk.f32 $0xffff, v4, v5;
	_ =	sdelay $0xa  }
0x8a: {  	v4 =	vld [tilespmem:$0x1A80];
	_ =	sdelay $0x1  }
0x8b: {  	v58 =	vld [tilespmem:$0x2280];
	v5, v57, _ =	vpop (xrf1)  }
0x8c: {  	v8, v9, _ =	vpop (xrf1)  }
0x8d: {  	v8 =	vperm.xlane v8, v2  }
0x8e: {  	v4 =	vperm.xlane v4, v2  }
0x8f: {  	v9 =	vperm.xlane v9, v2;
	vm15 =	vlt.f32 v8, $+Inf;
	vm0 =	vgt.f32 v8, $+Inf  }
0x90: {  	v7 =	vperm.xlane v58, v2;
	vm0 =	vmor vm0, vm15  }
0x91: {  	v8 =	vnsel vm0, $0x7F800000, v8;
	v9 =	vnsel vm0, $0x0, v9;
	vm0 =	vlt.f32 v4, v5  }
0x92: {  	(xrf1) =	vsort.ascd.msk.f32 $0xffff, v8, v9;
	v59 =	vsel vm0, v4, v5;
	v60 =	vsel vm0, v7, v57  }
0x93: {  	v4 =	vsel vm0, v5, v4;
	v5 =	vsel vm0, v57, v7;
	(xrf1) =	vsort.ascd.msk.f32 $0xffff, v59, v60  }
0x94: {  	(xrf1) =	vsort.ascd.msk.f32 $0xffff, v4, v5;
	_ =	sdelay $0xa  }
0x95: {  	v4 =	vld [tilespmem:$0x1B00]  }
0x96: {  	v61 =	vld [tilespmem:$0x2300];
	v5, v6, _ =	vpop (xrf1)  }
0x97: {  	v8, v9, _ =	vpop (xrf1)  }
0x98: {  	v62, v63, _ =	vpop (xrf1)  }
0x99: {  	v10 =	vperm.xlane v62, v2  }
0x9a: {  	v4 =	vperm.xlane v4, v2;
	v11 =	vperm.xlane v63, v2  }
0x9b: {  	v7 =	vperm.xlane v61, v2;
	vm0 =	vlt.f32 v10, v5  }
0x9c: {  	v5 =	vsel vm0, v10, v5;
	v6 =	vsel vm0, v11, v6;
	vm0 =	vlt.f32 v4, v8  }
0x9d: {  	(xrf1) =	vsort.ascd.msk.f32 $0xffff, v5, v6;
	v5 =	vsel vm0, v4, v8;
	v11 =	vsel vm0, v7, v9  }
0x9e: {  	v4 =	vsel vm0, v8, v4;
	v7 =	vsel vm0, v9, v7;
	(xrf1) =	vsort.ascd.msk.f32 $0xffff, v5, v11  }
0x9f: {  	(xrf1) =	vsort.ascd.msk.f32 $0xffff, v4, v7;
	_ =	sdelay $0xa  }
0xa0: {  	v4 =	vld [tilespmem:$0x1B80]  }
0xa1: {  	v12 =	vld [tilespmem:$0x2380];
	v5, v6, _ =	vpop (xrf1)  }
0xa2: {  	v13, v14, _ =	vpop (xrf1)  }
0xa3: {  	v15, v16, _ =	vpop (xrf1)  }
0xa4: {  	v10 =	vperm.xlane v15, v2  }
0xa5: {  	v4 =	vperm.xlane v4, v2;
	v11 =	vperm.xlane v16, v2  }
0xa6: {  	v7 =	vperm.xlane v12, v2;
	vm0 =	vlt.f32 v10, v5  }
0xa7: {  	v5 =	vsel vm0, v10, v5;
	v6 =	vsel vm0, v11, v6;
	vm0 =	vlt.f32 v4, v13  }
0xa8: {  	(xrf1) =	vsort.ascd.msk.f32 $0xffff, v5, v6;
	v5 =	vsel vm0, v4, v13;
	v17 =	vsel vm0, v7, v14  }
0xa9: {  	v4 =	vsel vm0, v13, v4;
	v7 =	vsel vm0, v14, v7;
	(xrf1) =	vsort.ascd.msk.f32 $0xffff, v5, v17  }
0xaa: {  	(xrf1) =	vsort.ascd.msk.f32 $0xffff, v4, v7;
	_ =	sdelay $0xa  }
0xab: {  	v4 =	vld [tilespmem:$0x1C00]  }
0xac: {  	v18 =	vld [tilespmem:$0x2400];
	v5, v6, _ =	vpop (xrf1)  }
0xad: {  	v19, v20, _ =	vpop (xrf1)  }
0xae: {  	v21, v22, _ =	vpop (xrf1)  }
0xaf: {  	v10 =	vperm.xlane v21, v2  }
0xb0: {  	v4 =	vperm.xlane v4, v2;
	v11 =	vperm.xlane v22, v2  }
0xb1: {  	v7 =	vperm.xlane v18, v2;
	vm0 =	vlt.f32 v10, v5  }
0xb2: {  	v5 =	vsel vm0, v10, v5;
	v6 =	vsel vm0, v11, v6;
	vm0 =	vlt.f32 v4, v19  }
0xb3: {  	(xrf1) =	vsort.ascd.msk.f32 $0xffff, v5, v6;
	v5 =	vsel vm0, v4, v19;
	v23 =	vsel vm0, v7, v20  }
0xb4: {  	v4 =	vsel vm0, v19, v4;
	v7 =	vsel vm0, v20, v7;
	(xrf1) =	vsort.ascd.msk.f32 $0xffff, v5, v23  }
0xb5: {  	(xrf1) =	vsort.ascd.msk.f32 $0xffff, v4, v7;
	_ =	sdelay $0xa  }
0xb6: {  	v4 =	vld [tilespmem:$0x1C80]  }
0xb7: {  	v24 =	vld [tilespmem:$0x2480];
	v5, v6, _ =	vpop (xrf1)  }
0xb8: {  	v25, v26, _ =	vpop (xrf1)  }
0xb9: {  	v27, v28, _ =	vpop (xrf1)  }
0xba: {  	v10 =	vperm.xlane v27, v2  }
0xbb: {  	v4 =	vperm.xlane v4, v2;
	v11 =	vperm.xlane v28, v2  }
0xbc: {  	v7 =	vperm.xlane v24, v2;
	vm0 =	vlt.f32 v10, v5  }
0xbd: {  	v5 =	vsel vm0, v10, v5;
	v6 =	vsel vm0, v11, v6;
	vm0 =	vlt.f32 v4, v25  }
0xbe: {  	(xrf1) =	vsort.ascd.msk.f32 $0xffff, v5, v6;
	v5 =	vsel vm0, v4, v25;
	v29 =	vsel vm0, v7, v26  }
0xbf: {  	v4 =	vsel vm0, v25, v4;
	v7 =	vsel vm0, v26, v7;
	(xrf1) =	vsort.ascd.msk.f32 $0xffff, v5, v29  }
0xc0: {  	(xrf1) =	vsort.ascd.msk.f32 $0xffff, v4, v7;
	_ =	sdelay $0xa  }
0xc1: {  	v4 =	vld [tilespmem:$0x1D00]  }
0xc2: {  	v30 =	vld [tilespmem:$0x2500];
	v5, v6, _ =	vpop (xrf1)  }
0xc3: {  	v31, v32, _ =	vpop (xrf1)  }
0xc4: {  	v33, v34, _ =	vpop (xrf1)  }
0xc5: {  	v10 =	vperm.xlane v33, v2  }
0xc6: {  	v4 =	vperm.xlane v4, v2;
	v11 =	vperm.xlane v34, v2  }
0xc7: {  	v7 =	vperm.xlane v30, v2;
	vm0 =	vlt.f32 v10, v5  }
0xc8: {  	v5 =	vsel vm0, v10, v5;
	v6 =	vsel vm0, v11, v6;
	vm0 =	vlt.f32 v4, v31  }
0xc9: {  	(xrf1) =	vsort.ascd.msk.f32 $0xffff, v5, v6;
	v5 =	vsel vm0, v4, v31;
	v35 =	vsel vm0, v7, v32  }
0xca: {  	v4 =	vsel vm0, v31, v4;
	v7 =	vsel vm0, v32, v7;
	(xrf1) =	vsort.ascd.msk.f32 $0xffff, v5, v35  }
0xcb: {  	(xrf1) =	vsort.ascd.msk.f32 $0xffff, v4, v7;
	_ =	sdelay $0xa  }
0xcc: {  	v4 =	vld [tilespmem:$0x1D80]  }
0xcd: {  	v36 =	vld [tilespmem:$0x2580];
	v5, v6, _ =	vpop (xrf1)  }
0xce: {  	v37, v38, _ =	vpop (xrf1)  }
0xcf: {  	v39, v40, _ =	vpop (xrf1)  }
0xd0: {  	v10 =	vperm.xlane v39, v2  }
0xd1: {  	v4 =	vperm.xlane v4, v2;
	v11 =	vperm.xlane v40, v2  }
0xd2: {  	v7 =	vperm.xlane v36, v2;
	vm0 =	vlt.f32 v10, v5  }
0xd3: {  	v5 =	vsel vm0, v10, v5;
	v6 =	vsel vm0, v11, v6;
	vm0 =	vlt.f32 v4, v37  }
0xd4: {  	(xrf1) =	vsort.ascd.msk.f32 $0xffff, v5, v6;
	v5 =	vsel vm0, v4, v37;
	v41 =	vsel vm0, v7, v38  }
0xd5: {  	v4 =	vsel vm0, v37, v4;
	v7 =	vsel vm0, v38, v7;
	(xrf1) =	vsort.ascd.msk.f32 $0xffff, v5, v41  }
0xd6: {  	(xrf1) =	vsort.ascd.msk.f32 $0xffff, v4, v7;
	_ =	sdelay $0xa  }
0xd7: {  	v4 =	vld [tilespmem:$0x1E00]  }
0xd8: {  	v42 =	vld [tilespmem:$0x2600];
	v5, v6, _ =	vpop (xrf1)  }
0xd9: {  	v43, v44, _ =	vpop (xrf1)  }
0xda: {  	v45, v46, _ =	vpop (xrf1)  }
0xdb: {  	v10 =	vperm.xlane v45, v2  }
0xdc: {  	v4 =	vperm.xlane v4, v2;
	v11 =	vperm.xlane v46, v2  }
0xdd: {  	v7 =	vperm.xlane v42, v2;
	vm0 =	vlt.f32 v10, v5  }
0xde: {  	v5 =	vsel vm0, v10, v5;
	v6 =	vsel vm0, v11, v6;
	vm0 =	vlt.f32 v4, v43  }
0xdf: {  	(xrf1) =	vsort.ascd.msk.f32 $0xffff, v5, v6;
	v5 =	vsel vm0, v4, v43;
	v47 =	vsel vm0, v7, v44  }
0xe0: {  	v4 =	vsel vm0, v43, v4;
	v7 =	vsel vm0, v44, v7;
	(xrf1) =	vsort.ascd.msk.f32 $0xffff, v5, v47  }
0xe1: {  	(xrf1) =	vsort.ascd.msk.f32 $0xffff, v4, v7;
	_ =	sdelay $0xa  }
0xe2: {  	v4 =	vld [tilespmem:$0x1E80]  }
0xe3: {  	v48 =	vld [tilespmem:$0x2680];
	v5, v6, _ =	vpop (xrf1)  }
0xe4: {  	v49, v50, _ =	vpop (xrf1)  }
0xe5: {  	v51, v52, _ =	vpop (xrf1)  }
0xe6: {  	v10 =	vperm.xlane v51, v2  }
0xe7: {  	v4 =	vperm.xlane v4, v2;
	v11 =	vperm.xlane v52, v2  }
0xe8: {  	v7 =	vperm.xlane v48, v2;
	vm0 =	vlt.f32 v10, v5  }
0xe9: {  	v5 =	vsel vm0, v10, v5;
	v6 =	vsel vm0, v11, v6;
	vm0 =	vlt.f32 v4, v49  }
0xea: {  	(xrf1) =	vsort.ascd.msk.f32 $0xffff, v5, v6;
	v5 =	vsel vm0, v4, v49;
	v53 =	vsel vm0, v7, v50  }
0xeb: {  	v4 =	vsel vm0, v49, v4;
	v7 =	vsel vm0, v50, v7;
	(xrf1) =	vsort.ascd.msk.f32 $0xffff, v5, v53  }
0xec: {  	(xrf1) =	vsort.ascd.msk.f32 $0xffff, v4, v7;
	_ =	sdelay $0xa  }
0xed: {  	v4 =	vld [tilespmem:$0x1F00]  }
0xee: {  	v54 =	vld [tilespmem:$0x2700];
	v5, v6, _ =	vpop (xrf1)  }
0xef: {  	v55, v56, _ =	vpop (xrf1)  }
0xf0: {  	v57, v58, _ =	vpop (xrf1)  }
0xf1: {  	v10 =	vperm.xlane v57, v2  }
0xf2: {  	v4 =	vperm.xlane v4, v2;
	v11 =	vperm.xlane v58, v2  }
0xf3: {  	v7 =	vperm.xlane v54, v2;
	vm0 =	vlt.f32 v10, v5  }
0xf4: {  	v5 =	vsel vm0, v10, v5;
	v6 =	vsel vm0, v11, v6;
	vm0 =	vlt.f32 v4, v55  }
0xf5: {  	(xrf1) =	vsort.ascd.msk.f32 $0xffff, v5, v6;
	v5 =	vsel vm0, v4, v55;
	v59 =	vsel vm0, v7, v56  }
0xf6: {  	v4 =	vsel vm0, v55, v4;
	v7 =	vsel vm0, v56, v7;
	(xrf1) =	vsort.ascd.msk.f32 $0xffff, v5, v59  }
0xf7: {  	(xrf1) =	vsort.ascd.msk.f32 $0xffff, v4, v7;
	_ =	sdelay $0xa  }
0xf8: {  	v4 =	vld [tilespmem:$0x1F80]  }
0xf9: {  	v60 =	vld [tilespmem:$0x2780];
	v5, v6, _ =	vpop (xrf1)  }
0xfa: {  	v61, v62, _ =	vpop (xrf1)  }
0xfb: {  	v63, v12, _ =	vpop (xrf1)  }
0xfc: {  	v10 =	vperm.xlane v63, v2  }
0xfd: {  	v4 =	vperm.xlane v4, v2;
	v11 =	vperm.xlane v12, v2  }
0xfe: {  	v7 =	vperm.xlane v60, v2;
	vm0 =	vlt.f32 v10, v5  }
0xff: {  	v5 =	vsel vm0, v10, v5;
	v6 =	vsel vm0, v11, v6;
	vm0 =	vlt.f32 v4, v61  }
0x100: {  	(xrf1) =	vsort.ascd.msk.f32 $0xffff, v5, v6;
	v5 =	vsel vm0, v4, v61;
	v13 =	vsel vm0, v7, v62  }
0x101: {  	v4 =	vsel vm0, v61, v4;
	v7 =	vsel vm0, v62, v7;
	(xrf1) =	vsort.ascd.msk.f32 $0xffff, v5, v13  }
0x102: {  	(xrf1) =	vsort.ascd.msk.f32 $0xffff, v4, v7;
	_ =	sdelay $0xa  }
0x103: {  	v4 =	vld [tilespmem:$0x2000]  }
0x104: {  	v14 =	vld [tilespmem:$0x2800];
	v5, v6, _ =	vpop (xrf1)  }
0x105: {  	v15, v16, _ =	vpop (xrf1)  }
0x106: {  	v17, v18, _ =	vpop (xrf1)  }
0x107: {  	v10 =	vperm.xlane v17, v2  }
0x108: {  	v4 =	vperm.xlane v4, v2;
	v11 =	vperm.xlane v18, v2  }
0x109: {  	v7 =	vperm.xlane v14, v2;
	vm0 =	vlt.f32 v10, v5  }
0x10a: {  	v5 =	vsel vm0, v10, v5;
	v6 =	vsel vm0, v11, v6;
	vm0 =	vlt.f32 v4, v15  }
0x10b: {  	(xrf1) =	vsort.ascd.msk.f32 $0xffff, v5, v6;
	v5 =	vsel vm0, v4, v15;
	v19 =	vsel vm0, v7, v16  }
0x10c: {  	v4 =	vsel vm0, v15, v4;
	v7 =	vsel vm0, v16, v7;
	(xrf1) =	vsort.ascd.msk.f32 $0xffff, v5, v19  }
0x10d: {  	(xrf1) =	vsort.ascd.msk.f32 $0xffff, v4, v7;
	_ =	sdelay $0xa  }
0x10e: {  	v4 =	vld [tilespmem:$0x2080]  }
0x10f: {  	v20 =	vld [tilespmem:$0x2880];
	v5, v6, _ =	vpop (xrf1)  }
0x110: {  	v21, v22, _ =	vpop (xrf1)  }
0x111: {  	v23, v24, _ =	vpop (xrf1)  }
0x112: {  	v10 =	vperm.xlane v23, v2  }
0x113: {  	v4 =	vperm.xlane v4, v2;
	v11 =	vperm.xlane v24, v2  }
0x114: {  	v7 =	vperm.xlane v20, v2;
	vm0 =	vlt.f32 v10, v5  }
0x115: {  	v5 =	vsel vm0, v10, v5;
	v6 =	vsel vm0, v11, v6;
	vm0 =	vlt.f32 v4, v21  }
0x116: {  	(xrf1) =	vsort.ascd.msk.f32 $0xffff, v5, v6;
	v5 =	vsel vm0, v4, v21;
	v25 =	vsel vm0, v7, v22  }
0x117: {  	v4 =	vsel vm0, v21, v4;
	v7 =	vsel vm0, v22, v7;
	(xrf1) =	vsort.ascd.msk.f32 $0xffff, v5, v25  }
0x118: {  	(xrf1) =	vsort.ascd.msk.f32 $0xffff, v4, v7;
	_ =	sdelay $0xa  }
0x119: {  	v4 =	vld [tilespmem:$0x2100]  }
0x11a: {  	v26 =	vld [tilespmem:$0x2900];
	v5, v6, _ =	vpop (xrf1)  }
0x11b: {  	v27, v28, _ =	vpop (xrf1)  }
0x11c: {  	v29, v30, _ =	vpop (xrf1)  }
0x11d: {  	v10 =	vperm.xlane v29, v2  }
0x11e: {  	v4 =	vperm.xlane v4, v2;
	v11 =	vperm.xlane v30, v2  }
0x11f: {  	v7 =	vperm.xlane v26, v2;
	vm0 =	vlt.f32 v10, v5  }
0x120: {  	v5 =	vsel vm0, v10, v5;
	v6 =	vsel vm0, v11, v6;
	vm0 =	vlt.f32 v4, v27  }
0x121: {  	(xrf1) =	vsort.ascd.msk.f32 $0xffff, v5, v6;
	v5 =	vsel vm0, v4, v27;
	v31 =	vsel vm0, v7, v28  }
0x122: {  	v4 =	vsel vm0, v27, v4;
	v7 =	vsel vm0, v28, v7;
	(xrf1) =	vsort.ascd.msk.f32 $0xffff, v5, v31  }
0x123: {  	(xrf1) =	vsort.ascd.msk.f32 $0xffff, v4, v7;
	_ =	sdelay $0xb  }
0x124: {  	v5, v6, _ =	vpop (xrf1)  }
0x125: {  	_, v4, _ =	vpop (xrf1)  }
0x126: {  	v7, v32, _ =	vpop (xrf1)  }
0x127: {  	v7 =	vperm.xlane v7, v2  }
0x128: {  	v8 =	vperm.xlane v32, v2  }
0x129: {  	vm0 =	vlt.f32 v7, v5  }
0x12a: {  	v5 =	vsel vm0, v7, v5;
	v6 =	vsel vm0, v8, v6  }
0x12b: {  	(xrf1) =	vsort.ascd.msk.f32 $0xffff, v5, v6;
	_ =	sdelay $0xd  }
0x12c: {  	[tilespmem:$0x2980] =	vst v4;
	_, v5, _ =	vpop (xrf1)  }
0x12d: {  	[tilespmem:$0x2A00] =	vst v5  }
0x12e: {  	[tilespmem:s23], [sflag:$0x1] =	stream.indirect.gather [hbm4b:s3+s21], $0x80, s22, s21, $0xb8;
	[tilespmem:$0x3B80] =	vst v63  }
0x12f: {  	_ =	swait.ge [sflag:s24], $0x800  }
0x130: {  	[sflag:s24] =	ssyncset.done $0x0  }
0x131: {  	[sflag:s24] =	ssyncadd.s32 $0xFFFFF800  }
0x132: {  	[tilespmem:s26], [sflag:$0x1] =	stream.indirect.gather [hbm4b:s3+s21], $0x80, s25, s21, $0xb8;
	[tilespmem:$0x3B80] =	vst v63  }
0x133: {  	_ =	swait.ge [sflag:s24], $0x800  }
0x134: {  	[sflag:s24] =	ssyncset.done $0x0  }
0x135: {  	[sflag:s24] =	ssyncadd.s32 $0xFFFFF800  }
0x136: {  	v33 =	vld [tilespmem:$0x2A80]  }
0x137: {  	v12 =	vld [tilespmem:$0x3A80]  }
0x138: {  	v34 =	vld [tilespmem:$0x2A90]  }
0x139: {  	v13 =	vld [tilespmem:$0x3A90]  }
0x13a: {  	v14 =	vld [tilespmem:$0x2AA0]  }
0x13b: {  	v11 =	vld [tilespmem:$0x3AA0]  }
0x13c: {  	v15 =	vld [tilespmem:$0x2AB0]  }
0x13d: {  	v10 =	vld [tilespmem:$0x3AB0]  }
0x13e: {  	v16 =	vld [tilespmem:$0x2AC0]  }
0x13f: {  	v9 =	vld [tilespmem:$0x3AC0]  }
0x140: {  	v17 =	vld [tilespmem:$0x2AD0]  }
0x141: {  	v8 =	vld [tilespmem:$0x3AD0]  }
0x142: {  	v18 =	vld [tilespmem:$0x3280]  }
0x143: {  	v19 =	vld [tilespmem:$0x3290]  }
0x144: {  	v20 =	vld [tilespmem:$0x2AE0]  }
0x145: {  	v22 =	vld [tilespmem:$0x32A0]  }
0x146: {  	v35 =	vld [tilespmem:$0x32B0]  }
0x147: {  	v23 =	vld [tilespmem:$0x2AF0]  }
0x148: {  	v24 =	vld [tilespmem:$0x32C0]  }
0x149: {  	v38 =	vld [tilespmem:$0x32D0]  }
0x14a: {  	v40 =	vld [tilespmem:$0x32E0]  }
0x14b: {  	v43 =	vld [tilespmem:$0x2B00]  }
0x14c: {  	v46 =	vld [tilespmem:$0x2B10]  }
0x14d: {  	v49 =	vld [tilespmem:$0x32F0]  }
0x14e: {  	v51 =	vld [tilespmem:$0x2B20];
	v6 =	vsub.f32 v33, v12  }
0x14f: {  	v53 =	vld [tilespmem:$0x2B30];
	v7 =	vsub.f32 v34, v13;
	v14 =	vsub.f32 v14, v11  }
0x150: {  	v25 =	vld [tilespmem:$0x3310];
	v15 =	vsub.f32 v15, v10;
	v18 =	vsub.f32 v18, v12  }
0x151: {  	v63 =	vld [tilespmem:$0x2B50];
	v19 =	vsub.f32 v19, v13;
	v16 =	vsub.f32 v16, v9  }
0x152: {  	v55 =	vld [tilespmem:$0x3300];
	v22 =	vsub.f32 v22, v11;
	v37 =	vsub.f32 v17, v8  }
0x153: {  	v58 =	vld [tilespmem:$0x2B40];
	v45 =	vsub.f32 v24, v9;
	v17 =	vsub.f32 v38, v8;
	v21 =	vmul.f32 v6, v6  }
0x154: {  	v61 =	vld [tilespmem:$0x3320];
	v24 =	vsub.f32 v46, v13;
	v7 =	vmul.f32 v7, v7;
	v14 =	vmul.f32 v14, v14  }
0x155: {  	v31 =	vld [tilespmem:$0x3330];
	v25 =	vsub.f32 v25, v13;
	v15 =	vmul.f32 v15, v15;
	v18 =	vmul.f32 v18, v18  }
0x156: {  	v26 =	vld [tilespmem:$0x2B60];
	v33 =	vsub.f32 v63, v8;
	v19 =	vmul.f32 v19, v19;
	v36 =	vmul.f32 v16, v16  }
0x157: {  	v38 =	vld [tilespmem:$0x2B80];
	v39 =	vmul.f32 v22, v22;
	v41 =	vmul.f32 v37, v37;
	v16 =	vsub.f32 v53, v10  }
0x158: {  	v6 =	vld [tilespmem:$0x3AE0];
	v60 =	vmul.f32 v24, v24;
	v22 =	vsub.f32 v55, v12;
	v7 =	vadd.f32 v7, v21  }
0x159: {  	v32 =	vld [tilespmem:$0x3340];
	v25 =	vmul.f32 v25, v25;
	v18 =	vadd.f32 v19, v18;
	v21 =	vsub.f32 v35, v10  }
0x15a: {  	v27 =	vld [tilespmem:$0x2B70];
	v24 =	vsub.f32 v61, v11;
	v22 =	vmul.f32 v22, v22;
	v14 =	vadd.f32 v14, v7  }
0x15b: {  	v28 =	vld [tilespmem:$0x2BA0];
	v18 =	vadd.f32 v39, v18;
	v44 =	vmul.f32 v21, v21;
	v21 =	vsub.f32 v51, v11  }
0x15c: {  	v34 =	vld [tilespmem:$0x3350];
	v50 =	vmul.f32 v45, v45;
	v22 =	vadd.f32 v25, v22;
	v51 =	vsub.f32 v38, v12  }
0x15d: {  	v17 =	vmul.f32 v17, v17;
	v7 =	vld [tilespmem:$0x3AF0];
	v42 =	vsub.f32 v20, v6;
	v54 =	vsub.f32 v40, v6  }
0x15e: {  	v61 =	vld [tilespmem:$0x2BD0];
	v24 =	vmul.f32 v24, v24;
	v20 =	vsub.f32 v43, v12;
	v37 =	vsub.f32 v26, v6  }
0x15f: {  	v16 =	vmul.f32 v16, v16;
	v35 =	vld [tilespmem:$0x3360];
	v14 =	vadd.f32 v15, v14;
	v18 =	vadd.f32 v44, v18  }
0x160: {  	v39 =	vld [tilespmem:$0x2B90];
	v30 =	vmul.f32 v21, v21;
	v21 =	vsub.f32 v31, v10;
	v22 =	vadd.f32 v24, v22  }
0x161: {  	v29 =	vld [tilespmem:$0x2BF0];
	v59 =	vmul.f32 v20, v20;
	v20 =	vsub.f32 v32, v9;
	v14 =	vadd.f32 v36, v14  }
0x162: {  	v46 =	vld [tilespmem:$0x2BB0];
	v47 =	vmul.f32 v42, v42;
	v18 =	vadd.f32 v50, v18;
	v48 =	vsub.f32 v23, v7  }
0x163: {  	v63 =	vld [tilespmem:$0x33B0];
	v57 =	vmul.f32 v54, v54;
	v62 =	vsub.f32 v49, v7;
	v19 =	vadd.f32 v60, v59  }
0x164: {  	v31 =	vld [tilespmem:$0x2C70];
	v40 =	vmul.f32 v37, v37;
	v23 =	vsub.f32 v34, v8;
	v49 =	vsub.f32 v35, v6  }
0x165: {  	v42 =	vld [tilespmem:$0x3370];
	v36 =	vmul.f32 v33, v33;
	v24 =	vsub.f32 v39, v13;
	v34 =	vsub.f32 v61, v8  }
0x166: {  	v32 =	vld [tilespmem:$0x2BE0];
	v21 =	vmul.f32 v21, v21;
	v14 =	vadd.f32 v41, v14;
	v56 =	vadd.f32 v17, v18  }
0x167: {  	v50 =	vld [tilespmem:$0x3380];
	v43 =	vmul.f32 v20, v20;
	v18 =	vsub.f32 v58, v9;
	v41 =	vsub.f32 v27, v7  }
0x168: {  	v33 =	vld [tilespmem:$0x33C0];
	v21 =	vadd.f32 v21, v22;
	v58 =	vsub.f32 v28, v11;
	v52 =	vmul.f32 v48, v48  }
0x169: {  	v55 =	vld [tilespmem:$0x2BC0];
	v17 =	vmul.f32 v62, v62;
	v19 =	vadd.f32 v30, v19;
	v31 =	vsub.f32 v31, v7  }
0x16a: {  	v59 =	vld [tilespmem:$0x33A0];
	v48 =	vmul.f32 v23, v23;
	v14 =	vadd.f32 v47, v14;
	v47 =	vadd.f32 v43, v21  }
0x16b: {  	v35 =	vld [tilespmem:$0x33D0];
	v54 =	vmul.f32 v49, v49;
	v60 =	vsub.f32 v42, v7;
	v38 =	vsub.f32 v32, v6  }
0x16c: {  	v61 =	vld [tilespmem:$0x2C50];
	v37 =	vmul.f32 v34, v34;
	v42 =	vsub.f32 v29, v7;
	v16 =	vadd.f32 v16, v19  }
0x16d: {  	v39 =	vld [tilespmem:$0x2C00];
	v18 =	vmul.f32 v18, v18;
	v23 =	vsub.f32 v50, v12;
	v22 =	vsub.f32 v33, v9  }
0x16e: {  	v30 =	vld [tilespmem:$0x2C20];
	v45 =	vmul.f32 v41, v41;
	v15 =	vadd.f32 v52, v14;
	v14 =	vadd.f32 v57, v56  }
0x16f: {  	v34 =	vld [tilespmem:$0x3440];
	v62 =	vmul.f32 v58, v58;
	v53 =	vadd.f32 v48, v47;
	v25 =	vsub.f32 v59, v11  }
0x170: {  	v43 =	vld [tilespmem:$0x33F0];
	v57 =	vmul.f32 v24, v24;
	v24 =	vsub.f32 v63, v10;
	v27 =	vsub.f32 v35, v8  }
0x171: {  	v32 =	vld [tilespmem:$0x3470];
	v56 =	vmul.f32 v51, v51;
	v35 =	vsub.f32 v61, v8;
	v16 =	vadd.f32 v18, v16  }
0x172: {  	v33 =	vld [tilespmem:$0x2C60];
	v41 =	vmul.f32 v38, v38;
	v18 =	vsub.f32 v55, v9;
	v20 =	vadd.f32 v17, v14  }
0x173: {  	v52 =	vld [tilespmem:$0x3390];
	v23 =	vmul.f32 v23, v23;
	v14 =	vadd.f32 v54, v53;
	v19 =	vadd.f32 v57, v56  }
0x174: {  	v59 =	vld [tilespmem:$0x3420];
	v17 =	vsub.f32 v46, v10;
	v25 =	vmul.f32 v25, v25;
	v24 =	vmul.f32 v24, v24  }
0x175: {  	v63 =	vld [tilespmem:$0x3430];
	v46 =	vmul.f32 v42, v42;
	v58 =	vsub.f32 v30, v11;
	v16 =	vadd.f32 v36, v16  }
0x176: {  	v49 =	vmul.f32 v27, v27;
	v53 =	vld [tilespmem:$0x3410];
	v18 =	vmul.f32 v18, v18;
	v19 =	vadd.f32 v62, v19  }
0x177: {  	v56 =	vld [tilespmem:$0x2C40];
	v17 =	vmul.f32 v17, v17;
	v62 =	vmul.f32 v58, v58;
	v44 =	vadd.f32 v40, v16  }
0x178: {  	v36 =	vld [tilespmem:$0x33E0];
	v16 =	vmul.f32 v60, v60;
	v26 =	vsub.f32 v52, v13;
	v52 =	vsub.f32 v39, v12  }
0x179: {  	v38 =	vld [tilespmem:$0x3460];
	v60 =	vsub.f32 v43, v7;
	v28 =	vsub.f32 v59, v11;
	v39 =	vmul.f32 v35, v35  }
0x17a: {  	v61 =	vld [tilespmem:$0x2CD0];
	v17 =	vadd.f32 v17, v19;
	v21 =	vadd.f32 v45, v44;
	v26 =	vmul.f32 v26, v26  }
0x17b: {  	v59 =	vld [tilespmem:$0x34A0];
	v44 =	vmul.f32 v22, v22;
	v22 =	vadd.f32 v16, v14;
	v27 =	vsub.f32 v53, v13  }
0x17c: {  	v40 =	vld [tilespmem:$0x2C10];
	v57 =	vmul.f32 v52, v52;
	v19 =	vsub.f32 v56, v9;
	v17 =	vadd.f32 v18, v17  }
0x17d: {  	v47 =	vld [tilespmem:$0x2C30];
	v50 =	vsub.f32 v36, v6;
	v18 =	vmul.f32 v60, v60;
	v60 =	vsub.f32 v32, v7  }
0x17e: {  	v53 =	vld [tilespmem:$0x3490];
	v23 =	vadd.f32 v26, v23;
	v27 =	vmul.f32 v27, v27;
	v26 =	vsub.f32 v63, v10  }
0x17f: {  	v51 =	vld [tilespmem:$0x3400];
	v17 =	vadd.f32 v37, v17;
	v55 =	vmul.f32 v50, v50;
	v50 =	vsub.f32 v38, v6  }
0x180: {  	v36 =	vld [tilespmem:$0x3450];
	v19 =	vmul.f32 v19, v19;
	v29 =	vsub.f32 v59, v11;
	v38 =	vsub.f32 v61, v8  }
0x181: {  	v42 =	vld [tilespmem:$0x2C90];
	v37 =	vmul.f32 v28, v28;
	v23 =	vadd.f32 v25, v23;
	v25 =	vsub.f32 v40, v13  }
0x182: {  	v63 =	vld [tilespmem:$0x34B0];
	v40 =	vsub.f32 v33, v6;
	v26 =	vmul.f32 v26, v26;
	v45 =	vadd.f32 v41, v17  }
0x183: {  	v35 =	vld [tilespmem:$0x2D70];
	v17 =	vsub.f32 v47, v10;
	v30 =	vsub.f32 v53, v13;
	v29 =	vmul.f32 v29, v29  }
0x184: {  	v41 =	vld [tilespmem:$0x2C80];
	v23 =	vadd.f32 v24, v23;
	v25 =	vmul.f32 v25, v25;
	v24 =	vsub.f32 v51, v12  }
0x185: {  	v43 =	vsub.f32 v36, v8;
	v36 =	vld [tilespmem:$0x2CE0];
	v14 =	vadd.f32 v46, v45;
	v17 =	vmul.f32 v17, v17  }
0x186: {  	v56 =	vld [tilespmem:$0x2CC0];
	v46 =	vmul.f32 v31, v31;
	v48 =	vadd.f32 v44, v23;
	v23 =	vadd.f32 v25, v57  }
0x187: {  	v28 =	vsub.f32 v63, v10;
	v63 =	vld [tilespmem:$0x3520];
	v24 =	vmul.f32 v24, v24;
	v25 =	vsub.f32 v34, v9  }
0x188: {  	v30 =	vmul.f32 v30, v30;
	v44 =	vld [tilespmem:$0x2CA0];
	v54 =	vadd.f32 v49, v48;
	v23 =	vadd.f32 v62, v23  }
0x189: {  	v47 =	vld [tilespmem:$0x2CB0];
	v28 =	vmul.f32 v28, v28;
	v24 =	vadd.f32 v27, v24;
	v52 =	vsub.f32 v41, v12  }
0x18a: {  	v51 =	vld [tilespmem:$0x3480];
	v25 =	vmul.f32 v25, v25;
	v27 =	vsub.f32 v42, v13;
	v42 =	vsub.f32 v36, v6  }
0x18b: {  	v33 =	vld [tilespmem:$0x2CF0];
	v49 =	vmul.f32 v43, v43;
	v16 =	vadd.f32 v55, v54;
	v17 =	vadd.f32 v17, v23  }
0x18c: {  	v41 =	vmul.f32 v38, v38;
	v43 =	vld [tilespmem:$0x2D00];
	v24 =	vadd.f32 v37, v24;
	v31 =	vsub.f32 v63, v11  }
0x18d: {  	v23 =	vmul.f32 v40, v40;
	v37 =	vld [tilespmem:$0x34C0];
	v58 =	vsub.f32 v44, v11;
	v17 =	vadd.f32 v19, v17  }
0x18e: {  	v34 =	vld [tilespmem:$0x2D60];
	v57 =	vmul.f32 v52, v52;
	v24 =	vadd.f32 v26, v24;
	v19 =	vadd.f32 v18, v16  }
0x18f: {  	v27 =	vmul.f32 v27, v27;
	v40 =	vld [tilespmem:$0x34E0];
	v18 =	vsub.f32 v47, v10;
	v26 =	vsub.f32 v51, v12  }
0x190: {  	v55 =	vmul.f32 v50, v50;
	v47 =	vld [tilespmem:$0x34F0];
	v17 =	vadd.f32 v39, v17;
	v48 =	vadd.f32 v25, v24  }
0x191: {  	v63 =	vld [tilespmem:$0x2DC0];
	v62 =	vmul.f32 v58, v58;
	v25 =	vadd.f32 v27, v57;
	v24 =	vsub.f32 v56, v9  }
0x192: {  	v44 =	vld [tilespmem:$0x2D10];
	v26 =	vmul.f32 v26, v26;
	v56 =	vsub.f32 v43, v12;
	v27 =	vsub.f32 v37, v9  }
0x193: {  	v31 =	vmul.f32 v31, v31;
	v39 =	vld [tilespmem:$0x34D0];
	v45 =	vadd.f32 v23, v17;
	v54 =	vadd.f32 v49, v48  }
0x194: {  	v18 =	vmul.f32 v18, v18;
	v57 =	vld [tilespmem:$0x3510];
	v25 =	vadd.f32 v62, v25;
	v26 =	vadd.f32 v30, v26  }
0x195: {  	v43 =	vld [tilespmem:$0x3560];
	v23 =	vmul.f32 v60, v60;
	v36 =	vsub.f32 v47, v7;
	v16 =	vadd.f32 v46, v45  }
0x196: {  	v51 =	vld [tilespmem:$0x2D30];
	v24 =	vmul.f32 v24, v24;
	v17 =	vadd.f32 v55, v54;
	v18 =	vadd.f32 v18, v25  }
0x197: {  	v37 =	vld [tilespmem:$0x2D50];
	v61 =	vmul.f32 v56, v56;
	v26 =	vadd.f32 v29, v26;
	v46 =	vsub.f32 v33, v7  }
0x198: {  	v49 =	vld [tilespmem:$0x2D20];
	v27 =	vmul.f32 v27, v27;
	v54 =	vsub.f32 v40, v6;
	v29 =	vsub.f32 v44, v13  }
0x199: {  	v60 =	vld [tilespmem:$0x2D40];
	v45 =	vmul.f32 v42, v42;
	v48 =	vsub.f32 v39, v8;
	v32 =	vsub.f32 v57, v13  }
0x19a: {  	v55 =	vld [tilespmem:$0x3500];
	v25 =	vmul.f32 v36, v36;
	v57 =	vsub.f32 v43, v6;
	v18 =	vadd.f32 v24, v18  }
0x19b: {  	v40 =	vld [tilespmem:$0x3540];
	v26 =	vadd.f32 v28, v26;
	v17 =	vadd.f32 v23, v17;
	v50 =	vmul.f32 v46, v46  }
0x19c: {  	v42 =	vld [tilespmem:$0x3550];
	v59 =	vmul.f32 v54, v54;
	v29 =	vmul.f32 v29, v29;
	v24 =	vsub.f32 v51, v10  }
0x19d: {  	v47 =	vld [tilespmem:$0x2D90];
	v53 =	vmul.f32 v48, v48;
	v62 =	vsub.f32 v49, v11;
	v49 =	vsub.f32 v35, v7  }
0x19e: {  	v39 =	vld [tilespmem:$0x3530];
	v32 =	vmul.f32 v32, v32;
	v18 =	vadd.f32 v41, v18;
	v52 =	vadd.f32 v27, v26  }
0x19f: {  	v36 =	vld [tilespmem:$0x2DE0];
	v27 =	vadd.f32 v29, v61;
	v24 =	vmul.f32 v24, v24;
	v26 =	vsub.f32 v60, v9  }
0x1a0: {  	v46 =	vld [tilespmem:$0x2D80];
	v41 =	vsub.f32 v37, v8;
	v38 =	vmul.f32 v62, v62;
	v28 =	vsub.f32 v55, v12  }
0x1a1: {  	v54 =	vld [tilespmem:$0x2DB0];
	v29 =	vsub.f32 v40, v9;
	v51 =	vsub.f32 v42, v8;
	v62 =	vmul.f32 v57, v57  }
0x1a2: {  	v60 =	vld [tilespmem:$0x3590];
	v18 =	vadd.f32 v45, v18;
	v58 =	vadd.f32 v53, v52;
	v26 =	vmul.f32 v26, v26  }
0x1a3: {  	v42 =	vld [tilespmem:$0x35A0];
	v30 =	vsub.f32 v39, v10;
	v44 =	vmul.f32 v41, v41;
	v45 =	vsub.f32 v34, v6  }
0x1a4: {  	v37 =	vld [tilespmem:$0x2DF0];
	v27 =	vadd.f32 v38, v27;
	v28 =	vmul.f32 v28, v28;
	v18 =	vadd.f32 v50, v18  }
0x1a5: {  	v52 =	vld [tilespmem:$0x2DA0];
	v53 =	vmul.f32 v49, v49;
	v23 =	vadd.f32 v59, v58;
	v59 =	vsub.f32 v46, v12  }
0x1a6: {  	v29 =	vmul.f32 v29, v29;
	v50 =	vld [tilespmem:$0x3570];
	v24 =	vadd.f32 v24, v27;
	v28 =	vadd.f32 v32, v28  }
0x1a7: {  	v56 =	vmul.f32 v51, v51;
	v58 =	vld [tilespmem:$0x3580];
	v34 =	vsub.f32 v60, v13;
	v23 =	vadd.f32 v25, v23  }
0x1a8: {  	v30 =	vmul.f32 v30, v30;
	v46 =	vld [tilespmem:$0x35B0];
	v33 =	vsub.f32 v42, v11;
	v24 =	vadd.f32 v26, v24  }
0x1a9: {  	v49 =	vld [tilespmem:$0x35D0];
	v48 =	vmul.f32 v45, v45;
	v28 =	vadd.f32 v31, v28;
	v31 =	vsub.f32 v47, v13  }
0x1aa: {  	v57 =	vld [tilespmem:$0x35F0];
	v40 =	vmul.f32 v59, v59;
	v41 =	vsub.f32 v52, v11;
	v26 =	vsub.f32 v54, v10  }
0x1ab: {  	v47 =	vld [tilespmem:$0x35C0];
	v34 =	vmul.f32 v34, v34;
	v52 =	vsub.f32 v36, v6;
	v24 =	vadd.f32 v44, v24  }
0x1ac: {  	v39 =	vld [tilespmem:$0x2E70];
	v33 =	vmul.f32 v33, v33;
	v28 =	vadd.f32 v30, v28;
	v43 =	vsub.f32 v50, v7  }
0x1ad: {  	v38 =	vld [tilespmem:$0x2E60];
	v31 =	vmul.f32 v31, v31;
	v30 =	vsub.f32 v58, v12;
	v32 =	vsub.f32 v46, v10  }
0x1ae: {  	v44 =	vld [tilespmem:$0x2DD0];
	v45 =	vmul.f32 v41, v41;
	v58 =	vsub.f32 v49, v8;
	v24 =	vadd.f32 v48, v24  }
0x1af: {  	v26 =	vmul.f32 v26, v26;
	v50 =	vld [tilespmem:$0x35E0];
	v55 =	vadd.f32 v29, v28;
	v29 =	vadd.f32 v31, v40  }
0x1b0: {  	v49 =	vld [tilespmem:$0x3620];
	v28 =	vsub.f32 v63, v9;
	v30 =	vmul.f32 v30, v30;
	v31 =	vsub.f32 v47, v9  }
0x1b1: {  	v59 =	vld [tilespmem:$0x2E20];
	v27 =	vmul.f32 v43, v43;
	v24 =	vadd.f32 v53, v24;
	v61 =	vadd.f32 v56, v55  }
0x1b2: {  	v54 =	vld [tilespmem:$0x2E10];
	v32 =	vmul.f32 v32, v32;
	v29 =	vadd.f32 v45, v29;
	v30 =	vadd.f32 v34, v30  }
0x1b3: {  	v63 =	vmul.f32 v58, v58;
	v43 =	vld [tilespmem:$0x3610];
	v56 =	vsub.f32 v37, v7;
	v48 =	vsub.f32 v44, v8  }
0x1b4: {  	v41 =	vld [tilespmem:$0x3600];
	v28 =	vmul.f32 v28, v28;
	v40 =	vsub.f32 v50, v6;
	v50 =	vsub.f32 v57, v7  }
0x1b5: {  	v46 =	vld [tilespmem:$0x2E40];
	v55 =	vmul.f32 v52, v52;
	v35 =	vsub.f32 v49, v11;
	v25 =	vadd.f32 v62, v61  }
0x1b6: {  	v53 =	vld [tilespmem:$0x2E00];
	v31 =	vmul.f32 v31, v31;
	v26 =	vadd.f32 v26, v29;
	v30 =	vadd.f32 v33, v30  }
0x1b7: {  	v57 =	vld [tilespmem:$0x3660];
	v60 =	vmul.f32 v56, v56;
	v33 =	vsub.f32 v54, v13;
	v51 =	vmul.f32 v48, v48  }
0x1b8: {  	v61 =	vld [tilespmem:$0x2E30];
	v45 =	vmul.f32 v40, v40;
	v48 =	vsub.f32 v59, v11;
	v36 =	vsub.f32 v43, v13  }
0x1b9: {  	v56 =	vld [tilespmem:$0x3650];
	v29 =	vmul.f32 v50, v50;
	v59 =	vsub.f32 v38, v6;
	v26 =	vadd.f32 v28, v26  }
0x1ba: {  	v54 =	vld [tilespmem:$0x3640];
	v35 =	vmul.f32 v35, v35;
	v30 =	vadd.f32 v32, v30;
	v25 =	vadd.f32 v27, v25  }
0x1bb: {  	v50 =	vld [tilespmem:$0x3680];
	v33 =	vmul.f32 v33, v33;
	v32 =	vsub.f32 v41, v12;
	v42 =	vsub.f32 v53, v12  }
0x1bc: {  	v40 =	vld [tilespmem:$0x2EE0];
	v52 =	vmul.f32 v48, v48;
	v26 =	vadd.f32 v51, v26;
	v62 =	vadd.f32 v31, v30  }
0x1bd: {  	v41 =	vld [tilespmem:$0x2EF0];
	v36 =	vmul.f32 v36, v36;
	v30 =	vsub.f32 v46, v9;
	v49 =	vsub.f32 v57, v6  }
0x1be: {  	v53 =	vld [tilespmem:$0x3630];
	v32 =	vmul.f32 v32, v32;
	v28 =	vsub.f32 v61, v10;
	v43 =	vsub.f32 v56, v8  }
0x1bf: {  	v51 =	vld [tilespmem:$0x2E50];
	v47 =	vmul.f32 v42, v42;
	v26 =	vadd.f32 v55, v26;
	v44 =	vadd.f32 v63, v62  }
0x1c0: {  	v61 =	vld [tilespmem:$0x2E90];
	v30 =	vmul.f32 v30, v30;
	v32 =	vadd.f32 v36, v32;
	v63 =	vsub.f32 v39, v7  }
0x1c1: {  	v42 =	vld [tilespmem:$0x3670];
	v62 =	vmul.f32 v59, v59;
	v31 =	vadd.f32 v33, v47;
	v33 =	vsub.f32 v54, v9  }
0x1c2: {  	v46 =	vld [tilespmem:$0x2EB0];
	v28 =	vmul.f32 v28, v28;
	v26 =	vadd.f32 v60, v26;
	v27 =	vadd.f32 v45, v44  }
0x1c3: {  	v48 =	vmul.f32 v43, v43;
	v34 =	vsub.f32 v53, v10;
	v60 =	vld [tilespmem:$0x2E80];
	v32 =	vadd.f32 v35, v32  }
0x1c4: {  	v54 =	vmul.f32 v49, v49;
	v44 =	vld [tilespmem:$0x2EA0];
	v31 =	vadd.f32 v52, v31;
	v55 =	vsub.f32 v51, v8  }
0x1c5: {  	v52 =	vld [tilespmem:$0x3690];
	v34 =	vmul.f32 v34, v34;
	v27 =	vadd.f32 v29, v27;
	v35 =	vsub.f32 v61, v13  }
0x1c6: {  	v49 =	vld [tilespmem:$0x2F00];
	v45 =	vmul.f32 v63, v63;
	v59 =	vsub.f32 v42, v7;
	v28 =	vadd.f32 v28, v31  }
0x1c7: {  	v58 =	vmul.f32 v55, v55;
	v55 =	vld [tilespmem:$0x2EC0];
	v32 =	vadd.f32 v34, v32;
	v34 =	vsub.f32 v50, v12  }
0x1c8: {  	v43 =	vld [tilespmem:$0x2F70];
	v33 =	vmul.f32 v33, v33;
	v28 =	vadd.f32 v30, v28;
	v51 =	vsub.f32 v60, v12  }
0x1c9: {  	v63 =	vld [tilespmem:$0x36C0];
	v35 =	vmul.f32 v35, v35;
	v57 =	vsub.f32 v44, v11;
	v30 =	vsub.f32 v46, v10  }
0x1ca: {  	v31 =	vmul.f32 v59, v59;
	v60 =	vld [tilespmem:$0x2ED0];
	v47 =	vadd.f32 v33, v32;
	v38 =	vsub.f32 v52, v13  }
0x1cb: {  	v46 =	vld [tilespmem:$0x36E0];
	v34 =	vmul.f32 v34, v34;
	v52 =	vsub.f32 v41, v7;
	v28 =	vadd.f32 v58, v28  }
0x1cc: {  	v50 =	vld [tilespmem:$0x2F10];
	v56 =	vmul.f32 v51, v51;
	v53 =	vadd.f32 v48, v47;
	v32 =	vsub.f32 v55, v9  }
0x1cd: {  	v58 =	vld [tilespmem:$0x36A0];
	v61 =	vmul.f32 v57, v57;
	v48 =	vsub.f32 v40, v6;
	v28 =	vadd.f32 v62, v28  }
0x1ce: {  	v38 =	vmul.f32 v38, v38;
	v55 =	vld [tilespmem:$0x2F20];
	v33 =	vadd.f32 v35, v56;
	v35 =	vsub.f32 v63, v9  }
0x1cf: {  	v30 =	vmul.f32 v30, v30;
	v62 =	vld [tilespmem:$0x36B0];
	v29 =	vadd.f32 v54, v53;
	v44 =	vsub.f32 v60, v8  }
0x1d0: {  	v56 =	vmul.f32 v52, v52;
	v63 =	vld [tilespmem:$0x3710];
	v34 =	vadd.f32 v38, v34;
	v60 =	vsub.f32 v46, v6  }
0x1d1: {  	v57 =	vld [tilespmem:$0x2F30];
	v32 =	vmul.f32 v32, v32;
	v28 =	vadd.f32 v45, v28;
	v33 =	vadd.f32 v61, v33  }
0x1d2: {  	v51 =	vmul.f32 v48, v48;
	v45 =	vld [tilespmem:$0x36D0];
	v37 =	vsub.f32 v58, v11;
	v29 =	vadd.f32 v31, v29  }
0x1d3: {  	v53 =	vld [tilespmem:$0x36F0];
	v35 =	vmul.f32 v35, v35;
	v30 =	vadd.f32 v30, v33;
	v48 =	vsub.f32 v55, v11  }
0x1d4: {  	v47 =	vmul.f32 v44, v44;
	v36 =	vsub.f32 v62, v10;
	v62 =	vsub.f32 v49, v12  }
0x1d5: {  	v61 =	vld [tilespmem:$0x3700];
	v37 =	vmul.f32 v37, v37;
	v40 =	vsub.f32 v63, v13;
	v63 =	vsub.f32 v43, v7  }
0x1d6: {  	v49 =	vld [tilespmem:$0x3720];
	v30 =	vadd.f32 v32, v30;
	v52 =	vmul.f32 v48, v48;
	v32 =	vsub.f32 v57, v10  }
0x1d7: {  	v42 =	vld [tilespmem:$0x2F60];
	v34 =	vadd.f32 v37, v34;
	v36 =	vmul.f32 v36, v36;
	v54 =	vsub.f32 v45, v8  }
0x1d8: {  	v46 =	vld [tilespmem:$0x2F40];
	v37 =	vsub.f32 v50, v13;
	v45 =	vmul.f32 v60, v60;
	v50 =	vsub.f32 v53, v7  }
0x1d9: {  	v53 =	vld [tilespmem:$0x3730];
	v40 =	vmul.f32 v40, v40;
	v30 =	vadd.f32 v47, v30;
	v47 =	vmul.f32 v62, v62  }
0x1da: {  	v57 =	vld [tilespmem:$0x3760];
	v34 =	vadd.f32 v36, v34;
	v37 =	vmul.f32 v37, v37;
	v36 =	vsub.f32 v61, v12  }
0x1db: {  	v60 =	vld [tilespmem:$0x2F80];
	v48 =	vmul.f32 v63, v63;
	v30 =	vadd.f32 v51, v30;
	v39 =	vsub.f32 v49, v11  }
0x1dc: {  	v59 =	vmul.f32 v54, v54;
	v54 =	vld [tilespmem:$0x3740];
	v58 =	vadd.f32 v35, v34;
	v35 =	vadd.f32 v37, v47  }
0x1dd: {  	v61 =	vld [tilespmem:$0x2F90];
	v34 =	vsub.f32 v46, v9;
	v36 =	vmul.f32 v36, v36;
	v30 =	vadd.f32 v56, v30  }
0x1de: {  	v32 =	vmul.f32 v32, v32;
	v51 =	vld [tilespmem:$0x2F50];
	v38 =	vsub.f32 v53, v10;
	v44 =	vadd.f32 v59, v58  }
0x1df: {  	v33 =	vmul.f32 v50, v50;
	v47 =	vld [tilespmem:$0x2FA0];
	v35 =	vadd.f32 v52, v35;
	v36 =	vadd.f32 v40, v36  }
0x1e0: {  	v49 =	vld [tilespmem:$0x2FB0];
	v39 =	vmul.f32 v39, v39;
	v59 =	vsub.f32 v42, v6;
	v52 =	vsub.f32 v57, v6  }
0x1e1: {  	v56 =	vld [tilespmem:$0x3750];
	v34 =	vmul.f32 v34, v34;
	v37 =	vsub.f32 v54, v9;
	v54 =	vsub.f32 v60, v12  }
0x1e2: {  	v53 =	vld [tilespmem:$0x3780];
	v38 =	vmul.f32 v38, v38;
	v31 =	vadd.f32 v45, v44;
	v32 =	vadd.f32 v32, v35  }
0x1e3: {  	v63 =	vld [tilespmem:$0x2FD0];
	v55 =	vsub.f32 v51, v8;
	v36 =	vadd.f32 v39, v36;
	v62 =	vmul.f32 v59, v59  }
0x1e4: {  	v39 =	vsub.f32 v61, v13;
	v61 =	vld [tilespmem:$0x37A0];
	v37 =	vmul.f32 v37, v37;
	v60 =	vsub.f32 v47, v11  }
0x1e5: {  	v45 =	vld [tilespmem:$0x3770];
	v59 =	vmul.f32 v54, v54;
	v32 =	vadd.f32 v34, v32;
	v36 =	vadd.f32 v38, v36  }
0x1e6: {  	v58 =	vmul.f32 v55, v55;
	v46 =	vsub.f32 v56, v8;
	v31 =	vadd.f32 v33, v31;
	v55 =	vld [tilespmem:$0x3790]  }
0x1e7: {  	v39 =	vmul.f32 v39, v39;
	v34 =	vsub.f32 v49, v10;
	v49 =	vld [tilespmem:$0x37B0];
	v38 =	vsub.f32 v53, v12  }
0x1e8: {  	v44 =	vld [tilespmem:$0x2FE0];
	v32 =	vadd.f32 v58, v32;
	v50 =	vadd.f32 v37, v36;
	v51 =	vmul.f32 v46, v46  }
0x1e9: {  	v57 =	vmul.f32 v52, v52;
	v52 =	vld [tilespmem:$0x37D0];
	v37 =	vadd.f32 v39, v59;
	v41 =	vsub.f32 v61, v11  }
0x1ea: {  	v53 =	vld [tilespmem:$0x37E0];
	v32 =	vadd.f32 v62, v32;
	v56 =	vadd.f32 v51, v50  }
0x1eb: {  	v58 =	vld [tilespmem:$0x2FC0];
	v34 =	vmul.f32 v34, v34;
	v62 =	vsub.f32 v45, v7;
	v51 =	vsub.f32 v63, v8  }
0x1ec: {  	v38 =	vmul.f32 v38, v38;
	v50 =	vld [tilespmem:$0x37C0];
	v42 =	vsub.f32 v55, v13;
	v40 =	vsub.f32 v49, v10  }
0x1ed: {  	v45 =	vld [tilespmem:$0x2FF0];
	v41 =	vmul.f32 v41, v41;
	v55 =	vsub.f32 v44, v6;
	v32 =	vadd.f32 v48, v32  }
0x1ee: {  	v63 =	vld [tilespmem:$0x3030];
	v33 =	vadd.f32 v57, v56;
	v48 =	vmul.f32 v60, v60;
	v35 =	vmul.f32 v62, v62  }
0x1ef: {  	v54 =	vmul.f32 v51, v51;
	v56 =	vld [tilespmem:$0x3000];
	v60 =	vsub.f32 v52, v8;
	v42 =	vmul.f32 v42, v42  }
0x1f0: {  	v57 =	vld [tilespmem:$0x3010];
	v36 =	vsub.f32 v58, v9;
	v40 =	vmul.f32 v40, v40;
	v37 =	vadd.f32 v48, v37  }
0x1f1: {  	v51 =	vld [tilespmem:$0x3800];
	v58 =	vmul.f32 v55, v55;
	v33 =	vadd.f32 v35, v33;
	v38 =	vadd.f32 v42, v38  }
0x1f2: {  	v49 =	vmul.f32 v60, v60;
	v39 =	vsub.f32 v50, v9;
	v59 =	vsub.f32 v45, v7;
	v45 =	vld [tilespmem:$0x37F0]  }
0x1f3: {  	v36 =	vmul.f32 v36, v36;
	v50 =	vsub.f32 v53, v6;
	v53 =	vld [tilespmem:$0x3810];
	v34 =	vadd.f32 v34, v37  }
0x1f4: {  	v61 =	vld [tilespmem:$0x3020];
	v38 =	vadd.f32 v41, v38;
	v39 =	vmul.f32 v39, v39;
	v52 =	vsub.f32 v56, v12  }
0x1f5: {  	v62 =	vmul.f32 v59, v59;
	v41 =	vsub.f32 v57, v13;
	v56 =	vld [tilespmem:$0x3040];
	v34 =	vadd.f32 v36, v34  }
0x1f6: {  	v59 =	vld [tilespmem:$0x3820];
	v36 =	vsub.f32 v63, v10;
	v38 =	vadd.f32 v40, v38;
	v57 =	vmul.f32 v52, v52  }
0x1f7: {  	v41 =	vmul.f32 v41, v41;
	v40 =	vsub.f32 v51, v12;
	v34 =	vadd.f32 v54, v34  }
0x1f8: {  	v55 =	vmul.f32 v50, v50;
	v63 =	vld [tilespmem:$0x3830];
	v60 =	vsub.f32 v45, v7;
	v44 =	vsub.f32 v53, v13  }
0x1f9: {  	v46 =	vld [tilespmem:$0x3070];
	v48 =	vadd.f32 v39, v38;
	v39 =	vadd.f32 v41, v57;
	v40 =	vmul.f32 v40, v40  }
0x1fa: {  	(xrf2) =	vadd.scan.msk.f32 $0xffff, v15;
	v57 =	vld [tilespmem:$0x3080];
	v34 =	vadd.f32 v58, v34;
	v58 =	vsub.f32 v61, v11;
	v15 =	vmul.f32 v60, v60  }
0x1fb: {  	v61 =	vld [tilespmem:$0x3050];
	v38 =	vsub.f32 v56, v9;
	v44 =	vmul.f32 v44, v44;
	v43 =	vsub.f32 v59, v11  }
0x1fc: {  	v60 =	vld [tilespmem:$0x3090];
	v54 =	vadd.f32 v49, v48;
	v34 =	vadd.f32 v62, v34;
	v62 =	vmul.f32 v58, v58  }
0x1fd: {  	v48 =	vld [tilespmem:$0x3060];
	v42 =	vsub.f32 v63, v10;
	v40 =	vadd.f32 v44, v40;
	v43 =	vmul.f32 v43, v43  }
0x1fe: {  	v49 =	vld [tilespmem:$0x3840];
	v35 =	vadd.f32 v55, v54;
	v39 =	vadd.f32 v62, v39  }
0x1ff: {  	(xrf2) =	vadd.scan.msk.f32 $0xffff, v20;
	v53 =	vld [tilespmem:$0x3850];
	v58 =	vadd.f32 v43, v40;
	v62 =	vsub.f32 v46, v7  }
0x200: {  	(xrf2) =	vadd.scan.msk.f32 $0xffff, v21;
	v36 =	vmul.f32 v36, v36;
	v63 =	vld [tilespmem:$0x3870];
	v37 =	vsub.f32 v57, v12;
	v52 =	vsub.f32 v61, v8  }
0x201: {  	v54 =	vld [tilespmem:$0x3860];
	v59 =	vmul.f32 v42, v42;
	v15 =	vadd.f32 v15, v35;
	v42 =	vsub.f32 v60, v13  }
0x202: {  	v60 =	vld [tilespmem:$0x38A0];
	v50 =	vadd.f32 v36, v39;
	v56 =	vsub.f32 v48, v6  }
0x203: {  	v51 =	vmul.f32 v38, v38;
	v41 =	vsub.f32 v49, v9;
	v38 =	vadd.f32 v59, v58;
	v49 =	vld [tilespmem:$0x30A0]  }
0x204: {  	v39 =	vsub.f32 v53, v8;
	v58 =	vld [tilespmem:$0x30C0];
	v37 =	vmul.f32 v37, v37;
	v55 =	vmul.f32 v52, v52  }
0x205: {  	v42 =	vmul.f32 v42, v42;
	v20 =	vadd.f32 v51, v50;
	v61 =	vmul.f32 v56, v56;
	v51 =	vld [tilespmem:$0x30B0]  }
0x206: {  	(xrf2) =	vadd.scan.msk.f32 $0xffff, v22;
	v48 =	vmul.f32 v41, v41;
	v50 =	vmul.f32 v62, v62;
	v53 =	vsub.f32 v54, v6;
	v54 =	vld [tilespmem:$0x3880]  }
0x207: {  	v39 =	vmul.f32 v39, v39;
	v62 =	vld [tilespmem:$0x38B0];
	v52, _, _ =	vpop (xrf2);
	v37 =	vadd.f32 v42, v37;
	v20 =	vadd.f32 v55, v20  }
0x208: {  	v38 =	vadd.f32 v48, v38;
	v36 =	vbroadcast v52, $0xF;
	v55 =	vld [tilespmem:$0x3890];
	v46 =	vsub.f32 v60, v11  }
0x209: {  	v57 =	vmul.f32 v53, v53;
	v59, _, _ =	vpop (xrf2);
	v52 =	vld [tilespmem:$0x38C0];
	v41 =	vsub.f32 v49, v11;
	v20 =	vadd.f32 v61, v20  }
0x20a: {  	v48 =	vld [tilespmem:$0x30F0];
	v40 =	vbroadcast v59, $0xF;
	v47, _, _ =	vpop (xrf2);
	v56 =	vadd.f32 v39, v38;
	v38 =	vsub.f32 v63, v7  }
0x20b: {  	v59 =	vld [tilespmem:$0x3100];
	v47 =	vbroadcast v47, $0xF;
	v39 =	vsub.f32 v58, v9;
	v35 =	vsub.f32 v51, v10  }
0x20c: {  	v49 =	vld [tilespmem:$0x1FFD0];
	v41 =	vmul.f32 v41, v41;
	v44 =	vsub.f32 v54, v12;
	v42 =	vsub.f32 v62, v10  }
0x20d: {  	v61 =	vld [tilespmem:$0x30D0];
	v20 =	vadd.f32 v50, v20;
	v21 =	vadd.f32 v57, v56;
	v53 =	vmul.f32 v39, v39  }
0x20e: {  	v63 =	vld [tilespmem:$0x30E0];
	v56 =	vmul.f32 v46, v46;
	v38 =	vmul.f32 v38, v38;
	v45 =	vsub.f32 v55, v13  }
0x20f: {  	v60 =	vld [tilespmem:$0x3110];
	v37 =	vadd.f32 v41, v37;
	v35 =	vmul.f32 v35, v35;
	v44 =	vmul.f32 v44, v44  }
0x210: {  	v51, _, _ =	vpop (xrf2);
	v57 =	vld [tilespmem:$0x38E0];
	v42 =	vmul.f32 v42, v42;
	v41 =	vsub.f32 v52, v9;
	v48 =	vsub.f32 v48, v7  }
0x211: {  	v62 =	vld [tilespmem:$0x3120];
	vm0 =	vnez.u8 v49;
	v21 =	vadd.f32 v38, v21;
	v38 =	vbroadcast v51, $0xF  }
0x212: {  	v55 =	vld [tilespmem:$0x38D0];
	v39 =	vsub.f32 v59, v12;
	v45 =	vmul.f32 v45, v45;
	v35 =	vadd.f32 v35, v37  }
0x213: {  	v54 =	vsub.f32 v61, v8;
	v22 =	vsub.f32 v63, v6;
	v61 =	vld [tilespmem:$0x38F0];
	v41 =	vmul.f32 v41, v41  }
0x214: {  	v59 =	vld [tilespmem:$0x3150];
	v36 =	vsel vm0, v36, v47;
	v39 =	vmul.f32 v39, v39;
	v44 =	vadd.f32 v45, v44  }
0x215: {  	v63 =	vld [tilespmem:$0x3130];
	v35 =	vadd.f32 v53, v35;
	v58 =	vmul.f32 v54, v54;
	v53 =	vsub.f32 v57, v6  }
0x216: {  	v38 =	vsel vm0, v40, v38;
	v54 =	vld [tilespmem:$0x3900];
	v45 =	vsub.f32 v60, v13;
	v44 =	vadd.f32 v56, v44  }
0x217: {  	v22 =	vmul.f32 v22, v22;
	v43 =	vsub.f32 v55, v8;
	v55 =	vld [tilespmem:$0x3910];
	v35 =	vadd.f32 v58, v35  }
0x218: {  	v57 =	vld [tilespmem:$0x3140];
	v45 =	vmul.f32 v45, v45;
	v37 =	vsub.f32 v61, v7;
	v42 =	vadd.f32 v42, v44  }
0x219: {  	v56 =	vmul.f32 v53, v53;
	v58 =	vld [tilespmem:$0x3920];
	v22 =	vadd.f32 v22, v35;
	v44 =	vsub.f32 v62, v11  }
0x21a: {  	v52 =	vmul.f32 v43, v43;
	v61 =	vld [tilespmem:$0x3930];
	v39 =	vadd.f32 v45, v39;
	v35 =	vsub.f32 v63, v10  }
0x21b: {  	(xrf2) =	vadd.scan.msk.f32 $0xffff, v14;
	v62 =	vld [tilespmem:$0x3160];
	v46 =	vsub.f32 v54, v12;
	v37 =	vmul.f32 v37, v37;
	v41 =	vadd.f32 v41, v42  }
0x21c: {  	v60 =	vmul.f32 v44, v44;
	v44 =	vmul.f32 v48, v48;
	v47 =	vsub.f32 v55, v13  }
0x21d: {  	v50 =	vld [tilespmem:$0x3940];
	v35 =	vmul.f32 v35, v35;
	v48 =	vsub.f32 v57, v9;
	v55 =	vsub.f32 v59, v8  }
0x21e: {  	v53 =	vsub.f32 v58, v11;
	v41 =	vadd.f32 v52, v41;
	v52 =	vmul.f32 v47, v47;
	v47 =	vld [tilespmem:$0x3960]  }
0x21f: {  	(xrf2) =	vadd.scan.msk.f32 $0xffff, v19;
	v51 =	vmul.f32 v46, v46;
	v63 =	vadd.f32 v60, v39;
	v42 =	vsub.f32 v61, v10;
	v61 =	vld [tilespmem:$0x3190]  }
0x220: {  	(xrf2) =	vadd.scan.msk.f32 $0xffff, v16;
	v54 =	vmul.f32 v48, v48;
	v39 =	vld [tilespmem:$0x31A0];
	v16 =	vadd.f32 v44, v22;
	v59 =	vsub.f32 v62, v6  }
0x221: {  	v60 =	vld [tilespmem:$0x3180];
	v57 =	vmul.f32 v53, v53;
	v19 =	vadd.f32 v35, v63;
	v43 =	vadd.f32 v52, v51  }
0x222: {  	v58 =	vmul.f32 v55, v55;
	v14 =	vadd.f32 v56, v41;
	v56 =	vld [tilespmem:$0x3950];
	v41 =	vsub.f32 v50, v9  }
0x223: {  	v42 =	vmul.f32 v42, v42;
	v52 =	vld [tilespmem:$0x3990];
	v19 =	vadd.f32 v54, v19;
	v43 =	vadd.f32 v57, v43  }
0x224: {  	v49 =	vld [tilespmem:$0x3970];
	v62 =	vmul.f32 v59, v59;
	v14 =	vadd.f32 v37, v14;
	v59 =	vsub.f32 v61, v13  }
0x225: {  	v55 =	vld [tilespmem:$0x31B0];
	v63, _, _ =	vpop (xrf2);
	v41 =	vmul.f32 v41, v41;
	v61 =	vsub.f32 v47, v6;
	v39 =	vsub.f32 v39, v11  }
0x226: {  	v48 =	vbroadcast v63, $0xF;
	v63 =	vld [tilespmem:$0x39B0];
	v19 =	vadd.f32 v58, v19;
	v42 =	vadd.f32 v42, v43  }
0x227: {  	v43 =	vld [tilespmem:$0x3980];
	v58 =	vsub.f32 v60, v12;
	v40 =	vsub.f32 v56, v8;
	v44 =	vmul.f32 v59, v59  }
0x228: {  	v60 =	vld [tilespmem:$0x39A0];
	v37 =	vmul.f32 v61, v61;
	v22 =	vsub.f32 v52, v13;
	v39 =	vmul.f32 v39, v39  }
0x229: {  	(xrf2) =	vadd.scan.msk.f32 $0xffff, v17;
	v57, _, _ =	vpop (xrf2);
	v56 =	vld [tilespmem:$0x1FFE0];
	v19 =	vadd.f32 v62, v19;
	v53 =	vadd.f32 v41, v42;
	v42 =	vmul.f32 v58, v58  }
0x22a: {  	v51 =	vld [tilespmem:$0x39E0];
	v41 =	vbroadcast v57, $0xF;
	v54 =	vmul.f32 v40, v40;
	v40 =	vsub.f32 v55, v10  }
0x22b: {  	v62 =	vld [tilespmem:$0x31C0];
	v22 =	vmul.f32 v22, v22;
	v59, _, _ =	vpop (xrf2);
	v42 =	vadd.f32 v44, v42;
	v57 =	vsub.f32 v63, v10  }
0x22c: {  	v58 =	vld [tilespmem:$0x39D0];
	v63 =	vbroadcast v59, $0xF;
	v59 =	vsub.f32 v49, v7;
	v35 =	vadd.f32 v54, v53  }
0x22d: {  	v55 =	vld [tilespmem:$0x31D0];
	v43 =	vsub.f32 v43, v12;
	v52 =	vsub.f32 v60, v11;
	v40 =	vmul.f32 v40, v40  }
0x22e: {  	v53 =	vld [tilespmem:$0x39C0];
	vm0 =	vnez.u8 v56;
	v39 =	vadd.f32 v39, v42;
	v50 =	vmul.f32 v57, v57  }
0x22f: {  	(xrf2) =	vadd.scan.msk.f32 $0xffff, v18;
	v42 =	vsub.f32 v51, v6;
	v45 =	vmul.f32 v59, v59;
	v36 =	vsel vm0, v36, v48;
	v48 =	vld [tilespmem:$0x3170]  }
0x230: {  	v43 =	vmul.f32 v43, v43;
	v54 =	vsub.f32 v62, v9;
	v17 =	vadd.f32 v37, v35;
	v62 =	vld [tilespmem:$0x31E0]  }
0x231: {  	v56 =	vmul.f32 v52, v52;
	v52 =	vld [tilespmem:$0x31F0];
	v58 =	vsub.f32 v58, v8;
	v60 =	vadd.f32 v40, v39  }
0x232: {  	(xrf2) =	vadd.scan.msk.f32 $0xffff, v23;
	v55 =	vsub.f32 v55, v8;
	v22 =	vadd.f32 v22, v43;
	v61 =	vmul.f32 v54, v54;
	v54 =	vld [tilespmem:$0x1FFF0]  }
0x233: {  	v51, _, _ =	vpop (xrf2);
	v38 =	vsel vm0, v38, v41;
	v17 =	vadd.f32 v45, v17;
	v53 =	vsub.f32 v53, v9  }
0x234: {  	v23 =	vbroadcast v51, $0xF;
	v22 =	vadd.f32 v56, v22;
	v37 =	vadd.f32 v61, v60;
	v56 =	vld [tilespmem:$0x39F0]  }
0x235: {  	v60 =	vmul.f32 v58, v58;
	v61 =	vld [tilespmem:$0x3200];
	v57 =	vsub.f32 v48, v7;
	v40 =	vsub.f32 v62, v6  }
0x236: {  	(xrf2) =	vadd.scan.msk.f32 $0xffff, v24;
	v49 =	vld [tilespmem:$0x3A00];
	v41 =	vmul.f32 v53, v53;
	v39 =	vsub.f32 v52, v7;
	v48 =	vmul.f32 v42, v42  }
0x237: {  	(xrf2) =	vadd.scan.msk.f32 $0xffff, v25;
	v52 =	vld [tilespmem:$0x3220];
	v22 =	vadd.f32 v50, v22;
	vm0 =	vnez.u8 v54;
	v62 =	vmul.f32 v40, v40  }
0x238: {  	(xrf2) =	vadd.scan.msk.f32 $0xffff, v26;
	v59 =	vld [tilespmem:$0x3240];
	v43 =	vmul.f32 v57, v57;
	v39 =	vmul.f32 v39, v39;
	v18 =	vsel vm0, v36, v63  }
0x239: {  	(xrf2) =	vadd.scan.msk.f32 $0xffff, v27;
	v53, _, _ =	vpop (xrf2);
	v36 =	vmul.f32 v55, v55;
	v22 =	vadd.f32 v41, v22;
	v63 =	vld [tilespmem:$0x3210];
	v35 =	vsub.f32 v56, v7  }
0x23a: {  	(xrf2) =	vadd.scan.msk.f32 $0xffff, v28;
	v50 =	vld [tilespmem:$0x3A10];
	v24 =	vbroadcast v53, $0xF;
	v19 =	vadd.f32 v43, v19;
	v56 =	vsub.f32 v61, v12  }
0x23b: {  	(xrf2) =	vadd.scan.msk.f32 $0xffff, v29;
	v54 =	vld [tilespmem:$0x3A20];
	v23 =	vsel vm0, v38, v23;
	v12 =	vsub.f32 v49, v12;
	v36 =	vadd.f32 v36, v37  }
0x23c: {  	(xrf2) =	vadd.scan.msk.f32 $0xffff, v30;
	v44, _, _ =	vpop (xrf2);
	v22 =	vadd.f32 v60, v22;
	v18 =	vsel vm3, v18, v24;
	v61 =	vsub.f32 v52, v11  }
0x23d: {  	(xrf2) =	vadd.scan.msk.f32 $0xffff, v31;
	v55 =	vld [tilespmem:$0x3230];
	v24 =	vsub.f32 v59, v9;
	v52 =	vbroadcast v44, $0xF;
	v35 =	vmul.f32 v35, v35  }
0x23e: {  	v58 =	vld [tilespmem:$0x3A30];
	(xrf2) =	vadd.scan.msk.f32 $0xffff, v32;
	v26 =	vmul.f32 v56, v56;
	v36 =	vadd.f32 v62, v36;
	v57 =	vsub.f32 v63, v13  }
0x23f: {  	(xrf2) =	vadd.scan.msk.f32 $0xffff, v33;
	v12 =	vmul.f32 v12, v12;
	v22 =	vadd.f32 v48, v22;
	v13 =	vsub.f32 v50, v13  }
0x240: {  	v46, _, _ =	vpop (xrf2);
	(xrf2) =	vadd.scan.msk.f32 $0xffff, v34;
	v62 =	vld [tilespmem:$0x3A40];
	v11 =	vsub.f32 v54, v11;
	v37 =	vmul.f32 v61, v61;
	v60 =	vmul.f32 v57, v57  }
0x241: {  	v49, _, _ =	vpop (xrf2);
	(xrf2) =	vadd.scan.msk.f32 $0xffff, v15;
	v24 =	vmul.f32 v24, v24;
	v63 =	vld [tilespmem:$0x3250];
	v25 =	vadd.f32 v39, v36;
	v13 =	vmul.f32 v13, v13  }
0x242: {  	v40 =	vld [tilespmem:$0x3A50];
	v51, _, _ =	vpop (xrf2);
	(xrf2) =	vadd.scan.msk.f32 $0xffff, v20;
	v20 =	vsel vm3, v23, v52;
	v39 =	vsub.f32 v55, v10;
	v26 =	vadd.f32 v60, v26  }
0x243: {  	v43 =	vld [tilespmem:$0x3260];
	v10 =	vsub.f32 v58, v10;
	v11 =	vmul.f32 v11, v11;
	v12 =	vadd.f32 v13, v12  }
0x244: {  	v45 =	vld [tilespmem:$0x3A60];
	v15 =	vbroadcast v51, $0xF;
	v42 =	vmul.f32 v39, v39;
	v41 =	vadd.f32 v37, v26  }
0x245: {  	v48 =	vld [tilespmem:$0x3270];
	v54, _, _ =	vpop (xrf2);
	v10 =	vmul.f32 v10, v10;
	v9 =	vsub.f32 v62, v9;
	v11 =	vadd.f32 v11, v12  }
0x246: {  	v50 =	vld [tilespmem:$0x3A70];
	v27 =	vbroadcast v54, $0xF;
	v47 =	vsub.f32 v63, v8;
	v13 =	vadd.f32 v42, v41  }
0x247: {  	v8 =	vsub.f32 v40, v8;
	v9 =	vmul.f32 v9, v9;
	v10 =	vadd.f32 v10, v11  }
0x248: {  	(xrf2) =	vadd.scan.msk.f32 $0xffff, v21;
	v55 =	vsub.f32 v43, v6;
	v53 =	vmul.f32 v47, v47;
	v13 =	vadd.f32 v24, v13  }
0x249: {  	v56, _, _ =	vpop (xrf2);
	(xrf2) =	vadd.scan.msk.f32 $0xffff, v16;
	v6 =	vsub.f32 v45, v6;
	v8 =	vmul.f32 v8, v8;
	v9 =	vadd.f32 v9, v10  }
0x24a: {  	v57, _, _ =	vpop (xrf2);
	(xrf2) =	vadd.scan.msk.f32 $0xffff, v14;
	v58 =	vsub.f32 v48, v7;
	v10 =	vmul.f32 v55, v55;
	v13 =	vadd.f32 v53, v13  }
0x24b: {  	v6 =	vmul.f32 v6, v6;
	v59, _, _ =	vpop (xrf2);
	(xrf2) =	vadd.scan.msk.f32 $0xffff, v19;
	v7 =	vsub.f32 v50, v7;
	v8 =	vadd.f32 v8, v9  }
0x24c: {  	v22 =	vadd.f32 v35, v22;
	v61, _, _ =	vpop (xrf2);
	(xrf2) =	vadd.scan.msk.f32 $0xffff, v17;
	v14 =	vmul.f32 v58, v58;
	v10 =	vadd.f32 v10, v13  }
0x24d: {  	v60 =	vbroadcast v46, $0xF;
	v63, _, _ =	vpop (xrf2);
	(xrf2) =	vadd.scan.msk.f32 $0xffff, v25;
	v7 =	vmul.f32 v7, v7;
	v6 =	vadd.f32 v6, v8  }
0x24e: {  	v28 =	vbroadcast v56, $0xF;
	v62 =	vbroadcast v49, $0xF;
	v24, _, _ =	vpop (xrf2);
	(xrf2) =	vadd.scan.msk.f32 $0xffff, v22;
	v10 =	vadd.f32 v14, v10  }
0x24f: {  	v30 =	vbroadcast v57, $0xF;
	v16 =	vsel vm4, v18, v60;
	v25, _, _ =	vpop (xrf2);
	v6 =	vadd.f32 v7, v6  }
0x250: {  	v23 =	vsel vm4, v20, v62;
	v15 =	vsel vm5, v16, v15;
	v29, _, _ =	vpop (xrf2);
	v9 =	vbroadcast v59, $0xF;
	(xrf2) =	vadd.scan.msk.f32 $0xffff, v10  }
0x251: {  	v31 =	vsel vm6, v15, v28;
	v11 =	vbroadcast v61, $0xF;
	v34 =	vbroadcast v63, $0xF;
	v32, _, _ =	vpop (xrf2);
	(xrf2) =	vadd.scan.msk.f32 $0xffff, v6  }
0x252: {  	v36 =	vbroadcast v24, $0xF;
	v37 =	vbroadcast v25, $0xF;
	v33, _, _ =	vpop (xrf2);
	v8 =	vsel vm7, v31, v9  }
0x253: {  	v12 =	vbroadcast v32, $0xF;
	v35, _, _ =	vpop (xrf2);
	v8 =	vsel vm8, v8, v34;
	v7 =	vsel vm5, v23, v27  }
0x254: {  	v39 =	vbroadcast v29, $0xF;
	v38, _, _ =	vpop (xrf2);
	v8 =	vsel vm9, v8, v37;
	v7 =	vsel vm6, v7, v30  }
0x255: {  	v42 =	vbroadcast v35, $0xF;
	v40, _, _ =	vpop (xrf2);
	v8 =	vsel vm10, v8, v12;
	v7 =	vsel vm7, v7, v11  }
0x256: {  	v44 =	vbroadcast v38, $0xF;
	v41, _, _ =	vpop (xrf2);
	v7 =	vsel vm8, v7, v36;
	v6 =	vbroadcast v33, $0xF  }
0x257: {  	v45 =	vbroadcast v40, $0xF;
	v8 =	vsel vm11, v8, v42;
	v43, _, _ =	vpop (xrf2);
	v7 =	vsel vm9, v7, v39  }
0x258: {  	v47 =	vbroadcast v41, $0xF;
	v46, _, _ =	vpop (xrf2);
	v10 =	vbroadcast v43, $0xF;
	v6 =	vsel vm10, v7, v6  }
0x259: {  	v48 =	vsel vm12, v8, v45;
	v49 =	vbroadcast v46, $0xF;
	v6 =	vsel vm11, v6, v44  }
0x25a: {  	v7 =	vsel vm13, v48, v10;
	v6 =	vsel vm12, v6, v47;
	v50, _, _ =	vpop (xrf2)  }
0x25b: {  	v6 =	vsel vm13, v6, v49;
	v7 =	vsel vm14, v7, v50;
	v51, _, _ =	vpop (xrf2)  }
0x25c: {  	v6 =	vsel vm14, v6, v51;
	(xrf1) =	vsort.ascd.msk.f32 $0xffff, v7, v4  }
0x25d: {  	(xrf1) =	vsort.ascd.msk.f32 $0xffff, v6, v5;
	_ =	sdelay $0xc  }
0x25e: {  	v4, v5, _ =	vpop (xrf1)  }
0x25f: {  	v6, v52, _ =	vpop (xrf1)  }
0x260: {  	v6 =	vperm.xlane v6, v2  }
0x261: {  	v7 =	vperm.xlane v52, v2  }
0x262: {  	vm0 =	vlt.f32 v6, v4  }
0x263: {  	v4 =	vsel vm0, v6, v4;
	v5 =	vsel vm0, v7, v5  }
0x264: {  	(xrf1) =	vsort.ascd.msk.f32 $0xffff, v4, v5;
	_ =	sdelay $0xd  }
0x265: {  	_, v4, _ =	vpop (xrf1)  }
0x266: {  	[tilespmem:$0x2980] =	vst v4  }
0x267: {  	[tilespmem:s28], [sflag:$0x1] =	stream.indirect.gather [hbm4b:s4+s21], $0x1, s22, s21, $0xb8;
	[tilespmem:$0x3B80] =	vst v63  }
0x268: {  	_ =	swait.ge [sflag:s24], $0x10  }
0x269: {  	[sflag:s24] =	ssyncset.done $0x0  }
0x26a: {  	[sflag:s24] =	ssyncadd.s32 $0xFFFFFFF0  }
0x26b: {  	v4 =	vld [tilespmem:$0x3B00];
	_ =	sdelay $0x4  }
0x26c: {  	vm0 =	veq.s32 v4, $0x0  }
0x26d: {  	vm0 =	vmand vm0, vm14  }
0x26e: {  	v5 =	vmpcnt.ones.xlane vm0;
	vm0 =	veq.s32 v4, $0x1  }
0x26f: {  	vm0 =	vmand vm0, vm14  }
0x270: {  	v53 =	vshra.s32 v5, $0x1F;
	v54 =	vmpcnt.ones.xlane vm0;
	vm0 =	veq.s32 v4, $0x2  }
0x271: {  	v5 =	vor.u32 v53, v5;
	vm0 =	vmand vm0, vm14  }
0x272: {  	vm15 =	vgt.s32 v54, v5;
	v55 =	vmpcnt.ones.xlane vm0;
	vm0 =	veq.s32 v4, $0x3  }
0x273: {  	v5 =	vsel vm15, v54, v5;
	vm0 =	vmand vm0, vm14  }
0x274: {  	vm1 =	vgt.s32 v55, v5;
	v56 =	vmpcnt.ones.xlane vm0;
	vm0 =	veq.s32 v4, $0x4  }
0x275: {  	v5 =	vsel vm1, v55, v5;
	vm0 =	vmand vm0, vm14  }
0x276: {  	vm2 =	vgt.s32 v56, v5;
	v57 =	vmpcnt.ones.xlane vm0;
	vm0 =	veq.s32 v4, $0x5  }
0x277: {  	v58 =	vsel vm15, $0x1, v3;
	v5 =	vsel vm2, v56, v5;
	vm0 =	vmand vm0, vm14  }
0x278: {  	vm15 =	vgt.s32 v57, v5;
	v59 =	vmpcnt.ones.xlane vm0;
	vm0 =	veq.s32 v4, $0x6  }
0x279: {  	v8 =	vsel vm1, $0x2, v58;
	v5 =	vsel vm15, v57, v5;
	vm0 =	vmand vm0, vm14  }
0x27a: {  	vm1 =	vgt.s32 v59, v5;
	v60 =	vmpcnt.ones.xlane vm0;
	vm0 =	veq.s32 v4, $0x7  }
0x27b: {  	v8 =	vsel vm2, $0x3, v8;
	v5 =	vsel vm1, v59, v5;
	vm0 =	vmand vm0, vm14  }
0x27c: {  	vm2 =	vgt.s32 v60, v5;
	v61 =	vmpcnt.ones.xlane vm0;
	vm0 =	veq.s32 v4, $0x8  }
0x27d: {  	v8 =	vsel vm15, $0x4, v8;
	v5 =	vsel vm2, v60, v5;
	vm0 =	vmand vm0, vm14  }
0x27e: {  	vm15 =	vgt.s32 v61, v5;
	v62 =	vmpcnt.ones.xlane vm0;
	vm0 =	veq.s32 v4, $0x9  }
0x27f: {  	v4 =	vsel vm1, $0x5, v8;
	v5 =	vsel vm15, v61, v5;
	vm0 =	vmand vm0, vm14  }
0x280: {  	v4 =	vsel vm2, $0x6, v4;
	v63 =	vmpcnt.ones.xlane vm0;
	vm0 =	vgt.s32 v62, v5  }
0x281: {  	v4 =	vsel vm15, $0x7, v4;
	v5 =	vsel vm0, v62, v5  }
0x282: {  	v4 =	vsel vm0, $0x8, v4;
	vm0 =	vgt.s32 v63, v5  }
0x283: {  	s29 =	sadd.s32 $0x1, s29;
	v4 =	vsel vm0, $0x9, v4  }
0x284: {  	s30 =	simm.s32 @!p1 $0x2A00;
	p2 =	sne.s32 s29, s14;
	s0 =	simm.s32 @!p1 $0x0;
	[tilespmem:$0x2A00] =	vst v4  }
0x285: {  	[hbm4b:s5+s0] =	stream.linear.scatter @!p1 [tilespmem:s30], [sflag:$0x2], $0x80, $0x38;
	[tilespmem:$0x3B80] =	vst v63  }
.Ltmp1:
0x286: {  	_ = 	snop;
	(pc) =	sbr.rel @p2 .LBB2_1-.Ltmp1, $4  }
0x287: {  	s0 =	simm.s32 @!p1 $0x2  }
0x288: {  	_ =	swait.ge @!p1 [sflag:s0], $0x80  }
0x289: {  	[sflag:s0] =	ssyncset.done @!p1 $0x0  }
0x28a: {  	[sflag:s0] =	ssyncadd.s32 @!p1 $0xFFFFFF80  }
0x28b: {  	_ =	sfence.sel $0x180000  }
0x28c: {  	[bflag:$0x0] =	sbarrier.arrive $0xFFFF  }
0x28d: {  	_ =	strace $0x90000047  }
0x28e: {  	[bflag:$0x2] =	sbarrier.arrive $0xFFFF  }
0x28f: {  	p0 =	sne.s32 s1, $0x0;
	s0 =	rddreg [dreg:$0x5]  }
0x290: {  	s0 =	sadd.s32 @!p0 $0x100000, s0  }
0x291: {  	[sflag:s0] =	ssyncadd.tile.s32 @!p0 $0x1;
	_ =	shalt  }
.Lfunc_end2:
_tile_overlayer_lowered:
.L_overlay_start_2:
0x292: {  	(tag) =	ssettag $0x2  }
0x293: {  	s0 =	rddreg [dreg:$0x0];
	s2 =	stileid.u32  }
0x294: {  	s1 =	rddreg [dreg:$0x1];
	p0 =	sne.s32 s2, $0x0  }
0x295: {  	s3 =	rddreg [dreg:$0x2];
	[bflag:$0x3] =	sbarrier.arrive $0xFFFF;
	s2 =	simm.s32 @!p0 $0x1C02  }
0x296: {  	[timem:s3], [sflag:s2] =	dma.local @!p0 [hbm:s0], s1  }
0x297: {  	s0 =	simm.s32 @!p0 $0x2  }
0x298: {  	_ =	swait.ge @!p0 [sflag:s0], s1  }
0x299: {  	s1 =	ssub.s32 @!p0 $0x0, s1;
	[sflag:s0] =	ssyncset.done @!p0 $0x0  }
0x29a: {  	[sflag:s0] =	ssyncadd.s32 @!p0 s1  }
0x29b: {  	[bflag:$0x3] =	sbarrier.arrive $0xFFFF  }
0x29c: {  	_ =	shalt  }

</sc_bundles>
